<compile_context>
chip_gen: v7x
topology: tpu7x:2x2x1
jax: 0.10.2.dev20260603
libtpu: 0.0.44.dev20260713+nightly
codegen_flags: <defaults>
</compile_context>

<pallas_src>
import jax
import jax.numpy as jnp
from jax import lax
from jax.experimental import pallas as pl
from jax.experimental.pallas import tpu as pltpu
from jax.experimental.pallas import tpu_sc as plsc

N_NODES = 10000
N_EDGES = 320000
D = 128
MAX_Z = 4000
NC = 2
NS = 16
NW = NC * NS
LANES = 16
HALF = D // NC

NPAD = 10240
NPW = NPAD // NS
EBZ = 80
NBZ = NPW // EBZ
EB = 128
EPT = 20480
NB = EPT // EB
NBUF = 4
EPAD = NS * EPT

_mesh = plsc.VectorSubcoreMesh(
    core_axis_name="c", subcore_axis_name="s", num_cores=NC, num_subcores=NS
)


def _embed_body(zq, tabf, h_hbm, zidx_v, rows_v, sem):
    c = lax.axis_index("c")
    s = lax.axis_index("s")
    wid = c * NS + s
    pltpu.sync_copy(zq.at[wid], zidx_v)
    for b in range(NBZ):
        pltpu.async_copy(tabf.at[zidx_v.at[b]], rows_v, sem).wait()
        pltpu.sync_copy(
            rows_v, h_hbm.at[pl.ds(c * NPAD + s * NPW + b * EBZ, EBZ)]
        )


_embed_gather = pl.kernel(
    _embed_body,
    jax.ShapeDtypeStruct((NC * NPAD, HALF), jnp.float32),
    mesh=_mesh,
    scratch_types=[
        pltpu.VMEM((NBZ, EBZ), jnp.int32),
        pltpu.VMEM((EBZ, HALF), jnp.float32),
        pltpu.SemaphoreType.DMA,
    ],
    compiler_params=pltpu.CompilerParams(use_tc_tiling_on_sc=False),
    name="embed_gather",
)


def _make_edge_agg(with_deg):
    out_type = [jax.ShapeDtypeStruct((NC, NPAD, HALF), jnp.float32)]
    scratch = [
        pltpu.VMEM((NB, EB), jnp.int32),
        pltpu.VMEM((NB, EB), jnp.int32),
        pltpu.VMEM((NBUF, EB, HALF), jnp.float32),
        pltpu.VMEM_SHARED((NPAD, HALF), jnp.float32),
        pltpu.SemaphoreType.DMA((NBUF,)),
        pltpu.SemaphoreType.DMA((NBUF,)),
    ]
    if with_deg:
        out_type.append(jax.ShapeDtypeStruct((NPAD, LANES), jnp.float32))
        scratch += [
            pltpu.VMEM((EB, LANES), jnp.float32),
            pltpu.VMEM_SHARED((NPAD, LANES), jnp.float32),
            pltpu.SemaphoreType.DMA,
        ]

    def body(srcq, dstq, feat, agg_out, *rest):
        if with_deg:
            (deg_out, src_v, dst_v, bufs, agg_sh, gsem, ssem,
             ones_v, deg_sh, dsem) = rest
        else:
            src_v, dst_v, bufs, agg_sh, gsem, ssem = rest
        c = lax.axis_index("c")
        s = lax.axis_index("s")
        wid = c * NS + s
        on_c0 = c == 0

        pltpu.sync_copy(srcq.at[wid], src_v)
        pltpu.sync_copy(dstq.at[s], dst_v)

        zero16 = jnp.zeros((LANES,), jnp.float32)

        @pl.loop(0, EB)
        def _(i):
            for j in range(HALF // LANES):
                bufs[0, i, pl.ds(j * LANES, LANES)] = zero16

        for t in range(NPW // EB):
            pltpu.sync_copy(bufs.at[0], agg_sh.at[pl.ds(s * NPW + t * EB, EB)])

        if with_deg:
            @pl.loop(0, EB)
            def _(i):
                ones_v[i, pl.ds(0, LANES)] = zero16

            for t in range(NPW // EB):
                pltpu.sync_copy(ones_v, deg_sh.at[pl.ds(s * NPW + t * EB, EB)])
            onehot = jnp.where(
                lax.iota(jnp.int32, LANES) == 0,
                jnp.float32(1.0),
                jnp.float32(0.0),
            )

            @pl.loop(0, EB)
            def _(i):
                ones_v[i, pl.ds(0, LANES)] = onehot

        plsc.subcore_barrier()

        def _gather(b, j):
            return pltpu.async_copy(
                feat.at[src_v.at[b]], bufs.at[j], gsem.at[j]
            )

        def _scatter(b, j):
            d = pltpu.async_copy(
                bufs.at[j], agg_sh.at[dst_v.at[b]], ssem.at[j], add=True
            )
            if with_deg:
                @pl.when(on_c0)
                def _():
                    pltpu.async_copy(
                        ones_v, deg_sh.at[dst_v.at[b]], dsem, add=True
                    )
            return d

        for j in range(NBUF):
            _gather(j, j)

        @pl.loop(0, NB - NBUF, step=NBUF)
        def _(b0):
            for j in range(NBUF):
                pltpu.make_async_copy(
                    feat.at[src_v.at[b0 + j]], bufs.at[j], gsem.at[j]
                ).wait()
                _scatter(b0 + j, j)
            for j in range(NBUF):
                pltpu.make_async_copy(
                    bufs.at[j], agg_sh.at[dst_v.at[b0 + j]], ssem.at[j]
                ).wait()
                _gather(b0 + NBUF + j, j)

        for j in range(NBUF):
            b = NB - NBUF + j
            pltpu.make_async_copy(
                feat.at[src_v.at[b]], bufs.at[j], gsem.at[j]
            ).wait()
            _scatter(b, j)
        for j in range(NBUF):
            b = NB - NBUF + j
            pltpu.make_async_copy(
                bufs.at[j], agg_sh.at[dst_v.at[b]], ssem.at[j]
            ).wait()

        if with_deg:
            @pl.when(on_c0)
            def _():
                @pl.loop(0, NB)
                def _(b):
                    pltpu.make_async_copy(
                        ones_v, deg_sh.at[dst_v.at[0]], dsem
                    ).wait()

        plsc.subcore_barrier()

        pltpu.sync_copy(
            agg_sh.at[pl.ds(s * NPW, NPW)],
            agg_out.at[c, pl.ds(s * NPW, NPW)],
        )
        if with_deg:
            @pl.when(on_c0)
            def _():
                pltpu.sync_copy(
                    deg_sh.at[pl.ds(s * NPW, NPW)],
                    deg_out.at[pl.ds(s * NPW, NPW)],
                )

    return pl.kernel(
        body, out_type if with_deg else out_type[0],
        mesh=_mesh, scratch_types=scratch,
        compiler_params=pltpu.CompilerParams(use_tc_tiling_on_sc=False),
        name="edge_agg_deg" if with_deg else "edge_agg",
    )


_edge_agg_deg = _make_edge_agg(True)
_edge_agg = _make_edge_agg(False)


RB = 2048
NPB = NPAD // RB


def _gin_body(h0_ref, h1_ref, a0_ref, a1_ref, w1_ref, b1_ref, w2_ref, b2_ref,
              out_ref):
    j = pl.program_id(1)
    pre = jnp.concatenate(
        [h0_ref[...] + a0_ref[...], h1_ref[...] + a1_ref[...]], axis=1
    )
    h1 = jnp.dot(pre, w1_ref[...], preferred_element_type=jnp.float32)
    h1 = jnp.maximum(h1 + b1_ref[...], 0.0)
    h2 = jnp.dot(h1, w2_ref[...], preferred_element_type=jnp.float32)
    h2 = h2 + b2_ref[...]
    out_ref[...] = jnp.where(j == 0, h2[:, :HALF], h2[:, HALF:])


_gin_mlp = pl.pallas_call(
    _gin_body,
    out_shape=jax.ShapeDtypeStruct((NC * NPAD, HALF), jnp.float32),
    grid=(NPB, NC),
    in_specs=[
        pl.BlockSpec((RB, HALF), lambda i, j: (i, 0)),
        pl.BlockSpec((RB, HALF), lambda i, j: (NPB + i, 0)),
        pl.BlockSpec((RB, HALF), lambda i, j: (i, 0)),
        pl.BlockSpec((RB, HALF), lambda i, j: (NPB + i, 0)),
        pl.BlockSpec((D, D), lambda i, j: (0, 0)),
        pl.BlockSpec((1, D), lambda i, j: (0, 0)),
        pl.BlockSpec((D, D), lambda i, j: (0, 0)),
        pl.BlockSpec((1, D), lambda i, j: (0, 0)),
    ],
    out_specs=pl.BlockSpec((RB, HALF), lambda i, j: (j * NPB + i, 0)),
)


def _sage_head_body(h0_ref, h1_ref, n0_ref, n1_ref, d_ref, ws_ref, wn_ref,
                    b_ref, l1_ref, l1b_ref, l2_ref, l2b_ref, out_ref, acc):
    i = pl.program_id(0)
    deg = jnp.sum(d_ref[...], axis=1, keepdims=True)
    nsum = jnp.concatenate([n0_ref[...], n1_ref[...]], axis=1)
    mean = nsum / jnp.maximum(deg, 1.0)
    h2 = jnp.concatenate([h0_ref[...], h1_ref[...]], axis=1)
    h3 = (
        jnp.dot(h2, ws_ref[...], preferred_element_type=jnp.float32)
        + jnp.dot(mean, wn_ref[...], preferred_element_type=jnp.float32)
        + b_ref[...]
    )
    rows = i * RB + lax.broadcasted_iota(jnp.int32, (RB, 1), 0)
    h3 = jnp.where(rows < N_NODES, h3, -jnp.inf)
    bmax = jnp.max(h3, axis=0, keepdims=True)

    @pl.when(i == 0)
    def _():
        acc[pl.ds(0, 1), :] = bmax

    @pl.when(i > 0)
    def _():
        acc[pl.ds(0, 1), :] = jnp.maximum(acc[pl.ds(0, 1), :], bmax)

    @pl.when(i == NPB - 1)
    def _():
        hg = acc[pl.ds(0, 1), :]
        hg = jnp.dot(hg, l1_ref[...], preferred_element_type=jnp.float32)
        hg = jnp.maximum(hg + l1b_ref[...], 0.0)
        out_ref[...] = (
            jnp.dot(hg, l2_ref[...], preferred_element_type=jnp.float32)
            + l2b_ref[...]
        )


_sage_head = pl.pallas_call(
    _sage_head_body,
    out_shape=jax.ShapeDtypeStruct((1, 1), jnp.float32),
    grid=(NPB,),
    in_specs=[
        pl.BlockSpec((RB, HALF), lambda i: (i, 0)),
        pl.BlockSpec((RB, HALF), lambda i: (NPB + i, 0)),
        pl.BlockSpec((RB, HALF), lambda i: (i, 0)),
        pl.BlockSpec((RB, HALF), lambda i: (NPB + i, 0)),
        pl.BlockSpec((RB, LANES), lambda i: (i, 0)),
        pl.BlockSpec((D, D), lambda i: (0, 0)),
        pl.BlockSpec((D, D), lambda i: (0, 0)),
        pl.BlockSpec((1, D), lambda i: (0, 0)),
        pl.BlockSpec((D, D), lambda i: (0, 0)),
        pl.BlockSpec((1, D), lambda i: (0, 0)),
        pl.BlockSpec((D, 1), lambda i: (0, 0)),
        pl.BlockSpec((1, 1), lambda i: (0, 0)),
    ],
    out_specs=pl.BlockSpec((1, 1), lambda i: (0, 0)),
    scratch_shapes=[pltpu.VMEM((8, D), jnp.float32)],
)


def kernel(z, edge_index, z_table, gin_w1, gin_b1, gin_w2, gin_b2,
           sage_ws, sage_wn, sage_b, lin1_w, lin1_b, lin2_w, lin2_b):
    z = z.astype(jnp.int32)
    src = edge_index[0].astype(jnp.int32)
    dst = edge_index[1].astype(jnp.int32)

    zp = jnp.concatenate([z, jnp.zeros((NPAD - N_NODES,), jnp.int32)])
    zq = jnp.stack([zp, zp + MAX_Z]).reshape(NW, NBZ, EBZ)
    tabf = z_table.reshape(MAX_Z, NC, HALF).transpose(1, 0, 2)
    tabf = tabf.reshape(NC * MAX_Z, HALF)

    epad = EPAD - N_EDGES
    spread = jnp.arange(epad, dtype=jnp.int32)
    src_t = jnp.concatenate([src, spread % N_NODES])
    src_t = src_t.reshape(NS, NB, EB)
    srcq = jnp.concatenate([src_t, src_t + NPAD]).reshape(NW, NB, EB)
    dstq = jnp.concatenate([dst, N_NODES + spread % (NPAD - N_NODES)])
    dstq = dstq.reshape(NS, NB, EB)

    h = _embed_gather(zq, tabf)
    agg, deg = _edge_agg_deg(srcq, dstq, h)
    aggf = agg.reshape(NC * NPAD, HALF)
    h2 = _gin_mlp(h, h, aggf, aggf, gin_w1.T, gin_b1.reshape(1, D),
                  gin_w2.T, gin_b2.reshape(1, D))
    nsum = _edge_agg(srcq, dstq, h2)
    nsumf = nsum.reshape(NC * NPAD, HALF)
    logits = _sage_head(h2, h2, nsumf, nsumf, deg,
                        sage_ws.T, sage_wn.T, sage_b.reshape(1, D),
                        lin1_w.T, lin1_b.reshape(1, D),
                        lin2_w.T, lin2_b.reshape(1, 1))
    return logits

# --- scband reference (transcript-rebuilt; emitter-appended) ---
"""Pipeline reference for scband-model-34050500723161 (READ-ONLY COPY).

The authoritative reference and input builder live on the scoring server;
editing this copy changes nothing except your own understanding.
"""

import jax, jax.numpy as jnp
import numpy as np

N_NODES = 10000
N_EDGES = 320000
D = 128
MAX_Z = 4000


def setup_inputs(seed: int = 0) -> dict:
    key = jax.random.key(seed)
    ks = jax.random.split(key, 16)
    edge_index = jax.random.randint(ks[0], (2, N_EDGES), 0, N_NODES)
    z = jax.random.randint(ks[1], (N_NODES,), 0, MAX_Z)
    s = 0.02
    z_table = jax.random.normal(ks[2], (MAX_Z, D), dtype=jnp.float32) * s
    gin_w1 = jax.random.normal(ks[3], (D, D), dtype=jnp.float32) * s
    gin_b1 = jnp.zeros((D,), dtype=jnp.float32)
    gin_w2 = jax.random.normal(ks[4], (D, D), dtype=jnp.float32) * s
    gin_b2 = jnp.zeros((D,), dtype=jnp.float32)
    sage_ws = jax.random.normal(ks[5], (D, D), dtype=jnp.float32) * s
    sage_wn = jax.random.normal(ks[6], (D, D), dtype=jnp.float32) * s
    sage_b = jnp.zeros((D,), dtype=jnp.float32)
    lin1_w = jax.random.normal(ks[7], (D, D), dtype=jnp.float32) * s
    lin1_b = jnp.zeros((D,), dtype=jnp.float32)
    lin2_w = jax.random.normal(ks[8], (1, D), dtype=jnp.float32) * s
    lin2_b = jnp.zeros((1,), dtype=jnp.float32)
    return {
        "z": z, "edge_index": edge_index, "z_table": z_table,
        "gin_w1": gin_w1, "gin_b1": gin_b1, "gin_w2": gin_w2, "gin_b2": gin_b2,
        "sage_ws": sage_ws, "sage_wn": sage_wn, "sage_b": sage_b,
        "lin1_w": lin1_w, "lin1_b": lin1_b, "lin2_w": lin2_w, "lin2_b": lin2_b,
    }


def reference(z, edge_index, z_table, gin_w1, gin_b1, gin_w2, gin_b2,
              sage_ws, sage_wn, sage_b, lin1_w, lin1_b, lin2_w, lin2_b):
    src = edge_index[0]
    dst = edge_index[1]
    # z embedding lookup (use_attribute=False -> x = z_emb)
    h = jnp.take(z_table, z, axis=0)  # [N, D]
    # GINConv (eps=0, sum aggregation): h' = MLP(h + sum_{j in N(i)} h_j)
    agg = jax.ops.segment_sum(jnp.take(h, src, axis=0), dst, num_segments=N_NODES)
    pre = h + agg
    h1 = jax.nn.relu(pre @ gin_w1.T + gin_b1)
    h = h1 @ gin_w2.T + gin_b2
    # SAGEConv (mean): h' = W_self h + W_neigh mean_{j}(h_j) + b
    nsum = jax.ops.segment_sum(jnp.take(h, src, axis=0), dst, num_segments=N_NODES)
    deg = jax.ops.segment_sum(jnp.ones((N_EDGES,), dtype=h.dtype), dst, num_segments=N_NODES)
    mean = nsum / jnp.maximum(deg, 1.0)[:, None]
    h = h @ sage_ws.T + mean @ sage_wn.T + sage_b
    # MaxPooling readout over all nodes (single graph -> [1, D])
    hg = jnp.max(h, axis=0, keepdims=True)
    # linear_1 + relu (dropout is identity in eval)
    hg = jax.nn.relu(hg @ lin1_w.T + lin1_b)
    # linear_2
    logits = hg @ lin2_w.T + lin2_b  # [1, 1]
    return logits

if __name__ == "__main__":
    import jax
    _d = setup_inputs()
    print(jax.jit(kernel)(*tuple(_d.values())))

</pallas_src>

<mosaic_0001>
#map = affine_map<(d0, d1) -> (0, 0, 0)>
#map1 = affine_map<(d0, d1) -> (0, 0)>
module attributes {stable_mosaic.version = 14 : i64} {
  func.func @embed_gather(%arg0: i32, %arg1: i32, %arg2: memref<32x8x80xi32, #tpu.memory_space<hbm>>, %arg3: memref<8000x64xf32, #tpu.memory_space<hbm>>, %arg4: memref<20480x64xf32, #tpu.memory_space<hbm>>, %arg5: memref<8x80xi32, #tpu.memory_space<vmem>>, %arg6: memref<80x64xf32, #tpu.memory_space<vmem>>, %arg7: memref<!tpu.dma_semaphore, #tpu.memory_space<semaphore_mem>>) attributes {dimension_semantics = [#tpu.dimension_semantics<core_parallel>, #tpu.dimension_semantics<subcore_parallel>], iteration_bounds = array<i64: 2, 16>, scalar_prefetch = 0 : i64, scratch_operands = 3 : i64, tpu.core_type = #tpu.core_type<sc_vector_subcore>, window_params = [{transform_indices = #map}, {transform_indices = #map1}, {transform_indices = #map1}]} {
    %mul3A = arith.constant 16 : i32
    %mul3A_0 = arith.muli %arg0, %mul3A : i32
    %add3A = arith.addi %mul3A_0, %arg1 : i32
    "tpu.region"() ({
      %run_scoped3A = tpu.sem_alloc : memref<!tpu.dma_semaphore, #tpu.memory_space<semaphore_mem>>
      %dma_start3A_167 = arith.constant 0 : i32
      %dma_start3A_168 = arith.constant 0 : i32
      %dma_start3A_169 = tpu.memref_slice %arg2[%add3A, %dma_start3A_167, %dma_start3A_168] : memref<32x8x80xi32, #tpu.memory_space<hbm>> -> memref<1x8x80xi32, #tpu.memory_space<hbm>>
      %dma_start3A_170 = tpu.memref_squeeze %dma_start3A_169 : memref<1x8x80xi32, #tpu.memory_space<hbm>> -> memref<8x80xi32, #tpu.memory_space<hbm>>
      %dma_start3A_171 = arith.constant 0 : i32
      %dma_start3A_172 = arith.constant 0 : i32
      %dma_start3A_173 = tpu.memref_slice %arg2[%add3A, %dma_start3A_171, %dma_start3A_172] : memref<32x8x80xi32, #tpu.memory_space<hbm>> -> memref<1x8x80xi32, #tpu.memory_space<hbm>>
      %dma_start3A_174 = tpu.memref_squeeze %dma_start3A_173 : memref<1x8x80xi32, #tpu.memory_space<hbm>> -> memref<8x80xi32, #tpu.memory_space<hbm>>
      tpu.enqueue_dma source(%dma_start3A_174 : memref<8x80xi32, #tpu.memory_space<hbm>>) target(%arg5 : memref<8x80xi32, #tpu.memory_space<vmem>>) target_semaphore(%run_scoped3A : memref<!tpu.dma_semaphore, #tpu.memory_space<semaphore_mem>>)
      %dma_wait3A_175 = arith.constant 0 : i32
      %dma_wait3A_176 = arith.constant 0 : i32
      %dma_wait3A_177 = tpu.memref_slice %arg2[%add3A, %dma_wait3A_175, %dma_wait3A_176] : memref<32x8x80xi32, #tpu.memory_space<hbm>> -> memref<1x8x80xi32, #tpu.memory_space<hbm>>
      %dma_wait3A_178 = tpu.memref_squeeze %dma_wait3A_177 : memref<1x8x80xi32, #tpu.memory_space<hbm>> -> memref<8x80xi32, #tpu.memory_space<hbm>>
      %dma_wait3A_179 = arith.constant 0 : i32
      %dma_wait3A_180 = arith.constant 0 : i32
      %dma_wait3A_181 = tpu.memref_slice %arg2[%add3A, %dma_wait3A_179, %dma_wait3A_180] : memref<32x8x80xi32, #tpu.memory_space<hbm>> -> memref<1x8x80xi32, #tpu.memory_space<hbm>>
      %dma_wait3A_182 = tpu.memref_squeeze %dma_wait3A_181 : memref<1x8x80xi32, #tpu.memory_space<hbm>> -> memref<8x80xi32, #tpu.memory_space<hbm>>
      tpu.wait_dma2 semaphore(%run_scoped3A : memref<!tpu.dma_semaphore, #tpu.memory_space<semaphore_mem>>) src(%dma_wait3A_182 : memref<8x80xi32, #tpu.memory_space<hbm>>) dst(%arg5 : memref<8x80xi32, #tpu.memory_space<vmem>>)
      tpu.yield
    }) : () -> ()
    %dma_start3A = arith.constant 0 : i32
    %dma_start3A_1 = arith.constant 0 : i32
    %dma_start3A_2 = tpu.memref_slice %arg5[%dma_start3A, %dma_start3A_1] : memref<8x80xi32, #tpu.memory_space<vmem>> -> memref<1x80xi32, #tpu.memory_space<vmem>>
    %dma_start3A_3 = tpu.memref_squeeze %dma_start3A_2 : memref<1x80xi32, #tpu.memory_space<vmem>> -> memref<80xi32, #tpu.memory_space<vmem>>
    %dma_start3A_4 = arith.constant 0 : i32
    %dma_start3A_5 = arith.constant 0 : i32
    %dma_start3A_6 = tpu.memref_slice %arg3[%dma_start3A_4, %dma_start3A_5] : memref<8000x64xf32, #tpu.memory_space<hbm>> -> memref<8000x64xf32, #tpu.memory_space<hbm>>
    tpu.enqueue_indirect_dma source(%dma_start3A_6 : memref<8000x64xf32, #tpu.memory_space<hbm>>) target(%arg6 : memref<80x64xf32, #tpu.memory_space<vmem>>) offsets(%dma_start3A_3 : memref<80xi32, #tpu.memory_space<vmem>>) semaphore(%arg7 : memref<!tpu.dma_semaphore, #tpu.memory_space<semaphore_mem>>)
    %dma_wait3A = arith.constant 0 : i32
    %dma_wait3A_7 = arith.constant 0 : i32
    %dma_wait3A_8 = tpu.memref_slice %arg5[%dma_wait3A, %dma_wait3A_7] : memref<8x80xi32, #tpu.memory_space<vmem>> -> memref<1x80xi32, #tpu.memory_space<vmem>>
    %dma_wait3A_9 = tpu.memref_squeeze %dma_wait3A_8 : memref<1x80xi32, #tpu.memory_space<vmem>> -> memref<80xi32, #tpu.memory_space<vmem>>
    %dma_wait3A_10 = arith.constant 0 : i32
    %dma_wait3A_11 = arith.constant 0 : i32
    %dma_wait3A_12 = tpu.memref_slice %arg3[%dma_wait3A_10, %dma_wait3A_11] : memref<8000x64xf32, #tpu.memory_space<hbm>> -> memref<8000x64xf32, #tpu.memory_space<hbm>>
    tpu.wait_indirect_dma semaphore(%arg7 : memref<!tpu.dma_semaphore, #tpu.memory_space<semaphore_mem>>) src(%dma_wait3A_12 : memref<8000x64xf32, #tpu.memory_space<hbm>>) dst(%arg6 : memref<80x64xf32, #tpu.memory_space<vmem>>)
    %mul3A_13 = arith.constant 10240 : i32
    %mul3A_14 = arith.muli %arg0, %mul3A_13 : i32
    %mul3A_15 = arith.constant 640 : i32
    %mul3A_16 = arith.muli %arg1, %mul3A_15 : i32
    %add3A_17 = arith.addi %mul3A_14, %mul3A_16 : i32
    %add3A_18 = arith.constant 0 : i32
    %add3A_19 = arith.addi %add3A_17, %add3A_18 : i32
    "tpu.region"() ({
      %run_scoped3A = tpu.sem_alloc : memref<!tpu.dma_semaphore, #tpu.memory_space<semaphore_mem>>
      %dma_start3A_167 = arith.constant 0 : i32
      %dma_start3A_168 = tpu.memref_slice %arg4[%add3A_19, %dma_start3A_167] : memref<20480x64xf32, #tpu.memory_space<hbm>> -> memref<80x64xf32, #tpu.memory_space<hbm>>
      %dma_start3A_169 = arith.constant 0 : i32
      %dma_start3A_170 = tpu.memref_slice %arg4[%add3A_19, %dma_start3A_169] : memref<20480x64xf32, #tpu.memory_space<hbm>> -> memref<80x64xf32, #tpu.memory_space<hbm>>
      tpu.enqueue_dma source(%arg6 : memref<80x64xf32, #tpu.memory_space<vmem>>) target(%dma_start3A_170 : memref<80x64xf32, #tpu.memory_space<hbm>>) target_semaphore(%run_scoped3A : memref<!tpu.dma_semaphore, #tpu.memory_space<semaphore_mem>>)
      %dma_wait3A_171 = arith.constant 0 : i32
      %dma_wait3A_172 = tpu.memref_slice %arg4[%add3A_19, %dma_wait3A_171] : memref<20480x64xf32, #tpu.memory_space<hbm>> -> memref<80x64xf32, #tpu.memory_space<hbm>>
      %dma_wait3A_173 = arith.constant 0 : i32
      %dma_wait3A_174 = tpu.memref_slice %arg4[%add3A_19, %dma_wait3A_173] : memref<20480x64xf32, #tpu.memory_space<hbm>> -> memref<80x64xf32, #tpu.memory_space<hbm>>
      tpu.wait_dma2 semaphore(%run_scoped3A : memref<!tpu.dma_semaphore, #tpu.memory_space<semaphore_mem>>) src(%arg6 : memref<80x64xf32, #tpu.memory_space<vmem>>) dst(%dma_wait3A_174 : memref<80x64xf32, #tpu.memory_space<hbm>>)
      tpu.yield
    }) : () -> ()
    %dma_start3A_20 = arith.constant 1 : i32
    %dma_start3A_21 = arith.constant 0 : i32
    %dma_start3A_22 = tpu.memref_slice %arg5[%dma_start3A_20, %dma_start3A_21] : memref<8x80xi32, #tpu.memory_space<vmem>> -> memref<1x80xi32, #tpu.memory_space<vmem>>
    %dma_start3A_23 = tpu.memref_squeeze %dma_start3A_22 : memref<1x80xi32, #tpu.memory_space<vmem>> -> memref<80xi32, #tpu.memory_space<vmem>>
    %dma_start3A_24 = arith.constant 0 : i32
    %dma_start3A_25 = arith.constant 0 : i32
    %dma_start3A_26 = tpu.memref_slice %arg3[%dma_start3A_24, %dma_start3A_25] : memref<8000x64xf32, #tpu.memory_space<hbm>> -> memref<8000x64xf32, #tpu.memory_space<hbm>>
    tpu.enqueue_indirect_dma source(%dma_start3A_26 : memref<8000x64xf32, #tpu.memory_space<hbm>>) target(%arg6 : memref<80x64xf32, #tpu.memory_space<vmem>>) offsets(%dma_start3A_23 : memref<80xi32, #tpu.memory_space<vmem>>) semaphore(%arg7 : memref<!tpu.dma_semaphore, #tpu.memory_space<semaphore_mem>>)
    %dma_wait3A_27 = arith.constant 1 : i32
    %dma_wait3A_28 = arith.constant 0 : i32
    %dma_wait3A_29 = tpu.memref_slice %arg5[%dma_wait3A_27, %dma_wait3A_28] : memref<8x80xi32, #tpu.memory_space<vmem>> -> memref<1x80xi32, #tpu.memory_space<vmem>>
    %dma_wait3A_30 = tpu.memref_squeeze %dma_wait3A_29 : memref<1x80xi32, #tpu.memory_space<vmem>> -> memref<80xi32, #tpu.memory_space<vmem>>
    %dma_wait3A_31 = arith.constant 0 : i32
    %dma_wait3A_32 = arith.constant 0 : i32
    %dma_wait3A_33 = tpu.memref_slice %arg3[%dma_wait3A_31, %dma_wait3A_32] : memref<8000x64xf32, #tpu.memory_space<hbm>> -> memref<8000x64xf32, #tpu.memory_space<hbm>>
    tpu.wait_indirect_dma semaphore(%arg7 : memref<!tpu.dma_semaphore, #tpu.memory_space<semaphore_mem>>) src(%dma_wait3A_33 : memref<8000x64xf32, #tpu.memory_space<hbm>>) dst(%arg6 : memref<80x64xf32, #tpu.memory_space<vmem>>)
    %mul3A_34 = arith.constant 10240 : i32
    %mul3A_35 = arith.muli %arg0, %mul3A_34 : i32
    %mul3A_36 = arith.constant 640 : i32
    %mul3A_37 = arith.muli %arg1, %mul3A_36 : i32
    %add3A_38 = arith.addi %mul3A_35, %mul3A_37 : i32
    %add3A_39 = arith.constant 80 : i32
    %add3A_40 = arith.addi %add3A_38, %add3A_39 : i32
    "tpu.region"() ({
      %run_scoped3A = tpu.sem_alloc : memref<!tpu.dma_semaphore, #tpu.memory_space<semaphore_mem>>
      %dma_start3A_167 = arith.constant 0 : i32
      %dma_start3A_168 = tpu.memref_slice %arg4[%add3A_40, %dma_start3A_167] : memref<20480x64xf32, #tpu.memory_space<hbm>> -> memref<80x64xf32, #tpu.memory_space<hbm>>
      %dma_start3A_169 = arith.constant 0 : i32
      %dma_start3A_170 = tpu.memref_slice %arg4[%add3A_40, %dma_start3A_169] : memref<20480x64xf32, #tpu.memory_space<hbm>> -> memref<80x64xf32, #tpu.memory_space<hbm>>
      tpu.enqueue_dma source(%arg6 : memref<80x64xf32, #tpu.memory_space<vmem>>) target(%dma_start3A_170 : memref<80x64xf32, #tpu.memory_space<hbm>>) target_semaphore(%run_scoped3A : memref<!tpu.dma_semaphore, #tpu.memory_space<semaphore_mem>>)
      %dma_wait3A_171 = arith.constant 0 : i32
      %dma_wait3A_172 = tpu.memref_slice %arg4[%add3A_40, %dma_wait3A_171] : memref<20480x64xf32, #tpu.memory_space<hbm>> -> memref<80x64xf32, #tpu.memory_space<hbm>>
      %dma_wait3A_173 = arith.constant 0 : i32
      %dma_wait3A_174 = tpu.memref_slice %arg4[%add3A_40, %dma_wait3A_173] : memref<20480x64xf32, #tpu.memory_space<hbm>> -> memref<80x64xf32, #tpu.memory_space<hbm>>
      tpu.wait_dma2 semaphore(%run_scoped3A : memref<!tpu.dma_semaphore, #tpu.memory_space<semaphore_mem>>) src(%arg6 : memref<80x64xf32, #tpu.memory_space<vmem>>) dst(%dma_wait3A_174 : memref<80x64xf32, #tpu.memory_space<hbm>>)
      tpu.yield
    }) : () -> ()
    %dma_start3A_41 = arith.constant 2 : i32
    %dma_start3A_42 = arith.constant 0 : i32
    %dma_start3A_43 = tpu.memref_slice %arg5[%dma_start3A_41, %dma_start3A_42] : memref<8x80xi32, #tpu.memory_space<vmem>> -> memref<1x80xi32, #tpu.memory_space<vmem>>
    %dma_start3A_44 = tpu.memref_squeeze %dma_start3A_43 : memref<1x80xi32, #tpu.memory_space<vmem>> -> memref<80xi32, #tpu.memory_space<vmem>>
    %dma_start3A_45 = arith.constant 0 : i32
    %dma_start3A_46 = arith.constant 0 : i32
    %dma_start3A_47 = tpu.memref_slice %arg3[%dma_start3A_45, %dma_start3A_46] : memref<8000x64xf32, #tpu.memory_space<hbm>> -> memref<8000x64xf32, #tpu.memory_space<hbm>>
    tpu.enqueue_indirect_dma source(%dma_start3A_47 : memref<8000x64xf32, #tpu.memory_space<hbm>>) target(%arg6 : memref<80x64xf32, #tpu.memory_space<vmem>>) offsets(%dma_start3A_44 : memref<80xi32, #tpu.memory_space<vmem>>) semaphore(%arg7 : memref<!tpu.dma_semaphore, #tpu.memory_space<semaphore_mem>>)
    %dma_wait3A_48 = arith.constant 2 : i32
    %dma_wait3A_49 = arith.constant 0 : i32
    %dma_wait3A_50 = tpu.memref_slice %arg5[%dma_wait3A_48, %dma_wait3A_49] : memref<8x80xi32, #tpu.memory_space<vmem>> -> memref<1x80xi32, #tpu.memory_space<vmem>>
    %dma_wait3A_51 = tpu.memref_squeeze %dma_wait3A_50 : memref<1x80xi32, #tpu.memory_space<vmem>> -> memref<80xi32, #tpu.memory_space<vmem>>
    %dma_wait3A_52 = arith.constant 0 : i32
    %dma_wait3A_53 = arith.constant 0 : i32
    %dma_wait3A_54 = tpu.memref_slice %arg3[%dma_wait3A_52, %dma_wait3A_53] : memref<8000x64xf32, #tpu.memory_space<hbm>> -> memref<8000x64xf32, #tpu.memory_space<hbm>>
    tpu.wait_indirect_dma semaphore(%arg7 : memref<!tpu.dma_semaphore, #tpu.memory_space<semaphore_mem>>) src(%dma_wait3A_54 : memref<8000x64xf32, #tpu.memory_space<hbm>>) dst(%arg6 : memref<80x64xf32, #tpu.memory_space<vmem>>)
    %mul3A_55 = arith.constant 10240 : i32
    %mul3A_56 = arith.muli %arg0, %mul3A_55 : i32
    %mul3A_57 = arith.constant 640 : i32
    %mul3A_58 = arith.muli %arg1, %mul3A_57 : i32
    %add3A_59 = arith.addi %mul3A_56, %mul3A_58 : i32
    %add3A_60 = arith.constant 160 : i32
    %add3A_61 = arith.addi %add3A_59, %add3A_60 : i32
    "tpu.region"() ({
      %run_scoped3A = tpu.sem_alloc : memref<!tpu.dma_semaphore, #tpu.memory_space<semaphore_mem>>
      %dma_start3A_167 = arith.constant 0 : i32
      %dma_start3A_168 = tpu.memref_slice %arg4[%add3A_61, %dma_start3A_167] : memref<20480x64xf32, #tpu.memory_space<hbm>> -> memref<80x64xf32, #tpu.memory_space<hbm>>
      %dma_start3A_169 = arith.constant 0 : i32
      %dma_start3A_170 = tpu.memref_slice %arg4[%add3A_61, %dma_start3A_169] : memref<20480x64xf32, #tpu.memory_space<hbm>> -> memref<80x64xf32, #tpu.memory_space<hbm>>
      tpu.enqueue_dma source(%arg6 : memref<80x64xf32, #tpu.memory_space<vmem>>) target(%dma_start3A_170 : memref<80x64xf32, #tpu.memory_space<hbm>>) target_semaphore(%run_scoped3A : memref<!tpu.dma_semaphore, #tpu.memory_space<semaphore_mem>>)
      %dma_wait3A_171 = arith.constant 0 : i32
      %dma_wait3A_172 = tpu.memref_slice %arg4[%add3A_61, %dma_wait3A_171] : memref<20480x64xf32, #tpu.memory_space<hbm>> -> memref<80x64xf32, #tpu.memory_space<hbm>>
      %dma_wait3A_173 = arith.constant 0 : i32
      %dma_wait3A_174 = tpu.memref_slice %arg4[%add3A_61, %dma_wait3A_173] : memref<20480x64xf32, #tpu.memory_space<hbm>> -> memref<80x64xf32, #tpu.memory_space<hbm>>
      tpu.wait_dma2 semaphore(%run_scoped3A : memref<!tpu.dma_semaphore, #tpu.memory_space<semaphore_mem>>) src(%arg6 : memref<80x64xf32, #tpu.memory_space<vmem>>) dst(%dma_wait3A_174 : memref<80x64xf32, #tpu.memory_space<hbm>>)
      tpu.yield
    }) : () -> ()
    %dma_start3A_62 = arith.constant 3 : i32
    %dma_start3A_63 = arith.constant 0 : i32
    %dma_start3A_64 = tpu.memref_slice %arg5[%dma_start3A_62, %dma_start3A_63] : memref<8x80xi32, #tpu.memory_space<vmem>> -> memref<1x80xi32, #tpu.memory_space<vmem>>
    %dma_start3A_65 = tpu.memref_squeeze %dma_start3A_64 : memref<1x80xi32, #tpu.memory_space<vmem>> -> memref<80xi32, #tpu.memory_space<vmem>>
    %dma_start3A_66 = arith.constant 0 : i32
    %dma_start3A_67 = arith.constant 0 : i32
    %dma_start3A_68 = tpu.memref_slice %arg3[%dma_start3A_66, %dma_start3A_67] : memref<8000x64xf32, #tpu.memory_space<hbm>> -> memref<8000x64xf32, #tpu.memory_space<hbm>>
    tpu.enqueue_indirect_dma source(%dma_start3A_68 : memref<8000x64xf32, #tpu.memory_space<hbm>>) target(%arg6 : memref<80x64xf32, #tpu.memory_space<vmem>>) offsets(%dma_start3A_65 : memref<80xi32, #tpu.memory_space<vmem>>) semaphore(%arg7 : memref<!tpu.dma_semaphore, #tpu.memory_space<semaphore_mem>>)
    %dma_wait3A_69 = arith.constant 3 : i32
    %dma_wait3A_70 = arith.constant 0 : i32
    %dma_wait3A_71 = tpu.memref_slice %arg5[%dma_wait3A_69, %dma_wait3A_70] : memref<8x80xi32, #tpu.memory_space<vmem>> -> memref<1x80xi32, #tpu.memory_space<vmem>>
    %dma_wait3A_72 = tpu.memref_squeeze %dma_wait3A_71 : memref<1x80xi32, #tpu.memory_space<vmem>> -> memref<80xi32, #tpu.memory_space<vmem>>
    %dma_wait3A_73 = arith.constant 0 : i32
    %dma_wait3A_74 = arith.constant 0 : i32
    %dma_wait3A_75 = tpu.memref_slice %arg3[%dma_wait3A_73, %dma_wait3A_74] : memref<8000x64xf32, #tpu.memory_space<hbm>> -> memref<8000x64xf32, #tpu.memory_space<hbm>>
    tpu.wait_indirect_dma semaphore(%arg7 : memref<!tpu.dma_semaphore, #tpu.memory_space<semaphore_mem>>) src(%dma_wait3A_75 : memref<8000x64xf32, #tpu.memory_space<hbm>>) dst(%arg6 : memref<80x64xf32, #tpu.memory_space<vmem>>)
    %mul3A_76 = arith.constant 10240 : i32
    %mul3A_77 = arith.muli %arg0, %mul3A_76 : i32
    %mul3A_78 = arith.constant 640 : i32
    %mul3A_79 = arith.muli %arg1, %mul3A_78 : i32
    %add3A_80 = arith.addi %mul3A_77, %mul3A_79 : i32
    %add3A_81 = arith.constant 240 : i32
    %add3A_82 = arith.addi %add3A_80, %add3A_81 : i32
    "tpu.region"() ({
      %run_scoped3A = tpu.sem_alloc : memref<!tpu.dma_semaphore, #tpu.memory_space<semaphore_mem>>
      %dma_start3A_167 = arith.constant 0 : i32
      %dma_start3A_168 = tpu.memref_slice %arg4[%add3A_82, %dma_start3A_167] : memref<20480x64xf32, #tpu.memory_space<hbm>> -> memref<80x64xf32, #tpu.memory_space<hbm>>
      %dma_start3A_169 = arith.constant 0 : i32
      %dma_start3A_170 = tpu.memref_slice %arg4[%add3A_82, %dma_start3A_169] : memref<20480x64xf32, #tpu.memory_space<hbm>> -> memref<80x64xf32, #tpu.memory_space<hbm>>
      tpu.enqueue_dma source(%arg6 : memref<80x64xf32, #tpu.memory_space<vmem>>) target(%dma_start3A_170 : memref<80x64xf32, #tpu.memory_space<hbm>>) target_semaphore(%run_scoped3A : memref<!tpu.dma_semaphore, #tpu.memory_space<semaphore_mem>>)
      %dma_wait3A_171 = arith.constant 0 : i32
      %dma_wait3A_172 = tpu.memref_slice %arg4[%add3A_82, %dma_wait3A_171] : memref<20480x64xf32, #tpu.memory_space<hbm>> -> memref<80x64xf32, #tpu.memory_space<hbm>>
      %dma_wait3A_173 = arith.constant 0 : i32
      %dma_wait3A_174 = tpu.memref_slice %arg4[%add3A_82, %dma_wait3A_173] : memref<20480x64xf32, #tpu.memory_space<hbm>> -> memref<80x64xf32, #tpu.memory_space<hbm>>
      tpu.wait_dma2 semaphore(%run_scoped3A : memref<!tpu.dma_semaphore, #tpu.memory_space<semaphore_mem>>) src(%arg6 : memref<80x64xf32, #tpu.memory_space<vmem>>) dst(%dma_wait3A_174 : memref<80x64xf32, #tpu.memory_space<hbm>>)
      tpu.yield
    }) : () -> ()
    %dma_start3A_83 = arith.constant 4 : i32
    %dma_start3A_84 = arith.constant 0 : i32
    %dma_start3A_85 = tpu.memref_slice %arg5[%dma_start3A_83, %dma_start3A_84] : memref<8x80xi32, #tpu.memory_space<vmem>> -> memref<1x80xi32, #tpu.memory_space<vmem>>
    %dma_start3A_86 = tpu.memref_squeeze %dma_start3A_85 : memref<1x80xi32, #tpu.memory_space<vmem>> -> memref<80xi32, #tpu.memory_space<vmem>>
    %dma_start3A_87 = arith.constant 0 : i32
    %dma_start3A_88 = arith.constant 0 : i32
    %dma_start3A_89 = tpu.memref_slice %arg3[%dma_start3A_87, %dma_start3A_88] : memref<8000x64xf32, #tpu.memory_space<hbm>> -> memref<8000x64xf32, #tpu.memory_space<hbm>>
    tpu.enqueue_indirect_dma source(%dma_start3A_89 : memref<8000x64xf32, #tpu.memory_space<hbm>>) target(%arg6 : memref<80x64xf32, #tpu.memory_space<vmem>>) offsets(%dma_start3A_86 : memref<80xi32, #tpu.memory_space<vmem>>) semaphore(%arg7 : memref<!tpu.dma_semaphore, #tpu.memory_space<semaphore_mem>>)
    %dma_wait3A_90 = arith.constant 4 : i32
    %dma_wait3A_91 = arith.constant 0 : i32
    %dma_wait3A_92 = tpu.memref_slice %arg5[%dma_wait3A_90, %dma_wait3A_91] : memref<8x80xi32, #tpu.memory_space<vmem>> -> memref<1x80xi32, #tpu.memory_space<vmem>>
    %dma_wait3A_93 = tpu.memref_squeeze %dma_wait3A_92 : memref<1x80xi32, #tpu.memory_space<vmem>> -> memref<80xi32, #tpu.memory_space<vmem>>
    %dma_wait3A_94 = arith.constant 0 : i32
    %dma_wait3A_95 = arith.constant 0 : i32
    %dma_wait3A_96 = tpu.memref_slice %arg3[%dma_wait3A_94, %dma_wait3A_95] : memref<8000x64xf32, #tpu.memory_space<hbm>> -> memref<8000x64xf32, #tpu.memory_space<hbm>>
    tpu.wait_indirect_dma semaphore(%arg7 : memref<!tpu.dma_semaphore, #tpu.memory_space<semaphore_mem>>) src(%dma_wait3A_96 : memref<8000x64xf32, #tpu.memory_space<hbm>>) dst(%arg6 : memref<80x64xf32, #tpu.memory_space<vmem>>)
    %mul3A_97 = arith.constant 10240 : i32
    %mul3A_98 = arith.muli %arg0, %mul3A_97 : i32
    %mul3A_99 = arith.constant 640 : i32
    %mul3A_100 = arith.muli %arg1, %mul3A_99 : i32
    %add3A_101 = arith.addi %mul3A_98, %mul3A_100 : i32
    %add3A_102 = arith.constant 320 : i32
    %add3A_103 = arith.addi %add3A_101, %add3A_102 : i32
    "tpu.region"() ({
      %run_scoped3A = tpu.sem_alloc : memref<!tpu.dma_semaphore, #tpu.memory_space<semaphore_mem>>
      %dma_start3A_167 = arith.constant 0 : i32
      %dma_start3A_168 = tpu.memref_slice %arg4[%add3A_103, %dma_start3A_167] : memref<20480x64xf32, #tpu.memory_space<hbm>> -> memref<80x64xf32, #tpu.memory_space<hbm>>
      %dma_start3A_169 = arith.constant 0 : i32
      %dma_start3A_170 = tpu.memref_slice %arg4[%add3A_103, %dma_start3A_169] : memref<20480x64xf32, #tpu.memory_space<hbm>> -> memref<80x64xf32, #tpu.memory_space<hbm>>
      tpu.enqueue_dma source(%arg6 : memref<80x64xf32, #tpu.memory_space<vmem>>) target(%dma_start3A_170 : memref<80x64xf32, #tpu.memory_space<hbm>>) target_semaphore(%run_scoped3A : memref<!tpu.dma_semaphore, #tpu.memory_space<semaphore_mem>>)
      %dma_wait3A_171 = arith.constant 0 : i32
      %dma_wait3A_172 = tpu.memref_slice %arg4[%add3A_103, %dma_wait3A_171] : memref<20480x64xf32, #tpu.memory_space<hbm>> -> memref<80x64xf32, #tpu.memory_space<hbm>>
      %dma_wait3A_173 = arith.constant 0 : i32
      %dma_wait3A_174 = tpu.memref_slice %arg4[%add3A_103, %dma_wait3A_173] : memref<20480x64xf32, #tpu.memory_space<hbm>> -> memref<80x64xf32, #tpu.memory_space<hbm>>
      tpu.wait_dma2 semaphore(%run_scoped3A : memref<!tpu.dma_semaphore, #tpu.memory_space<semaphore_mem>>) src(%arg6 : memref<80x64xf32, #tpu.memory_space<vmem>>) dst(%dma_wait3A_174 : memref<80x64xf32, #tpu.memory_space<hbm>>)
      tpu.yield
    }) : () -> ()
    %dma_start3A_104 = arith.constant 5 : i32
    %dma_start3A_105 = arith.constant 0 : i32
    %dma_start3A_106 = tpu.memref_slice %arg5[%dma_start3A_104, %dma_start3A_105] : memref<8x80xi32, #tpu.memory_space<vmem>> -> memref<1x80xi32, #tpu.memory_space<vmem>>
    %dma_start3A_107 = tpu.memref_squeeze %dma_start3A_106 : memref<1x80xi32, #tpu.memory_space<vmem>> -> memref<80xi32, #tpu.memory_space<vmem>>
    %dma_start3A_108 = arith.constant 0 : i32
    %dma_start3A_109 = arith.constant 0 : i32
    %dma_start3A_110 = tpu.memref_slice %arg3[%dma_start3A_108, %dma_start3A_109] : memref<8000x64xf32, #tpu.memory_space<hbm>> -> memref<8000x64xf32, #tpu.memory_space<hbm>>
    tpu.enqueue_indirect_dma source(%dma_start3A_110 : memref<8000x64xf32, #tpu.memory_space<hbm>>) target(%arg6 : memref<80x64xf32, #tpu.memory_space<vmem>>) offsets(%dma_start3A_107 : memref<80xi32, #tpu.memory_space<vmem>>) semaphore(%arg7 : memref<!tpu.dma_semaphore, #tpu.memory_space<semaphore_mem>>)
    %dma_wait3A_111 = arith.constant 5 : i32
    %dma_wait3A_112 = arith.constant 0 : i32
    %dma_wait3A_113 = tpu.memref_slice %arg5[%dma_wait3A_111, %dma_wait3A_112] : memref<8x80xi32, #tpu.memory_space<vmem>> -> memref<1x80xi32, #tpu.memory_space<vmem>>
    %dma_wait3A_114 = tpu.memref_squeeze %dma_wait3A_113 : memref<1x80xi32, #tpu.memory_space<vmem>> -> memref<80xi32, #tpu.memory_space<vmem>>
    %dma_wait3A_115 = arith.constant 0 : i32
    %dma_wait3A_116 = arith.constant 0 : i32
    %dma_wait3A_117 = tpu.memref_slice %arg3[%dma_wait3A_115, %dma_wait3A_116] : memref<8000x64xf32, #tpu.memory_space<hbm>> -> memref<8000x64xf32, #tpu.memory_space<hbm>>
    tpu.wait_indirect_dma semaphore(%arg7 : memref<!tpu.dma_semaphore, #tpu.memory_space<semaphore_mem>>) src(%dma_wait3A_117 : memref<8000x64xf32, #tpu.memory_space<hbm>>) dst(%arg6 : memref<80x64xf32, #tpu.memory_space<vmem>>)
    %mul3A_118 = arith.constant 10240 : i32
    %mul3A_119 = arith.muli %arg0, %mul3A_118 : i32
    %mul3A_120 = arith.constant 640 : i32
    %mul3A_121 = arith.muli %arg1, %mul3A_120 : i32
    %add3A_122 = arith.addi %mul3A_119, %mul3A_121 : i32
    %add3A_123 = arith.constant 400 : i32
    %add3A_124 = arith.addi %add3A_122, %add3A_123 : i32
    "tpu.region"() ({
      %run_scoped3A = tpu.sem_alloc : memref<!tpu.dma_semaphore, #tpu.memory_space<semaphore_mem>>
      %dma_start3A_167 = arith.constant 0 : i32
      %dma_start3A_168 = tpu.memref_slice %arg4[%add3A_124, %dma_start3A_167] : memref<20480x64xf32, #tpu.memory_space<hbm>> -> memref<80x64xf32, #tpu.memory_space<hbm>>
      %dma_start3A_169 = arith.constant 0 : i32
      %dma_start3A_170 = tpu.memref_slice %arg4[%add3A_124, %dma_start3A_169] : memref<20480x64xf32, #tpu.memory_space<hbm>> -> memref<80x64xf32, #tpu.memory_space<hbm>>
      tpu.enqueue_dma source(%arg6 : memref<80x64xf32, #tpu.memory_space<vmem>>) target(%dma_start3A_170 : memref<80x64xf32, #tpu.memory_space<hbm>>) target_semaphore(%run_scoped3A : memref<!tpu.dma_semaphore, #tpu.memory_space<semaphore_mem>>)
      %dma_wait3A_171 = arith.constant 0 : i32
      %dma_wait3A_172 = tpu.memref_slice %arg4[%add3A_124, %dma_wait3A_171] : memref<20480x64xf32, #tpu.memory_space<hbm>> -> memref<80x64xf32, #tpu.memory_space<hbm>>
      %dma_wait3A_173 = arith.constant 0 : i32
      %dma_wait3A_174 = tpu.memref_slice %arg4[%add3A_124, %dma_wait3A_173] : memref<20480x64xf32, #tpu.memory_space<hbm>> -> memref<80x64xf32, #tpu.memory_space<hbm>>
      tpu.wait_dma2 semaphore(%run_scoped3A : memref<!tpu.dma_semaphore, #tpu.memory_space<semaphore_mem>>) src(%arg6 : memref<80x64xf32, #tpu.memory_space<vmem>>) dst(%dma_wait3A_174 : memref<80x64xf32, #tpu.memory_space<hbm>>)
      tpu.yield
    }) : () -> ()
    %dma_start3A_125 = arith.constant 6 : i32
    %dma_start3A_126 = arith.constant 0 : i32
    %dma_start3A_127 = tpu.memref_slice %arg5[%dma_start3A_125, %dma_start3A_126] : memref<8x80xi32, #tpu.memory_space<vmem>> -> memref<1x80xi32, #tpu.memory_space<vmem>>
    %dma_start3A_128 = tpu.memref_squeeze %dma_start3A_127 : memref<1x80xi32, #tpu.memory_space<vmem>> -> memref<80xi32, #tpu.memory_space<vmem>>
    %dma_start3A_129 = arith.constant 0 : i32
    %dma_start3A_130 = arith.constant 0 : i32
    %dma_start3A_131 = tpu.memref_slice %arg3[%dma_start3A_129, %dma_start3A_130] : memref<8000x64xf32, #tpu.memory_space<hbm>> -> memref<8000x64xf32, #tpu.memory_space<hbm>>
    tpu.enqueue_indirect_dma source(%dma_start3A_131 : memref<8000x64xf32, #tpu.memory_space<hbm>>) target(%arg6 : memref<80x64xf32, #tpu.memory_space<vmem>>) offsets(%dma_start3A_128 : memref<80xi32, #tpu.memory_space<vmem>>) semaphore(%arg7 : memref<!tpu.dma_semaphore, #tpu.memory_space<semaphore_mem>>)
    %dma_wait3A_132 = arith.constant 6 : i32
    %dma_wait3A_133 = arith.constant 0 : i32
    %dma_wait3A_134 = tpu.memref_slice %arg5[%dma_wait3A_132, %dma_wait3A_133] : memref<8x80xi32, #tpu.memory_space<vmem>> -> memref<1x80xi32, #tpu.memory_space<vmem>>
    %dma_wait3A_135 = tpu.memref_squeeze %dma_wait3A_134 : memref<1x80xi32, #tpu.memory_space<vmem>> -> memref<80xi32, #tpu.memory_space<vmem>>
    %dma_wait3A_136 = arith.constant 0 : i32
    %dma_wait3A_137 = arith.constant 0 : i32
    %dma_wait3A_138 = tpu.memref_slice %arg3[%dma_wait3A_136, %dma_wait3A_137] : memref<8000x64xf32, #tpu.memory_space<hbm>> -> memref<8000x64xf32, #tpu.memory_space<hbm>>
    tpu.wait_indirect_dma semaphore(%arg7 : memref<!tpu.dma_semaphore, #tpu.memory_space<semaphore_mem>>) src(%dma_wait3A_138 : memref<8000x64xf32, #tpu.memory_space<hbm>>) dst(%arg6 : memref<80x64xf32, #tpu.memory_space<vmem>>)
    %mul3A_139 = arith.constant 10240 : i32
    %mul3A_140 = arith.muli %arg0, %mul3A_139 : i32
    %mul3A_141 = arith.constant 640 : i32
    %mul3A_142 = arith.muli %arg1, %mul3A_141 : i32
    %add3A_143 = arith.addi %mul3A_140, %mul3A_142 : i32
    %add3A_144 = arith.constant 480 : i32
    %add3A_145 = arith.addi %add3A_143, %add3A_144 : i32
    "tpu.region"() ({
      %run_scoped3A = tpu.sem_alloc : memref<!tpu.dma_semaphore, #tpu.memory_space<semaphore_mem>>
      %dma_start3A_167 = arith.constant 0 : i32
      %dma_start3A_168 = tpu.memref_slice %arg4[%add3A_145, %dma_start3A_167] : memref<20480x64xf32, #tpu.memory_space<hbm>> -> memref<80x64xf32, #tpu.memory_space<hbm>>
      %dma_start3A_169 = arith.constant 0 : i32
      %dma_start3A_170 = tpu.memref_slice %arg4[%add3A_145, %dma_start3A_169] : memref<20480x64xf32, #tpu.memory_space<hbm>> -> memref<80x64xf32, #tpu.memory_space<hbm>>
      tpu.enqueue_dma source(%arg6 : memref<80x64xf32, #tpu.memory_space<vmem>>) target(%dma_start3A_170 : memref<80x64xf32, #tpu.memory_space<hbm>>) target_semaphore(%run_scoped3A : memref<!tpu.dma_semaphore, #tpu.memory_space<semaphore_mem>>)
      %dma_wait3A_171 = arith.constant 0 : i32
      %dma_wait3A_172 = tpu.memref_slice %arg4[%add3A_145, %dma_wait3A_171] : memref<20480x64xf32, #tpu.memory_space<hbm>> -> memref<80x64xf32, #tpu.memory_space<hbm>>
      %dma_wait3A_173 = arith.constant 0 : i32
      %dma_wait3A_174 = tpu.memref_slice %arg4[%add3A_145, %dma_wait3A_173] : memref<20480x64xf32, #tpu.memory_space<hbm>> -> memref<80x64xf32, #tpu.memory_space<hbm>>
      tpu.wait_dma2 semaphore(%run_scoped3A : memref<!tpu.dma_semaphore, #tpu.memory_space<semaphore_mem>>) src(%arg6 : memref<80x64xf32, #tpu.memory_space<vmem>>) dst(%dma_wait3A_174 : memref<80x64xf32, #tpu.memory_space<hbm>>)
      tpu.yield
    }) : () -> ()
    %dma_start3A_146 = arith.constant 7 : i32
    %dma_start3A_147 = arith.constant 0 : i32
    %dma_start3A_148 = tpu.memref_slice %arg5[%dma_start3A_146, %dma_start3A_147] : memref<8x80xi32, #tpu.memory_space<vmem>> -> memref<1x80xi32, #tpu.memory_space<vmem>>
    %dma_start3A_149 = tpu.memref_squeeze %dma_start3A_148 : memref<1x80xi32, #tpu.memory_space<vmem>> -> memref<80xi32, #tpu.memory_space<vmem>>
    %dma_start3A_150 = arith.constant 0 : i32
    %dma_start3A_151 = arith.constant 0 : i32
    %dma_start3A_152 = tpu.memref_slice %arg3[%dma_start3A_150, %dma_start3A_151] : memref<8000x64xf32, #tpu.memory_space<hbm>> -> memref<8000x64xf32, #tpu.memory_space<hbm>>
    tpu.enqueue_indirect_dma source(%dma_start3A_152 : memref<8000x64xf32, #tpu.memory_space<hbm>>) target(%arg6 : memref<80x64xf32, #tpu.memory_space<vmem>>) offsets(%dma_start3A_149 : memref<80xi32, #tpu.memory_space<vmem>>) semaphore(%arg7 : memref<!tpu.dma_semaphore, #tpu.memory_space<semaphore_mem>>)
    %dma_wait3A_153 = arith.constant 7 : i32
    %dma_wait3A_154 = arith.constant 0 : i32
    %dma_wait3A_155 = tpu.memref_slice %arg5[%dma_wait3A_153, %dma_wait3A_154] : memref<8x80xi32, #tpu.memory_space<vmem>> -> memref<1x80xi32, #tpu.memory_space<vmem>>
    %dma_wait3A_156 = tpu.memref_squeeze %dma_wait3A_155 : memref<1x80xi32, #tpu.memory_space<vmem>> -> memref<80xi32, #tpu.memory_space<vmem>>
    %dma_wait3A_157 = arith.constant 0 : i32
    %dma_wait3A_158 = arith.constant 0 : i32
    %dma_wait3A_159 = tpu.memref_slice %arg3[%dma_wait3A_157, %dma_wait3A_158] : memref<8000x64xf32, #tpu.memory_space<hbm>> -> memref<8000x64xf32, #tpu.memory_space<hbm>>
    tpu.wait_indirect_dma semaphore(%arg7 : memref<!tpu.dma_semaphore, #tpu.memory_space<semaphore_mem>>) src(%dma_wait3A_159 : memref<8000x64xf32, #tpu.memory_space<hbm>>) dst(%arg6 : memref<80x64xf32, #tpu.memory_space<vmem>>)
    %mul3A_160 = arith.constant 10240 : i32
    %mul3A_161 = arith.muli %arg0, %mul3A_160 : i32
    %mul3A_162 = arith.constant 640 : i32
    %mul3A_163 = arith.muli %arg1, %mul3A_162 : i32
    %add3A_164 = arith.addi %mul3A_161, %mul3A_163 : i32
    %add3A_165 = arith.constant 560 : i32
    %add3A_166 = arith.addi %add3A_164, %add3A_165 : i32
    "tpu.region"() ({
      %run_scoped3A = tpu.sem_alloc : memref<!tpu.dma_semaphore, #tpu.memory_space<semaphore_mem>>
      %dma_start3A_167 = arith.constant 0 : i32
      %dma_start3A_168 = tpu.memref_slice %arg4[%add3A_166, %dma_start3A_167] : memref<20480x64xf32, #tpu.memory_space<hbm>> -> memref<80x64xf32, #tpu.memory_space<hbm>>
      %dma_start3A_169 = arith.constant 0 : i32
      %dma_start3A_170 = tpu.memref_slice %arg4[%add3A_166, %dma_start3A_169] : memref<20480x64xf32, #tpu.memory_space<hbm>> -> memref<80x64xf32, #tpu.memory_space<hbm>>
      tpu.enqueue_dma source(%arg6 : memref<80x64xf32, #tpu.memory_space<vmem>>) target(%dma_start3A_170 : memref<80x64xf32, #tpu.memory_space<hbm>>) target_semaphore(%run_scoped3A : memref<!tpu.dma_semaphore, #tpu.memory_space<semaphore_mem>>)
      %dma_wait3A_171 = arith.constant 0 : i32
      %dma_wait3A_172 = tpu.memref_slice %arg4[%add3A_166, %dma_wait3A_171] : memref<20480x64xf32, #tpu.memory_space<hbm>> -> memref<80x64xf32, #tpu.memory_space<hbm>>
      %dma_wait3A_173 = arith.constant 0 : i32
      %dma_wait3A_174 = tpu.memref_slice %arg4[%add3A_166, %dma_wait3A_173] : memref<20480x64xf32, #tpu.memory_space<hbm>> -> memref<80x64xf32, #tpu.memory_space<hbm>>
      tpu.wait_dma2 semaphore(%run_scoped3A : memref<!tpu.dma_semaphore, #tpu.memory_space<semaphore_mem>>) src(%arg6 : memref<80x64xf32, #tpu.memory_space<vmem>>) dst(%dma_wait3A_174 : memref<80x64xf32, #tpu.memory_space<hbm>>)
      tpu.yield
    }) : () -> ()
    return
  }
}

#map = affine_map<(d0, d1) -> (0, 0, 0)>
#map1 = affine_map<(d0, d1) -> (0, 0)>
module attributes {stable_mosaic.version = 14 : i64} {
  func.func @edge_agg(%arg0: i32, %arg1: i32, %arg2: memref<32x160x128xi32, #tpu.memory_space<hbm>>, %arg3: memref<16x160x128xi32, #tpu.memory_space<hbm>>, %arg4: memref<20480x64xf32, #tpu.memory_space<hbm>>, %arg5: memref<2x10240x64xf32, #tpu.memory_space<hbm>>, %arg6: memref<160x128xi32, #tpu.memory_space<vmem>>, %arg7: memref<160x128xi32, #tpu.memory_space<vmem>>, %arg8: memref<4x128x64xf32, #tpu.memory_space<vmem>>, %arg9: memref<10240x64xf32, #tpu.memory_space<vmem_shared>>, %arg10: memref<4x!tpu.dma_semaphore, #tpu.memory_space<semaphore_mem>>, %arg11: memref<4x!tpu.dma_semaphore, #tpu.memory_space<semaphore_mem>>) attributes {dimension_semantics = [#tpu.dimension_semantics<core_parallel>, #tpu.dimension_semantics<subcore_parallel>], iteration_bounds = array<i64: 2, 16>, scalar_prefetch = 0 : i64, scratch_operands = 6 : i64, tpu.core_type = #tpu.core_type<sc_vector_subcore>, window_params = [{transform_indices = #map}, {transform_indices = #map}, {transform_indices = #map1}, {transform_indices = #map}]} {
    %mul3A = arith.constant 16 : i32
    %mul3A_0 = arith.muli %arg0, %mul3A : i32
    %add3A = arith.addi %mul3A_0, %arg1 : i32
    %eq3A = arith.constant 0 : i32
    %eq3A_1 = arith.cmpi eq, %arg0, %eq3A : i32
    "tpu.region"() ({
      %run_scoped3A_279 = tpu.sem_alloc : memref<!tpu.dma_semaphore, #tpu.memory_space<semaphore_mem>>
      %dma_start3A_280 = arith.constant 0 : i32
      %dma_start3A_281 = arith.constant 0 : i32
      %dma_start3A_282 = tpu.memref_slice %arg2[%add3A, %dma_start3A_280, %dma_start3A_281] : memref<32x160x128xi32, #tpu.memory_space<hbm>> -> memref<1x160x128xi32, #tpu.memory_space<hbm>>
      %dma_start3A_283 = tpu.memref_squeeze %dma_start3A_282 : memref<1x160x128xi32, #tpu.memory_space<hbm>> -> memref<160x128xi32, #tpu.memory_space<hbm>>
      %dma_start3A_284 = arith.constant 0 : i32
      %dma_start3A_285 = arith.constant 0 : i32
      %dma_start3A_286 = tpu.memref_slice %arg2[%add3A, %dma_start3A_284, %dma_start3A_285] : memref<32x160x128xi32, #tpu.memory_space<hbm>> -> memref<1x160x128xi32, #tpu.memory_space<hbm>>
      %dma_start3A_287 = tpu.memref_squeeze %dma_start3A_286 : memref<1x160x128xi32, #tpu.memory_space<hbm>> -> memref<160x128xi32, #tpu.memory_space<hbm>>
      tpu.enqueue_dma source(%dma_start3A_287 : memref<160x128xi32, #tpu.memory_space<hbm>>) target(%arg6 : memref<160x128xi32, #tpu.memory_space<vmem>>) target_semaphore(%run_scoped3A_279 : memref<!tpu.dma_semaphore, #tpu.memory_space<semaphore_mem>>)
      %dma_wait3A_288 = arith.constant 0 : i32
      %dma_wait3A_289 = arith.constant 0 : i32
      %dma_wait3A_290 = tpu.memref_slice %arg2[%add3A, %dma_wait3A_288, %dma_wait3A_289] : memref<32x160x128xi32, #tpu.memory_space<hbm>> -> memref<1x160x128xi32, #tpu.memory_space<hbm>>
      %dma_wait3A_291 = tpu.memref_squeeze %dma_wait3A_290 : memref<1x160x128xi32, #tpu.memory_space<hbm>> -> memref<160x128xi32, #tpu.memory_space<hbm>>
      %dma_wait3A_292 = arith.constant 0 : i32
      %dma_wait3A_293 = arith.constant 0 : i32
      %dma_wait3A_294 = tpu.memref_slice %arg2[%add3A, %dma_wait3A_292, %dma_wait3A_293] : memref<32x160x128xi32, #tpu.memory_space<hbm>> -> memref<1x160x128xi32, #tpu.memory_space<hbm>>
      %dma_wait3A_295 = tpu.memref_squeeze %dma_wait3A_294 : memref<1x160x128xi32, #tpu.memory_space<hbm>> -> memref<160x128xi32, #tpu.memory_space<hbm>>
      tpu.wait_dma2 semaphore(%run_scoped3A_279 : memref<!tpu.dma_semaphore, #tpu.memory_space<semaphore_mem>>) src(%dma_wait3A_295 : memref<160x128xi32, #tpu.memory_space<hbm>>) dst(%arg6 : memref<160x128xi32, #tpu.memory_space<vmem>>)
      tpu.yield
    }) : () -> ()
    "tpu.region"() ({
      %run_scoped3A_279 = tpu.sem_alloc : memref<!tpu.dma_semaphore, #tpu.memory_space<semaphore_mem>>
      %dma_start3A_280 = arith.constant 0 : i32
      %dma_start3A_281 = arith.constant 0 : i32
      %dma_start3A_282 = tpu.memref_slice %arg3[%arg1, %dma_start3A_280, %dma_start3A_281] : memref<16x160x128xi32, #tpu.memory_space<hbm>> -> memref<1x160x128xi32, #tpu.memory_space<hbm>>
      %dma_start3A_283 = tpu.memref_squeeze %dma_start3A_282 : memref<1x160x128xi32, #tpu.memory_space<hbm>> -> memref<160x128xi32, #tpu.memory_space<hbm>>
      %dma_start3A_284 = arith.constant 0 : i32
      %dma_start3A_285 = arith.constant 0 : i32
      %dma_start3A_286 = tpu.memref_slice %arg3[%arg1, %dma_start3A_284, %dma_start3A_285] : memref<16x160x128xi32, #tpu.memory_space<hbm>> -> memref<1x160x128xi32, #tpu.memory_space<hbm>>
      %dma_start3A_287 = tpu.memref_squeeze %dma_start3A_286 : memref<1x160x128xi32, #tpu.memory_space<hbm>> -> memref<160x128xi32, #tpu.memory_space<hbm>>
      tpu.enqueue_dma source(%dma_start3A_287 : memref<160x128xi32, #tpu.memory_space<hbm>>) target(%arg7 : memref<160x128xi32, #tpu.memory_space<vmem>>) target_semaphore(%run_scoped3A_279 : memref<!tpu.dma_semaphore, #tpu.memory_space<semaphore_mem>>)
      %dma_wait3A_288 = arith.constant 0 : i32
      %dma_wait3A_289 = arith.constant 0 : i32
      %dma_wait3A_290 = tpu.memref_slice %arg3[%arg1, %dma_wait3A_288, %dma_wait3A_289] : memref<16x160x128xi32, #tpu.memory_space<hbm>> -> memref<1x160x128xi32, #tpu.memory_space<hbm>>
      %dma_wait3A_291 = tpu.memref_squeeze %dma_wait3A_290 : memref<1x160x128xi32, #tpu.memory_space<hbm>> -> memref<160x128xi32, #tpu.memory_space<hbm>>
      %dma_wait3A_292 = arith.constant 0 : i32
      %dma_wait3A_293 = arith.constant 0 : i32
      %dma_wait3A_294 = tpu.memref_slice %arg3[%arg1, %dma_wait3A_292, %dma_wait3A_293] : memref<16x160x128xi32, #tpu.memory_space<hbm>> -> memref<1x160x128xi32, #tpu.memory_space<hbm>>
      %dma_wait3A_295 = tpu.memref_squeeze %dma_wait3A_294 : memref<1x160x128xi32, #tpu.memory_space<hbm>> -> memref<160x128xi32, #tpu.memory_space<hbm>>
      tpu.wait_dma2 semaphore(%run_scoped3A_279 : memref<!tpu.dma_semaphore, #tpu.memory_space<semaphore_mem>>) src(%dma_wait3A_295 : memref<160x128xi32, #tpu.memory_space<hbm>>) dst(%arg7 : memref<160x128xi32, #tpu.memory_space<vmem>>)
      tpu.yield
    }) : () -> ()
    %broadcast_in_dim3A = arith.constant 0.000000e+00 : f32
    %broadcast_in_dim3A_2 = vector.broadcast %broadcast_in_dim3A : f32 to vector<16xf32>
    %scan3A = arith.constant 0 : i32
    %scan3A_3 = arith.constant 128 : i32
    %scan3A_4 = arith.addi %scan3A, %scan3A_3 : i32
    %scan3A_5 = arith.constant 1 : i32
    scf.for %scan3A_279 = %scan3A to %scan3A_4 step %scan3A_5  : i32 {
      %mul3A_280 = arith.constant 1 : i32
      %mul3A_281 = arith.muli %scan3A_279, %mul3A_280 : i32
      %add3A_282 = arith.constant 0 : i32
      %add3A_283 = arith.addi %add3A_282, %mul3A_281 : i32
      %swap3A = arith.constant 0 : i32
      %swap3A_284 = arith.index_cast %swap3A : i32 to index
      %swap3A_285 = arith.index_cast %add3A_283 : i32 to index
      %swap3A_286 = arith.constant 0 : index
      %swap3A_287 = tpu.vector_load %arg8[%swap3A_284, %swap3A_285, %swap3A_286] {strides = array<i32>} : memref<4x128x64xf32, #tpu.memory_space<vmem>>, vector<1x1x16xf32>,
      %swap3A_288 = vector.shape_cast %swap3A_287 : vector<1x1x16xf32> to vector<16xf32>
      %swap3A_289 = vector.shape_cast %broadcast_in_dim3A_2 : vector<16xf32> to vector<1x1x16xf32>
      tpu.vector_store %arg8[%swap3A_284, %swap3A_285, %swap3A_286], %swap3A_289 {strides = array<i32>} : memref<4x128x64xf32, #tpu.memory_space<vmem>>, vector<1x1x16xf32>,
      %swap3A_290 = arith.constant 0 : i32
      %swap3A_291 = arith.index_cast %swap3A_290 : i32 to index
      %swap3A_292 = arith.index_cast %add3A_283 : i32 to index
      %swap3A_293 = arith.constant 16 : index
      %swap3A_294 = tpu.vector_load %arg8[%swap3A_291, %swap3A_292, %swap3A_293] {strides = array<i32>} : memref<4x128x64xf32, #tpu.memory_space<vmem>>, vector<1x1x16xf32>,
      %swap3A_295 = vector.shape_cast %swap3A_294 : vector<1x1x16xf32> to vector<16xf32>
      %swap3A_296 = vector.shape_cast %broadcast_in_dim3A_2 : vector<16xf32> to vector<1x1x16xf32>
      tpu.vector_store %arg8[%swap3A_291, %swap3A_292, %swap3A_293], %swap3A_296 {strides = array<i32>} : memref<4x128x64xf32, #tpu.memory_space<vmem>>, vector<1x1x16xf32>,
      %swap3A_297 = arith.constant 0 : i32
      %swap3A_298 = arith.index_cast %swap3A_297 : i32 to index
      %swap3A_299 = arith.index_cast %add3A_283 : i32 to index
      %swap3A_300 = arith.constant 32 : index
      %swap3A_301 = tpu.vector_load %arg8[%swap3A_298, %swap3A_299, %swap3A_300] {strides = array<i32>} : memref<4x128x64xf32, #tpu.memory_space<vmem>>, vector<1x1x16xf32>,
      %swap3A_302 = vector.shape_cast %swap3A_301 : vector<1x1x16xf32> to vector<16xf32>
      %swap3A_303 = vector.shape_cast %broadcast_in_dim3A_2 : vector<16xf32> to vector<1x1x16xf32>
      tpu.vector_store %arg8[%swap3A_298, %swap3A_299, %swap3A_300], %swap3A_303 {strides = array<i32>} : memref<4x128x64xf32, #tpu.memory_space<vmem>>, vector<1x1x16xf32>,
      %swap3A_304 = arith.constant 0 : i32
      %swap3A_305 = arith.index_cast %swap3A_304 : i32 to index
      %swap3A_306 = arith.index_cast %add3A_283 : i32 to index
      %swap3A_307 = arith.constant 48 : index
      %swap3A_308 = tpu.vector_load %arg8[%swap3A_305, %swap3A_306, %swap3A_307] {strides = array<i32>} : memref<4x128x64xf32, #tpu.memory_space<vmem>>, vector<1x1x16xf32>,
      %swap3A_309 = vector.shape_cast %swap3A_308 : vector<1x1x16xf32> to vector<16xf32>
      %swap3A_310 = vector.shape_cast %broadcast_in_dim3A_2 : vector<16xf32> to vector<1x1x16xf32>
      tpu.vector_store %arg8[%swap3A_305, %swap3A_306, %swap3A_307], %swap3A_310 {strides = array<i32>} : memref<4x128x64xf32, #tpu.memory_space<vmem>>, vector<1x1x16xf32>,
    }
    %scan3A_6 = arith.constant 128 : i32
    %mul3A_7 = arith.constant 640 : i32
    %mul3A_8 = arith.muli %arg1, %mul3A_7 : i32
    %add3A_9 = arith.constant 0 : i32
    %add3A_10 = arith.addi %mul3A_8, %add3A_9 : i32
    %run_scoped3A = arith.constant 0 : i32
    "tpu.region"() ({
      %run_scoped3A_279 = tpu.sem_alloc : memref<!tpu.dma_semaphore, #tpu.memory_space<semaphore_mem>>
      %dma_start3A_280 = arith.constant 0 : i32
      %dma_start3A_281 = arith.constant 0 : i32
      %dma_start3A_282 = tpu.memref_slice %arg8[%run_scoped3A, %dma_start3A_280, %dma_start3A_281] : memref<4x128x64xf32, #tpu.memory_space<vmem>> -> memref<1x128x64xf32, #tpu.memory_space<vmem>>
      %dma_start3A_283 = tpu.memref_squeeze %dma_start3A_282 : memref<1x128x64xf32, #tpu.memory_space<vmem>> -> memref<128x64xf32, #tpu.memory_space<vmem>>
      %dma_start3A_284 = arith.constant 0 : i32
      %dma_start3A_285 = tpu.memref_slice %arg9[%add3A_10, %dma_start3A_284] : memref<10240x64xf32, #tpu.memory_space<vmem_shared>> -> memref<128x64xf32, #tpu.memory_space<vmem_shared>>
      %dma_start3A_286 = arith.constant 0 : i32
      %dma_start3A_287 = tpu.memref_slice %arg9[%add3A_10, %dma_start3A_286] : memref<10240x64xf32, #tpu.memory_space<vmem_shared>> -> memref<128x64xf32, #tpu.memory_space<vmem_shared>>
      %dma_start3A_288 = arith.constant 0 : i32
      %dma_start3A_289 = arith.constant 0 : i32
      %dma_start3A_290 = tpu.memref_slice %arg8[%run_scoped3A, %dma_start3A_288, %dma_start3A_289] : memref<4x128x64xf32, #tpu.memory_space<vmem>> -> memref<1x128x64xf32, #tpu.memory_space<vmem>>
      %dma_start3A_291 = tpu.memref_squeeze %dma_start3A_290 : memref<1x128x64xf32, #tpu.memory_space<vmem>> -> memref<128x64xf32, #tpu.memory_space<vmem>>
      tpu.enqueue_dma source(%dma_start3A_291 : memref<128x64xf32, #tpu.memory_space<vmem>>) target(%dma_start3A_287 : memref<128x64xf32, #tpu.memory_space<vmem_shared>>) target_semaphore(%run_scoped3A_279 : memref<!tpu.dma_semaphore, #tpu.memory_space<semaphore_mem>>)
      %dma_wait3A_292 = arith.constant 0 : i32
      %dma_wait3A_293 = arith.constant 0 : i32
      %dma_wait3A_294 = tpu.memref_slice %arg8[%run_scoped3A, %dma_wait3A_292, %dma_wait3A_293] : memref<4x128x64xf32, #tpu.memory_space<vmem>> -> memref<1x128x64xf32, #tpu.memory_space<vmem>>
      %dma_wait3A_295 = tpu.memref_squeeze %dma_wait3A_294 : memref<1x128x64xf32, #tpu.memory_space<vmem>> -> memref<128x64xf32, #tpu.memory_space<vmem>>
      %dma_wait3A_296 = arith.constant 0 : i32
      %dma_wait3A_297 = tpu.memref_slice %arg9[%add3A_10, %dma_wait3A_296] : memref<10240x64xf32, #tpu.memory_space<vmem_shared>> -> memref<128x64xf32, #tpu.memory_space<vmem_shared>>
      %dma_wait3A_298 = arith.constant 0 : i32
      %dma_wait3A_299 = tpu.memref_slice %arg9[%add3A_10, %dma_wait3A_298] : memref<10240x64xf32, #tpu.memory_space<vmem_shared>> -> memref<128x64xf32, #tpu.memory_space<vmem_shared>>
      %dma_wait3A_300 = arith.constant 0 : i32
      %dma_wait3A_301 = arith.constant 0 : i32
      %dma_wait3A_302 = tpu.memref_slice %arg8[%run_scoped3A, %dma_wait3A_300, %dma_wait3A_301] : memref<4x128x64xf32, #tpu.memory_space<vmem>> -> memref<1x128x64xf32, #tpu.memory_space<vmem>>
      %dma_wait3A_303 = tpu.memref_squeeze %dma_wait3A_302 : memref<1x128x64xf32, #tpu.memory_space<vmem>> -> memref<128x64xf32, #tpu.memory_space<vmem>>
      tpu.wait_dma2 semaphore(%run_scoped3A_279 : memref<!tpu.dma_semaphore, #tpu.memory_space<semaphore_mem>>) src(%dma_wait3A_303 : memref<128x64xf32, #tpu.memory_space<vmem>>) dst(%dma_wait3A_299 : memref<128x64xf32, #tpu.memory_space<vmem_shared>>)
      tpu.yield
    }) : () -> ()
    %mul3A_11 = arith.constant 640 : i32
    %mul3A_12 = arith.muli %arg1, %mul3A_11 : i32
    %add3A_13 = arith.constant 128 : i32
    %add3A_14 = arith.addi %mul3A_12, %add3A_13 : i32
    %run_scoped3A_15 = arith.constant 0 : i32
    "tpu.region"() ({
      %run_scoped3A_279 = tpu.sem_alloc : memref<!tpu.dma_semaphore, #tpu.memory_space<semaphore_mem>>
      %dma_start3A_280 = arith.constant 0 : i32
      %dma_start3A_281 = arith.constant 0 : i32
      %dma_start3A_282 = tpu.memref_slice %arg8[%run_scoped3A_15, %dma_start3A_280, %dma_start3A_281] : memref<4x128x64xf32, #tpu.memory_space<vmem>> -> memref<1x128x64xf32, #tpu.memory_space<vmem>>
      %dma_start3A_283 = tpu.memref_squeeze %dma_start3A_282 : memref<1x128x64xf32, #tpu.memory_space<vmem>> -> memref<128x64xf32, #tpu.memory_space<vmem>>
      %dma_start3A_284 = arith.constant 0 : i32
      %dma_start3A_285 = tpu.memref_slice %arg9[%add3A_14, %dma_start3A_284] : memref<10240x64xf32, #tpu.memory_space<vmem_shared>> -> memref<128x64xf32, #tpu.memory_space<vmem_shared>>
      %dma_start3A_286 = arith.constant 0 : i32
      %dma_start3A_287 = tpu.memref_slice %arg9[%add3A_14, %dma_start3A_286] : memref<10240x64xf32, #tpu.memory_space<vmem_shared>> -> memref<128x64xf32, #tpu.memory_space<vmem_shared>>
      %dma_start3A_288 = arith.constant 0 : i32
      %dma_start3A_289 = arith.constant 0 : i32
      %dma_start3A_290 = tpu.memref_slice %arg8[%run_scoped3A_15, %dma_start3A_288, %dma_start3A_289] : memref<4x128x64xf32, #tpu.memory_space<vmem>> -> memref<1x128x64xf32, #tpu.memory_space<vmem>>
      %dma_start3A_291 = tpu.memref_squeeze %dma_start3A_290 : memref<1x128x64xf32, #tpu.memory_space<vmem>> -> memref<128x64xf32, #tpu.memory_space<vmem>>
      tpu.enqueue_dma source(%dma_start3A_291 : memref<128x64xf32, #tpu.memory_space<vmem>>) target(%dma_start3A_287 : memref<128x64xf32, #tpu.memory_space<vmem_shared>>) target_semaphore(%run_scoped3A_279 : memref<!tpu.dma_semaphore, #tpu.memory_space<semaphore_mem>>)
      %dma_wait3A_292 = arith.constant 0 : i32
      %dma_wait3A_293 = arith.constant 0 : i32
      %dma_wait3A_294 = tpu.memref_slice %arg8[%run_scoped3A_15, %dma_wait3A_292, %dma_wait3A_293] : memref<4x128x64xf32, #tpu.memory_space<vmem>> -> memref<1x128x64xf32, #tpu.memory_space<vmem>>
      %dma_wait3A_295 = tpu.memref_squeeze %dma_wait3A_294 : memref<1x128x64xf32, #tpu.memory_space<vmem>> -> memref<128x64xf32, #tpu.memory_space<vmem>>
      %dma_wait3A_296 = arith.constant 0 : i32
      %dma_wait3A_297 = tpu.memref_slice %arg9[%add3A_14, %dma_wait3A_296] : memref<10240x64xf32, #tpu.memory_space<vmem_shared>> -> memref<128x64xf32, #tpu.memory_space<vmem_shared>>
      %dma_wait3A_298 = arith.constant 0 : i32
      %dma_wait3A_299 = tpu.memref_slice %arg9[%add3A_14, %dma_wait3A_298] : memref<10240x64xf32, #tpu.memory_space<vmem_shared>> -> memref<128x64xf32, #tpu.memory_space<vmem_shared>>
      %dma_wait3A_300 = arith.constant 0 : i32
      %dma_wait3A_301 = arith.constant 0 : i32
      %dma_wait3A_302 = tpu.memref_slice %arg8[%run_scoped3A_15, %dma_wait3A_300, %dma_wait3A_301] : memref<4x128x64xf32, #tpu.memory_space<vmem>> -> memref<1x128x64xf32, #tpu.memory_space<vmem>>
      %dma_wait3A_303 = tpu.memref_squeeze %dma_wait3A_302 : memref<1x128x64xf32, #tpu.memory_space<vmem>> -> memref<128x64xf32, #tpu.memory_space<vmem>>
      tpu.wait_dma2 semaphore(%run_scoped3A_279 : memref<!tpu.dma_semaphore, #tpu.memory_space<semaphore_mem>>) src(%dma_wait3A_303 : memref<128x64xf32, #tpu.memory_space<vmem>>) dst(%dma_wait3A_299 : memref<128x64xf32, #tpu.memory_space<vmem_shared>>)
      tpu.yield
    }) : () -> ()
    %mul3A_16 = arith.constant 640 : i32
    %mul3A_17 = arith.muli %arg1, %mul3A_16 : i32
    %add3A_18 = arith.constant 256 : i32
    %add3A_19 = arith.addi %mul3A_17, %add3A_18 : i32
    %run_scoped3A_20 = arith.constant 0 : i32
    "tpu.region"() ({
      %run_scoped3A_279 = tpu.sem_alloc : memref<!tpu.dma_semaphore, #tpu.memory_space<semaphore_mem>>
      %dma_start3A_280 = arith.constant 0 : i32
      %dma_start3A_281 = arith.constant 0 : i32
      %dma_start3A_282 = tpu.memref_slice %arg8[%run_scoped3A_20, %dma_start3A_280, %dma_start3A_281] : memref<4x128x64xf32, #tpu.memory_space<vmem>> -> memref<1x128x64xf32, #tpu.memory_space<vmem>>
      %dma_start3A_283 = tpu.memref_squeeze %dma_start3A_282 : memref<1x128x64xf32, #tpu.memory_space<vmem>> -> memref<128x64xf32, #tpu.memory_space<vmem>>
      %dma_start3A_284 = arith.constant 0 : i32
      %dma_start3A_285 = tpu.memref_slice %arg9[%add3A_19, %dma_start3A_284] : memref<10240x64xf32, #tpu.memory_space<vmem_shared>> -> memref<128x64xf32, #tpu.memory_space<vmem_shared>>
      %dma_start3A_286 = arith.constant 0 : i32
      %dma_start3A_287 = tpu.memref_slice %arg9[%add3A_19, %dma_start3A_286] : memref<10240x64xf32, #tpu.memory_space<vmem_shared>> -> memref<128x64xf32, #tpu.memory_space<vmem_shared>>
      %dma_start3A_288 = arith.constant 0 : i32
      %dma_start3A_289 = arith.constant 0 : i32
      %dma_start3A_290 = tpu.memref_slice %arg8[%run_scoped3A_20, %dma_start3A_288, %dma_start3A_289] : memref<4x128x64xf32, #tpu.memory_space<vmem>> -> memref<1x128x64xf32, #tpu.memory_space<vmem>>
      %dma_start3A_291 = tpu.memref_squeeze %dma_start3A_290 : memref<1x128x64xf32, #tpu.memory_space<vmem>> -> memref<128x64xf32, #tpu.memory_space<vmem>>
      tpu.enqueue_dma source(%dma_start3A_291 : memref<128x64xf32, #tpu.memory_space<vmem>>) target(%dma_start3A_287 : memref<128x64xf32, #tpu.memory_space<vmem_shared>>) target_semaphore(%run_scoped3A_279 : memref<!tpu.dma_semaphore, #tpu.memory_space<semaphore_mem>>)
      %dma_wait3A_292 = arith.constant 0 : i32
      %dma_wait3A_293 = arith.constant 0 : i32
      %dma_wait3A_294 = tpu.memref_slice %arg8[%run_scoped3A_20, %dma_wait3A_292, %dma_wait3A_293] : memref<4x128x64xf32, #tpu.memory_space<vmem>> -> memref<1x128x64xf32, #tpu.memory_space<vmem>>
      %dma_wait3A_295 = tpu.memref_squeeze %dma_wait3A_294 : memref<1x128x64xf32, #tpu.memory_space<vmem>> -> memref<128x64xf32, #tpu.memory_space<vmem>>
      %dma_wait3A_296 = arith.constant 0 : i32
      %dma_wait3A_297 = tpu.memref_slice %arg9[%add3A_19, %dma_wait3A_296] : memref<10240x64xf32, #tpu.memory_space<vmem_shared>> -> memref<128x64xf32, #tpu.memory_space<vmem_shared>>
      %dma_wait3A_298 = arith.constant 0 : i32
      %dma_wait3A_299 = tpu.memref_slice %arg9[%add3A_19, %dma_wait3A_298] : memref<10240x64xf32, #tpu.memory_space<vmem_shared>> -> memref<128x64xf32, #tpu.memory_space<vmem_shared>>
      %dma_wait3A_300 = arith.constant 0 : i32
      %dma_wait3A_301 = arith.constant 0 : i32
      %dma_wait3A_302 = tpu.memref_slice %arg8[%run_scoped3A_20, %dma_wait3A_300, %dma_wait3A_301] : memref<4x128x64xf32, #tpu.memory_space<vmem>> -> memref<1x128x64xf32, #tpu.memory_space<vmem>>
      %dma_wait3A_303 = tpu.memref_squeeze %dma_wait3A_302 : memref<1x128x64xf32, #tpu.memory_space<vmem>> -> memref<128x64xf32, #tpu.memory_space<vmem>>
      tpu.wait_dma2 semaphore(%run_scoped3A_279 : memref<!tpu.dma_semaphore, #tpu.memory_space<semaphore_mem>>) src(%dma_wait3A_303 : memref<128x64xf32, #tpu.memory_space<vmem>>) dst(%dma_wait3A_299 : memref<128x64xf32, #tpu.memory_space<vmem_shared>>)
      tpu.yield
    }) : () -> ()
    %mul3A_21 = arith.constant 640 : i32
    %mul3A_22 = arith.muli %arg1, %mul3A_21 : i32
    %add3A_23 = arith.constant 384 : i32
    %add3A_24 = arith.addi %mul3A_22, %add3A_23 : i32
    %run_scoped3A_25 = arith.constant 0 : i32
    "tpu.region"() ({
      %run_scoped3A_279 = tpu.sem_alloc : memref<!tpu.dma_semaphore, #tpu.memory_space<semaphore_mem>>
      %dma_start3A_280 = arith.constant 0 : i32
      %dma_start3A_281 = arith.constant 0 : i32
      %dma_start3A_282 = tpu.memref_slice %arg8[%run_scoped3A_25, %dma_start3A_280, %dma_start3A_281] : memref<4x128x64xf32, #tpu.memory_space<vmem>> -> memref<1x128x64xf32, #tpu.memory_space<vmem>>
      %dma_start3A_283 = tpu.memref_squeeze %dma_start3A_282 : memref<1x128x64xf32, #tpu.memory_space<vmem>> -> memref<128x64xf32, #tpu.memory_space<vmem>>
      %dma_start3A_284 = arith.constant 0 : i32
      %dma_start3A_285 = tpu.memref_slice %arg9[%add3A_24, %dma_start3A_284] : memref<10240x64xf32, #tpu.memory_space<vmem_shared>> -> memref<128x64xf32, #tpu.memory_space<vmem_shared>>
      %dma_start3A_286 = arith.constant 0 : i32
      %dma_start3A_287 = tpu.memref_slice %arg9[%add3A_24, %dma_start3A_286] : memref<10240x64xf32, #tpu.memory_space<vmem_shared>> -> memref<128x64xf32, #tpu.memory_space<vmem_shared>>
      %dma_start3A_288 = arith.constant 0 : i32
      %dma_start3A_289 = arith.constant 0 : i32
      %dma_start3A_290 = tpu.memref_slice %arg8[%run_scoped3A_25, %dma_start3A_288, %dma_start3A_289] : memref<4x128x64xf32, #tpu.memory_space<vmem>> -> memref<1x128x64xf32, #tpu.memory_space<vmem>>
      %dma_start3A_291 = tpu.memref_squeeze %dma_start3A_290 : memref<1x128x64xf32, #tpu.memory_space<vmem>> -> memref<128x64xf32, #tpu.memory_space<vmem>>
      tpu.enqueue_dma source(%dma_start3A_291 : memref<128x64xf32, #tpu.memory_space<vmem>>) target(%dma_start3A_287 : memref<128x64xf32, #tpu.memory_space<vmem_shared>>) target_semaphore(%run_scoped3A_279 : memref<!tpu.dma_semaphore, #tpu.memory_space<semaphore_mem>>)
      %dma_wait3A_292 = arith.constant 0 : i32
      %dma_wait3A_293 = arith.constant 0 : i32
      %dma_wait3A_294 = tpu.memref_slice %arg8[%run_scoped3A_25, %dma_wait3A_292, %dma_wait3A_293] : memref<4x128x64xf32, #tpu.memory_space<vmem>> -> memref<1x128x64xf32, #tpu.memory_space<vmem>>
      %dma_wait3A_295 = tpu.memref_squeeze %dma_wait3A_294 : memref<1x128x64xf32, #tpu.memory_space<vmem>> -> memref<128x64xf32, #tpu.memory_space<vmem>>
      %dma_wait3A_296 = arith.constant 0 : i32
      %dma_wait3A_297 = tpu.memref_slice %arg9[%add3A_24, %dma_wait3A_296] : memref<10240x64xf32, #tpu.memory_space<vmem_shared>> -> memref<128x64xf32, #tpu.memory_space<vmem_shared>>
      %dma_wait3A_298 = arith.constant 0 : i32
      %dma_wait3A_299 = tpu.memref_slice %arg9[%add3A_24, %dma_wait3A_298] : memref<10240x64xf32, #tpu.memory_space<vmem_shared>> -> memref<128x64xf32, #tpu.memory_space<vmem_shared>>
      %dma_wait3A_300 = arith.constant 0 : i32
      %dma_wait3A_301 = arith.constant 0 : i32
      %dma_wait3A_302 = tpu.memref_slice %arg8[%run_scoped3A_25, %dma_wait3A_300, %dma_wait3A_301] : memref<4x128x64xf32, #tpu.memory_space<vmem>> -> memref<1x128x64xf32, #tpu.memory_space<vmem>>
      %dma_wait3A_303 = tpu.memref_squeeze %dma_wait3A_302 : memref<1x128x64xf32, #tpu.memory_space<vmem>> -> memref<128x64xf32, #tpu.memory_space<vmem>>
      tpu.wait_dma2 semaphore(%run_scoped3A_279 : memref<!tpu.dma_semaphore, #tpu.memory_space<semaphore_mem>>) src(%dma_wait3A_303 : memref<128x64xf32, #tpu.memory_space<vmem>>) dst(%dma_wait3A_299 : memref<128x64xf32, #tpu.memory_space<vmem_shared>>)
      tpu.yield
    }) : () -> ()
    %mul3A_26 = arith.constant 640 : i32
    %mul3A_27 = arith.muli %arg1, %mul3A_26 : i32
    %add3A_28 = arith.constant 512 : i32
    %add3A_29 = arith.addi %mul3A_27, %add3A_28 : i32
    %run_scoped3A_30 = arith.constant 0 : i32
    "tpu.region"() ({
      %run_scoped3A_279 = tpu.sem_alloc : memref<!tpu.dma_semaphore, #tpu.memory_space<semaphore_mem>>
      %dma_start3A_280 = arith.constant 0 : i32
      %dma_start3A_281 = arith.constant 0 : i32
      %dma_start3A_282 = tpu.memref_slice %arg8[%run_scoped3A_30, %dma_start3A_280, %dma_start3A_281] : memref<4x128x64xf32, #tpu.memory_space<vmem>> -> memref<1x128x64xf32, #tpu.memory_space<vmem>>
      %dma_start3A_283 = tpu.memref_squeeze %dma_start3A_282 : memref<1x128x64xf32, #tpu.memory_space<vmem>> -> memref<128x64xf32, #tpu.memory_space<vmem>>
      %dma_start3A_284 = arith.constant 0 : i32
      %dma_start3A_285 = tpu.memref_slice %arg9[%add3A_29, %dma_start3A_284] : memref<10240x64xf32, #tpu.memory_space<vmem_shared>> -> memref<128x64xf32, #tpu.memory_space<vmem_shared>>
      %dma_start3A_286 = arith.constant 0 : i32
      %dma_start3A_287 = tpu.memref_slice %arg9[%add3A_29, %dma_start3A_286] : memref<10240x64xf32, #tpu.memory_space<vmem_shared>> -> memref<128x64xf32, #tpu.memory_space<vmem_shared>>
      %dma_start3A_288 = arith.constant 0 : i32
      %dma_start3A_289 = arith.constant 0 : i32
      %dma_start3A_290 = tpu.memref_slice %arg8[%run_scoped3A_30, %dma_start3A_288, %dma_start3A_289] : memref<4x128x64xf32, #tpu.memory_space<vmem>> -> memref<1x128x64xf32, #tpu.memory_space<vmem>>
      %dma_start3A_291 = tpu.memref_squeeze %dma_start3A_290 : memref<1x128x64xf32, #tpu.memory_space<vmem>> -> memref<128x64xf32, #tpu.memory_space<vmem>>
      tpu.enqueue_dma source(%dma_start3A_291 : memref<128x64xf32, #tpu.memory_space<vmem>>) target(%dma_start3A_287 : memref<128x64xf32, #tpu.memory_space<vmem_shared>>) target_semaphore(%run_scoped3A_279 : memref<!tpu.dma_semaphore, #tpu.memory_space<semaphore_mem>>)
      %dma_wait3A_292 = arith.constant 0 : i32
      %dma_wait3A_293 = arith.constant 0 : i32
      %dma_wait3A_294 = tpu.memref_slice %arg8[%run_scoped3A_30, %dma_wait3A_292, %dma_wait3A_293] : memref<4x128x64xf32, #tpu.memory_space<vmem>> -> memref<1x128x64xf32, #tpu.memory_space<vmem>>
      %dma_wait3A_295 = tpu.memref_squeeze %dma_wait3A_294 : memref<1x128x64xf32, #tpu.memory_space<vmem>> -> memref<128x64xf32, #tpu.memory_space<vmem>>
      %dma_wait3A_296 = arith.constant 0 : i32
      %dma_wait3A_297 = tpu.memref_slice %arg9[%add3A_29, %dma_wait3A_296] : memref<10240x64xf32, #tpu.memory_space<vmem_shared>> -> memref<128x64xf32, #tpu.memory_space<vmem_shared>>
      %dma_wait3A_298 = arith.constant 0 : i32
      %dma_wait3A_299 = tpu.memref_slice %arg9[%add3A_29, %dma_wait3A_298] : memref<10240x64xf32, #tpu.memory_space<vmem_shared>> -> memref<128x64xf32, #tpu.memory_space<vmem_shared>>
      %dma_wait3A_300 = arith.constant 0 : i32
      %dma_wait3A_301 = arith.constant 0 : i32
      %dma_wait3A_302 = tpu.memref_slice %arg8[%run_scoped3A_30, %dma_wait3A_300, %dma_wait3A_301] : memref<4x128x64xf32, #tpu.memory_space<vmem>> -> memref<1x128x64xf32, #tpu.memory_space<vmem>>
      %dma_wait3A_303 = tpu.memref_squeeze %dma_wait3A_302 : memref<1x128x64xf32, #tpu.memory_space<vmem>> -> memref<128x64xf32, #tpu.memory_space<vmem>>
      tpu.wait_dma2 semaphore(%run_scoped3A_279 : memref<!tpu.dma_semaphore, #tpu.memory_space<semaphore_mem>>) src(%dma_wait3A_303 : memref<128x64xf32, #tpu.memory_space<vmem>>) dst(%dma_wait3A_299 : memref<128x64xf32, #tpu.memory_space<vmem_shared>>)
      tpu.yield
    }) : () -> ()
    %barrier3A = arith.constant 0 : index
    tpu.barrier barrier_id(%barrier3A)
    %dma_start3A = arith.constant 0 : i32
    %dma_start3A_31 = arith.constant 0 : i32
    %dma_start3A_32 = arith.constant 0 : i32
    %dma_start3A_33 = arith.constant 0 : i32
    %dma_start3A_34 = arith.constant 0 : i32
    %dma_start3A_35 = tpu.memref_slice %arg8[%dma_start3A_31, %dma_start3A_33, %dma_start3A_34] : memref<4x128x64xf32, #tpu.memory_space<vmem>> -> memref<1x128x64xf32, #tpu.memory_space<vmem>>
    %dma_start3A_36 = tpu.memref_squeeze %dma_start3A_35 : memref<1x128x64xf32, #tpu.memory_space<vmem>> -> memref<128x64xf32, #tpu.memory_space<vmem>>
    %dma_start3A_37 = arith.constant 0 : i32
    %dma_start3A_38 = tpu.memref_slice %arg6[%dma_start3A, %dma_start3A_37] : memref<160x128xi32, #tpu.memory_space<vmem>> -> memref<1x128xi32, #tpu.memory_space<vmem>>
    %dma_start3A_39 = tpu.memref_squeeze %dma_start3A_38 : memref<1x128xi32, #tpu.memory_space<vmem>> -> memref<128xi32, #tpu.memory_space<vmem>>
    %dma_start3A_40 = arith.constant 0 : i32
    %dma_start3A_41 = arith.constant 0 : i32
    %dma_start3A_42 = tpu.memref_slice %arg4[%dma_start3A_40, %dma_start3A_41] : memref<20480x64xf32, #tpu.memory_space<hbm>> -> memref<20480x64xf32, #tpu.memory_space<hbm>>
    %dma_start3A_43 = tpu.memref_slice %arg10[%dma_start3A_32] : memref<4x!tpu.dma_semaphore, #tpu.memory_space<semaphore_mem>> -> memref<1x!tpu.dma_semaphore, #tpu.memory_space<semaphore_mem>>
    %dma_start3A_44 = tpu.memref_squeeze %dma_start3A_43 : memref<1x!tpu.dma_semaphore, #tpu.memory_space<semaphore_mem>> -> memref<!tpu.dma_semaphore, #tpu.memory_space<semaphore_mem>>
    tpu.enqueue_indirect_dma source(%dma_start3A_42 : memref<20480x64xf32, #tpu.memory_space<hbm>>) target(%dma_start3A_36 : memref<128x64xf32, #tpu.memory_space<vmem>>) offsets(%dma_start3A_39 : memref<128xi32, #tpu.memory_space<vmem>>) semaphore(%dma_start3A_44 : memref<!tpu.dma_semaphore, #tpu.memory_space<semaphore_mem>>)
    %dma_start3A_45 = arith.constant 1 : i32
    %dma_start3A_46 = arith.constant 1 : i32
    %dma_start3A_47 = arith.constant 1 : i32
    %dma_start3A_48 = arith.constant 0 : i32
    %dma_start3A_49 = arith.constant 0 : i32
    %dma_start3A_50 = tpu.memref_slice %arg8[%dma_start3A_46, %dma_start3A_48, %dma_start3A_49] : memref<4x128x64xf32, #tpu.memory_space<vmem>> -> memref<1x128x64xf32, #tpu.memory_space<vmem>>
    %dma_start3A_51 = tpu.memref_squeeze %dma_start3A_50 : memref<1x128x64xf32, #tpu.memory_space<vmem>> -> memref<128x64xf32, #tpu.memory_space<vmem>>
    %dma_start3A_52 = arith.constant 0 : i32
    %dma_start3A_53 = tpu.memref_slice %arg6[%dma_start3A_45, %dma_start3A_52] : memref<160x128xi32, #tpu.memory_space<vmem>> -> memref<1x128xi32, #tpu.memory_space<vmem>>
    %dma_start3A_54 = tpu.memref_squeeze %dma_start3A_53 : memref<1x128xi32, #tpu.memory_space<vmem>> -> memref<128xi32, #tpu.memory_space<vmem>>
    %dma_start3A_55 = arith.constant 0 : i32
    %dma_start3A_56 = arith.constant 0 : i32
    %dma_start3A_57 = tpu.memref_slice %arg4[%dma_start3A_55, %dma_start3A_56] : memref<20480x64xf32, #tpu.memory_space<hbm>> -> memref<20480x64xf32, #tpu.memory_space<hbm>>
    %dma_start3A_58 = tpu.memref_slice %arg10[%dma_start3A_47] : memref<4x!tpu.dma_semaphore, #tpu.memory_space<semaphore_mem>> -> memref<1x!tpu.dma_semaphore, #tpu.memory_space<semaphore_mem>>
    %dma_start3A_59 = tpu.memref_squeeze %dma_start3A_58 : memref<1x!tpu.dma_semaphore, #tpu.memory_space<semaphore_mem>> -> memref<!tpu.dma_semaphore, #tpu.memory_space<semaphore_mem>>
    tpu.enqueue_indirect_dma source(%dma_start3A_57 : memref<20480x64xf32, #tpu.memory_space<hbm>>) target(%dma_start3A_51 : memref<128x64xf32, #tpu.memory_space<vmem>>) offsets(%dma_start3A_54 : memref<128xi32, #tpu.memory_space<vmem>>) semaphore(%dma_start3A_59 : memref<!tpu.dma_semaphore, #tpu.memory_space<semaphore_mem>>)
    %dma_start3A_60 = arith.constant 2 : i32
    %dma_start3A_61 = arith.constant 2 : i32
    %dma_start3A_62 = arith.constant 2 : i32
    %dma_start3A_63 = arith.constant 0 : i32
    %dma_start3A_64 = arith.constant 0 : i32
    %dma_start3A_65 = tpu.memref_slice %arg8[%dma_start3A_61, %dma_start3A_63, %dma_start3A_64] : memref<4x128x64xf32, #tpu.memory_space<vmem>> -> memref<1x128x64xf32, #tpu.memory_space<vmem>>
    %dma_start3A_66 = tpu.memref_squeeze %dma_start3A_65 : memref<1x128x64xf32, #tpu.memory_space<vmem>> -> memref<128x64xf32, #tpu.memory_space<vmem>>
    %dma_start3A_67 = arith.constant 0 : i32
    %dma_start3A_68 = tpu.memref_slice %arg6[%dma_start3A_60, %dma_start3A_67] : memref<160x128xi32, #tpu.memory_space<vmem>> -> memref<1x128xi32, #tpu.memory_space<vmem>>
    %dma_start3A_69 = tpu.memref_squeeze %dma_start3A_68 : memref<1x128xi32, #tpu.memory_space<vmem>> -> memref<128xi32, #tpu.memory_space<vmem>>
    %dma_start3A_70 = arith.constant 0 : i32
    %dma_start3A_71 = arith.constant 0 : i32
    %dma_start3A_72 = tpu.memref_slice %arg4[%dma_start3A_70, %dma_start3A_71] : memref<20480x64xf32, #tpu.memory_space<hbm>> -> memref<20480x64xf32, #tpu.memory_space<hbm>>
    %dma_start3A_73 = tpu.memref_slice %arg10[%dma_start3A_62] : memref<4x!tpu.dma_semaphore, #tpu.memory_space<semaphore_mem>> -> memref<1x!tpu.dma_semaphore, #tpu.memory_space<semaphore_mem>>
    %dma_start3A_74 = tpu.memref_squeeze %dma_start3A_73 : memref<1x!tpu.dma_semaphore, #tpu.memory_space<semaphore_mem>> -> memref<!tpu.dma_semaphore, #tpu.memory_space<semaphore_mem>>
    tpu.enqueue_indirect_dma source(%dma_start3A_72 : memref<20480x64xf32, #tpu.memory_space<hbm>>) target(%dma_start3A_66 : memref<128x64xf32, #tpu.memory_space<vmem>>) offsets(%dma_start3A_69 : memref<128xi32, #tpu.memory_space<vmem>>) semaphore(%dma_start3A_74 : memref<!tpu.dma_semaphore, #tpu.memory_space<semaphore_mem>>)
    %dma_start3A_75 = arith.constant 3 : i32
    %dma_start3A_76 = arith.constant 3 : i32
    %dma_start3A_77 = arith.constant 3 : i32
    %dma_start3A_78 = arith.constant 0 : i32
    %dma_start3A_79 = arith.constant 0 : i32
    %dma_start3A_80 = tpu.memref_slice %arg8[%dma_start3A_76, %dma_start3A_78, %dma_start3A_79] : memref<4x128x64xf32, #tpu.memory_space<vmem>> -> memref<1x128x64xf32, #tpu.memory_space<vmem>>
    %dma_start3A_81 = tpu.memref_squeeze %dma_start3A_80 : memref<1x128x64xf32, #tpu.memory_space<vmem>> -> memref<128x64xf32, #tpu.memory_space<vmem>>
    %dma_start3A_82 = arith.constant 0 : i32
    %dma_start3A_83 = tpu.memref_slice %arg6[%dma_start3A_75, %dma_start3A_82] : memref<160x128xi32, #tpu.memory_space<vmem>> -> memref<1x128xi32, #tpu.memory_space<vmem>>
    %dma_start3A_84 = tpu.memref_squeeze %dma_start3A_83 : memref<1x128xi32, #tpu.memory_space<vmem>> -> memref<128xi32, #tpu.memory_space<vmem>>
    %dma_start3A_85 = arith.constant 0 : i32
    %dma_start3A_86 = arith.constant 0 : i32
    %dma_start3A_87 = tpu.memref_slice %arg4[%dma_start3A_85, %dma_start3A_86] : memref<20480x64xf32, #tpu.memory_space<hbm>> -> memref<20480x64xf32, #tpu.memory_space<hbm>>
    %dma_start3A_88 = tpu.memref_slice %arg10[%dma_start3A_77] : memref<4x!tpu.dma_semaphore, #tpu.memory_space<semaphore_mem>> -> memref<1x!tpu.dma_semaphore, #tpu.memory_space<semaphore_mem>>
    %dma_start3A_89 = tpu.memref_squeeze %dma_start3A_88 : memref<1x!tpu.dma_semaphore, #tpu.memory_space<semaphore_mem>> -> memref<!tpu.dma_semaphore, #tpu.memory_space<semaphore_mem>>
    tpu.enqueue_indirect_dma source(%dma_start3A_87 : memref<20480x64xf32, #tpu.memory_space<hbm>>) target(%dma_start3A_81 : memref<128x64xf32, #tpu.memory_space<vmem>>) offsets(%dma_start3A_84 : memref<128xi32, #tpu.memory_space<vmem>>) semaphore(%dma_start3A_89 : memref<!tpu.dma_semaphore, #tpu.memory_space<semaphore_mem>>)
    %scan3A_90 = arith.constant 0 : i32
    %scan3A_91 = arith.constant 39 : i32
    %scan3A_92 = arith.addi %scan3A_90, %scan3A_91 : i32
    %scan3A_93 = arith.constant 1 : i32
    scf.for %scan3A_279 = %scan3A_90 to %scan3A_92 step %scan3A_93  : i32 {
      %mul3A_280 = arith.constant 4 : i32
      %mul3A_281 = arith.muli %scan3A_279, %mul3A_280 : i32
      %add3A_282 = arith.constant 0 : i32
      %add3A_283 = arith.addi %add3A_282, %mul3A_281 : i32
      %add3A_284 = arith.constant 0 : i32
      %add3A_285 = arith.addi %add3A_283, %add3A_284 : i32
      %dma_wait3A_286 = arith.constant 0 : i32
      %dma_wait3A_287 = arith.constant 0 : i32
      %dma_wait3A_288 = arith.constant 0 : i32
      %dma_wait3A_289 = arith.constant 0 : i32
      %dma_wait3A_290 = tpu.memref_slice %arg8[%dma_wait3A_286, %dma_wait3A_288, %dma_wait3A_289] : memref<4x128x64xf32, #tpu.memory_space<vmem>> -> memref<1x128x64xf32, #tpu.memory_space<vmem>>
      %dma_wait3A_291 = tpu.memref_squeeze %dma_wait3A_290 : memref<1x128x64xf32, #tpu.memory_space<vmem>> -> memref<128x64xf32, #tpu.memory_space<vmem>>
      %dma_wait3A_292 = arith.constant 0 : i32
      %dma_wait3A_293 = tpu.memref_slice %arg6[%add3A_285, %dma_wait3A_292] : memref<160x128xi32, #tpu.memory_space<vmem>> -> memref<1x128xi32, #tpu.memory_space<vmem>>
      %dma_wait3A_294 = tpu.memref_squeeze %dma_wait3A_293 : memref<1x128xi32, #tpu.memory_space<vmem>> -> memref<128xi32, #tpu.memory_space<vmem>>
      %dma_wait3A_295 = arith.constant 0 : i32
      %dma_wait3A_296 = arith.constant 0 : i32
      %dma_wait3A_297 = tpu.memref_slice %arg4[%dma_wait3A_295, %dma_wait3A_296] : memref<20480x64xf32, #tpu.memory_space<hbm>> -> memref<20480x64xf32, #tpu.memory_space<hbm>>
      %dma_wait3A_298 = tpu.memref_slice %arg10[%dma_wait3A_287] : memref<4x!tpu.dma_semaphore, #tpu.memory_space<semaphore_mem>> -> memref<1x!tpu.dma_semaphore, #tpu.memory_space<semaphore_mem>>
      %dma_wait3A_299 = tpu.memref_squeeze %dma_wait3A_298 : memref<1x!tpu.dma_semaphore, #tpu.memory_space<semaphore_mem>> -> memref<!tpu.dma_semaphore, #tpu.memory_space<semaphore_mem>>
      tpu.wait_indirect_dma semaphore(%dma_wait3A_299 : memref<!tpu.dma_semaphore, #tpu.memory_space<semaphore_mem>>) src(%dma_wait3A_297 : memref<20480x64xf32, #tpu.memory_space<hbm>>) dst(%dma_wait3A_291 : memref<128x64xf32, #tpu.memory_space<vmem>>)
      %add3A_300 = arith.constant 0 : i32
      %add3A_301 = arith.addi %add3A_283, %add3A_300 : i32
      %dma_start3A_302 = arith.constant 0 : i32
      %dma_start3A_303 = arith.constant 0 : i32
      %dma_start3A_304 = arith.constant 0 : i32
      %dma_start3A_305 = arith.constant 0 : i32
      %dma_start3A_306 = tpu.memref_slice %arg8[%dma_start3A_302, %dma_start3A_304, %dma_start3A_305] : memref<4x128x64xf32, #tpu.memory_space<vmem>> -> memref<1x128x64xf32, #tpu.memory_space<vmem>>
      %dma_start3A_307 = tpu.memref_squeeze %dma_start3A_306 : memref<1x128x64xf32, #tpu.memory_space<vmem>> -> memref<128x64xf32, #tpu.memory_space<vmem>>
      %dma_start3A_308 = arith.constant 0 : i32
      %dma_start3A_309 = tpu.memref_slice %arg7[%add3A_301, %dma_start3A_308] : memref<160x128xi32, #tpu.memory_space<vmem>> -> memref<1x128xi32, #tpu.memory_space<vmem>>
      %dma_start3A_310 = tpu.memref_squeeze %dma_start3A_309 : memref<1x128xi32, #tpu.memory_space<vmem>> -> memref<128xi32, #tpu.memory_space<vmem>>
      %dma_start3A_311 = arith.constant 0 : i32
      %dma_start3A_312 = arith.constant 0 : i32
      %dma_start3A_313 = tpu.memref_slice %arg9[%dma_start3A_311, %dma_start3A_312] : memref<10240x64xf32, #tpu.memory_space<vmem_shared>> -> memref<10240x64xf32, #tpu.memory_space<vmem_shared>>
      %dma_start3A_314 = tpu.memref_slice %arg11[%dma_start3A_303] : memref<4x!tpu.dma_semaphore, #tpu.memory_space<semaphore_mem>> -> memref<1x!tpu.dma_semaphore, #tpu.memory_space<semaphore_mem>>
      %dma_start3A_315 = tpu.memref_squeeze %dma_start3A_314 : memref<1x!tpu.dma_semaphore, #tpu.memory_space<semaphore_mem>> -> memref<!tpu.dma_semaphore, #tpu.memory_space<semaphore_mem>>
      tpu.enqueue_indirect_dma source(%dma_start3A_307 : memref<128x64xf32, #tpu.memory_space<vmem>>) target(%dma_start3A_313 : memref<10240x64xf32, #tpu.memory_space<vmem_shared>>) offsets(%dma_start3A_310 : memref<128xi32, #tpu.memory_space<vmem>>) semaphore(%dma_start3A_315 : memref<!tpu.dma_semaphore, #tpu.memory_space<semaphore_mem>>) {add = true}
      %add3A_316 = arith.constant 1 : i32
      %add3A_317 = arith.addi %add3A_283, %add3A_316 : i32
      %dma_wait3A_318 = arith.constant 1 : i32
      %dma_wait3A_319 = arith.constant 1 : i32
      %dma_wait3A_320 = arith.constant 0 : i32
      %dma_wait3A_321 = arith.constant 0 : i32
      %dma_wait3A_322 = tpu.memref_slice %arg8[%dma_wait3A_318, %dma_wait3A_320, %dma_wait3A_321] : memref<4x128x64xf32, #tpu.memory_space<vmem>> -> memref<1x128x64xf32, #tpu.memory_space<vmem>>
      %dma_wait3A_323 = tpu.memref_squeeze %dma_wait3A_322 : memref<1x128x64xf32, #tpu.memory_space<vmem>> -> memref<128x64xf32, #tpu.memory_space<vmem>>
      %dma_wait3A_324 = arith.constant 0 : i32
      %dma_wait3A_325 = tpu.memref_slice %arg6[%add3A_317, %dma_wait3A_324] : memref<160x128xi32, #tpu.memory_space<vmem>> -> memref<1x128xi32, #tpu.memory_space<vmem>>
      %dma_wait3A_326 = tpu.memref_squeeze %dma_wait3A_325 : memref<1x128xi32, #tpu.memory_space<vmem>> -> memref<128xi32, #tpu.memory_space<vmem>>
      %dma_wait3A_327 = arith.constant 0 : i32
      %dma_wait3A_328 = arith.constant 0 : i32
      %dma_wait3A_329 = tpu.memref_slice %arg4[%dma_wait3A_327, %dma_wait3A_328] : memref<20480x64xf32, #tpu.memory_space<hbm>> -> memref<20480x64xf32, #tpu.memory_space<hbm>>
      %dma_wait3A_330 = tpu.memref_slice %arg10[%dma_wait3A_319] : memref<4x!tpu.dma_semaphore, #tpu.memory_space<semaphore_mem>> -> memref<1x!tpu.dma_semaphore, #tpu.memory_space<semaphore_mem>>
      %dma_wait3A_331 = tpu.memref_squeeze %dma_wait3A_330 : memref<1x!tpu.dma_semaphore, #tpu.memory_space<semaphore_mem>> -> memref<!tpu.dma_semaphore, #tpu.memory_space<semaphore_mem>>
      tpu.wait_indirect_dma semaphore(%dma_wait3A_331 : memref<!tpu.dma_semaphore, #tpu.memory_space<semaphore_mem>>) src(%dma_wait3A_329 : memref<20480x64xf32, #tpu.memory_space<hbm>>) dst(%dma_wait3A_323 : memref<128x64xf32, #tpu.memory_space<vmem>>)
      %add3A_332 = arith.constant 1 : i32
      %add3A_333 = arith.addi %add3A_283, %add3A_332 : i32
      %dma_start3A_334 = arith.constant 1 : i32
      %dma_start3A_335 = arith.constant 1 : i32
      %dma_start3A_336 = arith.constant 0 : i32
      %dma_start3A_337 = arith.constant 0 : i32
      %dma_start3A_338 = tpu.memref_slice %arg8[%dma_start3A_334, %dma_start3A_336, %dma_start3A_337] : memref<4x128x64xf32, #tpu.memory_space<vmem>> -> memref<1x128x64xf32, #tpu.memory_space<vmem>>
      %dma_start3A_339 = tpu.memref_squeeze %dma_start3A_338 : memref<1x128x64xf32, #tpu.memory_space<vmem>> -> memref<128x64xf32, #tpu.memory_space<vmem>>
      %dma_start3A_340 = arith.constant 0 : i32
      %dma_start3A_341 = tpu.memref_slice %arg7[%add3A_333, %dma_start3A_340] : memref<160x128xi32, #tpu.memory_space<vmem>> -> memref<1x128xi32, #tpu.memory_space<vmem>>
      %dma_start3A_342 = tpu.memref_squeeze %dma_start3A_341 : memref<1x128xi32, #tpu.memory_space<vmem>> -> memref<128xi32, #tpu.memory_space<vmem>>
      %dma_start3A_343 = arith.constant 0 : i32
      %dma_start3A_344 = arith.constant 0 : i32
      %dma_start3A_345 = tpu.memref_slice %arg9[%dma_start3A_343, %dma_start3A_344] : memref<10240x64xf32, #tpu.memory_space<vmem_shared>> -> memref<10240x64xf32, #tpu.memory_space<vmem_shared>>
      %dma_start3A_346 = tpu.memref_slice %arg11[%dma_start3A_335] : memref<4x!tpu.dma_semaphore, #tpu.memory_space<semaphore_mem>> -> memref<1x!tpu.dma_semaphore, #tpu.memory_space<semaphore_mem>>
      %dma_start3A_347 = tpu.memref_squeeze %dma_start3A_346 : memref<1x!tpu.dma_semaphore, #tpu.memory_space<semaphore_mem>> -> memref<!tpu.dma_semaphore, #tpu.memory_space<semaphore_mem>>
      tpu.enqueue_indirect_dma source(%dma_start3A_339 : memref<128x64xf32, #tpu.memory_space<vmem>>) target(%dma_start3A_345 : memref<10240x64xf32, #tpu.memory_space<vmem_shared>>) offsets(%dma_start3A_342 : memref<128xi32, #tpu.memory_space<vmem>>) semaphore(%dma_start3A_347 : memref<!tpu.dma_semaphore, #tpu.memory_space<semaphore_mem>>) {add = true}
      %add3A_348 = arith.constant 2 : i32
      %add3A_349 = arith.addi %add3A_283, %add3A_348 : i32
      %dma_wait3A_350 = arith.constant 2 : i32
      %dma_wait3A_351 = arith.constant 2 : i32
      %dma_wait3A_352 = arith.constant 0 : i32
      %dma_wait3A_353 = arith.constant 0 : i32
      %dma_wait3A_354 = tpu.memref_slice %arg8[%dma_wait3A_350, %dma_wait3A_352, %dma_wait3A_353] : memref<4x128x64xf32, #tpu.memory_space<vmem>> -> memref<1x128x64xf32, #tpu.memory_space<vmem>>
      %dma_wait3A_355 = tpu.memref_squeeze %dma_wait3A_354 : memref<1x128x64xf32, #tpu.memory_space<vmem>> -> memref<128x64xf32, #tpu.memory_space<vmem>>
      %dma_wait3A_356 = arith.constant 0 : i32
      %dma_wait3A_357 = tpu.memref_slice %arg6[%add3A_349, %dma_wait3A_356] : memref<160x128xi32, #tpu.memory_space<vmem>> -> memref<1x128xi32, #tpu.memory_space<vmem>>
      %dma_wait3A_358 = tpu.memref_squeeze %dma_wait3A_357 : memref<1x128xi32, #tpu.memory_space<vmem>> -> memref<128xi32, #tpu.memory_space<vmem>>
      %dma_wait3A_359 = arith.constant 0 : i32
      %dma_wait3A_360 = arith.constant 0 : i32
      %dma_wait3A_361 = tpu.memref_slice %arg4[%dma_wait3A_359, %dma_wait3A_360] : memref<20480x64xf32, #tpu.memory_space<hbm>> -> memref<20480x64xf32, #tpu.memory_space<hbm>>
      %dma_wait3A_362 = tpu.memref_slice %arg10[%dma_wait3A_351] : memref<4x!tpu.dma_semaphore, #tpu.memory_space<semaphore_mem>> -> memref<1x!tpu.dma_semaphore, #tpu.memory_space<semaphore_mem>>
      %dma_wait3A_363 = tpu.memref_squeeze %dma_wait3A_362 : memref<1x!tpu.dma_semaphore, #tpu.memory_space<semaphore_mem>> -> memref<!tpu.dma_semaphore, #tpu.memory_space<semaphore_mem>>
      tpu.wait_indirect_dma semaphore(%dma_wait3A_363 : memref<!tpu.dma_semaphore, #tpu.memory_space<semaphore_mem>>) src(%dma_wait3A_361 : memref<20480x64xf32, #tpu.memory_space<hbm>>) dst(%dma_wait3A_355 : memref<128x64xf32, #tpu.memory_space<vmem>>)
      %add3A_364 = arith.constant 2 : i32
      %add3A_365 = arith.addi %add3A_283, %add3A_364 : i32
      %dma_start3A_366 = arith.constant 2 : i32
      %dma_start3A_367 = arith.constant 2 : i32
      %dma_start3A_368 = arith.constant 0 : i32
      %dma_start3A_369 = arith.constant 0 : i32
      %dma_start3A_370 = tpu.memref_slice %arg8[%dma_start3A_366, %dma_start3A_368, %dma_start3A_369] : memref<4x128x64xf32, #tpu.memory_space<vmem>> -> memref<1x128x64xf32, #tpu.memory_space<vmem>>
      %dma_start3A_371 = tpu.memref_squeeze %dma_start3A_370 : memref<1x128x64xf32, #tpu.memory_space<vmem>> -> memref<128x64xf32, #tpu.memory_space<vmem>>
      %dma_start3A_372 = arith.constant 0 : i32
      %dma_start3A_373 = tpu.memref_slice %arg7[%add3A_365, %dma_start3A_372] : memref<160x128xi32, #tpu.memory_space<vmem>> -> memref<1x128xi32, #tpu.memory_space<vmem>>
      %dma_start3A_374 = tpu.memref_squeeze %dma_start3A_373 : memref<1x128xi32, #tpu.memory_space<vmem>> -> memref<128xi32, #tpu.memory_space<vmem>>
      %dma_start3A_375 = arith.constant 0 : i32
      %dma_start3A_376 = arith.constant 0 : i32
      %dma_start3A_377 = tpu.memref_slice %arg9[%dma_start3A_375, %dma_start3A_376] : memref<10240x64xf32, #tpu.memory_space<vmem_shared>> -> memref<10240x64xf32, #tpu.memory_space<vmem_shared>>
      %dma_start3A_378 = tpu.memref_slice %arg11[%dma_start3A_367] : memref<4x!tpu.dma_semaphore, #tpu.memory_space<semaphore_mem>> -> memref<1x!tpu.dma_semaphore, #tpu.memory_space<semaphore_mem>>
      %dma_start3A_379 = tpu.memref_squeeze %dma_start3A_378 : memref<1x!tpu.dma_semaphore, #tpu.memory_space<semaphore_mem>> -> memref<!tpu.dma_semaphore, #tpu.memory_space<semaphore_mem>>
      tpu.enqueue_indirect_dma source(%dma_start3A_371 : memref<128x64xf32, #tpu.memory_space<vmem>>) target(%dma_start3A_377 : memref<10240x64xf32, #tpu.memory_space<vmem_shared>>) offsets(%dma_start3A_374 : memref<128xi32, #tpu.memory_space<vmem>>) semaphore(%dma_start3A_379 : memref<!tpu.dma_semaphore, #tpu.memory_space<semaphore_mem>>) {add = true}
      %add3A_380 = arith.constant 3 : i32
      %add3A_381 = arith.addi %add3A_283, %add3A_380 : i32
      %dma_wait3A_382 = arith.constant 3 : i32
      %dma_wait3A_383 = arith.constant 3 : i32
      %dma_wait3A_384 = arith.constant 0 : i32
      %dma_wait3A_385 = arith.constant 0 : i32
      %dma_wait3A_386 = tpu.memref_slice %arg8[%dma_wait3A_382, %dma_wait3A_384, %dma_wait3A_385] : memref<4x128x64xf32, #tpu.memory_space<vmem>> -> memref<1x128x64xf32, #tpu.memory_space<vmem>>
      %dma_wait3A_387 = tpu.memref_squeeze %dma_wait3A_386 : memref<1x128x64xf32, #tpu.memory_space<vmem>> -> memref<128x64xf32, #tpu.memory_space<vmem>>
      %dma_wait3A_388 = arith.constant 0 : i32
      %dma_wait3A_389 = tpu.memref_slice %arg6[%add3A_381, %dma_wait3A_388] : memref<160x128xi32, #tpu.memory_space<vmem>> -> memref<1x128xi32, #tpu.memory_space<vmem>>
      %dma_wait3A_390 = tpu.memref_squeeze %dma_wait3A_389 : memref<1x128xi32, #tpu.memory_space<vmem>> -> memref<128xi32, #tpu.memory_space<vmem>>
      %dma_wait3A_391 = arith.constant 0 : i32
      %dma_wait3A_392 = arith.constant 0 : i32
      %dma_wait3A_393 = tpu.memref_slice %arg4[%dma_wait3A_391, %dma_wait3A_392] : memref<20480x64xf32, #tpu.memory_space<hbm>> -> memref<20480x64xf32, #tpu.memory_space<hbm>>
      %dma_wait3A_394 = tpu.memref_slice %arg10[%dma_wait3A_383] : memref<4x!tpu.dma_semaphore, #tpu.memory_space<semaphore_mem>> -> memref<1x!tpu.dma_semaphore, #tpu.memory_space<semaphore_mem>>
      %dma_wait3A_395 = tpu.memref_squeeze %dma_wait3A_394 : memref<1x!tpu.dma_semaphore, #tpu.memory_space<semaphore_mem>> -> memref<!tpu.dma_semaphore, #tpu.memory_space<semaphore_mem>>
      tpu.wait_indirect_dma semaphore(%dma_wait3A_395 : memref<!tpu.dma_semaphore, #tpu.memory_space<semaphore_mem>>) src(%dma_wait3A_393 : memref<20480x64xf32, #tpu.memory_space<hbm>>) dst(%dma_wait3A_387 : memref<128x64xf32, #tpu.memory_space<vmem>>)
      %add3A_396 = arith.constant 3 : i32
      %add3A_397 = arith.addi %add3A_283, %add3A_396 : i32
      %dma_start3A_398 = arith.constant 3 : i32
      %dma_start3A_399 = arith.constant 3 : i32
      %dma_start3A_400 = arith.constant 0 : i32
      %dma_start3A_401 = arith.constant 0 : i32
      %dma_start3A_402 = tpu.memref_slice %arg8[%dma_start3A_398, %dma_start3A_400, %dma_start3A_401] : memref<4x128x64xf32, #tpu.memory_space<vmem>> -> memref<1x128x64xf32, #tpu.memory_space<vmem>>
      %dma_start3A_403 = tpu.memref_squeeze %dma_start3A_402 : memref<1x128x64xf32, #tpu.memory_space<vmem>> -> memref<128x64xf32, #tpu.memory_space<vmem>>
      %dma_start3A_404 = arith.constant 0 : i32
      %dma_start3A_405 = tpu.memref_slice %arg7[%add3A_397, %dma_start3A_404] : memref<160x128xi32, #tpu.memory_space<vmem>> -> memref<1x128xi32, #tpu.memory_space<vmem>>
      %dma_start3A_406 = tpu.memref_squeeze %dma_start3A_405 : memref<1x128xi32, #tpu.memory_space<vmem>> -> memref<128xi32, #tpu.memory_space<vmem>>
      %dma_start3A_407 = arith.constant 0 : i32
      %dma_start3A_408 = arith.constant 0 : i32
      %dma_start3A_409 = tpu.memref_slice %arg9[%dma_start3A_407, %dma_start3A_408] : memref<10240x64xf32, #tpu.memory_space<vmem_shared>> -> memref<10240x64xf32, #tpu.memory_space<vmem_shared>>
      %dma_start3A_410 = tpu.memref_slice %arg11[%dma_start3A_399] : memref<4x!tpu.dma_semaphore, #tpu.memory_space<semaphore_mem>> -> memref<1x!tpu.dma_semaphore, #tpu.memory_space<semaphore_mem>>
      %dma_start3A_411 = tpu.memref_squeeze %dma_start3A_410 : memref<1x!tpu.dma_semaphore, #tpu.memory_space<semaphore_mem>> -> memref<!tpu.dma_semaphore, #tpu.memory_space<semaphore_mem>>
      tpu.enqueue_indirect_dma source(%dma_start3A_403 : memref<128x64xf32, #tpu.memory_space<vmem>>) target(%dma_start3A_409 : memref<10240x64xf32, #tpu.memory_space<vmem_shared>>) offsets(%dma_start3A_406 : memref<128xi32, #tpu.memory_space<vmem>>) semaphore(%dma_start3A_411 : memref<!tpu.dma_semaphore, #tpu.memory_space<semaphore_mem>>) {add = true}
      %add3A_412 = arith.constant 0 : i32
      %add3A_413 = arith.addi %add3A_283, %add3A_412 : i32
      %dma_wait3A_414 = arith.constant 0 : i32
      %dma_wait3A_415 = arith.constant 0 : i32
      %dma_wait3A_416 = arith.constant 0 : i32
      %dma_wait3A_417 = arith.constant 0 : i32
      %dma_wait3A_418 = tpu.memref_slice %arg8[%dma_wait3A_414, %dma_wait3A_416, %dma_wait3A_417] : memref<4x128x64xf32, #tpu.memory_space<vmem>> -> memref<1x128x64xf32, #tpu.memory_space<vmem>>
      %dma_wait3A_419 = tpu.memref_squeeze %dma_wait3A_418 : memref<1x128x64xf32, #tpu.memory_space<vmem>> -> memref<128x64xf32, #tpu.memory_space<vmem>>
      %dma_wait3A_420 = arith.constant 0 : i32
      %dma_wait3A_421 = tpu.memref_slice %arg7[%add3A_413, %dma_wait3A_420] : memref<160x128xi32, #tpu.memory_space<vmem>> -> memref<1x128xi32, #tpu.memory_space<vmem>>
      %dma_wait3A_422 = tpu.memref_squeeze %dma_wait3A_421 : memref<1x128xi32, #tpu.memory_space<vmem>> -> memref<128xi32, #tpu.memory_space<vmem>>
      %dma_wait3A_423 = arith.constant 0 : i32
      %dma_wait3A_424 = arith.constant 0 : i32
      %dma_wait3A_425 = tpu.memref_slice %arg9[%dma_wait3A_423, %dma_wait3A_424] : memref<10240x64xf32, #tpu.memory_space<vmem_shared>> -> memref<10240x64xf32, #tpu.memory_space<vmem_shared>>
      %dma_wait3A_426 = tpu.memref_slice %arg11[%dma_wait3A_415] : memref<4x!tpu.dma_semaphore, #tpu.memory_space<semaphore_mem>> -> memref<1x!tpu.dma_semaphore, #tpu.memory_space<semaphore_mem>>
      %dma_wait3A_427 = tpu.memref_squeeze %dma_wait3A_426 : memref<1x!tpu.dma_semaphore, #tpu.memory_space<semaphore_mem>> -> memref<!tpu.dma_semaphore, #tpu.memory_space<semaphore_mem>>
      tpu.wait_indirect_dma semaphore(%dma_wait3A_427 : memref<!tpu.dma_semaphore, #tpu.memory_space<semaphore_mem>>) src(%dma_wait3A_419 : memref<128x64xf32, #tpu.memory_space<vmem>>) dst(%dma_wait3A_425 : memref<10240x64xf32, #tpu.memory_space<vmem_shared>>)
      %add3A_428 = arith.constant 4 : i32
      %add3A_429 = arith.addi %add3A_283, %add3A_428 : i32
      %add3A_430 = arith.constant 0 : i32
      %add3A_431 = arith.addi %add3A_429, %add3A_430 : i32
      %dma_start3A_432 = arith.constant 0 : i32
      %dma_start3A_433 = arith.constant 0 : i32
      %dma_start3A_434 = arith.constant 0 : i32
      %dma_start3A_435 = arith.constant 0 : i32
      %dma_start3A_436 = tpu.memref_slice %arg8[%dma_start3A_432, %dma_start3A_434, %dma_start3A_435] : memref<4x128x64xf32, #tpu.memory_space<vmem>> -> memref<1x128x64xf32, #tpu.memory_space<vmem>>
      %dma_start3A_437 = tpu.memref_squeeze %dma_start3A_436 : memref<1x128x64xf32, #tpu.memory_space<vmem>> -> memref<128x64xf32, #tpu.memory_space<vmem>>
      %dma_start3A_438 = arith.constant 0 : i32
      %dma_start3A_439 = tpu.memref_slice %arg6[%add3A_431, %dma_start3A_438] : memref<160x128xi32, #tpu.memory_space<vmem>> -> memref<1x128xi32, #tpu.memory_space<vmem>>
      %dma_start3A_440 = tpu.memref_squeeze %dma_start3A_439 : memref<1x128xi32, #tpu.memory_space<vmem>> -> memref<128xi32, #tpu.memory_space<vmem>>
      %dma_start3A_441 = arith.constant 0 : i32
      %dma_start3A_442 = arith.constant 0 : i32
      %dma_start3A_443 = tpu.memref_slice %arg4[%dma_start3A_441, %dma_start3A_442] : memref<20480x64xf32, #tpu.memory_space<hbm>> -> memref<20480x64xf32, #tpu.memory_space<hbm>>
      %dma_start3A_444 = tpu.memref_slice %arg10[%dma_start3A_433] : memref<4x!tpu.dma_semaphore, #tpu.memory_space<semaphore_mem>> -> memref<1x!tpu.dma_semaphore, #tpu.memory_space<semaphore_mem>>
      %dma_start3A_445 = tpu.memref_squeeze %dma_start3A_444 : memref<1x!tpu.dma_semaphore, #tpu.memory_space<semaphore_mem>> -> memref<!tpu.dma_semaphore, #tpu.memory_space<semaphore_mem>>
      tpu.enqueue_indirect_dma source(%dma_start3A_443 : memref<20480x64xf32, #tpu.memory_space<hbm>>) target(%dma_start3A_437 : memref<128x64xf32, #tpu.memory_space<vmem>>) offsets(%dma_start3A_440 : memref<128xi32, #tpu.memory_space<vmem>>) semaphore(%dma_start3A_445 : memref<!tpu.dma_semaphore, #tpu.memory_space<semaphore_mem>>)
      %add3A_446 = arith.constant 1 : i32
      %add3A_447 = arith.addi %add3A_283, %add3A_446 : i32
      %dma_wait3A_448 = arith.constant 1 : i32
      %dma_wait3A_449 = arith.constant 1 : i32
      %dma_wait3A_450 = arith.constant 0 : i32
      %dma_wait3A_451 = arith.constant 0 : i32
      %dma_wait3A_452 = tpu.memref_slice %arg8[%dma_wait3A_448, %dma_wait3A_450, %dma_wait3A_451] : memref<4x128x64xf32, #tpu.memory_space<vmem>> -> memref<1x128x64xf32, #tpu.memory_space<vmem>>
      %dma_wait3A_453 = tpu.memref_squeeze %dma_wait3A_452 : memref<1x128x64xf32, #tpu.memory_space<vmem>> -> memref<128x64xf32, #tpu.memory_space<vmem>>
      %dma_wait3A_454 = arith.constant 0 : i32
      %dma_wait3A_455 = tpu.memref_slice %arg7[%add3A_447, %dma_wait3A_454] : memref<160x128xi32, #tpu.memory_space<vmem>> -> memref<1x128xi32, #tpu.memory_space<vmem>>
      %dma_wait3A_456 = tpu.memref_squeeze %dma_wait3A_455 : memref<1x128xi32, #tpu.memory_space<vmem>> -> memref<128xi32, #tpu.memory_space<vmem>>
      %dma_wait3A_457 = arith.constant 0 : i32
      %dma_wait3A_458 = arith.constant 0 : i32
      %dma_wait3A_459 = tpu.memref_slice %arg9[%dma_wait3A_457, %dma_wait3A_458] : memref<10240x64xf32, #tpu.memory_space<vmem_shared>> -> memref<10240x64xf32, #tpu.memory_space<vmem_shared>>
      %dma_wait3A_460 = tpu.memref_slice %arg11[%dma_wait3A_449] : memref<4x!tpu.dma_semaphore, #tpu.memory_space<semaphore_mem>> -> memref<1x!tpu.dma_semaphore, #tpu.memory_space<semaphore_mem>>
      %dma_wait3A_461 = tpu.memref_squeeze %dma_wait3A_460 : memref<1x!tpu.dma_semaphore, #tpu.memory_space<semaphore_mem>> -> memref<!tpu.dma_semaphore, #tpu.memory_space<semaphore_mem>>
      tpu.wait_indirect_dma semaphore(%dma_wait3A_461 : memref<!tpu.dma_semaphore, #tpu.memory_space<semaphore_mem>>) src(%dma_wait3A_453 : memref<128x64xf32, #tpu.memory_space<vmem>>) dst(%dma_wait3A_459 : memref<10240x64xf32, #tpu.memory_space<vmem_shared>>)
      %add3A_462 = arith.constant 4 : i32
      %add3A_463 = arith.addi %add3A_283, %add3A_462 : i32
      %add3A_464 = arith.constant 1 : i32
      %add3A_465 = arith.addi %add3A_463, %add3A_464 : i32
      %dma_start3A_466 = arith.constant 1 : i32
      %dma_start3A_467 = arith.constant 1 : i32
      %dma_start3A_468 = arith.constant 0 : i32
      %dma_start3A_469 = arith.constant 0 : i32
      %dma_start3A_470 = tpu.memref_slice %arg8[%dma_start3A_466, %dma_start3A_468, %dma_start3A_469] : memref<4x128x64xf32, #tpu.memory_space<vmem>> -> memref<1x128x64xf32, #tpu.memory_space<vmem>>
      %dma_start3A_471 = tpu.memref_squeeze %dma_start3A_470 : memref<1x128x64xf32, #tpu.memory_space<vmem>> -> memref<128x64xf32, #tpu.memory_space<vmem>>
      %dma_start3A_472 = arith.constant 0 : i32
      %dma_start3A_473 = tpu.memref_slice %arg6[%add3A_465, %dma_start3A_472] : memref<160x128xi32, #tpu.memory_space<vmem>> -> memref<1x128xi32, #tpu.memory_space<vmem>>
      %dma_start3A_474 = tpu.memref_squeeze %dma_start3A_473 : memref<1x128xi32, #tpu.memory_space<vmem>> -> memref<128xi32, #tpu.memory_space<vmem>>
      %dma_start3A_475 = arith.constant 0 : i32
      %dma_start3A_476 = arith.constant 0 : i32
      %dma_start3A_477 = tpu.memref_slice %arg4[%dma_start3A_475, %dma_start3A_476] : memref<20480x64xf32, #tpu.memory_space<hbm>> -> memref<20480x64xf32, #tpu.memory_space<hbm>>
      %dma_start3A_478 = tpu.memref_slice %arg10[%dma_start3A_467] : memref<4x!tpu.dma_semaphore, #tpu.memory_space<semaphore_mem>> -> memref<1x!tpu.dma_semaphore, #tpu.memory_space<semaphore_mem>>
      %dma_start3A_479 = tpu.memref_squeeze %dma_start3A_478 : memref<1x!tpu.dma_semaphore, #tpu.memory_space<semaphore_mem>> -> memref<!tpu.dma_semaphore, #tpu.memory_space<semaphore_mem>>
      tpu.enqueue_indirect_dma source(%dma_start3A_477 : memref<20480x64xf32, #tpu.memory_space<hbm>>) target(%dma_start3A_471 : memref<128x64xf32, #tpu.memory_space<vmem>>) offsets(%dma_start3A_474 : memref<128xi32, #tpu.memory_space<vmem>>) semaphore(%dma_start3A_479 : memref<!tpu.dma_semaphore, #tpu.memory_space<semaphore_mem>>)
      %add3A_480 = arith.constant 2 : i32
      %add3A_481 = arith.addi %add3A_283, %add3A_480 : i32
      %dma_wait3A_482 = arith.constant 2 : i32
      %dma_wait3A_483 = arith.constant 2 : i32
      %dma_wait3A_484 = arith.constant 0 : i32
      %dma_wait3A_485 = arith.constant 0 : i32
      %dma_wait3A_486 = tpu.memref_slice %arg8[%dma_wait3A_482, %dma_wait3A_484, %dma_wait3A_485] : memref<4x128x64xf32, #tpu.memory_space<vmem>> -> memref<1x128x64xf32, #tpu.memory_space<vmem>>
      %dma_wait3A_487 = tpu.memref_squeeze %dma_wait3A_486 : memref<1x128x64xf32, #tpu.memory_space<vmem>> -> memref<128x64xf32, #tpu.memory_space<vmem>>
      %dma_wait3A_488 = arith.constant 0 : i32
      %dma_wait3A_489 = tpu.memref_slice %arg7[%add3A_481, %dma_wait3A_488] : memref<160x128xi32, #tpu.memory_space<vmem>> -> memref<1x128xi32, #tpu.memory_space<vmem>>
      %dma_wait3A_490 = tpu.memref_squeeze %dma_wait3A_489 : memref<1x128xi32, #tpu.memory_space<vmem>> -> memref<128xi32, #tpu.memory_space<vmem>>
      %dma_wait3A_491 = arith.constant 0 : i32
      %dma_wait3A_492 = arith.constant 0 : i32
      %dma_wait3A_493 = tpu.memref_slice %arg9[%dma_wait3A_491, %dma_wait3A_492] : memref<10240x64xf32, #tpu.memory_space<vmem_shared>> -> memref<10240x64xf32, #tpu.memory_space<vmem_shared>>
      %dma_wait3A_494 = tpu.memref_slice %arg11[%dma_wait3A_483] : memref<4x!tpu.dma_semaphore, #tpu.memory_space<semaphore_mem>> -> memref<1x!tpu.dma_semaphore, #tpu.memory_space<semaphore_mem>>
      %dma_wait3A_495 = tpu.memref_squeeze %dma_wait3A_494 : memref<1x!tpu.dma_semaphore, #tpu.memory_space<semaphore_mem>> -> memref<!tpu.dma_semaphore, #tpu.memory_space<semaphore_mem>>
      tpu.wait_indirect_dma semaphore(%dma_wait3A_495 : memref<!tpu.dma_semaphore, #tpu.memory_space<semaphore_mem>>) src(%dma_wait3A_487 : memref<128x64xf32, #tpu.memory_space<vmem>>) dst(%dma_wait3A_493 : memref<10240x64xf32, #tpu.memory_space<vmem_shared>>)
      %add3A_496 = arith.constant 4 : i32
      %add3A_497 = arith.addi %add3A_283, %add3A_496 : i32
      %add3A_498 = arith.constant 2 : i32
      %add3A_499 = arith.addi %add3A_497, %add3A_498 : i32
      %dma_start3A_500 = arith.constant 2 : i32
      %dma_start3A_501 = arith.constant 2 : i32
      %dma_start3A_502 = arith.constant 0 : i32
      %dma_start3A_503 = arith.constant 0 : i32
      %dma_start3A_504 = tpu.memref_slice %arg8[%dma_start3A_500, %dma_start3A_502, %dma_start3A_503] : memref<4x128x64xf32, #tpu.memory_space<vmem>> -> memref<1x128x64xf32, #tpu.memory_space<vmem>>
      %dma_start3A_505 = tpu.memref_squeeze %dma_start3A_504 : memref<1x128x64xf32, #tpu.memory_space<vmem>> -> memref<128x64xf32, #tpu.memory_space<vmem>>
      %dma_start3A_506 = arith.constant 0 : i32
      %dma_start3A_507 = tpu.memref_slice %arg6[%add3A_499, %dma_start3A_506] : memref<160x128xi32, #tpu.memory_space<vmem>> -> memref<1x128xi32, #tpu.memory_space<vmem>>
      %dma_start3A_508 = tpu.memref_squeeze %dma_start3A_507 : memref<1x128xi32, #tpu.memory_space<vmem>> -> memref<128xi32, #tpu.memory_space<vmem>>
      %dma_start3A_509 = arith.constant 0 : i32
      %dma_start3A_510 = arith.constant 0 : i32
      %dma_start3A_511 = tpu.memref_slice %arg4[%dma_start3A_509, %dma_start3A_510] : memref<20480x64xf32, #tpu.memory_space<hbm>> -> memref<20480x64xf32, #tpu.memory_space<hbm>>
      %dma_start3A_512 = tpu.memref_slice %arg10[%dma_start3A_501] : memref<4x!tpu.dma_semaphore, #tpu.memory_space<semaphore_mem>> -> memref<1x!tpu.dma_semaphore, #tpu.memory_space<semaphore_mem>>
      %dma_start3A_513 = tpu.memref_squeeze %dma_start3A_512 : memref<1x!tpu.dma_semaphore, #tpu.memory_space<semaphore_mem>> -> memref<!tpu.dma_semaphore, #tpu.memory_space<semaphore_mem>>
      tpu.enqueue_indirect_dma source(%dma_start3A_511 : memref<20480x64xf32, #tpu.memory_space<hbm>>) target(%dma_start3A_505 : memref<128x64xf32, #tpu.memory_space<vmem>>) offsets(%dma_start3A_508 : memref<128xi32, #tpu.memory_space<vmem>>) semaphore(%dma_start3A_513 : memref<!tpu.dma_semaphore, #tpu.memory_space<semaphore_mem>>)
      %add3A_514 = arith.constant 3 : i32
      %add3A_515 = arith.addi %add3A_283, %add3A_514 : i32
      %dma_wait3A_516 = arith.constant 3 : i32
      %dma_wait3A_517 = arith.constant 3 : i32
      %dma_wait3A_518 = arith.constant 0 : i32
      %dma_wait3A_519 = arith.constant 0 : i32
      %dma_wait3A_520 = tpu.memref_slice %arg8[%dma_wait3A_516, %dma_wait3A_518, %dma_wait3A_519] : memref<4x128x64xf32, #tpu.memory_space<vmem>> -> memref<1x128x64xf32, #tpu.memory_space<vmem>>
      %dma_wait3A_521 = tpu.memref_squeeze %dma_wait3A_520 : memref<1x128x64xf32, #tpu.memory_space<vmem>> -> memref<128x64xf32, #tpu.memory_space<vmem>>
      %dma_wait3A_522 = arith.constant 0 : i32
      %dma_wait3A_523 = tpu.memref_slice %arg7[%add3A_515, %dma_wait3A_522] : memref<160x128xi32, #tpu.memory_space<vmem>> -> memref<1x128xi32, #tpu.memory_space<vmem>>
      %dma_wait3A_524 = tpu.memref_squeeze %dma_wait3A_523 : memref<1x128xi32, #tpu.memory_space<vmem>> -> memref<128xi32, #tpu.memory_space<vmem>>
      %dma_wait3A_525 = arith.constant 0 : i32
      %dma_wait3A_526 = arith.constant 0 : i32
      %dma_wait3A_527 = tpu.memref_slice %arg9[%dma_wait3A_525, %dma_wait3A_526] : memref<10240x64xf32, #tpu.memory_space<vmem_shared>> -> memref<10240x64xf32, #tpu.memory_space<vmem_shared>>
      %dma_wait3A_528 = tpu.memref_slice %arg11[%dma_wait3A_517] : memref<4x!tpu.dma_semaphore, #tpu.memory_space<semaphore_mem>> -> memref<1x!tpu.dma_semaphore, #tpu.memory_space<semaphore_mem>>
      %dma_wait3A_529 = tpu.memref_squeeze %dma_wait3A_528 : memref<1x!tpu.dma_semaphore, #tpu.memory_space<semaphore_mem>> -> memref<!tpu.dma_semaphore, #tpu.memory_space<semaphore_mem>>
      tpu.wait_indirect_dma semaphore(%dma_wait3A_529 : memref<!tpu.dma_semaphore, #tpu.memory_space<semaphore_mem>>) src(%dma_wait3A_521 : memref<128x64xf32, #tpu.memory_space<vmem>>) dst(%dma_wait3A_527 : memref<10240x64xf32, #tpu.memory_space<vmem_shared>>)
      %add3A_530 = arith.constant 4 : i32
      %add3A_531 = arith.addi %add3A_283, %add3A_530 : i32
      %add3A_532 = arith.constant 3 : i32
      %add3A_533 = arith.addi %add3A_531, %add3A_532 : i32
      %dma_start3A_534 = arith.constant 3 : i32
      %dma_start3A_535 = arith.constant 3 : i32
      %dma_start3A_536 = arith.constant 0 : i32
      %dma_start3A_537 = arith.constant 0 : i32
      %dma_start3A_538 = tpu.memref_slice %arg8[%dma_start3A_534, %dma_start3A_536, %dma_start3A_537] : memref<4x128x64xf32, #tpu.memory_space<vmem>> -> memref<1x128x64xf32, #tpu.memory_space<vmem>>
      %dma_start3A_539 = tpu.memref_squeeze %dma_start3A_538 : memref<1x128x64xf32, #tpu.memory_space<vmem>> -> memref<128x64xf32, #tpu.memory_space<vmem>>
      %dma_start3A_540 = arith.constant 0 : i32
      %dma_start3A_541 = tpu.memref_slice %arg6[%add3A_533, %dma_start3A_540] : memref<160x128xi32, #tpu.memory_space<vmem>> -> memref<1x128xi32, #tpu.memory_space<vmem>>
      %dma_start3A_542 = tpu.memref_squeeze %dma_start3A_541 : memref<1x128xi32, #tpu.memory_space<vmem>> -> memref<128xi32, #tpu.memory_space<vmem>>
      %dma_start3A_543 = arith.constant 0 : i32
      %dma_start3A_544 = arith.constant 0 : i32
      %dma_start3A_545 = tpu.memref_slice %arg4[%dma_start3A_543, %dma_start3A_544] : memref<20480x64xf32, #tpu.memory_space<hbm>> -> memref<20480x64xf32, #tpu.memory_space<hbm>>
      %dma_start3A_546 = tpu.memref_slice %arg10[%dma_start3A_535] : memref<4x!tpu.dma_semaphore, #tpu.memory_space<semaphore_mem>> -> memref<1x!tpu.dma_semaphore, #tpu.memory_space<semaphore_mem>>
      %dma_start3A_547 = tpu.memref_squeeze %dma_start3A_546 : memref<1x!tpu.dma_semaphore, #tpu.memory_space<semaphore_mem>> -> memref<!tpu.dma_semaphore, #tpu.memory_space<semaphore_mem>>
      tpu.enqueue_indirect_dma source(%dma_start3A_545 : memref<20480x64xf32, #tpu.memory_space<hbm>>) target(%dma_start3A_539 : memref<128x64xf32, #tpu.memory_space<vmem>>) offsets(%dma_start3A_542 : memref<128xi32, #tpu.memory_space<vmem>>) semaphore(%dma_start3A_547 : memref<!tpu.dma_semaphore, #tpu.memory_space<semaphore_mem>>)
    }
    %scan3A_94 = arith.constant 39 : i32
    %dma_wait3A = arith.constant 156 : i32
    %dma_wait3A_95 = arith.constant 0 : i32
    %dma_wait3A_96 = arith.constant 0 : i32
    %dma_wait3A_97 = arith.constant 0 : i32
    %dma_wait3A_98 = arith.constant 0 : i32
    %dma_wait3A_99 = tpu.memref_slice %arg8[%dma_wait3A_95, %dma_wait3A_97, %dma_wait3A_98] : memref<4x128x64xf32, #tpu.memory_space<vmem>> -> memref<1x128x64xf32, #tpu.memory_space<vmem>>
    %dma_wait3A_100 = tpu.memref_squeeze %dma_wait3A_99 : memref<1x128x64xf32, #tpu.memory_space<vmem>> -> memref<128x64xf32, #tpu.memory_space<vmem>>
    %dma_wait3A_101 = arith.constant 0 : i32
    %dma_wait3A_102 = tpu.memref_slice %arg6[%dma_wait3A, %dma_wait3A_101] : memref<160x128xi32, #tpu.memory_space<vmem>> -> memref<1x128xi32, #tpu.memory_space<vmem>>
    %dma_wait3A_103 = tpu.memref_squeeze %dma_wait3A_102 : memref<1x128xi32, #tpu.memory_space<vmem>> -> memref<128xi32, #tpu.memory_space<vmem>>
    %dma_wait3A_104 = arith.constant 0 : i32
    %dma_wait3A_105 = arith.constant 0 : i32
    %dma_wait3A_106 = tpu.memref_slice %arg4[%dma_wait3A_104, %dma_wait3A_105] : memref<20480x64xf32, #tpu.memory_space<hbm>> -> memref<20480x64xf32, #tpu.memory_space<hbm>>
    %dma_wait3A_107 = tpu.memref_slice %arg10[%dma_wait3A_96] : memref<4x!tpu.dma_semaphore, #tpu.memory_space<semaphore_mem>> -> memref<1x!tpu.dma_semaphore, #tpu.memory_space<semaphore_mem>>
    %dma_wait3A_108 = tpu.memref_squeeze %dma_wait3A_107 : memref<1x!tpu.dma_semaphore, #tpu.memory_space<semaphore_mem>> -> memref<!tpu.dma_semaphore, #tpu.memory_space<semaphore_mem>>
    tpu.wait_indirect_dma semaphore(%dma_wait3A_108 : memref<!tpu.dma_semaphore, #tpu.memory_space<semaphore_mem>>) src(%dma_wait3A_106 : memref<20480x64xf32, #tpu.memory_space<hbm>>) dst(%dma_wait3A_100 : memref<128x64xf32, #tpu.memory_space<vmem>>)
    %dma_start3A_109 = arith.constant 0 : i32
    %dma_start3A_110 = arith.constant 156 : i32
    %dma_start3A_111 = arith.constant 0 : i32
    %dma_start3A_112 = arith.constant 0 : i32
    %dma_start3A_113 = arith.constant 0 : i32
    %dma_start3A_114 = tpu.memref_slice %arg8[%dma_start3A_109, %dma_start3A_112, %dma_start3A_113] : memref<4x128x64xf32, #tpu.memory_space<vmem>> -> memref<1x128x64xf32, #tpu.memory_space<vmem>>
    %dma_start3A_115 = tpu.memref_squeeze %dma_start3A_114 : memref<1x128x64xf32, #tpu.memory_space<vmem>> -> memref<128x64xf32, #tpu.memory_space<vmem>>
    %dma_start3A_116 = arith.constant 0 : i32
    %dma_start3A_117 = tpu.memref_slice %arg7[%dma_start3A_110, %dma_start3A_116] : memref<160x128xi32, #tpu.memory_space<vmem>> -> memref<1x128xi32, #tpu.memory_space<vmem>>
    %dma_start3A_118 = tpu.memref_squeeze %dma_start3A_117 : memref<1x128xi32, #tpu.memory_space<vmem>> -> memref<128xi32, #tpu.memory_space<vmem>>
    %dma_start3A_119 = arith.constant 0 : i32
    %dma_start3A_120 = arith.constant 0 : i32
    %dma_start3A_121 = tpu.memref_slice %arg9[%dma_start3A_119, %dma_start3A_120] : memref<10240x64xf32, #tpu.memory_space<vmem_shared>> -> memref<10240x64xf32, #tpu.memory_space<vmem_shared>>
    %dma_start3A_122 = tpu.memref_slice %arg11[%dma_start3A_111] : memref<4x!tpu.dma_semaphore, #tpu.memory_space<semaphore_mem>> -> memref<1x!tpu.dma_semaphore, #tpu.memory_space<semaphore_mem>>
    %dma_start3A_123 = tpu.memref_squeeze %dma_start3A_122 : memref<1x!tpu.dma_semaphore, #tpu.memory_space<semaphore_mem>> -> memref<!tpu.dma_semaphore, #tpu.memory_space<semaphore_mem>>
    tpu.enqueue_indirect_dma source(%dma_start3A_115 : memref<128x64xf32, #tpu.memory_space<vmem>>) target(%dma_start3A_121 : memref<10240x64xf32, #tpu.memory_space<vmem_shared>>) offsets(%dma_start3A_118 : memref<128xi32, #tpu.memory_space<vmem>>) semaphore(%dma_start3A_123 : memref<!tpu.dma_semaphore, #tpu.memory_space<semaphore_mem>>) {add = true}
    %dma_wait3A_124 = arith.constant 157 : i32
    %dma_wait3A_125 = arith.constant 1 : i32
    %dma_wait3A_126 = arith.constant 1 : i32
    %dma_wait3A_127 = arith.constant 0 : i32
    %dma_wait3A_128 = arith.constant 0 : i32
    %dma_wait3A_129 = tpu.memref_slice %arg8[%dma_wait3A_125, %dma_wait3A_127, %dma_wait3A_128] : memref<4x128x64xf32, #tpu.memory_space<vmem>> -> memref<1x128x64xf32, #tpu.memory_space<vmem>>
    %dma_wait3A_130 = tpu.memref_squeeze %dma_wait3A_129 : memref<1x128x64xf32, #tpu.memory_space<vmem>> -> memref<128x64xf32, #tpu.memory_space<vmem>>
    %dma_wait3A_131 = arith.constant 0 : i32
    %dma_wait3A_132 = tpu.memref_slice %arg6[%dma_wait3A_124, %dma_wait3A_131] : memref<160x128xi32, #tpu.memory_space<vmem>> -> memref<1x128xi32, #tpu.memory_space<vmem>>
    %dma_wait3A_133 = tpu.memref_squeeze %dma_wait3A_132 : memref<1x128xi32, #tpu.memory_space<vmem>> -> memref<128xi32, #tpu.memory_space<vmem>>
    %dma_wait3A_134 = arith.constant 0 : i32
    %dma_wait3A_135 = arith.constant 0 : i32
    %dma_wait3A_136 = tpu.memref_slice %arg4[%dma_wait3A_134, %dma_wait3A_135] : memref<20480x64xf32, #tpu.memory_space<hbm>> -> memref<20480x64xf32, #tpu.memory_space<hbm>>
    %dma_wait3A_137 = tpu.memref_slice %arg10[%dma_wait3A_126] : memref<4x!tpu.dma_semaphore, #tpu.memory_space<semaphore_mem>> -> memref<1x!tpu.dma_semaphore, #tpu.memory_space<semaphore_mem>>
    %dma_wait3A_138 = tpu.memref_squeeze %dma_wait3A_137 : memref<1x!tpu.dma_semaphore, #tpu.memory_space<semaphore_mem>> -> memref<!tpu.dma_semaphore, #tpu.memory_space<semaphore_mem>>
    tpu.wait_indirect_dma semaphore(%dma_wait3A_138 : memref<!tpu.dma_semaphore, #tpu.memory_space<semaphore_mem>>) src(%dma_wait3A_136 : memref<20480x64xf32, #tpu.memory_space<hbm>>) dst(%dma_wait3A_130 : memref<128x64xf32, #tpu.memory_space<vmem>>)
    %dma_start3A_139 = arith.constant 1 : i32
    %dma_start3A_140 = arith.constant 157 : i32
    %dma_start3A_141 = arith.constant 1 : i32
    %dma_start3A_142 = arith.constant 0 : i32
    %dma_start3A_143 = arith.constant 0 : i32
    %dma_start3A_144 = tpu.memref_slice %arg8[%dma_start3A_139, %dma_start3A_142, %dma_start3A_143] : memref<4x128x64xf32, #tpu.memory_space<vmem>> -> memref<1x128x64xf32, #tpu.memory_space<vmem>>
    %dma_start3A_145 = tpu.memref_squeeze %dma_start3A_144 : memref<1x128x64xf32, #tpu.memory_space<vmem>> -> memref<128x64xf32, #tpu.memory_space<vmem>>
    %dma_start3A_146 = arith.constant 0 : i32
    %dma_start3A_147 = tpu.memref_slice %arg7[%dma_start3A_140, %dma_start3A_146] : memref<160x128xi32, #tpu.memory_space<vmem>> -> memref<1x128xi32, #tpu.memory_space<vmem>>
    %dma_start3A_148 = tpu.memref_squeeze %dma_start3A_147 : memref<1x128xi32, #tpu.memory_space<vmem>> -> memref<128xi32, #tpu.memory_space<vmem>>
    %dma_start3A_149 = arith.constant 0 : i32
    %dma_start3A_150 = arith.constant 0 : i32
    %dma_start3A_151 = tpu.memref_slice %arg9[%dma_start3A_149, %dma_start3A_150] : memref<10240x64xf32, #tpu.memory_space<vmem_shared>> -> memref<10240x64xf32, #tpu.memory_space<vmem_shared>>
    %dma_start3A_152 = tpu.memref_slice %arg11[%dma_start3A_141] : memref<4x!tpu.dma_semaphore, #tpu.memory_space<semaphore_mem>> -> memref<1x!tpu.dma_semaphore, #tpu.memory_space<semaphore_mem>>
    %dma_start3A_153 = tpu.memref_squeeze %dma_start3A_152 : memref<1x!tpu.dma_semaphore, #tpu.memory_space<semaphore_mem>> -> memref<!tpu.dma_semaphore, #tpu.memory_space<semaphore_mem>>
    tpu.enqueue_indirect_dma source(%dma_start3A_145 : memref<128x64xf32, #tpu.memory_space<vmem>>) target(%dma_start3A_151 : memref<10240x64xf32, #tpu.memory_space<vmem_shared>>) offsets(%dma_start3A_148 : memref<128xi32, #tpu.memory_space<vmem>>) semaphore(%dma_start3A_153 : memref<!tpu.dma_semaphore, #tpu.memory_space<semaphore_mem>>) {add = true}
    %dma_wait3A_154 = arith.constant 158 : i32
    %dma_wait3A_155 = arith.constant 2 : i32
    %dma_wait3A_156 = arith.constant 2 : i32
    %dma_wait3A_157 = arith.constant 0 : i32
    %dma_wait3A_158 = arith.constant 0 : i32
    %dma_wait3A_159 = tpu.memref_slice %arg8[%dma_wait3A_155, %dma_wait3A_157, %dma_wait3A_158] : memref<4x128x64xf32, #tpu.memory_space<vmem>> -> memref<1x128x64xf32, #tpu.memory_space<vmem>>
    %dma_wait3A_160 = tpu.memref_squeeze %dma_wait3A_159 : memref<1x128x64xf32, #tpu.memory_space<vmem>> -> memref<128x64xf32, #tpu.memory_space<vmem>>
    %dma_wait3A_161 = arith.constant 0 : i32
    %dma_wait3A_162 = tpu.memref_slice %arg6[%dma_wait3A_154, %dma_wait3A_161] : memref<160x128xi32, #tpu.memory_space<vmem>> -> memref<1x128xi32, #tpu.memory_space<vmem>>
    %dma_wait3A_163 = tpu.memref_squeeze %dma_wait3A_162 : memref<1x128xi32, #tpu.memory_space<vmem>> -> memref<128xi32, #tpu.memory_space<vmem>>
    %dma_wait3A_164 = arith.constant 0 : i32
    %dma_wait3A_165 = arith.constant 0 : i32
    %dma_wait3A_166 = tpu.memref_slice %arg4[%dma_wait3A_164, %dma_wait3A_165] : memref<20480x64xf32, #tpu.memory_space<hbm>> -> memref<20480x64xf32, #tpu.memory_space<hbm>>
    %dma_wait3A_167 = tpu.memref_slice %arg10[%dma_wait3A_156] : memref<4x!tpu.dma_semaphore, #tpu.memory_space<semaphore_mem>> -> memref<1x!tpu.dma_semaphore, #tpu.memory_space<semaphore_mem>>
    %dma_wait3A_168 = tpu.memref_squeeze %dma_wait3A_167 : memref<1x!tpu.dma_semaphore, #tpu.memory_space<semaphore_mem>> -> memref<!tpu.dma_semaphore, #tpu.memory_space<semaphore_mem>>
    tpu.wait_indirect_dma semaphore(%dma_wait3A_168 : memref<!tpu.dma_semaphore, #tpu.memory_space<semaphore_mem>>) src(%dma_wait3A_166 : memref<20480x64xf32, #tpu.memory_space<hbm>>) dst(%dma_wait3A_160 : memref<128x64xf32, #tpu.memory_space<vmem>>)
    %dma_start3A_169 = arith.constant 2 : i32
    %dma_start3A_170 = arith.constant 158 : i32
    %dma_start3A_171 = arith.constant 2 : i32
    %dma_start3A_172 = arith.constant 0 : i32
    %dma_start3A_173 = arith.constant 0 : i32
    %dma_start3A_174 = tpu.memref_slice %arg8[%dma_start3A_169, %dma_start3A_172, %dma_start3A_173] : memref<4x128x64xf32, #tpu.memory_space<vmem>> -> memref<1x128x64xf32, #tpu.memory_space<vmem>>
    %dma_start3A_175 = tpu.memref_squeeze %dma_start3A_174 : memref<1x128x64xf32, #tpu.memory_space<vmem>> -> memref<128x64xf32, #tpu.memory_space<vmem>>
    %dma_start3A_176 = arith.constant 0 : i32
    %dma_start3A_177 = tpu.memref_slice %arg7[%dma_start3A_170, %dma_start3A_176] : memref<160x128xi32, #tpu.memory_space<vmem>> -> memref<1x128xi32, #tpu.memory_space<vmem>>
    %dma_start3A_178 = tpu.memref_squeeze %dma_start3A_177 : memref<1x128xi32, #tpu.memory_space<vmem>> -> memref<128xi32, #tpu.memory_space<vmem>>
    %dma_start3A_179 = arith.constant 0 : i32
    %dma_start3A_180 = arith.constant 0 : i32
    %dma_start3A_181 = tpu.memref_slice %arg9[%dma_start3A_179, %dma_start3A_180] : memref<10240x64xf32, #tpu.memory_space<vmem_shared>> -> memref<10240x64xf32, #tpu.memory_space<vmem_shared>>
    %dma_start3A_182 = tpu.memref_slice %arg11[%dma_start3A_171] : memref<4x!tpu.dma_semaphore, #tpu.memory_space<semaphore_mem>> -> memref<1x!tpu.dma_semaphore, #tpu.memory_space<semaphore_mem>>
    %dma_start3A_183 = tpu.memref_squeeze %dma_start3A_182 : memref<1x!tpu.dma_semaphore, #tpu.memory_space<semaphore_mem>> -> memref<!tpu.dma_semaphore, #tpu.memory_space<semaphore_mem>>
    tpu.enqueue_indirect_dma source(%dma_start3A_175 : memref<128x64xf32, #tpu.memory_space<vmem>>) target(%dma_start3A_181 : memref<10240x64xf32, #tpu.memory_space<vmem_shared>>) offsets(%dma_start3A_178 : memref<128xi32, #tpu.memory_space<vmem>>) semaphore(%dma_start3A_183 : memref<!tpu.dma_semaphore, #tpu.memory_space<semaphore_mem>>) {add = true}
    %dma_wait3A_184 = arith.constant 159 : i32
    %dma_wait3A_185 = arith.constant 3 : i32
    %dma_wait3A_186 = arith.constant 3 : i32
    %dma_wait3A_187 = arith.constant 0 : i32
    %dma_wait3A_188 = arith.constant 0 : i32
    %dma_wait3A_189 = tpu.memref_slice %arg8[%dma_wait3A_185, %dma_wait3A_187, %dma_wait3A_188] : memref<4x128x64xf32, #tpu.memory_space<vmem>> -> memref<1x128x64xf32, #tpu.memory_space<vmem>>
    %dma_wait3A_190 = tpu.memref_squeeze %dma_wait3A_189 : memref<1x128x64xf32, #tpu.memory_space<vmem>> -> memref<128x64xf32, #tpu.memory_space<vmem>>
    %dma_wait3A_191 = arith.constant 0 : i32
    %dma_wait3A_192 = tpu.memref_slice %arg6[%dma_wait3A_184, %dma_wait3A_191] : memref<160x128xi32, #tpu.memory_space<vmem>> -> memref<1x128xi32, #tpu.memory_space<vmem>>
    %dma_wait3A_193 = tpu.memref_squeeze %dma_wait3A_192 : memref<1x128xi32, #tpu.memory_space<vmem>> -> memref<128xi32, #tpu.memory_space<vmem>>
    %dma_wait3A_194 = arith.constant 0 : i32
    %dma_wait3A_195 = arith.constant 0 : i32
    %dma_wait3A_196 = tpu.memref_slice %arg4[%dma_wait3A_194, %dma_wait3A_195] : memref<20480x64xf32, #tpu.memory_space<hbm>> -> memref<20480x64xf32, #tpu.memory_space<hbm>>
    %dma_wait3A_197 = tpu.memref_slice %arg10[%dma_wait3A_186] : memref<4x!tpu.dma_semaphore, #tpu.memory_space<semaphore_mem>> -> memref<1x!tpu.dma_semaphore, #tpu.memory_space<semaphore_mem>>
    %dma_wait3A_198 = tpu.memref_squeeze %dma_wait3A_197 : memref<1x!tpu.dma_semaphore, #tpu.memory_space<semaphore_mem>> -> memref<!tpu.dma_semaphore, #tpu.memory_space<semaphore_mem>>
    tpu.wait_indirect_dma semaphore(%dma_wait3A_198 : memref<!tpu.dma_semaphore, #tpu.memory_space<semaphore_mem>>) src(%dma_wait3A_196 : memref<20480x64xf32, #tpu.memory_space<hbm>>) dst(%dma_wait3A_190 : memref<128x64xf32, #tpu.memory_space<vmem>>)
    %dma_start3A_199 = arith.constant 3 : i32
    %dma_start3A_200 = arith.constant 159 : i32
    %dma_start3A_201 = arith.constant 3 : i32
    %dma_start3A_202 = arith.constant 0 : i32
    %dma_start3A_203 = arith.constant 0 : i32
    %dma_start3A_204 = tpu.memref_slice %arg8[%dma_start3A_199, %dma_start3A_202, %dma_start3A_203] : memref<4x128x64xf32, #tpu.memory_space<vmem>> -> memref<1x128x64xf32, #tpu.memory_space<vmem>>
    %dma_start3A_205 = tpu.memref_squeeze %dma_start3A_204 : memref<1x128x64xf32, #tpu.memory_space<vmem>> -> memref<128x64xf32, #tpu.memory_space<vmem>>
    %dma_start3A_206 = arith.constant 0 : i32
    %dma_start3A_207 = tpu.memref_slice %arg7[%dma_start3A_200, %dma_start3A_206] : memref<160x128xi32, #tpu.memory_space<vmem>> -> memref<1x128xi32, #tpu.memory_space<vmem>>
    %dma_start3A_208 = tpu.memref_squeeze %dma_start3A_207 : memref<1x128xi32, #tpu.memory_space<vmem>> -> memref<128xi32, #tpu.memory_space<vmem>>
    %dma_start3A_209 = arith.constant 0 : i32
    %dma_start3A_210 = arith.constant 0 : i32
    %dma_start3A_211 = tpu.memref_slice %arg9[%dma_start3A_209, %dma_start3A_210] : memref<10240x64xf32, #tpu.memory_space<vmem_shared>> -> memref<10240x64xf32, #tpu.memory_space<vmem_shared>>
    %dma_start3A_212 = tpu.memref_slice %arg11[%dma_start3A_201] : memref<4x!tpu.dma_semaphore, #tpu.memory_space<semaphore_mem>> -> memref<1x!tpu.dma_semaphore, #tpu.memory_space<semaphore_mem>>
    %dma_start3A_213 = tpu.memref_squeeze %dma_start3A_212 : memref<1x!tpu.dma_semaphore, #tpu.memory_space<semaphore_mem>> -> memref<!tpu.dma_semaphore, #tpu.memory_space<semaphore_mem>>
    tpu.enqueue_indirect_dma source(%dma_start3A_205 : memref<128x64xf32, #tpu.memory_space<vmem>>) target(%dma_start3A_211 : memref<10240x64xf32, #tpu.memory_space<vmem_shared>>) offsets(%dma_start3A_208 : memref<128xi32, #tpu.memory_space<vmem>>) semaphore(%dma_start3A_213 : memref<!tpu.dma_semaphore, #tpu.memory_space<semaphore_mem>>) {add = true}
    %dma_wait3A_214 = arith.constant 0 : i32
    %dma_wait3A_215 = arith.constant 156 : i32
    %dma_wait3A_216 = arith.constant 0 : i32
    %dma_wait3A_217 = arith.constant 0 : i32
    %dma_wait3A_218 = arith.constant 0 : i32
    %dma_wait3A_219 = tpu.memref_slice %arg8[%dma_wait3A_214, %dma_wait3A_217, %dma_wait3A_218] : memref<4x128x64xf32, #tpu.memory_space<vmem>> -> memref<1x128x64xf32, #tpu.memory_space<vmem>>
    %dma_wait3A_220 = tpu.memref_squeeze %dma_wait3A_219 : memref<1x128x64xf32, #tpu.memory_space<vmem>> -> memref<128x64xf32, #tpu.memory_space<vmem>>
    %dma_wait3A_221 = arith.constant 0 : i32
    %dma_wait3A_222 = tpu.memref_slice %arg7[%dma_wait3A_215, %dma_wait3A_221] : memref<160x128xi32, #tpu.memory_space<vmem>> -> memref<1x128xi32, #tpu.memory_space<vmem>>
    %dma_wait3A_223 = tpu.memref_squeeze %dma_wait3A_222 : memref<1x128xi32, #tpu.memory_space<vmem>> -> memref<128xi32, #tpu.memory_space<vmem>>
    %dma_wait3A_224 = arith.constant 0 : i32
    %dma_wait3A_225 = arith.constant 0 : i32
    %dma_wait3A_226 = tpu.memref_slice %arg9[%dma_wait3A_224, %dma_wait3A_225] : memref<10240x64xf32, #tpu.memory_space<vmem_shared>> -> memref<10240x64xf32, #tpu.memory_space<vmem_shared>>
    %dma_wait3A_227 = tpu.memref_slice %arg11[%dma_wait3A_216] : memref<4x!tpu.dma_semaphore, #tpu.memory_space<semaphore_mem>> -> memref<1x!tpu.dma_semaphore, #tpu.memory_space<semaphore_mem>>
    %dma_wait3A_228 = tpu.memref_squeeze %dma_wait3A_227 : memref<1x!tpu.dma_semaphore, #tpu.memory_space<semaphore_mem>> -> memref<!tpu.dma_semaphore, #tpu.memory_space<semaphore_mem>>
    tpu.wait_indirect_dma semaphore(%dma_wait3A_228 : memref<!tpu.dma_semaphore, #tpu.memory_space<semaphore_mem>>) src(%dma_wait3A_220 : memref<128x64xf32, #tpu.memory_space<vmem>>) dst(%dma_wait3A_226 : memref<10240x64xf32, #tpu.memory_space<vmem_shared>>)
    %dma_wait3A_229 = arith.constant 1 : i32
    %dma_wait3A_230 = arith.constant 157 : i32
    %dma_wait3A_231 = arith.constant 1 : i32
    %dma_wait3A_232 = arith.constant 0 : i32
    %dma_wait3A_233 = arith.constant 0 : i32
    %dma_wait3A_234 = tpu.memref_slice %arg8[%dma_wait3A_229, %dma_wait3A_232, %dma_wait3A_233] : memref<4x128x64xf32, #tpu.memory_space<vmem>> -> memref<1x128x64xf32, #tpu.memory_space<vmem>>
    %dma_wait3A_235 = tpu.memref_squeeze %dma_wait3A_234 : memref<1x128x64xf32, #tpu.memory_space<vmem>> -> memref<128x64xf32, #tpu.memory_space<vmem>>
    %dma_wait3A_236 = arith.constant 0 : i32
    %dma_wait3A_237 = tpu.memref_slice %arg7[%dma_wait3A_230, %dma_wait3A_236] : memref<160x128xi32, #tpu.memory_space<vmem>> -> memref<1x128xi32, #tpu.memory_space<vmem>>
    %dma_wait3A_238 = tpu.memref_squeeze %dma_wait3A_237 : memref<1x128xi32, #tpu.memory_space<vmem>> -> memref<128xi32, #tpu.memory_space<vmem>>
    %dma_wait3A_239 = arith.constant 0 : i32
    %dma_wait3A_240 = arith.constant 0 : i32
    %dma_wait3A_241 = tpu.memref_slice %arg9[%dma_wait3A_239, %dma_wait3A_240] : memref<10240x64xf32, #tpu.memory_space<vmem_shared>> -> memref<10240x64xf32, #tpu.memory_space<vmem_shared>>
    %dma_wait3A_242 = tpu.memref_slice %arg11[%dma_wait3A_231] : memref<4x!tpu.dma_semaphore, #tpu.memory_space<semaphore_mem>> -> memref<1x!tpu.dma_semaphore, #tpu.memory_space<semaphore_mem>>
    %dma_wait3A_243 = tpu.memref_squeeze %dma_wait3A_242 : memref<1x!tpu.dma_semaphore, #tpu.memory_space<semaphore_mem>> -> memref<!tpu.dma_semaphore, #tpu.memory_space<semaphore_mem>>
    tpu.wait_indirect_dma semaphore(%dma_wait3A_243 : memref<!tpu.dma_semaphore, #tpu.memory_space<semaphore_mem>>) src(%dma_wait3A_235 : memref<128x64xf32, #tpu.memory_space<vmem>>) dst(%dma_wait3A_241 : memref<10240x64xf32, #tpu.memory_space<vmem_shared>>)
    %dma_wait3A_244 = arith.constant 2 : i32
    %dma_wait3A_245 = arith.constant 158 : i32
    %dma_wait3A_246 = arith.constant 2 : i32
    %dma_wait3A_247 = arith.constant 0 : i32
    %dma_wait3A_248 = arith.constant 0 : i32
    %dma_wait3A_249 = tpu.memref_slice %arg8[%dma_wait3A_244, %dma_wait3A_247, %dma_wait3A_248] : memref<4x128x64xf32, #tpu.memory_space<vmem>> -> memref<1x128x64xf32, #tpu.memory_space<vmem>>
    %dma_wait3A_250 = tpu.memref_squeeze %dma_wait3A_249 : memref<1x128x64xf32, #tpu.memory_space<vmem>> -> memref<128x64xf32, #tpu.memory_space<vmem>>
    %dma_wait3A_251 = arith.constant 0 : i32
    %dma_wait3A_252 = tpu.memref_slice %arg7[%dma_wait3A_245, %dma_wait3A_251] : memref<160x128xi32, #tpu.memory_space<vmem>> -> memref<1x128xi32, #tpu.memory_space<vmem>>
    %dma_wait3A_253 = tpu.memref_squeeze %dma_wait3A_252 : memref<1x128xi32, #tpu.memory_space<vmem>> -> memref<128xi32, #tpu.memory_space<vmem>>
    %dma_wait3A_254 = arith.constant 0 : i32
    %dma_wait3A_255 = arith.constant 0 : i32
    %dma_wait3A_256 = tpu.memref_slice %arg9[%dma_wait3A_254, %dma_wait3A_255] : memref<10240x64xf32, #tpu.memory_space<vmem_shared>> -> memref<10240x64xf32, #tpu.memory_space<vmem_shared>>
    %dma_wait3A_257 = tpu.memref_slice %arg11[%dma_wait3A_246] : memref<4x!tpu.dma_semaphore, #tpu.memory_space<semaphore_mem>> -> memref<1x!tpu.dma_semaphore, #tpu.memory_space<semaphore_mem>>
    %dma_wait3A_258 = tpu.memref_squeeze %dma_wait3A_257 : memref<1x!tpu.dma_semaphore, #tpu.memory_space<semaphore_mem>> -> memref<!tpu.dma_semaphore, #tpu.memory_space<semaphore_mem>>
    tpu.wait_indirect_dma semaphore(%dma_wait3A_258 : memref<!tpu.dma_semaphore, #tpu.memory_space<semaphore_mem>>) src(%dma_wait3A_250 : memref<128x64xf32, #tpu.memory_space<vmem>>) dst(%dma_wait3A_256 : memref<10240x64xf32, #tpu.memory_space<vmem_shared>>)
    %dma_wait3A_259 = arith.constant 3 : i32
    %dma_wait3A_260 = arith.constant 159 : i32
    %dma_wait3A_261 = arith.constant 3 : i32
    %dma_wait3A_262 = arith.constant 0 : i32
    %dma_wait3A_263 = arith.constant 0 : i32
    %dma_wait3A_264 = tpu.memref_slice %arg8[%dma_wait3A_259, %dma_wait3A_262, %dma_wait3A_263] : memref<4x128x64xf32, #tpu.memory_space<vmem>> -> memref<1x128x64xf32, #tpu.memory_space<vmem>>
    %dma_wait3A_265 = tpu.memref_squeeze %dma_wait3A_264 : memref<1x128x64xf32, #tpu.memory_space<vmem>> -> memref<128x64xf32, #tpu.memory_space<vmem>>
    %dma_wait3A_266 = arith.constant 0 : i32
    %dma_wait3A_267 = tpu.memref_slice %arg7[%dma_wait3A_260, %dma_wait3A_266] : memref<160x128xi32, #tpu.memory_space<vmem>> -> memref<1x128xi32, #tpu.memory_space<vmem>>
    %dma_wait3A_268 = tpu.memref_squeeze %dma_wait3A_267 : memref<1x128xi32, #tpu.memory_space<vmem>> -> memref<128xi32, #tpu.memory_space<vmem>>
    %dma_wait3A_269 = arith.constant 0 : i32
    %dma_wait3A_270 = arith.constant 0 : i32
    %dma_wait3A_271 = tpu.memref_slice %arg9[%dma_wait3A_269, %dma_wait3A_270] : memref<10240x64xf32, #tpu.memory_space<vmem_shared>> -> memref<10240x64xf32, #tpu.memory_space<vmem_shared>>
    %dma_wait3A_272 = tpu.memref_slice %arg11[%dma_wait3A_261] : memref<4x!tpu.dma_semaphore, #tpu.memory_space<semaphore_mem>> -> memref<1x!tpu.dma_semaphore, #tpu.memory_space<semaphore_mem>>
    %dma_wait3A_273 = tpu.memref_squeeze %dma_wait3A_272 : memref<1x!tpu.dma_semaphore, #tpu.memory_space<semaphore_mem>> -> memref<!tpu.dma_semaphore, #tpu.memory_space<semaphore_mem>>
    tpu.wait_indirect_dma semaphore(%dma_wait3A_273 : memref<!tpu.dma_semaphore, #tpu.memory_space<semaphore_mem>>) src(%dma_wait3A_265 : memref<128x64xf32, #tpu.memory_space<vmem>>) dst(%dma_wait3A_271 : memref<10240x64xf32, #tpu.memory_space<vmem_shared>>)
    %barrier3A_274 = arith.constant 0 : index
    tpu.barrier barrier_id(%barrier3A_274)
    %mul3A_275 = arith.constant 640 : i32
    %mul3A_276 = arith.muli %arg1, %mul3A_275 : i32
    %mul3A_277 = arith.constant 640 : i32
    %mul3A_278 = arith.muli %arg1, %mul3A_277 : i32
    "tpu.region"() ({
      %run_scoped3A_279 = tpu.sem_alloc : memref<!tpu.dma_semaphore, #tpu.memory_space<semaphore_mem>>
      %dma_start3A_280 = arith.constant 0 : i32
      %dma_start3A_281 = tpu.memref_slice %arg5[%arg0, %mul3A_278, %dma_start3A_280] : memref<2x10240x64xf32, #tpu.memory_space<hbm>> -> memref<1x640x64xf32, #tpu.memory_space<hbm>>
      %dma_start3A_282 = tpu.memref_squeeze %dma_start3A_281 : memref<1x640x64xf32, #tpu.memory_space<hbm>> -> memref<640x64xf32, #tpu.memory_space<hbm>>
      %dma_start3A_283 = arith.constant 0 : i32
      %dma_start3A_284 = tpu.memref_slice %arg9[%mul3A_276, %dma_start3A_283] : memref<10240x64xf32, #tpu.memory_space<vmem_shared>> -> memref<640x64xf32, #tpu.memory_space<vmem_shared>>
      tpu.enqueue_dma source(%dma_start3A_284 : memref<640x64xf32, #tpu.memory_space<vmem_shared>>) target(%dma_start3A_282 : memref<640x64xf32, #tpu.memory_space<hbm>>) target_semaphore(%run_scoped3A_279 : memref<!tpu.dma_semaphore, #tpu.memory_space<semaphore_mem>>)
      %dma_wait3A_285 = arith.constant 0 : i32
      %dma_wait3A_286 = tpu.memref_slice %arg5[%arg0, %mul3A_278, %dma_wait3A_285] : memref<2x10240x64xf32, #tpu.memory_space<hbm>> -> memref<1x640x64xf32, #tpu.memory_space<hbm>>
      %dma_wait3A_287 = tpu.memref_squeeze %dma_wait3A_286 : memref<1x640x64xf32, #tpu.memory_space<hbm>> -> memref<640x64xf32, #tpu.memory_space<hbm>>
      %dma_wait3A_288 = arith.constant 0 : i32
      %dma_wait3A_289 = tpu.memref_slice %arg9[%mul3A_276, %dma_wait3A_288] : memref<10240x64xf32, #tpu.memory_space<vmem_shared>> -> memref<640x64xf32, #tpu.memory_space<vmem_shared>>
      tpu.wait_dma2 semaphore(%run_scoped3A_279 : memref<!tpu.dma_semaphore, #tpu.memory_space<semaphore_mem>>) src(%dma_wait3A_289 : memref<640x64xf32, #tpu.memory_space<vmem_shared>>) dst(%dma_wait3A_287 : memref<640x64xf32, #tpu.memory_space<hbm>>)
      tpu.yield
    }) : () -> ()
    return
  }
}

#map = affine_map<(d0, d1) -> (0, 0, 0)>
#map1 = affine_map<(d0, d1) -> (0, 0)>
module attributes {stable_mosaic.version = 14 : i64} {
  func.func @edge_agg_deg(%arg0: i32, %arg1: i32, %arg2: memref<32x160x128xi32, #tpu.memory_space<hbm>>, %arg3: memref<16x160x128xi32, #tpu.memory_space<hbm>>, %arg4: memref<20480x64xf32, #tpu.memory_space<hbm>>, %arg5: memref<2x10240x64xf32, #tpu.memory_space<hbm>>, %arg6: memref<10240x16xf32, #tpu.memory_space<hbm>>, %arg7: memref<160x128xi32, #tpu.memory_space<vmem>>, %arg8: memref<160x128xi32, #tpu.memory_space<vmem>>, %arg9: memref<4x128x64xf32, #tpu.memory_space<vmem>>, %arg10: memref<10240x64xf32, #tpu.memory_space<vmem_shared>>, %arg11: memref<4x!tpu.dma_semaphore, #tpu.memory_space<semaphore_mem>>, %arg12: memref<4x!tpu.dma_semaphore, #tpu.memory_space<semaphore_mem>>, %arg13: memref<128x16xf32, #tpu.memory_space<vmem>>, %arg14: memref<10240x16xf32, #tpu.memory_space<vmem_shared>>, %arg15: memref<!tpu.dma_semaphore, #tpu.memory_space<semaphore_mem>>) attributes {dimension_semantics = [#tpu.dimension_semantics<core_parallel>, #tpu.dimension_semantics<subcore_parallel>], iteration_bounds = array<i64: 2, 16>, scalar_prefetch = 0 : i64, scratch_operands = 9 : i64, tpu.core_type = #tpu.core_type<sc_vector_subcore>, window_params = [{transform_indices = #map}, {transform_indices = #map}, {transform_indices = #map1}, {transform_indices = #map}, {transform_indices = #map1}]} {
    %mul3A = arith.constant 16 : i32
    %mul3A_0 = arith.muli %arg0, %mul3A : i32
    %add3A = arith.addi %mul3A_0, %arg1 : i32
    %eq3A = arith.constant 0 : i32
    %eq3A_1 = arith.cmpi eq, %arg0, %eq3A : i32
    "tpu.region"() ({
      %run_scoped3A_331 = tpu.sem_alloc : memref<!tpu.dma_semaphore, #tpu.memory_space<semaphore_mem>>
      %dma_start3A_332 = arith.constant 0 : i32
      %dma_start3A_333 = arith.constant 0 : i32
      %dma_start3A_334 = tpu.memref_slice %arg2[%add3A, %dma_start3A_332, %dma_start3A_333] : memref<32x160x128xi32, #tpu.memory_space<hbm>> -> memref<1x160x128xi32, #tpu.memory_space<hbm>>
      %dma_start3A_335 = tpu.memref_squeeze %dma_start3A_334 : memref<1x160x128xi32, #tpu.memory_space<hbm>> -> memref<160x128xi32, #tpu.memory_space<hbm>>
      %dma_start3A_336 = arith.constant 0 : i32
      %dma_start3A_337 = arith.constant 0 : i32
      %dma_start3A_338 = tpu.memref_slice %arg2[%add3A, %dma_start3A_336, %dma_start3A_337] : memref<32x160x128xi32, #tpu.memory_space<hbm>> -> memref<1x160x128xi32, #tpu.memory_space<hbm>>
      %dma_start3A_339 = tpu.memref_squeeze %dma_start3A_338 : memref<1x160x128xi32, #tpu.memory_space<hbm>> -> memref<160x128xi32, #tpu.memory_space<hbm>>
      tpu.enqueue_dma source(%dma_start3A_339 : memref<160x128xi32, #tpu.memory_space<hbm>>) target(%arg7 : memref<160x128xi32, #tpu.memory_space<vmem>>) target_semaphore(%run_scoped3A_331 : memref<!tpu.dma_semaphore, #tpu.memory_space<semaphore_mem>>)
      %dma_wait3A_340 = arith.constant 0 : i32
      %dma_wait3A_341 = arith.constant 0 : i32
      %dma_wait3A_342 = tpu.memref_slice %arg2[%add3A, %dma_wait3A_340, %dma_wait3A_341] : memref<32x160x128xi32, #tpu.memory_space<hbm>> -> memref<1x160x128xi32, #tpu.memory_space<hbm>>
      %dma_wait3A_343 = tpu.memref_squeeze %dma_wait3A_342 : memref<1x160x128xi32, #tpu.memory_space<hbm>> -> memref<160x128xi32, #tpu.memory_space<hbm>>
      %dma_wait3A_344 = arith.constant 0 : i32
      %dma_wait3A_345 = arith.constant 0 : i32
      %dma_wait3A_346 = tpu.memref_slice %arg2[%add3A, %dma_wait3A_344, %dma_wait3A_345] : memref<32x160x128xi32, #tpu.memory_space<hbm>> -> memref<1x160x128xi32, #tpu.memory_space<hbm>>
      %dma_wait3A_347 = tpu.memref_squeeze %dma_wait3A_346 : memref<1x160x128xi32, #tpu.memory_space<hbm>> -> memref<160x128xi32, #tpu.memory_space<hbm>>
      tpu.wait_dma2 semaphore(%run_scoped3A_331 : memref<!tpu.dma_semaphore, #tpu.memory_space<semaphore_mem>>) src(%dma_wait3A_347 : memref<160x128xi32, #tpu.memory_space<hbm>>) dst(%arg7 : memref<160x128xi32, #tpu.memory_space<vmem>>)
      tpu.yield
    }) : () -> ()
    "tpu.region"() ({
      %run_scoped3A_331 = tpu.sem_alloc : memref<!tpu.dma_semaphore, #tpu.memory_space<semaphore_mem>>
      %dma_start3A_332 = arith.constant 0 : i32
      %dma_start3A_333 = arith.constant 0 : i32
      %dma_start3A_334 = tpu.memref_slice %arg3[%arg1, %dma_start3A_332, %dma_start3A_333] : memref<16x160x128xi32, #tpu.memory_space<hbm>> -> memref<1x160x128xi32, #tpu.memory_space<hbm>>
      %dma_start3A_335 = tpu.memref_squeeze %dma_start3A_334 : memref<1x160x128xi32, #tpu.memory_space<hbm>> -> memref<160x128xi32, #tpu.memory_space<hbm>>
      %dma_start3A_336 = arith.constant 0 : i32
      %dma_start3A_337 = arith.constant 0 : i32
      %dma_start3A_338 = tpu.memref_slice %arg3[%arg1, %dma_start3A_336, %dma_start3A_337] : memref<16x160x128xi32, #tpu.memory_space<hbm>> -> memref<1x160x128xi32, #tpu.memory_space<hbm>>
      %dma_start3A_339 = tpu.memref_squeeze %dma_start3A_338 : memref<1x160x128xi32, #tpu.memory_space<hbm>> -> memref<160x128xi32, #tpu.memory_space<hbm>>
      tpu.enqueue_dma source(%dma_start3A_339 : memref<160x128xi32, #tpu.memory_space<hbm>>) target(%arg8 : memref<160x128xi32, #tpu.memory_space<vmem>>) target_semaphore(%run_scoped3A_331 : memref<!tpu.dma_semaphore, #tpu.memory_space<semaphore_mem>>)
      %dma_wait3A_340 = arith.constant 0 : i32
      %dma_wait3A_341 = arith.constant 0 : i32
      %dma_wait3A_342 = tpu.memref_slice %arg3[%arg1, %dma_wait3A_340, %dma_wait3A_341] : memref<16x160x128xi32, #tpu.memory_space<hbm>> -> memref<1x160x128xi32, #tpu.memory_space<hbm>>
      %dma_wait3A_343 = tpu.memref_squeeze %dma_wait3A_342 : memref<1x160x128xi32, #tpu.memory_space<hbm>> -> memref<160x128xi32, #tpu.memory_space<hbm>>
      %dma_wait3A_344 = arith.constant 0 : i32
      %dma_wait3A_345 = arith.constant 0 : i32
      %dma_wait3A_346 = tpu.memref_slice %arg3[%arg1, %dma_wait3A_344, %dma_wait3A_345] : memref<16x160x128xi32, #tpu.memory_space<hbm>> -> memref<1x160x128xi32, #tpu.memory_space<hbm>>
      %dma_wait3A_347 = tpu.memref_squeeze %dma_wait3A_346 : memref<1x160x128xi32, #tpu.memory_space<hbm>> -> memref<160x128xi32, #tpu.memory_space<hbm>>
      tpu.wait_dma2 semaphore(%run_scoped3A_331 : memref<!tpu.dma_semaphore, #tpu.memory_space<semaphore_mem>>) src(%dma_wait3A_347 : memref<160x128xi32, #tpu.memory_space<hbm>>) dst(%arg8 : memref<160x128xi32, #tpu.memory_space<vmem>>)
      tpu.yield
    }) : () -> ()
    %broadcast_in_dim3A = arith.constant 0.000000e+00 : f32
    %broadcast_in_dim3A_2 = vector.broadcast %broadcast_in_dim3A : f32 to vector<16xf32>
    %scan3A = arith.constant 0 : i32
    %scan3A_3 = arith.constant 128 : i32
    %scan3A_4 = arith.addi %scan3A, %scan3A_3 : i32
    %scan3A_5 = arith.constant 1 : i32
    scf.for %scan3A_331 = %scan3A to %scan3A_4 step %scan3A_5  : i32 {
      %mul3A_332 = arith.constant 1 : i32
      %mul3A_333 = arith.muli %scan3A_331, %mul3A_332 : i32
      %add3A_334 = arith.constant 0 : i32
      %add3A_335 = arith.addi %add3A_334, %mul3A_333 : i32
      %swap3A = arith.constant 0 : i32
      %swap3A_336 = arith.index_cast %swap3A : i32 to index
      %swap3A_337 = arith.index_cast %add3A_335 : i32 to index
      %swap3A_338 = arith.constant 0 : index
      %swap3A_339 = tpu.vector_load %arg9[%swap3A_336, %swap3A_337, %swap3A_338] {strides = array<i32>} : memref<4x128x64xf32, #tpu.memory_space<vmem>>, vector<1x1x16xf32>,
      %swap3A_340 = vector.shape_cast %swap3A_339 : vector<1x1x16xf32> to vector<16xf32>
      %swap3A_341 = vector.shape_cast %broadcast_in_dim3A_2 : vector<16xf32> to vector<1x1x16xf32>
      tpu.vector_store %arg9[%swap3A_336, %swap3A_337, %swap3A_338], %swap3A_341 {strides = array<i32>} : memref<4x128x64xf32, #tpu.memory_space<vmem>>, vector<1x1x16xf32>,
      %swap3A_342 = arith.constant 0 : i32
      %swap3A_343 = arith.index_cast %swap3A_342 : i32 to index
      %swap3A_344 = arith.index_cast %add3A_335 : i32 to index
      %swap3A_345 = arith.constant 16 : index
      %swap3A_346 = tpu.vector_load %arg9[%swap3A_343, %swap3A_344, %swap3A_345] {strides = array<i32>} : memref<4x128x64xf32, #tpu.memory_space<vmem>>, vector<1x1x16xf32>,
      %swap3A_347 = vector.shape_cast %swap3A_346 : vector<1x1x16xf32> to vector<16xf32>
      %swap3A_348 = vector.shape_cast %broadcast_in_dim3A_2 : vector<16xf32> to vector<1x1x16xf32>
      tpu.vector_store %arg9[%swap3A_343, %swap3A_344, %swap3A_345], %swap3A_348 {strides = array<i32>} : memref<4x128x64xf32, #tpu.memory_space<vmem>>, vector<1x1x16xf32>,
      %swap3A_349 = arith.constant 0 : i32
      %swap3A_350 = arith.index_cast %swap3A_349 : i32 to index
      %swap3A_351 = arith.index_cast %add3A_335 : i32 to index
      %swap3A_352 = arith.constant 32 : index
      %swap3A_353 = tpu.vector_load %arg9[%swap3A_350, %swap3A_351, %swap3A_352] {strides = array<i32>} : memref<4x128x64xf32, #tpu.memory_space<vmem>>, vector<1x1x16xf32>,
      %swap3A_354 = vector.shape_cast %swap3A_353 : vector<1x1x16xf32> to vector<16xf32>
      %swap3A_355 = vector.shape_cast %broadcast_in_dim3A_2 : vector<16xf32> to vector<1x1x16xf32>
      tpu.vector_store %arg9[%swap3A_350, %swap3A_351, %swap3A_352], %swap3A_355 {strides = array<i32>} : memref<4x128x64xf32, #tpu.memory_space<vmem>>, vector<1x1x16xf32>,
      %swap3A_356 = arith.constant 0 : i32
      %swap3A_357 = arith.index_cast %swap3A_356 : i32 to index
      %swap3A_358 = arith.index_cast %add3A_335 : i32 to index
      %swap3A_359 = arith.constant 48 : index
      %swap3A_360 = tpu.vector_load %arg9[%swap3A_357, %swap3A_358, %swap3A_359] {strides = array<i32>} : memref<4x128x64xf32, #tpu.memory_space<vmem>>, vector<1x1x16xf32>,
      %swap3A_361 = vector.shape_cast %swap3A_360 : vector<1x1x16xf32> to vector<16xf32>
      %swap3A_362 = vector.shape_cast %broadcast_in_dim3A_2 : vector<16xf32> to vector<1x1x16xf32>
      tpu.vector_store %arg9[%swap3A_357, %swap3A_358, %swap3A_359], %swap3A_362 {strides = array<i32>} : memref<4x128x64xf32, #tpu.memory_space<vmem>>, vector<1x1x16xf32>,
    }
    %scan3A_6 = arith.constant 128 : i32
    %mul3A_7 = arith.constant 640 : i32
    %mul3A_8 = arith.muli %arg1, %mul3A_7 : i32
    %add3A_9 = arith.constant 0 : i32
    %add3A_10 = arith.addi %mul3A_8, %add3A_9 : i32
    %run_scoped3A = arith.constant 0 : i32
    "tpu.region"() ({
      %run_scoped3A_331 = tpu.sem_alloc : memref<!tpu.dma_semaphore, #tpu.memory_space<semaphore_mem>>
      %dma_start3A_332 = arith.constant 0 : i32
      %dma_start3A_333 = arith.constant 0 : i32
      %dma_start3A_334 = tpu.memref_slice %arg9[%run_scoped3A, %dma_start3A_332, %dma_start3A_333] : memref<4x128x64xf32, #tpu.memory_space<vmem>> -> memref<1x128x64xf32, #tpu.memory_space<vmem>>
      %dma_start3A_335 = tpu.memref_squeeze %dma_start3A_334 : memref<1x128x64xf32, #tpu.memory_space<vmem>> -> memref<128x64xf32, #tpu.memory_space<vmem>>
      %dma_start3A_336 = arith.constant 0 : i32
      %dma_start3A_337 = tpu.memref_slice %arg10[%add3A_10, %dma_start3A_336] : memref<10240x64xf32, #tpu.memory_space<vmem_shared>> -> memref<128x64xf32, #tpu.memory_space<vmem_shared>>
      %dma_start3A_338 = arith.constant 0 : i32
      %dma_start3A_339 = tpu.memref_slice %arg10[%add3A_10, %dma_start3A_338] : memref<10240x64xf32, #tpu.memory_space<vmem_shared>> -> memref<128x64xf32, #tpu.memory_space<vmem_shared>>
      %dma_start3A_340 = arith.constant 0 : i32
      %dma_start3A_341 = arith.constant 0 : i32
      %dma_start3A_342 = tpu.memref_slice %arg9[%run_scoped3A, %dma_start3A_340, %dma_start3A_341] : memref<4x128x64xf32, #tpu.memory_space<vmem>> -> memref<1x128x64xf32, #tpu.memory_space<vmem>>
      %dma_start3A_343 = tpu.memref_squeeze %dma_start3A_342 : memref<1x128x64xf32, #tpu.memory_space<vmem>> -> memref<128x64xf32, #tpu.memory_space<vmem>>
      tpu.enqueue_dma source(%dma_start3A_343 : memref<128x64xf32, #tpu.memory_space<vmem>>) target(%dma_start3A_339 : memref<128x64xf32, #tpu.memory_space<vmem_shared>>) target_semaphore(%run_scoped3A_331 : memref<!tpu.dma_semaphore, #tpu.memory_space<semaphore_mem>>)
      %dma_wait3A_344 = arith.constant 0 : i32
      %dma_wait3A_345 = arith.constant 0 : i32
      %dma_wait3A_346 = tpu.memref_slice %arg9[%run_scoped3A, %dma_wait3A_344, %dma_wait3A_345] : memref<4x128x64xf32, #tpu.memory_space<vmem>> -> memref<1x128x64xf32, #tpu.memory_space<vmem>>
      %dma_wait3A_347 = tpu.memref_squeeze %dma_wait3A_346 : memref<1x128x64xf32, #tpu.memory_space<vmem>> -> memref<128x64xf32, #tpu.memory_space<vmem>>
      %dma_wait3A_348 = arith.constant 0 : i32
      %dma_wait3A_349 = tpu.memref_slice %arg10[%add3A_10, %dma_wait3A_348] : memref<10240x64xf32, #tpu.memory_space<vmem_shared>> -> memref<128x64xf32, #tpu.memory_space<vmem_shared>>
      %dma_wait3A_350 = arith.constant 0 : i32
      %dma_wait3A_351 = tpu.memref_slice %arg10[%add3A_10, %dma_wait3A_350] : memref<10240x64xf32, #tpu.memory_space<vmem_shared>> -> memref<128x64xf32, #tpu.memory_space<vmem_shared>>
      %dma_wait3A_352 = arith.constant 0 : i32
      %dma_wait3A_353 = arith.constant 0 : i32
      %dma_wait3A_354 = tpu.memref_slice %arg9[%run_scoped3A, %dma_wait3A_352, %dma_wait3A_353] : memref<4x128x64xf32, #tpu.memory_space<vmem>> -> memref<1x128x64xf32, #tpu.memory_space<vmem>>
      %dma_wait3A_355 = tpu.memref_squeeze %dma_wait3A_354 : memref<1x128x64xf32, #tpu.memory_space<vmem>> -> memref<128x64xf32, #tpu.memory_space<vmem>>
      tpu.wait_dma2 semaphore(%run_scoped3A_331 : memref<!tpu.dma_semaphore, #tpu.memory_space<semaphore_mem>>) src(%dma_wait3A_355 : memref<128x64xf32, #tpu.memory_space<vmem>>) dst(%dma_wait3A_351 : memref<128x64xf32, #tpu.memory_space<vmem_shared>>)
      tpu.yield
    }) : () -> ()
    %mul3A_11 = arith.constant 640 : i32
    %mul3A_12 = arith.muli %arg1, %mul3A_11 : i32
    %add3A_13 = arith.constant 128 : i32
    %add3A_14 = arith.addi %mul3A_12, %add3A_13 : i32
    %run_scoped3A_15 = arith.constant 0 : i32
    "tpu.region"() ({
      %run_scoped3A_331 = tpu.sem_alloc : memref<!tpu.dma_semaphore, #tpu.memory_space<semaphore_mem>>
      %dma_start3A_332 = arith.constant 0 : i32
      %dma_start3A_333 = arith.constant 0 : i32
      %dma_start3A_334 = tpu.memref_slice %arg9[%run_scoped3A_15, %dma_start3A_332, %dma_start3A_333] : memref<4x128x64xf32, #tpu.memory_space<vmem>> -> memref<1x128x64xf32, #tpu.memory_space<vmem>>
      %dma_start3A_335 = tpu.memref_squeeze %dma_start3A_334 : memref<1x128x64xf32, #tpu.memory_space<vmem>> -> memref<128x64xf32, #tpu.memory_space<vmem>>
      %dma_start3A_336 = arith.constant 0 : i32
      %dma_start3A_337 = tpu.memref_slice %arg10[%add3A_14, %dma_start3A_336] : memref<10240x64xf32, #tpu.memory_space<vmem_shared>> -> memref<128x64xf32, #tpu.memory_space<vmem_shared>>
      %dma_start3A_338 = arith.constant 0 : i32
      %dma_start3A_339 = tpu.memref_slice %arg10[%add3A_14, %dma_start3A_338] : memref<10240x64xf32, #tpu.memory_space<vmem_shared>> -> memref<128x64xf32, #tpu.memory_space<vmem_shared>>
      %dma_start3A_340 = arith.constant 0 : i32
      %dma_start3A_341 = arith.constant 0 : i32
      %dma_start3A_342 = tpu.memref_slice %arg9[%run_scoped3A_15, %dma_start3A_340, %dma_start3A_341] : memref<4x128x64xf32, #tpu.memory_space<vmem>> -> memref<1x128x64xf32, #tpu.memory_space<vmem>>
      %dma_start3A_343 = tpu.memref_squeeze %dma_start3A_342 : memref<1x128x64xf32, #tpu.memory_space<vmem>> -> memref<128x64xf32, #tpu.memory_space<vmem>>
      tpu.enqueue_dma source(%dma_start3A_343 : memref<128x64xf32, #tpu.memory_space<vmem>>) target(%dma_start3A_339 : memref<128x64xf32, #tpu.memory_space<vmem_shared>>) target_semaphore(%run_scoped3A_331 : memref<!tpu.dma_semaphore, #tpu.memory_space<semaphore_mem>>)
      %dma_wait3A_344 = arith.constant 0 : i32
      %dma_wait3A_345 = arith.constant 0 : i32
      %dma_wait3A_346 = tpu.memref_slice %arg9[%run_scoped3A_15, %dma_wait3A_344, %dma_wait3A_345] : memref<4x128x64xf32, #tpu.memory_space<vmem>> -> memref<1x128x64xf32, #tpu.memory_space<vmem>>
      %dma_wait3A_347 = tpu.memref_squeeze %dma_wait3A_346 : memref<1x128x64xf32, #tpu.memory_space<vmem>> -> memref<128x64xf32, #tpu.memory_space<vmem>>
      %dma_wait3A_348 = arith.constant 0 : i32
      %dma_wait3A_349 = tpu.memref_slice %arg10[%add3A_14, %dma_wait3A_348] : memref<10240x64xf32, #tpu.memory_space<vmem_shared>> -> memref<128x64xf32, #tpu.memory_space<vmem_shared>>
      %dma_wait3A_350 = arith.constant 0 : i32
      %dma_wait3A_351 = tpu.memref_slice %arg10[%add3A_14, %dma_wait3A_350] : memref<10240x64xf32, #tpu.memory_space<vmem_shared>> -> memref<128x64xf32, #tpu.memory_space<vmem_shared>>
      %dma_wait3A_352 = arith.constant 0 : i32
      %dma_wait3A_353 = arith.constant 0 : i32
      %dma_wait3A_354 = tpu.memref_slice %arg9[%run_scoped3A_15, %dma_wait3A_352, %dma_wait3A_353] : memref<4x128x64xf32, #tpu.memory_space<vmem>> -> memref<1x128x64xf32, #tpu.memory_space<vmem>>
      %dma_wait3A_355 = tpu.memref_squeeze %dma_wait3A_354 : memref<1x128x64xf32, #tpu.memory_space<vmem>> -> memref<128x64xf32, #tpu.memory_space<vmem>>
      tpu.wait_dma2 semaphore(%run_scoped3A_331 : memref<!tpu.dma_semaphore, #tpu.memory_space<semaphore_mem>>) src(%dma_wait3A_355 : memref<128x64xf32, #tpu.memory_space<vmem>>) dst(%dma_wait3A_351 : memref<128x64xf32, #tpu.memory_space<vmem_shared>>)
      tpu.yield
    }) : () -> ()
    %mul3A_16 = arith.constant 640 : i32
    %mul3A_17 = arith.muli %arg1, %mul3A_16 : i32
    %add3A_18 = arith.constant 256 : i32
    %add3A_19 = arith.addi %mul3A_17, %add3A_18 : i32
    %run_scoped3A_20 = arith.constant 0 : i32
    "tpu.region"() ({
      %run_scoped3A_331 = tpu.sem_alloc : memref<!tpu.dma_semaphore, #tpu.memory_space<semaphore_mem>>
      %dma_start3A_332 = arith.constant 0 : i32
      %dma_start3A_333 = arith.constant 0 : i32
      %dma_start3A_334 = tpu.memref_slice %arg9[%run_scoped3A_20, %dma_start3A_332, %dma_start3A_333] : memref<4x128x64xf32, #tpu.memory_space<vmem>> -> memref<1x128x64xf32, #tpu.memory_space<vmem>>
      %dma_start3A_335 = tpu.memref_squeeze %dma_start3A_334 : memref<1x128x64xf32, #tpu.memory_space<vmem>> -> memref<128x64xf32, #tpu.memory_space<vmem>>
      %dma_start3A_336 = arith.constant 0 : i32
      %dma_start3A_337 = tpu.memref_slice %arg10[%add3A_19, %dma_start3A_336] : memref<10240x64xf32, #tpu.memory_space<vmem_shared>> -> memref<128x64xf32, #tpu.memory_space<vmem_shared>>
      %dma_start3A_338 = arith.constant 0 : i32
      %dma_start3A_339 = tpu.memref_slice %arg10[%add3A_19, %dma_start3A_338] : memref<10240x64xf32, #tpu.memory_space<vmem_shared>> -> memref<128x64xf32, #tpu.memory_space<vmem_shared>>
      %dma_start3A_340 = arith.constant 0 : i32
      %dma_start3A_341 = arith.constant 0 : i32
      %dma_start3A_342 = tpu.memref_slice %arg9[%run_scoped3A_20, %dma_start3A_340, %dma_start3A_341] : memref<4x128x64xf32, #tpu.memory_space<vmem>> -> memref<1x128x64xf32, #tpu.memory_space<vmem>>
      %dma_start3A_343 = tpu.memref_squeeze %dma_start3A_342 : memref<1x128x64xf32, #tpu.memory_space<vmem>> -> memref<128x64xf32, #tpu.memory_space<vmem>>
      tpu.enqueue_dma source(%dma_start3A_343 : memref<128x64xf32, #tpu.memory_space<vmem>>) target(%dma_start3A_339 : memref<128x64xf32, #tpu.memory_space<vmem_shared>>) target_semaphore(%run_scoped3A_331 : memref<!tpu.dma_semaphore, #tpu.memory_space<semaphore_mem>>)
      %dma_wait3A_344 = arith.constant 0 : i32
      %dma_wait3A_345 = arith.constant 0 : i32
      %dma_wait3A_346 = tpu.memref_slice %arg9[%run_scoped3A_20, %dma_wait3A_344, %dma_wait3A_345] : memref<4x128x64xf32, #tpu.memory_space<vmem>> -> memref<1x128x64xf32, #tpu.memory_space<vmem>>
      %dma_wait3A_347 = tpu.memref_squeeze %dma_wait3A_346 : memref<1x128x64xf32, #tpu.memory_space<vmem>> -> memref<128x64xf32, #tpu.memory_space<vmem>>
      %dma_wait3A_348 = arith.constant 0 : i32
      %dma_wait3A_349 = tpu.memref_slice %arg10[%add3A_19, %dma_wait3A_348] : memref<10240x64xf32, #tpu.memory_space<vmem_shared>> -> memref<128x64xf32, #tpu.memory_space<vmem_shared>>
      %dma_wait3A_350 = arith.constant 0 : i32
      %dma_wait3A_351 = tpu.memref_slice %arg10[%add3A_19, %dma_wait3A_350] : memref<10240x64xf32, #tpu.memory_space<vmem_shared>> -> memref<128x64xf32, #tpu.memory_space<vmem_shared>>
      %dma_wait3A_352 = arith.constant 0 : i32
      %dma_wait3A_353 = arith.constant 0 : i32
      %dma_wait3A_354 = tpu.memref_slice %arg9[%run_scoped3A_20, %dma_wait3A_352, %dma_wait3A_353] : memref<4x128x64xf32, #tpu.memory_space<vmem>> -> memref<1x128x64xf32, #tpu.memory_space<vmem>>
      %dma_wait3A_355 = tpu.memref_squeeze %dma_wait3A_354 : memref<1x128x64xf32, #tpu.memory_space<vmem>> -> memref<128x64xf32, #tpu.memory_space<vmem>>
      tpu.wait_dma2 semaphore(%run_scoped3A_331 : memref<!tpu.dma_semaphore, #tpu.memory_space<semaphore_mem>>) src(%dma_wait3A_355 : memref<128x64xf32, #tpu.memory_space<vmem>>) dst(%dma_wait3A_351 : memref<128x64xf32, #tpu.memory_space<vmem_shared>>)
      tpu.yield
    }) : () -> ()
    %mul3A_21 = arith.constant 640 : i32
    %mul3A_22 = arith.muli %arg1, %mul3A_21 : i32
    %add3A_23 = arith.constant 384 : i32
    %add3A_24 = arith.addi %mul3A_22, %add3A_23 : i32
    %run_scoped3A_25 = arith.constant 0 : i32
    "tpu.region"() ({
      %run_scoped3A_331 = tpu.sem_alloc : memref<!tpu.dma_semaphore, #tpu.memory_space<semaphore_mem>>
      %dma_start3A_332 = arith.constant 0 : i32
      %dma_start3A_333 = arith.constant 0 : i32
      %dma_start3A_334 = tpu.memref_slice %arg9[%run_scoped3A_25, %dma_start3A_332, %dma_start3A_333] : memref<4x128x64xf32, #tpu.memory_space<vmem>> -> memref<1x128x64xf32, #tpu.memory_space<vmem>>
      %dma_start3A_335 = tpu.memref_squeeze %dma_start3A_334 : memref<1x128x64xf32, #tpu.memory_space<vmem>> -> memref<128x64xf32, #tpu.memory_space<vmem>>
      %dma_start3A_336 = arith.constant 0 : i32
      %dma_start3A_337 = tpu.memref_slice %arg10[%add3A_24, %dma_start3A_336] : memref<10240x64xf32, #tpu.memory_space<vmem_shared>> -> memref<128x64xf32, #tpu.memory_space<vmem_shared>>
      %dma_start3A_338 = arith.constant 0 : i32
      %dma_start3A_339 = tpu.memref_slice %arg10[%add3A_24, %dma_start3A_338] : memref<10240x64xf32, #tpu.memory_space<vmem_shared>> -> memref<128x64xf32, #tpu.memory_space<vmem_shared>>
      %dma_start3A_340 = arith.constant 0 : i32
      %dma_start3A_341 = arith.constant 0 : i32
      %dma_start3A_342 = tpu.memref_slice %arg9[%run_scoped3A_25, %dma_start3A_340, %dma_start3A_341] : memref<4x128x64xf32, #tpu.memory_space<vmem>> -> memref<1x128x64xf32, #tpu.memory_space<vmem>>
      %dma_start3A_343 = tpu.memref_squeeze %dma_start3A_342 : memref<1x128x64xf32, #tpu.memory_space<vmem>> -> memref<128x64xf32, #tpu.memory_space<vmem>>
      tpu.enqueue_dma source(%dma_start3A_343 : memref<128x64xf32, #tpu.memory_space<vmem>>) target(%dma_start3A_339 : memref<128x64xf32, #tpu.memory_space<vmem_shared>>) target_semaphore(%run_scoped3A_331 : memref<!tpu.dma_semaphore, #tpu.memory_space<semaphore_mem>>)
      %dma_wait3A_344 = arith.constant 0 : i32
      %dma_wait3A_345 = arith.constant 0 : i32
      %dma_wait3A_346 = tpu.memref_slice %arg9[%run_scoped3A_25, %dma_wait3A_344, %dma_wait3A_345] : memref<4x128x64xf32, #tpu.memory_space<vmem>> -> memref<1x128x64xf32, #tpu.memory_space<vmem>>
      %dma_wait3A_347 = tpu.memref_squeeze %dma_wait3A_346 : memref<1x128x64xf32, #tpu.memory_space<vmem>> -> memref<128x64xf32, #tpu.memory_space<vmem>>
      %dma_wait3A_348 = arith.constant 0 : i32
      %dma_wait3A_349 = tpu.memref_slice %arg10[%add3A_24, %dma_wait3A_348] : memref<10240x64xf32, #tpu.memory_space<vmem_shared>> -> memref<128x64xf32, #tpu.memory_space<vmem_shared>>
      %dma_wait3A_350 = arith.constant 0 : i32
      %dma_wait3A_351 = tpu.memref_slice %arg10[%add3A_24, %dma_wait3A_350] : memref<10240x64xf32, #tpu.memory_space<vmem_shared>> -> memref<128x64xf32, #tpu.memory_space<vmem_shared>>
      %dma_wait3A_352 = arith.constant 0 : i32
      %dma_wait3A_353 = arith.constant 0 : i32
      %dma_wait3A_354 = tpu.memref_slice %arg9[%run_scoped3A_25, %dma_wait3A_352, %dma_wait3A_353] : memref<4x128x64xf32, #tpu.memory_space<vmem>> -> memref<1x128x64xf32, #tpu.memory_space<vmem>>
      %dma_wait3A_355 = tpu.memref_squeeze %dma_wait3A_354 : memref<1x128x64xf32, #tpu.memory_space<vmem>> -> memref<128x64xf32, #tpu.memory_space<vmem>>
      tpu.wait_dma2 semaphore(%run_scoped3A_331 : memref<!tpu.dma_semaphore, #tpu.memory_space<semaphore_mem>>) src(%dma_wait3A_355 : memref<128x64xf32, #tpu.memory_space<vmem>>) dst(%dma_wait3A_351 : memref<128x64xf32, #tpu.memory_space<vmem_shared>>)
      tpu.yield
    }) : () -> ()
    %mul3A_26 = arith.constant 640 : i32
    %mul3A_27 = arith.muli %arg1, %mul3A_26 : i32
    %add3A_28 = arith.constant 512 : i32
    %add3A_29 = arith.addi %mul3A_27, %add3A_28 : i32
    %run_scoped3A_30 = arith.constant 0 : i32
    "tpu.region"() ({
      %run_scoped3A_331 = tpu.sem_alloc : memref<!tpu.dma_semaphore, #tpu.memory_space<semaphore_mem>>
      %dma_start3A_332 = arith.constant 0 : i32
      %dma_start3A_333 = arith.constant 0 : i32
      %dma_start3A_334 = tpu.memref_slice %arg9[%run_scoped3A_30, %dma_start3A_332, %dma_start3A_333] : memref<4x128x64xf32, #tpu.memory_space<vmem>> -> memref<1x128x64xf32, #tpu.memory_space<vmem>>
      %dma_start3A_335 = tpu.memref_squeeze %dma_start3A_334 : memref<1x128x64xf32, #tpu.memory_space<vmem>> -> memref<128x64xf32, #tpu.memory_space<vmem>>
      %dma_start3A_336 = arith.constant 0 : i32
      %dma_start3A_337 = tpu.memref_slice %arg10[%add3A_29, %dma_start3A_336] : memref<10240x64xf32, #tpu.memory_space<vmem_shared>> -> memref<128x64xf32, #tpu.memory_space<vmem_shared>>
      %dma_start3A_338 = arith.constant 0 : i32
      %dma_start3A_339 = tpu.memref_slice %arg10[%add3A_29, %dma_start3A_338] : memref<10240x64xf32, #tpu.memory_space<vmem_shared>> -> memref<128x64xf32, #tpu.memory_space<vmem_shared>>
      %dma_start3A_340 = arith.constant 0 : i32
      %dma_start3A_341 = arith.constant 0 : i32
      %dma_start3A_342 = tpu.memref_slice %arg9[%run_scoped3A_30, %dma_start3A_340, %dma_start3A_341] : memref<4x128x64xf32, #tpu.memory_space<vmem>> -> memref<1x128x64xf32, #tpu.memory_space<vmem>>
      %dma_start3A_343 = tpu.memref_squeeze %dma_start3A_342 : memref<1x128x64xf32, #tpu.memory_space<vmem>> -> memref<128x64xf32, #tpu.memory_space<vmem>>
      tpu.enqueue_dma source(%dma_start3A_343 : memref<128x64xf32, #tpu.memory_space<vmem>>) target(%dma_start3A_339 : memref<128x64xf32, #tpu.memory_space<vmem_shared>>) target_semaphore(%run_scoped3A_331 : memref<!tpu.dma_semaphore, #tpu.memory_space<semaphore_mem>>)
      %dma_wait3A_344 = arith.constant 0 : i32
      %dma_wait3A_345 = arith.constant 0 : i32
      %dma_wait3A_346 = tpu.memref_slice %arg9[%run_scoped3A_30, %dma_wait3A_344, %dma_wait3A_345] : memref<4x128x64xf32, #tpu.memory_space<vmem>> -> memref<1x128x64xf32, #tpu.memory_space<vmem>>
      %dma_wait3A_347 = tpu.memref_squeeze %dma_wait3A_346 : memref<1x128x64xf32, #tpu.memory_space<vmem>> -> memref<128x64xf32, #tpu.memory_space<vmem>>
      %dma_wait3A_348 = arith.constant 0 : i32
      %dma_wait3A_349 = tpu.memref_slice %arg10[%add3A_29, %dma_wait3A_348] : memref<10240x64xf32, #tpu.memory_space<vmem_shared>> -> memref<128x64xf32, #tpu.memory_space<vmem_shared>>
      %dma_wait3A_350 = arith.constant 0 : i32
      %dma_wait3A_351 = tpu.memref_slice %arg10[%add3A_29, %dma_wait3A_350] : memref<10240x64xf32, #tpu.memory_space<vmem_shared>> -> memref<128x64xf32, #tpu.memory_space<vmem_shared>>
      %dma_wait3A_352 = arith.constant 0 : i32
      %dma_wait3A_353 = arith.constant 0 : i32
      %dma_wait3A_354 = tpu.memref_slice %arg9[%run_scoped3A_30, %dma_wait3A_352, %dma_wait3A_353] : memref<4x128x64xf32, #tpu.memory_space<vmem>> -> memref<1x128x64xf32, #tpu.memory_space<vmem>>
      %dma_wait3A_355 = tpu.memref_squeeze %dma_wait3A_354 : memref<1x128x64xf32, #tpu.memory_space<vmem>> -> memref<128x64xf32, #tpu.memory_space<vmem>>
      tpu.wait_dma2 semaphore(%run_scoped3A_331 : memref<!tpu.dma_semaphore, #tpu.memory_space<semaphore_mem>>) src(%dma_wait3A_355 : memref<128x64xf32, #tpu.memory_space<vmem>>) dst(%dma_wait3A_351 : memref<128x64xf32, #tpu.memory_space<vmem_shared>>)
      tpu.yield
    }) : () -> ()
    %scan3A_31 = arith.constant 0 : i32
    %scan3A_32 = arith.constant 128 : i32
    %scan3A_33 = arith.addi %scan3A_31, %scan3A_32 : i32
    %scan3A_34 = arith.constant 1 : i32
    scf.for %scan3A_331 = %scan3A_31 to %scan3A_33 step %scan3A_34  : i32 {
      %mul3A_332 = arith.constant 1 : i32
      %mul3A_333 = arith.muli %scan3A_331, %mul3A_332 : i32
      %add3A_334 = arith.constant 0 : i32
      %add3A_335 = arith.addi %add3A_334, %mul3A_333 : i32
      %swap3A = arith.index_cast %add3A_335 : i32 to index
      %swap3A_336 = arith.constant 0 : index
      %swap3A_337 = tpu.vector_load %arg13[%swap3A, %swap3A_336] {strides = array<i32>} : memref<128x16xf32, #tpu.memory_space<vmem>>, vector<1x16xf32>,
      %swap3A_338 = vector.shape_cast %swap3A_337 : vector<1x16xf32> to vector<16xf32>
      %swap3A_339 = vector.shape_cast %broadcast_in_dim3A_2 : vector<16xf32> to vector<1x16xf32>
      tpu.vector_store %arg13[%swap3A, %swap3A_336], %swap3A_339 {strides = array<i32>} : memref<128x16xf32, #tpu.memory_space<vmem>>, vector<1x16xf32>,
    }
    %scan3A_35 = arith.constant 128 : i32
    %mul3A_36 = arith.constant 640 : i32
    %mul3A_37 = arith.muli %arg1, %mul3A_36 : i32
    %add3A_38 = arith.constant 0 : i32
    %add3A_39 = arith.addi %mul3A_37, %add3A_38 : i32
    "tpu.region"() ({
      %run_scoped3A_331 = tpu.sem_alloc : memref<!tpu.dma_semaphore, #tpu.memory_space<semaphore_mem>>
      %dma_start3A_332 = arith.constant 0 : i32
      %dma_start3A_333 = tpu.memref_slice %arg14[%add3A_39, %dma_start3A_332] : memref<10240x16xf32, #tpu.memory_space<vmem_shared>> -> memref<128x16xf32, #tpu.memory_space<vmem_shared>>
      %dma_start3A_334 = arith.constant 0 : i32
      %dma_start3A_335 = tpu.memref_slice %arg14[%add3A_39, %dma_start3A_334] : memref<10240x16xf32, #tpu.memory_space<vmem_shared>> -> memref<128x16xf32, #tpu.memory_space<vmem_shared>>
      tpu.enqueue_dma source(%arg13 : memref<128x16xf32, #tpu.memory_space<vmem>>) target(%dma_start3A_335 : memref<128x16xf32, #tpu.memory_space<vmem_shared>>) target_semaphore(%run_scoped3A_331 : memref<!tpu.dma_semaphore, #tpu.memory_space<semaphore_mem>>)
      %dma_wait3A_336 = arith.constant 0 : i32
      %dma_wait3A_337 = tpu.memref_slice %arg14[%add3A_39, %dma_wait3A_336] : memref<10240x16xf32, #tpu.memory_space<vmem_shared>> -> memref<128x16xf32, #tpu.memory_space<vmem_shared>>
      %dma_wait3A_338 = arith.constant 0 : i32
      %dma_wait3A_339 = tpu.memref_slice %arg14[%add3A_39, %dma_wait3A_338] : memref<10240x16xf32, #tpu.memory_space<vmem_shared>> -> memref<128x16xf32, #tpu.memory_space<vmem_shared>>
      tpu.wait_dma2 semaphore(%run_scoped3A_331 : memref<!tpu.dma_semaphore, #tpu.memory_space<semaphore_mem>>) src(%arg13 : memref<128x16xf32, #tpu.memory_space<vmem>>) dst(%dma_wait3A_339 : memref<128x16xf32, #tpu.memory_space<vmem_shared>>)
      tpu.yield
    }) : () -> ()
    %mul3A_40 = arith.constant 640 : i32
    %mul3A_41 = arith.muli %arg1, %mul3A_40 : i32
    %add3A_42 = arith.constant 128 : i32
    %add3A_43 = arith.addi %mul3A_41, %add3A_42 : i32
    "tpu.region"() ({
      %run_scoped3A_331 = tpu.sem_alloc : memref<!tpu.dma_semaphore, #tpu.memory_space<semaphore_mem>>
      %dma_start3A_332 = arith.constant 0 : i32
      %dma_start3A_333 = tpu.memref_slice %arg14[%add3A_43, %dma_start3A_332] : memref<10240x16xf32, #tpu.memory_space<vmem_shared>> -> memref<128x16xf32, #tpu.memory_space<vmem_shared>>
      %dma_start3A_334 = arith.constant 0 : i32
      %dma_start3A_335 = tpu.memref_slice %arg14[%add3A_43, %dma_start3A_334] : memref<10240x16xf32, #tpu.memory_space<vmem_shared>> -> memref<128x16xf32, #tpu.memory_space<vmem_shared>>
      tpu.enqueue_dma source(%arg13 : memref<128x16xf32, #tpu.memory_space<vmem>>) target(%dma_start3A_335 : memref<128x16xf32, #tpu.memory_space<vmem_shared>>) target_semaphore(%run_scoped3A_331 : memref<!tpu.dma_semaphore, #tpu.memory_space<semaphore_mem>>)
      %dma_wait3A_336 = arith.constant 0 : i32
      %dma_wait3A_337 = tpu.memref_slice %arg14[%add3A_43, %dma_wait3A_336] : memref<10240x16xf32, #tpu.memory_space<vmem_shared>> -> memref<128x16xf32, #tpu.memory_space<vmem_shared>>
      %dma_wait3A_338 = arith.constant 0 : i32
      %dma_wait3A_339 = tpu.memref_slice %arg14[%add3A_43, %dma_wait3A_338] : memref<10240x16xf32, #tpu.memory_space<vmem_shared>> -> memref<128x16xf32, #tpu.memory_space<vmem_shared>>
      tpu.wait_dma2 semaphore(%run_scoped3A_331 : memref<!tpu.dma_semaphore, #tpu.memory_space<semaphore_mem>>) src(%arg13 : memref<128x16xf32, #tpu.memory_space<vmem>>) dst(%dma_wait3A_339 : memref<128x16xf32, #tpu.memory_space<vmem_shared>>)
      tpu.yield
    }) : () -> ()
    %mul3A_44 = arith.constant 640 : i32
    %mul3A_45 = arith.muli %arg1, %mul3A_44 : i32
    %add3A_46 = arith.constant 256 : i32
    %add3A_47 = arith.addi %mul3A_45, %add3A_46 : i32
    "tpu.region"() ({
      %run_scoped3A_331 = tpu.sem_alloc : memref<!tpu.dma_semaphore, #tpu.memory_space<semaphore_mem>>
      %dma_start3A_332 = arith.constant 0 : i32
      %dma_start3A_333 = tpu.memref_slice %arg14[%add3A_47, %dma_start3A_332] : memref<10240x16xf32, #tpu.memory_space<vmem_shared>> -> memref<128x16xf32, #tpu.memory_space<vmem_shared>>
      %dma_start3A_334 = arith.constant 0 : i32
      %dma_start3A_335 = tpu.memref_slice %arg14[%add3A_47, %dma_start3A_334] : memref<10240x16xf32, #tpu.memory_space<vmem_shared>> -> memref<128x16xf32, #tpu.memory_space<vmem_shared>>
      tpu.enqueue_dma source(%arg13 : memref<128x16xf32, #tpu.memory_space<vmem>>) target(%dma_start3A_335 : memref<128x16xf32, #tpu.memory_space<vmem_shared>>) target_semaphore(%run_scoped3A_331 : memref<!tpu.dma_semaphore, #tpu.memory_space<semaphore_mem>>)
      %dma_wait3A_336 = arith.constant 0 : i32
      %dma_wait3A_337 = tpu.memref_slice %arg14[%add3A_47, %dma_wait3A_336] : memref<10240x16xf32, #tpu.memory_space<vmem_shared>> -> memref<128x16xf32, #tpu.memory_space<vmem_shared>>
      %dma_wait3A_338 = arith.constant 0 : i32
      %dma_wait3A_339 = tpu.memref_slice %arg14[%add3A_47, %dma_wait3A_338] : memref<10240x16xf32, #tpu.memory_space<vmem_shared>> -> memref<128x16xf32, #tpu.memory_space<vmem_shared>>
      tpu.wait_dma2 semaphore(%run_scoped3A_331 : memref<!tpu.dma_semaphore, #tpu.memory_space<semaphore_mem>>) src(%arg13 : memref<128x16xf32, #tpu.memory_space<vmem>>) dst(%dma_wait3A_339 : memref<128x16xf32, #tpu.memory_space<vmem_shared>>)
      tpu.yield
    }) : () -> ()
    %mul3A_48 = arith.constant 640 : i32
    %mul3A_49 = arith.muli %arg1, %mul3A_48 : i32
    %add3A_50 = arith.constant 384 : i32
    %add3A_51 = arith.addi %mul3A_49, %add3A_50 : i32
    "tpu.region"() ({
      %run_scoped3A_331 = tpu.sem_alloc : memref<!tpu.dma_semaphore, #tpu.memory_space<semaphore_mem>>
      %dma_start3A_332 = arith.constant 0 : i32
      %dma_start3A_333 = tpu.memref_slice %arg14[%add3A_51, %dma_start3A_332] : memref<10240x16xf32, #tpu.memory_space<vmem_shared>> -> memref<128x16xf32, #tpu.memory_space<vmem_shared>>
      %dma_start3A_334 = arith.constant 0 : i32
      %dma_start3A_335 = tpu.memref_slice %arg14[%add3A_51, %dma_start3A_334] : memref<10240x16xf32, #tpu.memory_space<vmem_shared>> -> memref<128x16xf32, #tpu.memory_space<vmem_shared>>
      tpu.enqueue_dma source(%arg13 : memref<128x16xf32, #tpu.memory_space<vmem>>) target(%dma_start3A_335 : memref<128x16xf32, #tpu.memory_space<vmem_shared>>) target_semaphore(%run_scoped3A_331 : memref<!tpu.dma_semaphore, #tpu.memory_space<semaphore_mem>>)
      %dma_wait3A_336 = arith.constant 0 : i32
      %dma_wait3A_337 = tpu.memref_slice %arg14[%add3A_51, %dma_wait3A_336] : memref<10240x16xf32, #tpu.memory_space<vmem_shared>> -> memref<128x16xf32, #tpu.memory_space<vmem_shared>>
      %dma_wait3A_338 = arith.constant 0 : i32
      %dma_wait3A_339 = tpu.memref_slice %arg14[%add3A_51, %dma_wait3A_338] : memref<10240x16xf32, #tpu.memory_space<vmem_shared>> -> memref<128x16xf32, #tpu.memory_space<vmem_shared>>
      tpu.wait_dma2 semaphore(%run_scoped3A_331 : memref<!tpu.dma_semaphore, #tpu.memory_space<semaphore_mem>>) src(%arg13 : memref<128x16xf32, #tpu.memory_space<vmem>>) dst(%dma_wait3A_339 : memref<128x16xf32, #tpu.memory_space<vmem_shared>>)
      tpu.yield
    }) : () -> ()
    %mul3A_52 = arith.constant 640 : i32
    %mul3A_53 = arith.muli %arg1, %mul3A_52 : i32
    %add3A_54 = arith.constant 512 : i32
    %add3A_55 = arith.addi %mul3A_53, %add3A_54 : i32
    "tpu.region"() ({
      %run_scoped3A_331 = tpu.sem_alloc : memref<!tpu.dma_semaphore, #tpu.memory_space<semaphore_mem>>
      %dma_start3A_332 = arith.constant 0 : i32
      %dma_start3A_333 = tpu.memref_slice %arg14[%add3A_55, %dma_start3A_332] : memref<10240x16xf32, #tpu.memory_space<vmem_shared>> -> memref<128x16xf32, #tpu.memory_space<vmem_shared>>
      %dma_start3A_334 = arith.constant 0 : i32
      %dma_start3A_335 = tpu.memref_slice %arg14[%add3A_55, %dma_start3A_334] : memref<10240x16xf32, #tpu.memory_space<vmem_shared>> -> memref<128x16xf32, #tpu.memory_space<vmem_shared>>
      tpu.enqueue_dma source(%arg13 : memref<128x16xf32, #tpu.memory_space<vmem>>) target(%dma_start3A_335 : memref<128x16xf32, #tpu.memory_space<vmem_shared>>) target_semaphore(%run_scoped3A_331 : memref<!tpu.dma_semaphore, #tpu.memory_space<semaphore_mem>>)
      %dma_wait3A_336 = arith.constant 0 : i32
      %dma_wait3A_337 = tpu.memref_slice %arg14[%add3A_55, %dma_wait3A_336] : memref<10240x16xf32, #tpu.memory_space<vmem_shared>> -> memref<128x16xf32, #tpu.memory_space<vmem_shared>>
      %dma_wait3A_338 = arith.constant 0 : i32
      %dma_wait3A_339 = tpu.memref_slice %arg14[%add3A_55, %dma_wait3A_338] : memref<10240x16xf32, #tpu.memory_space<vmem_shared>> -> memref<128x16xf32, #tpu.memory_space<vmem_shared>>
      tpu.wait_dma2 semaphore(%run_scoped3A_331 : memref<!tpu.dma_semaphore, #tpu.memory_space<semaphore_mem>>) src(%arg13 : memref<128x16xf32, #tpu.memory_space<vmem>>) dst(%dma_wait3A_339 : memref<128x16xf32, #tpu.memory_space<vmem_shared>>)
      tpu.yield
    }) : () -> ()
    %iota3A = tpu.iota {dimensions = array<i32: 0>} : vector<16xi32>
    %eq3A_56 = arith.constant 0 : i32
    %eq3A_57 = vector.broadcast %eq3A_56 : i32 to vector<16xi32>
    %eq3A_58 = arith.cmpi eq, %iota3A, %eq3A_57 : vector<16xi32>
    %jit3A = arith.constant 1.000000e+00 : f32
    %jit3A_59 = arith.constant 0.000000e+00 : f32
    %broadcast_in_dim3A_60 = vector.broadcast %jit3A : f32 to vector<16xf32>
    %broadcast_in_dim3A_61 = vector.broadcast %jit3A_59 : f32 to vector<16xf32>
    %select_n3A = arith.select %eq3A_58, %broadcast_in_dim3A_60, %broadcast_in_dim3A_61 : vector<16xi1>, vector<16xf32>
    %scan3A_62 = arith.constant 0 : i32
    %scan3A_63 = arith.constant 128 : i32
    %scan3A_64 = arith.addi %scan3A_62, %scan3A_63 : i32
    %scan3A_65 = arith.constant 1 : i32
    scf.for %scan3A_331 = %scan3A_62 to %scan3A_64 step %scan3A_65  : i32 {
      %mul3A_332 = arith.constant 1 : i32
      %mul3A_333 = arith.muli %scan3A_331, %mul3A_332 : i32
      %add3A_334 = arith.constant 0 : i32
      %add3A_335 = arith.addi %add3A_334, %mul3A_333 : i32
      %swap3A = arith.index_cast %add3A_335 : i32 to index
      %swap3A_336 = arith.constant 0 : index
      %swap3A_337 = tpu.vector_load %arg13[%swap3A, %swap3A_336] {strides = array<i32>} : memref<128x16xf32, #tpu.memory_space<vmem>>, vector<1x16xf32>,
      %swap3A_338 = vector.shape_cast %swap3A_337 : vector<1x16xf32> to vector<16xf32>
      %swap3A_339 = vector.shape_cast %select_n3A : vector<16xf32> to vector<1x16xf32>
      tpu.vector_store %arg13[%swap3A, %swap3A_336], %swap3A_339 {strides = array<i32>} : memref<128x16xf32, #tpu.memory_space<vmem>>, vector<1x16xf32>,
    }
    %scan3A_66 = arith.constant 128 : i32
    %barrier3A = arith.constant 0 : index
    tpu.barrier barrier_id(%barrier3A)
    %dma_start3A = arith.constant 0 : i32
    %dma_start3A_67 = arith.constant 0 : i32
    %dma_start3A_68 = arith.constant 0 : i32
    %dma_start3A_69 = arith.constant 0 : i32
    %dma_start3A_70 = arith.constant 0 : i32
    %dma_start3A_71 = tpu.memref_slice %arg9[%dma_start3A_67, %dma_start3A_69, %dma_start3A_70] : memref<4x128x64xf32, #tpu.memory_space<vmem>> -> memref<1x128x64xf32, #tpu.memory_space<vmem>>
    %dma_start3A_72 = tpu.memref_squeeze %dma_start3A_71 : memref<1x128x64xf32, #tpu.memory_space<vmem>> -> memref<128x64xf32, #tpu.memory_space<vmem>>
    %dma_start3A_73 = arith.constant 0 : i32
    %dma_start3A_74 = tpu.memref_slice %arg7[%dma_start3A, %dma_start3A_73] : memref<160x128xi32, #tpu.memory_space<vmem>> -> memref<1x128xi32, #tpu.memory_space<vmem>>
    %dma_start3A_75 = tpu.memref_squeeze %dma_start3A_74 : memref<1x128xi32, #tpu.memory_space<vmem>> -> memref<128xi32, #tpu.memory_space<vmem>>
    %dma_start3A_76 = arith.constant 0 : i32
    %dma_start3A_77 = arith.constant 0 : i32
    %dma_start3A_78 = tpu.memref_slice %arg4[%dma_start3A_76, %dma_start3A_77] : memref<20480x64xf32, #tpu.memory_space<hbm>> -> memref<20480x64xf32, #tpu.memory_space<hbm>>
    %dma_start3A_79 = tpu.memref_slice %arg11[%dma_start3A_68] : memref<4x!tpu.dma_semaphore, #tpu.memory_space<semaphore_mem>> -> memref<1x!tpu.dma_semaphore, #tpu.memory_space<semaphore_mem>>
    %dma_start3A_80 = tpu.memref_squeeze %dma_start3A_79 : memref<1x!tpu.dma_semaphore, #tpu.memory_space<semaphore_mem>> -> memref<!tpu.dma_semaphore, #tpu.memory_space<semaphore_mem>>
    tpu.enqueue_indirect_dma source(%dma_start3A_78 : memref<20480x64xf32, #tpu.memory_space<hbm>>) target(%dma_start3A_72 : memref<128x64xf32, #tpu.memory_space<vmem>>) offsets(%dma_start3A_75 : memref<128xi32, #tpu.memory_space<vmem>>) semaphore(%dma_start3A_80 : memref<!tpu.dma_semaphore, #tpu.memory_space<semaphore_mem>>)
    %dma_start3A_81 = arith.constant 1 : i32
    %dma_start3A_82 = arith.constant 1 : i32
    %dma_start3A_83 = arith.constant 1 : i32
    %dma_start3A_84 = arith.constant 0 : i32
    %dma_start3A_85 = arith.constant 0 : i32
    %dma_start3A_86 = tpu.memref_slice %arg9[%dma_start3A_82, %dma_start3A_84, %dma_start3A_85] : memref<4x128x64xf32, #tpu.memory_space<vmem>> -> memref<1x128x64xf32, #tpu.memory_space<vmem>>
    %dma_start3A_87 = tpu.memref_squeeze %dma_start3A_86 : memref<1x128x64xf32, #tpu.memory_space<vmem>> -> memref<128x64xf32, #tpu.memory_space<vmem>>
    %dma_start3A_88 = arith.constant 0 : i32
    %dma_start3A_89 = tpu.memref_slice %arg7[%dma_start3A_81, %dma_start3A_88] : memref<160x128xi32, #tpu.memory_space<vmem>> -> memref<1x128xi32, #tpu.memory_space<vmem>>
    %dma_start3A_90 = tpu.memref_squeeze %dma_start3A_89 : memref<1x128xi32, #tpu.memory_space<vmem>> -> memref<128xi32, #tpu.memory_space<vmem>>
    %dma_start3A_91 = arith.constant 0 : i32
    %dma_start3A_92 = arith.constant 0 : i32
    %dma_start3A_93 = tpu.memref_slice %arg4[%dma_start3A_91, %dma_start3A_92] : memref<20480x64xf32, #tpu.memory_space<hbm>> -> memref<20480x64xf32, #tpu.memory_space<hbm>>
    %dma_start3A_94 = tpu.memref_slice %arg11[%dma_start3A_83] : memref<4x!tpu.dma_semaphore, #tpu.memory_space<semaphore_mem>> -> memref<1x!tpu.dma_semaphore, #tpu.memory_space<semaphore_mem>>
    %dma_start3A_95 = tpu.memref_squeeze %dma_start3A_94 : memref<1x!tpu.dma_semaphore, #tpu.memory_space<semaphore_mem>> -> memref<!tpu.dma_semaphore, #tpu.memory_space<semaphore_mem>>
    tpu.enqueue_indirect_dma source(%dma_start3A_93 : memref<20480x64xf32, #tpu.memory_space<hbm>>) target(%dma_start3A_87 : memref<128x64xf32, #tpu.memory_space<vmem>>) offsets(%dma_start3A_90 : memref<128xi32, #tpu.memory_space<vmem>>) semaphore(%dma_start3A_95 : memref<!tpu.dma_semaphore, #tpu.memory_space<semaphore_mem>>)
    %dma_start3A_96 = arith.constant 2 : i32
    %dma_start3A_97 = arith.constant 2 : i32
    %dma_start3A_98 = arith.constant 2 : i32
    %dma_start3A_99 = arith.constant 0 : i32
    %dma_start3A_100 = arith.constant 0 : i32
    %dma_start3A_101 = tpu.memref_slice %arg9[%dma_start3A_97, %dma_start3A_99, %dma_start3A_100] : memref<4x128x64xf32, #tpu.memory_space<vmem>> -> memref<1x128x64xf32, #tpu.memory_space<vmem>>
    %dma_start3A_102 = tpu.memref_squeeze %dma_start3A_101 : memref<1x128x64xf32, #tpu.memory_space<vmem>> -> memref<128x64xf32, #tpu.memory_space<vmem>>
    %dma_start3A_103 = arith.constant 0 : i32
    %dma_start3A_104 = tpu.memref_slice %arg7[%dma_start3A_96, %dma_start3A_103] : memref<160x128xi32, #tpu.memory_space<vmem>> -> memref<1x128xi32, #tpu.memory_space<vmem>>
    %dma_start3A_105 = tpu.memref_squeeze %dma_start3A_104 : memref<1x128xi32, #tpu.memory_space<vmem>> -> memref<128xi32, #tpu.memory_space<vmem>>
    %dma_start3A_106 = arith.constant 0 : i32
    %dma_start3A_107 = arith.constant 0 : i32
    %dma_start3A_108 = tpu.memref_slice %arg4[%dma_start3A_106, %dma_start3A_107] : memref<20480x64xf32, #tpu.memory_space<hbm>> -> memref<20480x64xf32, #tpu.memory_space<hbm>>
    %dma_start3A_109 = tpu.memref_slice %arg11[%dma_start3A_98] : memref<4x!tpu.dma_semaphore, #tpu.memory_space<semaphore_mem>> -> memref<1x!tpu.dma_semaphore, #tpu.memory_space<semaphore_mem>>
    %dma_start3A_110 = tpu.memref_squeeze %dma_start3A_109 : memref<1x!tpu.dma_semaphore, #tpu.memory_space<semaphore_mem>> -> memref<!tpu.dma_semaphore, #tpu.memory_space<semaphore_mem>>
    tpu.enqueue_indirect_dma source(%dma_start3A_108 : memref<20480x64xf32, #tpu.memory_space<hbm>>) target(%dma_start3A_102 : memref<128x64xf32, #tpu.memory_space<vmem>>) offsets(%dma_start3A_105 : memref<128xi32, #tpu.memory_space<vmem>>) semaphore(%dma_start3A_110 : memref<!tpu.dma_semaphore, #tpu.memory_space<semaphore_mem>>)
    %dma_start3A_111 = arith.constant 3 : i32
    %dma_start3A_112 = arith.constant 3 : i32
    %dma_start3A_113 = arith.constant 3 : i32
    %dma_start3A_114 = arith.constant 0 : i32
    %dma_start3A_115 = arith.constant 0 : i32
    %dma_start3A_116 = tpu.memref_slice %arg9[%dma_start3A_112, %dma_start3A_114, %dma_start3A_115] : memref<4x128x64xf32, #tpu.memory_space<vmem>> -> memref<1x128x64xf32, #tpu.memory_space<vmem>>
    %dma_start3A_117 = tpu.memref_squeeze %dma_start3A_116 : memref<1x128x64xf32, #tpu.memory_space<vmem>> -> memref<128x64xf32, #tpu.memory_space<vmem>>
    %dma_start3A_118 = arith.constant 0 : i32
    %dma_start3A_119 = tpu.memref_slice %arg7[%dma_start3A_111, %dma_start3A_118] : memref<160x128xi32, #tpu.memory_space<vmem>> -> memref<1x128xi32, #tpu.memory_space<vmem>>
    %dma_start3A_120 = tpu.memref_squeeze %dma_start3A_119 : memref<1x128xi32, #tpu.memory_space<vmem>> -> memref<128xi32, #tpu.memory_space<vmem>>
    %dma_start3A_121 = arith.constant 0 : i32
    %dma_start3A_122 = arith.constant 0 : i32
    %dma_start3A_123 = tpu.memref_slice %arg4[%dma_start3A_121, %dma_start3A_122] : memref<20480x64xf32, #tpu.memory_space<hbm>> -> memref<20480x64xf32, #tpu.memory_space<hbm>>
    %dma_start3A_124 = tpu.memref_slice %arg11[%dma_start3A_113] : memref<4x!tpu.dma_semaphore, #tpu.memory_space<semaphore_mem>> -> memref<1x!tpu.dma_semaphore, #tpu.memory_space<semaphore_mem>>
    %dma_start3A_125 = tpu.memref_squeeze %dma_start3A_124 : memref<1x!tpu.dma_semaphore, #tpu.memory_space<semaphore_mem>> -> memref<!tpu.dma_semaphore, #tpu.memory_space<semaphore_mem>>
    tpu.enqueue_indirect_dma source(%dma_start3A_123 : memref<20480x64xf32, #tpu.memory_space<hbm>>) target(%dma_start3A_117 : memref<128x64xf32, #tpu.memory_space<vmem>>) offsets(%dma_start3A_120 : memref<128xi32, #tpu.memory_space<vmem>>) semaphore(%dma_start3A_125 : memref<!tpu.dma_semaphore, #tpu.memory_space<semaphore_mem>>)
    %scan3A_126 = arith.constant 0 : i32
    %scan3A_127 = arith.constant 39 : i32
    %scan3A_128 = arith.addi %scan3A_126, %scan3A_127 : i32
    %scan3A_129 = arith.constant 1 : i32
    scf.for %scan3A_331 = %scan3A_126 to %scan3A_128 step %scan3A_129  : i32 {
      %mul3A_332 = arith.constant 4 : i32
      %mul3A_333 = arith.muli %scan3A_331, %mul3A_332 : i32
      %add3A_334 = arith.constant 0 : i32
      %add3A_335 = arith.addi %add3A_334, %mul3A_333 : i32
      %add3A_336 = arith.constant 0 : i32
      %add3A_337 = arith.addi %add3A_335, %add3A_336 : i32
      %dma_wait3A_338 = arith.constant 0 : i32
      %dma_wait3A_339 = arith.constant 0 : i32
      %dma_wait3A_340 = arith.constant 0 : i32
      %dma_wait3A_341 = arith.constant 0 : i32
      %dma_wait3A_342 = tpu.memref_slice %arg9[%dma_wait3A_338, %dma_wait3A_340, %dma_wait3A_341] : memref<4x128x64xf32, #tpu.memory_space<vmem>> -> memref<1x128x64xf32, #tpu.memory_space<vmem>>
      %dma_wait3A_343 = tpu.memref_squeeze %dma_wait3A_342 : memref<1x128x64xf32, #tpu.memory_space<vmem>> -> memref<128x64xf32, #tpu.memory_space<vmem>>
      %dma_wait3A_344 = arith.constant 0 : i32
      %dma_wait3A_345 = tpu.memref_slice %arg7[%add3A_337, %dma_wait3A_344] : memref<160x128xi32, #tpu.memory_space<vmem>> -> memref<1x128xi32, #tpu.memory_space<vmem>>
      %dma_wait3A_346 = tpu.memref_squeeze %dma_wait3A_345 : memref<1x128xi32, #tpu.memory_space<vmem>> -> memref<128xi32, #tpu.memory_space<vmem>>
      %dma_wait3A_347 = arith.constant 0 : i32
      %dma_wait3A_348 = arith.constant 0 : i32
      %dma_wait3A_349 = tpu.memref_slice %arg4[%dma_wait3A_347, %dma_wait3A_348] : memref<20480x64xf32, #tpu.memory_space<hbm>> -> memref<20480x64xf32, #tpu.memory_space<hbm>>
      %dma_wait3A_350 = tpu.memref_slice %arg11[%dma_wait3A_339] : memref<4x!tpu.dma_semaphore, #tpu.memory_space<semaphore_mem>> -> memref<1x!tpu.dma_semaphore, #tpu.memory_space<semaphore_mem>>
      %dma_wait3A_351 = tpu.memref_squeeze %dma_wait3A_350 : memref<1x!tpu.dma_semaphore, #tpu.memory_space<semaphore_mem>> -> memref<!tpu.dma_semaphore, #tpu.memory_space<semaphore_mem>>
      tpu.wait_indirect_dma semaphore(%dma_wait3A_351 : memref<!tpu.dma_semaphore, #tpu.memory_space<semaphore_mem>>) src(%dma_wait3A_349 : memref<20480x64xf32, #tpu.memory_space<hbm>>) dst(%dma_wait3A_343 : memref<128x64xf32, #tpu.memory_space<vmem>>)
      %add3A_352 = arith.constant 0 : i32
      %add3A_353 = arith.addi %add3A_335, %add3A_352 : i32
      %dma_start3A_354 = arith.constant 0 : i32
      %dma_start3A_355 = arith.constant 0 : i32
      %dma_start3A_356 = arith.constant 0 : i32
      %dma_start3A_357 = arith.constant 0 : i32
      %dma_start3A_358 = tpu.memref_slice %arg9[%dma_start3A_354, %dma_start3A_356, %dma_start3A_357] : memref<4x128x64xf32, #tpu.memory_space<vmem>> -> memref<1x128x64xf32, #tpu.memory_space<vmem>>
      %dma_start3A_359 = tpu.memref_squeeze %dma_start3A_358 : memref<1x128x64xf32, #tpu.memory_space<vmem>> -> memref<128x64xf32, #tpu.memory_space<vmem>>
      %dma_start3A_360 = arith.constant 0 : i32
      %dma_start3A_361 = tpu.memref_slice %arg8[%add3A_353, %dma_start3A_360] : memref<160x128xi32, #tpu.memory_space<vmem>> -> memref<1x128xi32, #tpu.memory_space<vmem>>
      %dma_start3A_362 = tpu.memref_squeeze %dma_start3A_361 : memref<1x128xi32, #tpu.memory_space<vmem>> -> memref<128xi32, #tpu.memory_space<vmem>>
      %dma_start3A_363 = arith.constant 0 : i32
      %dma_start3A_364 = arith.constant 0 : i32
      %dma_start3A_365 = tpu.memref_slice %arg10[%dma_start3A_363, %dma_start3A_364] : memref<10240x64xf32, #tpu.memory_space<vmem_shared>> -> memref<10240x64xf32, #tpu.memory_space<vmem_shared>>
      %dma_start3A_366 = tpu.memref_slice %arg12[%dma_start3A_355] : memref<4x!tpu.dma_semaphore, #tpu.memory_space<semaphore_mem>> -> memref<1x!tpu.dma_semaphore, #tpu.memory_space<semaphore_mem>>
      %dma_start3A_367 = tpu.memref_squeeze %dma_start3A_366 : memref<1x!tpu.dma_semaphore, #tpu.memory_space<semaphore_mem>> -> memref<!tpu.dma_semaphore, #tpu.memory_space<semaphore_mem>>
      tpu.enqueue_indirect_dma source(%dma_start3A_359 : memref<128x64xf32, #tpu.memory_space<vmem>>) target(%dma_start3A_365 : memref<10240x64xf32, #tpu.memory_space<vmem_shared>>) offsets(%dma_start3A_362 : memref<128xi32, #tpu.memory_space<vmem>>) semaphore(%dma_start3A_367 : memref<!tpu.dma_semaphore, #tpu.memory_space<semaphore_mem>>) {add = true}
      %convert_element_type3A_368 = arith.extui %eq3A_1 : i1 to i32
      %cond3A_369 = arith.constant 0 : i32
      %cond3A_370 = arith.cmpi ne, %convert_element_type3A_368, %cond3A_369 : i32
      scf.if %cond3A_370 {
        %dma_start3A_612 = arith.constant 0 : i32
        %dma_start3A_613 = tpu.memref_slice %arg8[%add3A_353, %dma_start3A_612] : memref<160x128xi32, #tpu.memory_space<vmem>> -> memref<1x128xi32, #tpu.memory_space<vmem>>
        %dma_start3A_614 = tpu.memref_squeeze %dma_start3A_613 : memref<1x128xi32, #tpu.memory_space<vmem>> -> memref<128xi32, #tpu.memory_space<vmem>>
        %dma_start3A_615 = arith.constant 0 : i32
        %dma_start3A_616 = arith.constant 0 : i32
        %dma_start3A_617 = tpu.memref_slice %arg14[%dma_start3A_615, %dma_start3A_616] : memref<10240x16xf32, #tpu.memory_space<vmem_shared>> -> memref<10240x16xf32, #tpu.memory_space<vmem_shared>>
        tpu.enqueue_indirect_dma source(%arg13 : memref<128x16xf32, #tpu.memory_space<vmem>>) target(%dma_start3A_617 : memref<10240x16xf32, #tpu.memory_space<vmem_shared>>) offsets(%dma_start3A_614 : memref<128xi32, #tpu.memory_space<vmem>>) semaphore(%arg15 : memref<!tpu.dma_semaphore, #tpu.memory_space<semaphore_mem>>) {add = true}
      } else {
      }
      %add3A_371 = arith.constant 1 : i32
      %add3A_372 = arith.addi %add3A_335, %add3A_371 : i32
      %dma_wait3A_373 = arith.constant 1 : i32
      %dma_wait3A_374 = arith.constant 1 : i32
      %dma_wait3A_375 = arith.constant 0 : i32
      %dma_wait3A_376 = arith.constant 0 : i32
      %dma_wait3A_377 = tpu.memref_slice %arg9[%dma_wait3A_373, %dma_wait3A_375, %dma_wait3A_376] : memref<4x128x64xf32, #tpu.memory_space<vmem>> -> memref<1x128x64xf32, #tpu.memory_space<vmem>>
      %dma_wait3A_378 = tpu.memref_squeeze %dma_wait3A_377 : memref<1x128x64xf32, #tpu.memory_space<vmem>> -> memref<128x64xf32, #tpu.memory_space<vmem>>
      %dma_wait3A_379 = arith.constant 0 : i32
      %dma_wait3A_380 = tpu.memref_slice %arg7[%add3A_372, %dma_wait3A_379] : memref<160x128xi32, #tpu.memory_space<vmem>> -> memref<1x128xi32, #tpu.memory_space<vmem>>
      %dma_wait3A_381 = tpu.memref_squeeze %dma_wait3A_380 : memref<1x128xi32, #tpu.memory_space<vmem>> -> memref<128xi32, #tpu.memory_space<vmem>>
      %dma_wait3A_382 = arith.constant 0 : i32
      %dma_wait3A_383 = arith.constant 0 : i32
      %dma_wait3A_384 = tpu.memref_slice %arg4[%dma_wait3A_382, %dma_wait3A_383] : memref<20480x64xf32, #tpu.memory_space<hbm>> -> memref<20480x64xf32, #tpu.memory_space<hbm>>
      %dma_wait3A_385 = tpu.memref_slice %arg11[%dma_wait3A_374] : memref<4x!tpu.dma_semaphore, #tpu.memory_space<semaphore_mem>> -> memref<1x!tpu.dma_semaphore, #tpu.memory_space<semaphore_mem>>
      %dma_wait3A_386 = tpu.memref_squeeze %dma_wait3A_385 : memref<1x!tpu.dma_semaphore, #tpu.memory_space<semaphore_mem>> -> memref<!tpu.dma_semaphore, #tpu.memory_space<semaphore_mem>>
      tpu.wait_indirect_dma semaphore(%dma_wait3A_386 : memref<!tpu.dma_semaphore, #tpu.memory_space<semaphore_mem>>) src(%dma_wait3A_384 : memref<20480x64xf32, #tpu.memory_space<hbm>>) dst(%dma_wait3A_378 : memref<128x64xf32, #tpu.memory_space<vmem>>)
      %add3A_387 = arith.constant 1 : i32
      %add3A_388 = arith.addi %add3A_335, %add3A_387 : i32
      %dma_start3A_389 = arith.constant 1 : i32
      %dma_start3A_390 = arith.constant 1 : i32
      %dma_start3A_391 = arith.constant 0 : i32
      %dma_start3A_392 = arith.constant 0 : i32
      %dma_start3A_393 = tpu.memref_slice %arg9[%dma_start3A_389, %dma_start3A_391, %dma_start3A_392] : memref<4x128x64xf32, #tpu.memory_space<vmem>> -> memref<1x128x64xf32, #tpu.memory_space<vmem>>
      %dma_start3A_394 = tpu.memref_squeeze %dma_start3A_393 : memref<1x128x64xf32, #tpu.memory_space<vmem>> -> memref<128x64xf32, #tpu.memory_space<vmem>>
      %dma_start3A_395 = arith.constant 0 : i32
      %dma_start3A_396 = tpu.memref_slice %arg8[%add3A_388, %dma_start3A_395] : memref<160x128xi32, #tpu.memory_space<vmem>> -> memref<1x128xi32, #tpu.memory_space<vmem>>
      %dma_start3A_397 = tpu.memref_squeeze %dma_start3A_396 : memref<1x128xi32, #tpu.memory_space<vmem>> -> memref<128xi32, #tpu.memory_space<vmem>>
      %dma_start3A_398 = arith.constant 0 : i32
      %dma_start3A_399 = arith.constant 0 : i32
      %dma_start3A_400 = tpu.memref_slice %arg10[%dma_start3A_398, %dma_start3A_399] : memref<10240x64xf32, #tpu.memory_space<vmem_shared>> -> memref<10240x64xf32, #tpu.memory_space<vmem_shared>>
      %dma_start3A_401 = tpu.memref_slice %arg12[%dma_start3A_390] : memref<4x!tpu.dma_semaphore, #tpu.memory_space<semaphore_mem>> -> memref<1x!tpu.dma_semaphore, #tpu.memory_space<semaphore_mem>>
      %dma_start3A_402 = tpu.memref_squeeze %dma_start3A_401 : memref<1x!tpu.dma_semaphore, #tpu.memory_space<semaphore_mem>> -> memref<!tpu.dma_semaphore, #tpu.memory_space<semaphore_mem>>
      tpu.enqueue_indirect_dma source(%dma_start3A_394 : memref<128x64xf32, #tpu.memory_space<vmem>>) target(%dma_start3A_400 : memref<10240x64xf32, #tpu.memory_space<vmem_shared>>) offsets(%dma_start3A_397 : memref<128xi32, #tpu.memory_space<vmem>>) semaphore(%dma_start3A_402 : memref<!tpu.dma_semaphore, #tpu.memory_space<semaphore_mem>>) {add = true}
      %convert_element_type3A_403 = arith.extui %eq3A_1 : i1 to i32
      %cond3A_404 = arith.constant 0 : i32
      %cond3A_405 = arith.cmpi ne, %convert_element_type3A_403, %cond3A_404 : i32
      scf.if %cond3A_405 {
        %dma_start3A_612 = arith.constant 0 : i32
        %dma_start3A_613 = tpu.memref_slice %arg8[%add3A_388, %dma_start3A_612] : memref<160x128xi32, #tpu.memory_space<vmem>> -> memref<1x128xi32, #tpu.memory_space<vmem>>
        %dma_start3A_614 = tpu.memref_squeeze %dma_start3A_613 : memref<1x128xi32, #tpu.memory_space<vmem>> -> memref<128xi32, #tpu.memory_space<vmem>>
        %dma_start3A_615 = arith.constant 0 : i32
        %dma_start3A_616 = arith.constant 0 : i32
        %dma_start3A_617 = tpu.memref_slice %arg14[%dma_start3A_615, %dma_start3A_616] : memref<10240x16xf32, #tpu.memory_space<vmem_shared>> -> memref<10240x16xf32, #tpu.memory_space<vmem_shared>>
        tpu.enqueue_indirect_dma source(%arg13 : memref<128x16xf32, #tpu.memory_space<vmem>>) target(%dma_start3A_617 : memref<10240x16xf32, #tpu.memory_space<vmem_shared>>) offsets(%dma_start3A_614 : memref<128xi32, #tpu.memory_space<vmem>>) semaphore(%arg15 : memref<!tpu.dma_semaphore, #tpu.memory_space<semaphore_mem>>) {add = true}
      } else {
      }
      %add3A_406 = arith.constant 2 : i32
      %add3A_407 = arith.addi %add3A_335, %add3A_406 : i32
      %dma_wait3A_408 = arith.constant 2 : i32
      %dma_wait3A_409 = arith.constant 2 : i32
      %dma_wait3A_410 = arith.constant 0 : i32
      %dma_wait3A_411 = arith.constant 0 : i32
      %dma_wait3A_412 = tpu.memref_slice %arg9[%dma_wait3A_408, %dma_wait3A_410, %dma_wait3A_411] : memref<4x128x64xf32, #tpu.memory_space<vmem>> -> memref<1x128x64xf32, #tpu.memory_space<vmem>>
      %dma_wait3A_413 = tpu.memref_squeeze %dma_wait3A_412 : memref<1x128x64xf32, #tpu.memory_space<vmem>> -> memref<128x64xf32, #tpu.memory_space<vmem>>
      %dma_wait3A_414 = arith.constant 0 : i32
      %dma_wait3A_415 = tpu.memref_slice %arg7[%add3A_407, %dma_wait3A_414] : memref<160x128xi32, #tpu.memory_space<vmem>> -> memref<1x128xi32, #tpu.memory_space<vmem>>
      %dma_wait3A_416 = tpu.memref_squeeze %dma_wait3A_415 : memref<1x128xi32, #tpu.memory_space<vmem>> -> memref<128xi32, #tpu.memory_space<vmem>>
      %dma_wait3A_417 = arith.constant 0 : i32
      %dma_wait3A_418 = arith.constant 0 : i32
      %dma_wait3A_419 = tpu.memref_slice %arg4[%dma_wait3A_417, %dma_wait3A_418] : memref<20480x64xf32, #tpu.memory_space<hbm>> -> memref<20480x64xf32, #tpu.memory_space<hbm>>
      %dma_wait3A_420 = tpu.memref_slice %arg11[%dma_wait3A_409] : memref<4x!tpu.dma_semaphore, #tpu.memory_space<semaphore_mem>> -> memref<1x!tpu.dma_semaphore, #tpu.memory_space<semaphore_mem>>
      %dma_wait3A_421 = tpu.memref_squeeze %dma_wait3A_420 : memref<1x!tpu.dma_semaphore, #tpu.memory_space<semaphore_mem>> -> memref<!tpu.dma_semaphore, #tpu.memory_space<semaphore_mem>>
      tpu.wait_indirect_dma semaphore(%dma_wait3A_421 : memref<!tpu.dma_semaphore, #tpu.memory_space<semaphore_mem>>) src(%dma_wait3A_419 : memref<20480x64xf32, #tpu.memory_space<hbm>>) dst(%dma_wait3A_413 : memref<128x64xf32, #tpu.memory_space<vmem>>)
      %add3A_422 = arith.constant 2 : i32
      %add3A_423 = arith.addi %add3A_335, %add3A_422 : i32
      %dma_start3A_424 = arith.constant 2 : i32
      %dma_start3A_425 = arith.constant 2 : i32
      %dma_start3A_426 = arith.constant 0 : i32
      %dma_start3A_427 = arith.constant 0 : i32
      %dma_start3A_428 = tpu.memref_slice %arg9[%dma_start3A_424, %dma_start3A_426, %dma_start3A_427] : memref<4x128x64xf32, #tpu.memory_space<vmem>> -> memref<1x128x64xf32, #tpu.memory_space<vmem>>
      %dma_start3A_429 = tpu.memref_squeeze %dma_start3A_428 : memref<1x128x64xf32, #tpu.memory_space<vmem>> -> memref<128x64xf32, #tpu.memory_space<vmem>>
      %dma_start3A_430 = arith.constant 0 : i32
      %dma_start3A_431 = tpu.memref_slice %arg8[%add3A_423, %dma_start3A_430] : memref<160x128xi32, #tpu.memory_space<vmem>> -> memref<1x128xi32, #tpu.memory_space<vmem>>
      %dma_start3A_432 = tpu.memref_squeeze %dma_start3A_431 : memref<1x128xi32, #tpu.memory_space<vmem>> -> memref<128xi32, #tpu.memory_space<vmem>>
      %dma_start3A_433 = arith.constant 0 : i32
      %dma_start3A_434 = arith.constant 0 : i32
      %dma_start3A_435 = tpu.memref_slice %arg10[%dma_start3A_433, %dma_start3A_434] : memref<10240x64xf32, #tpu.memory_space<vmem_shared>> -> memref<10240x64xf32, #tpu.memory_space<vmem_shared>>
      %dma_start3A_436 = tpu.memref_slice %arg12[%dma_start3A_425] : memref<4x!tpu.dma_semaphore, #tpu.memory_space<semaphore_mem>> -> memref<1x!tpu.dma_semaphore, #tpu.memory_space<semaphore_mem>>
      %dma_start3A_437 = tpu.memref_squeeze %dma_start3A_436 : memref<1x!tpu.dma_semaphore, #tpu.memory_space<semaphore_mem>> -> memref<!tpu.dma_semaphore, #tpu.memory_space<semaphore_mem>>
      tpu.enqueue_indirect_dma source(%dma_start3A_429 : memref<128x64xf32, #tpu.memory_space<vmem>>) target(%dma_start3A_435 : memref<10240x64xf32, #tpu.memory_space<vmem_shared>>) offsets(%dma_start3A_432 : memref<128xi32, #tpu.memory_space<vmem>>) semaphore(%dma_start3A_437 : memref<!tpu.dma_semaphore, #tpu.memory_space<semaphore_mem>>) {add = true}
      %convert_element_type3A_438 = arith.extui %eq3A_1 : i1 to i32
      %cond3A_439 = arith.constant 0 : i32
      %cond3A_440 = arith.cmpi ne, %convert_element_type3A_438, %cond3A_439 : i32
      scf.if %cond3A_440 {
        %dma_start3A_612 = arith.constant 0 : i32
        %dma_start3A_613 = tpu.memref_slice %arg8[%add3A_423, %dma_start3A_612] : memref<160x128xi32, #tpu.memory_space<vmem>> -> memref<1x128xi32, #tpu.memory_space<vmem>>
        %dma_start3A_614 = tpu.memref_squeeze %dma_start3A_613 : memref<1x128xi32, #tpu.memory_space<vmem>> -> memref<128xi32, #tpu.memory_space<vmem>>
        %dma_start3A_615 = arith.constant 0 : i32
        %dma_start3A_616 = arith.constant 0 : i32
        %dma_start3A_617 = tpu.memref_slice %arg14[%dma_start3A_615, %dma_start3A_616] : memref<10240x16xf32, #tpu.memory_space<vmem_shared>> -> memref<10240x16xf32, #tpu.memory_space<vmem_shared>>
        tpu.enqueue_indirect_dma source(%arg13 : memref<128x16xf32, #tpu.memory_space<vmem>>) target(%dma_start3A_617 : memref<10240x16xf32, #tpu.memory_space<vmem_shared>>) offsets(%dma_start3A_614 : memref<128xi32, #tpu.memory_space<vmem>>) semaphore(%arg15 : memref<!tpu.dma_semaphore, #tpu.memory_space<semaphore_mem>>) {add = true}
      } else {
      }
      %add3A_441 = arith.constant 3 : i32
      %add3A_442 = arith.addi %add3A_335, %add3A_441 : i32
      %dma_wait3A_443 = arith.constant 3 : i32
      %dma_wait3A_444 = arith.constant 3 : i32
      %dma_wait3A_445 = arith.constant 0 : i32
      %dma_wait3A_446 = arith.constant 0 : i32
      %dma_wait3A_447 = tpu.memref_slice %arg9[%dma_wait3A_443, %dma_wait3A_445, %dma_wait3A_446] : memref<4x128x64xf32, #tpu.memory_space<vmem>> -> memref<1x128x64xf32, #tpu.memory_space<vmem>>
      %dma_wait3A_448 = tpu.memref_squeeze %dma_wait3A_447 : memref<1x128x64xf32, #tpu.memory_space<vmem>> -> memref<128x64xf32, #tpu.memory_space<vmem>>
      %dma_wait3A_449 = arith.constant 0 : i32
      %dma_wait3A_450 = tpu.memref_slice %arg7[%add3A_442, %dma_wait3A_449] : memref<160x128xi32, #tpu.memory_space<vmem>> -> memref<1x128xi32, #tpu.memory_space<vmem>>
      %dma_wait3A_451 = tpu.memref_squeeze %dma_wait3A_450 : memref<1x128xi32, #tpu.memory_space<vmem>> -> memref<128xi32, #tpu.memory_space<vmem>>
      %dma_wait3A_452 = arith.constant 0 : i32
      %dma_wait3A_453 = arith.constant 0 : i32
      %dma_wait3A_454 = tpu.memref_slice %arg4[%dma_wait3A_452, %dma_wait3A_453] : memref<20480x64xf32, #tpu.memory_space<hbm>> -> memref<20480x64xf32, #tpu.memory_space<hbm>>
      %dma_wait3A_455 = tpu.memref_slice %arg11[%dma_wait3A_444] : memref<4x!tpu.dma_semaphore, #tpu.memory_space<semaphore_mem>> -> memref<1x!tpu.dma_semaphore, #tpu.memory_space<semaphore_mem>>
      %dma_wait3A_456 = tpu.memref_squeeze %dma_wait3A_455 : memref<1x!tpu.dma_semaphore, #tpu.memory_space<semaphore_mem>> -> memref<!tpu.dma_semaphore, #tpu.memory_space<semaphore_mem>>
      tpu.wait_indirect_dma semaphore(%dma_wait3A_456 : memref<!tpu.dma_semaphore, #tpu.memory_space<semaphore_mem>>) src(%dma_wait3A_454 : memref<20480x64xf32, #tpu.memory_space<hbm>>) dst(%dma_wait3A_448 : memref<128x64xf32, #tpu.memory_space<vmem>>)
      %add3A_457 = arith.constant 3 : i32
      %add3A_458 = arith.addi %add3A_335, %add3A_457 : i32
      %dma_start3A_459 = arith.constant 3 : i32
      %dma_start3A_460 = arith.constant 3 : i32
      %dma_start3A_461 = arith.constant 0 : i32
      %dma_start3A_462 = arith.constant 0 : i32
      %dma_start3A_463 = tpu.memref_slice %arg9[%dma_start3A_459, %dma_start3A_461, %dma_start3A_462] : memref<4x128x64xf32, #tpu.memory_space<vmem>> -> memref<1x128x64xf32, #tpu.memory_space<vmem>>
      %dma_start3A_464 = tpu.memref_squeeze %dma_start3A_463 : memref<1x128x64xf32, #tpu.memory_space<vmem>> -> memref<128x64xf32, #tpu.memory_space<vmem>>
      %dma_start3A_465 = arith.constant 0 : i32
      %dma_start3A_466 = tpu.memref_slice %arg8[%add3A_458, %dma_start3A_465] : memref<160x128xi32, #tpu.memory_space<vmem>> -> memref<1x128xi32, #tpu.memory_space<vmem>>
      %dma_start3A_467 = tpu.memref_squeeze %dma_start3A_466 : memref<1x128xi32, #tpu.memory_space<vmem>> -> memref<128xi32, #tpu.memory_space<vmem>>
      %dma_start3A_468 = arith.constant 0 : i32
      %dma_start3A_469 = arith.constant 0 : i32
      %dma_start3A_470 = tpu.memref_slice %arg10[%dma_start3A_468, %dma_start3A_469] : memref<10240x64xf32, #tpu.memory_space<vmem_shared>> -> memref<10240x64xf32, #tpu.memory_space<vmem_shared>>
      %dma_start3A_471 = tpu.memref_slice %arg12[%dma_start3A_460] : memref<4x!tpu.dma_semaphore, #tpu.memory_space<semaphore_mem>> -> memref<1x!tpu.dma_semaphore, #tpu.memory_space<semaphore_mem>>
      %dma_start3A_472 = tpu.memref_squeeze %dma_start3A_471 : memref<1x!tpu.dma_semaphore, #tpu.memory_space<semaphore_mem>> -> memref<!tpu.dma_semaphore, #tpu.memory_space<semaphore_mem>>
      tpu.enqueue_indirect_dma source(%dma_start3A_464 : memref<128x64xf32, #tpu.memory_space<vmem>>) target(%dma_start3A_470 : memref<10240x64xf32, #tpu.memory_space<vmem_shared>>) offsets(%dma_start3A_467 : memref<128xi32, #tpu.memory_space<vmem>>) semaphore(%dma_start3A_472 : memref<!tpu.dma_semaphore, #tpu.memory_space<semaphore_mem>>) {add = true}
      %convert_element_type3A_473 = arith.extui %eq3A_1 : i1 to i32
      %cond3A_474 = arith.constant 0 : i32
      %cond3A_475 = arith.cmpi ne, %convert_element_type3A_473, %cond3A_474 : i32
      scf.if %cond3A_475 {
        %dma_start3A_612 = arith.constant 0 : i32
        %dma_start3A_613 = tpu.memref_slice %arg8[%add3A_458, %dma_start3A_612] : memref<160x128xi32, #tpu.memory_space<vmem>> -> memref<1x128xi32, #tpu.memory_space<vmem>>
        %dma_start3A_614 = tpu.memref_squeeze %dma_start3A_613 : memref<1x128xi32, #tpu.memory_space<vmem>> -> memref<128xi32, #tpu.memory_space<vmem>>
        %dma_start3A_615 = arith.constant 0 : i32
        %dma_start3A_616 = arith.constant 0 : i32
        %dma_start3A_617 = tpu.memref_slice %arg14[%dma_start3A_615, %dma_start3A_616] : memref<10240x16xf32, #tpu.memory_space<vmem_shared>> -> memref<10240x16xf32, #tpu.memory_space<vmem_shared>>
        tpu.enqueue_indirect_dma source(%arg13 : memref<128x16xf32, #tpu.memory_space<vmem>>) target(%dma_start3A_617 : memref<10240x16xf32, #tpu.memory_space<vmem_shared>>) offsets(%dma_start3A_614 : memref<128xi32, #tpu.memory_space<vmem>>) semaphore(%arg15 : memref<!tpu.dma_semaphore, #tpu.memory_space<semaphore_mem>>) {add = true}
      } else {
      }
      %add3A_476 = arith.constant 0 : i32
      %add3A_477 = arith.addi %add3A_335, %add3A_476 : i32
      %dma_wait3A_478 = arith.constant 0 : i32
      %dma_wait3A_479 = arith.constant 0 : i32
      %dma_wait3A_480 = arith.constant 0 : i32
      %dma_wait3A_481 = arith.constant 0 : i32
      %dma_wait3A_482 = tpu.memref_slice %arg9[%dma_wait3A_478, %dma_wait3A_480, %dma_wait3A_481] : memref<4x128x64xf32, #tpu.memory_space<vmem>> -> memref<1x128x64xf32, #tpu.memory_space<vmem>>
      %dma_wait3A_483 = tpu.memref_squeeze %dma_wait3A_482 : memref<1x128x64xf32, #tpu.memory_space<vmem>> -> memref<128x64xf32, #tpu.memory_space<vmem>>
      %dma_wait3A_484 = arith.constant 0 : i32
      %dma_wait3A_485 = tpu.memref_slice %arg8[%add3A_477, %dma_wait3A_484] : memref<160x128xi32, #tpu.memory_space<vmem>> -> memref<1x128xi32, #tpu.memory_space<vmem>>
      %dma_wait3A_486 = tpu.memref_squeeze %dma_wait3A_485 : memref<1x128xi32, #tpu.memory_space<vmem>> -> memref<128xi32, #tpu.memory_space<vmem>>
      %dma_wait3A_487 = arith.constant 0 : i32
      %dma_wait3A_488 = arith.constant 0 : i32
      %dma_wait3A_489 = tpu.memref_slice %arg10[%dma_wait3A_487, %dma_wait3A_488] : memref<10240x64xf32, #tpu.memory_space<vmem_shared>> -> memref<10240x64xf32, #tpu.memory_space<vmem_shared>>
      %dma_wait3A_490 = tpu.memref_slice %arg12[%dma_wait3A_479] : memref<4x!tpu.dma_semaphore, #tpu.memory_space<semaphore_mem>> -> memref<1x!tpu.dma_semaphore, #tpu.memory_space<semaphore_mem>>
      %dma_wait3A_491 = tpu.memref_squeeze %dma_wait3A_490 : memref<1x!tpu.dma_semaphore, #tpu.memory_space<semaphore_mem>> -> memref<!tpu.dma_semaphore, #tpu.memory_space<semaphore_mem>>
      tpu.wait_indirect_dma semaphore(%dma_wait3A_491 : memref<!tpu.dma_semaphore, #tpu.memory_space<semaphore_mem>>) src(%dma_wait3A_483 : memref<128x64xf32, #tpu.memory_space<vmem>>) dst(%dma_wait3A_489 : memref<10240x64xf32, #tpu.memory_space<vmem_shared>>)
      %add3A_492 = arith.constant 4 : i32
      %add3A_493 = arith.addi %add3A_335, %add3A_492 : i32
      %add3A_494 = arith.constant 0 : i32
      %add3A_495 = arith.addi %add3A_493, %add3A_494 : i32
      %dma_start3A_496 = arith.constant 0 : i32
      %dma_start3A_497 = arith.constant 0 : i32
      %dma_start3A_498 = arith.constant 0 : i32
      %dma_start3A_499 = arith.constant 0 : i32
      %dma_start3A_500 = tpu.memref_slice %arg9[%dma_start3A_496, %dma_start3A_498, %dma_start3A_499] : memref<4x128x64xf32, #tpu.memory_space<vmem>> -> memref<1x128x64xf32, #tpu.memory_space<vmem>>
      %dma_start3A_501 = tpu.memref_squeeze %dma_start3A_500 : memref<1x128x64xf32, #tpu.memory_space<vmem>> -> memref<128x64xf32, #tpu.memory_space<vmem>>
      %dma_start3A_502 = arith.constant 0 : i32
      %dma_start3A_503 = tpu.memref_slice %arg7[%add3A_495, %dma_start3A_502] : memref<160x128xi32, #tpu.memory_space<vmem>> -> memref<1x128xi32, #tpu.memory_space<vmem>>
      %dma_start3A_504 = tpu.memref_squeeze %dma_start3A_503 : memref<1x128xi32, #tpu.memory_space<vmem>> -> memref<128xi32, #tpu.memory_space<vmem>>
      %dma_start3A_505 = arith.constant 0 : i32
      %dma_start3A_506 = arith.constant 0 : i32
      %dma_start3A_507 = tpu.memref_slice %arg4[%dma_start3A_505, %dma_start3A_506] : memref<20480x64xf32, #tpu.memory_space<hbm>> -> memref<20480x64xf32, #tpu.memory_space<hbm>>
      %dma_start3A_508 = tpu.memref_slice %arg11[%dma_start3A_497] : memref<4x!tpu.dma_semaphore, #tpu.memory_space<semaphore_mem>> -> memref<1x!tpu.dma_semaphore, #tpu.memory_space<semaphore_mem>>
      %dma_start3A_509 = tpu.memref_squeeze %dma_start3A_508 : memref<1x!tpu.dma_semaphore, #tpu.memory_space<semaphore_mem>> -> memref<!tpu.dma_semaphore, #tpu.memory_space<semaphore_mem>>
      tpu.enqueue_indirect_dma source(%dma_start3A_507 : memref<20480x64xf32, #tpu.memory_space<hbm>>) target(%dma_start3A_501 : memref<128x64xf32, #tpu.memory_space<vmem>>) offsets(%dma_start3A_504 : memref<128xi32, #tpu.memory_space<vmem>>) semaphore(%dma_start3A_509 : memref<!tpu.dma_semaphore, #tpu.memory_space<semaphore_mem>>)
      %add3A_510 = arith.constant 1 : i32
      %add3A_511 = arith.addi %add3A_335, %add3A_510 : i32
      %dma_wait3A_512 = arith.constant 1 : i32
      %dma_wait3A_513 = arith.constant 1 : i32
      %dma_wait3A_514 = arith.constant 0 : i32
      %dma_wait3A_515 = arith.constant 0 : i32
      %dma_wait3A_516 = tpu.memref_slice %arg9[%dma_wait3A_512, %dma_wait3A_514, %dma_wait3A_515] : memref<4x128x64xf32, #tpu.memory_space<vmem>> -> memref<1x128x64xf32, #tpu.memory_space<vmem>>
      %dma_wait3A_517 = tpu.memref_squeeze %dma_wait3A_516 : memref<1x128x64xf32, #tpu.memory_space<vmem>> -> memref<128x64xf32, #tpu.memory_space<vmem>>
      %dma_wait3A_518 = arith.constant 0 : i32
      %dma_wait3A_519 = tpu.memref_slice %arg8[%add3A_511, %dma_wait3A_518] : memref<160x128xi32, #tpu.memory_space<vmem>> -> memref<1x128xi32, #tpu.memory_space<vmem>>
      %dma_wait3A_520 = tpu.memref_squeeze %dma_wait3A_519 : memref<1x128xi32, #tpu.memory_space<vmem>> -> memref<128xi32, #tpu.memory_space<vmem>>
      %dma_wait3A_521 = arith.constant 0 : i32
      %dma_wait3A_522 = arith.constant 0 : i32
      %dma_wait3A_523 = tpu.memref_slice %arg10[%dma_wait3A_521, %dma_wait3A_522] : memref<10240x64xf32, #tpu.memory_space<vmem_shared>> -> memref<10240x64xf32, #tpu.memory_space<vmem_shared>>
      %dma_wait3A_524 = tpu.memref_slice %arg12[%dma_wait3A_513] : memref<4x!tpu.dma_semaphore, #tpu.memory_space<semaphore_mem>> -> memref<1x!tpu.dma_semaphore, #tpu.memory_space<semaphore_mem>>
      %dma_wait3A_525 = tpu.memref_squeeze %dma_wait3A_524 : memref<1x!tpu.dma_semaphore, #tpu.memory_space<semaphore_mem>> -> memref<!tpu.dma_semaphore, #tpu.memory_space<semaphore_mem>>
      tpu.wait_indirect_dma semaphore(%dma_wait3A_525 : memref<!tpu.dma_semaphore, #tpu.memory_space<semaphore_mem>>) src(%dma_wait3A_517 : memref<128x64xf32, #tpu.memory_space<vmem>>) dst(%dma_wait3A_523 : memref<10240x64xf32, #tpu.memory_space<vmem_shared>>)
      %add3A_526 = arith.constant 4 : i32
      %add3A_527 = arith.addi %add3A_335, %add3A_526 : i32
      %add3A_528 = arith.constant 1 : i32
      %add3A_529 = arith.addi %add3A_527, %add3A_528 : i32
      %dma_start3A_530 = arith.constant 1 : i32
      %dma_start3A_531 = arith.constant 1 : i32
      %dma_start3A_532 = arith.constant 0 : i32
      %dma_start3A_533 = arith.constant 0 : i32
      %dma_start3A_534 = tpu.memref_slice %arg9[%dma_start3A_530, %dma_start3A_532, %dma_start3A_533] : memref<4x128x64xf32, #tpu.memory_space<vmem>> -> memref<1x128x64xf32, #tpu.memory_space<vmem>>
      %dma_start3A_535 = tpu.memref_squeeze %dma_start3A_534 : memref<1x128x64xf32, #tpu.memory_space<vmem>> -> memref<128x64xf32, #tpu.memory_space<vmem>>
      %dma_start3A_536 = arith.constant 0 : i32
      %dma_start3A_537 = tpu.memref_slice %arg7[%add3A_529, %dma_start3A_536] : memref<160x128xi32, #tpu.memory_space<vmem>> -> memref<1x128xi32, #tpu.memory_space<vmem>>
      %dma_start3A_538 = tpu.memref_squeeze %dma_start3A_537 : memref<1x128xi32, #tpu.memory_space<vmem>> -> memref<128xi32, #tpu.memory_space<vmem>>
      %dma_start3A_539 = arith.constant 0 : i32
      %dma_start3A_540 = arith.constant 0 : i32
      %dma_start3A_541 = tpu.memref_slice %arg4[%dma_start3A_539, %dma_start3A_540] : memref<20480x64xf32, #tpu.memory_space<hbm>> -> memref<20480x64xf32, #tpu.memory_space<hbm>>
      %dma_start3A_542 = tpu.memref_slice %arg11[%dma_start3A_531] : memref<4x!tpu.dma_semaphore, #tpu.memory_space<semaphore_mem>> -> memref<1x!tpu.dma_semaphore, #tpu.memory_space<semaphore_mem>>
      %dma_start3A_543 = tpu.memref_squeeze %dma_start3A_542 : memref<1x!tpu.dma_semaphore, #tpu.memory_space<semaphore_mem>> -> memref<!tpu.dma_semaphore, #tpu.memory_space<semaphore_mem>>
      tpu.enqueue_indirect_dma source(%dma_start3A_541 : memref<20480x64xf32, #tpu.memory_space<hbm>>) target(%dma_start3A_535 : memref<128x64xf32, #tpu.memory_space<vmem>>) offsets(%dma_start3A_538 : memref<128xi32, #tpu.memory_space<vmem>>) semaphore(%dma_start3A_543 : memref<!tpu.dma_semaphore, #tpu.memory_space<semaphore_mem>>)
      %add3A_544 = arith.constant 2 : i32
      %add3A_545 = arith.addi %add3A_335, %add3A_544 : i32
      %dma_wait3A_546 = arith.constant 2 : i32
      %dma_wait3A_547 = arith.constant 2 : i32
      %dma_wait3A_548 = arith.constant 0 : i32
      %dma_wait3A_549 = arith.constant 0 : i32
      %dma_wait3A_550 = tpu.memref_slice %arg9[%dma_wait3A_546, %dma_wait3A_548, %dma_wait3A_549] : memref<4x128x64xf32, #tpu.memory_space<vmem>> -> memref<1x128x64xf32, #tpu.memory_space<vmem>>
      %dma_wait3A_551 = tpu.memref_squeeze %dma_wait3A_550 : memref<1x128x64xf32, #tpu.memory_space<vmem>> -> memref<128x64xf32, #tpu.memory_space<vmem>>
      %dma_wait3A_552 = arith.constant 0 : i32
      %dma_wait3A_553 = tpu.memref_slice %arg8[%add3A_545, %dma_wait3A_552] : memref<160x128xi32, #tpu.memory_space<vmem>> -> memref<1x128xi32, #tpu.memory_space<vmem>>
      %dma_wait3A_554 = tpu.memref_squeeze %dma_wait3A_553 : memref<1x128xi32, #tpu.memory_space<vmem>> -> memref<128xi32, #tpu.memory_space<vmem>>
      %dma_wait3A_555 = arith.constant 0 : i32
      %dma_wait3A_556 = arith.constant 0 : i32
      %dma_wait3A_557 = tpu.memref_slice %arg10[%dma_wait3A_555, %dma_wait3A_556] : memref<10240x64xf32, #tpu.memory_space<vmem_shared>> -> memref<10240x64xf32, #tpu.memory_space<vmem_shared>>
      %dma_wait3A_558 = tpu.memref_slice %arg12[%dma_wait3A_547] : memref<4x!tpu.dma_semaphore, #tpu.memory_space<semaphore_mem>> -> memref<1x!tpu.dma_semaphore, #tpu.memory_space<semaphore_mem>>
      %dma_wait3A_559 = tpu.memref_squeeze %dma_wait3A_558 : memref<1x!tpu.dma_semaphore, #tpu.memory_space<semaphore_mem>> -> memref<!tpu.dma_semaphore, #tpu.memory_space<semaphore_mem>>
      tpu.wait_indirect_dma semaphore(%dma_wait3A_559 : memref<!tpu.dma_semaphore, #tpu.memory_space<semaphore_mem>>) src(%dma_wait3A_551 : memref<128x64xf32, #tpu.memory_space<vmem>>) dst(%dma_wait3A_557 : memref<10240x64xf32, #tpu.memory_space<vmem_shared>>)
      %add3A_560 = arith.constant 4 : i32
      %add3A_561 = arith.addi %add3A_335, %add3A_560 : i32
      %add3A_562 = arith.constant 2 : i32
      %add3A_563 = arith.addi %add3A_561, %add3A_562 : i32
      %dma_start3A_564 = arith.constant 2 : i32
      %dma_start3A_565 = arith.constant 2 : i32
      %dma_start3A_566 = arith.constant 0 : i32
      %dma_start3A_567 = arith.constant 0 : i32
      %dma_start3A_568 = tpu.memref_slice %arg9[%dma_start3A_564, %dma_start3A_566, %dma_start3A_567] : memref<4x128x64xf32, #tpu.memory_space<vmem>> -> memref<1x128x64xf32, #tpu.memory_space<vmem>>
      %dma_start3A_569 = tpu.memref_squeeze %dma_start3A_568 : memref<1x128x64xf32, #tpu.memory_space<vmem>> -> memref<128x64xf32, #tpu.memory_space<vmem>>
      %dma_start3A_570 = arith.constant 0 : i32
      %dma_start3A_571 = tpu.memref_slice %arg7[%add3A_563, %dma_start3A_570] : memref<160x128xi32, #tpu.memory_space<vmem>> -> memref<1x128xi32, #tpu.memory_space<vmem>>
      %dma_start3A_572 = tpu.memref_squeeze %dma_start3A_571 : memref<1x128xi32, #tpu.memory_space<vmem>> -> memref<128xi32, #tpu.memory_space<vmem>>
      %dma_start3A_573 = arith.constant 0 : i32
      %dma_start3A_574 = arith.constant 0 : i32
      %dma_start3A_575 = tpu.memref_slice %arg4[%dma_start3A_573, %dma_start3A_574] : memref<20480x64xf32, #tpu.memory_space<hbm>> -> memref<20480x64xf32, #tpu.memory_space<hbm>>
      %dma_start3A_576 = tpu.memref_slice %arg11[%dma_start3A_565] : memref<4x!tpu.dma_semaphore, #tpu.memory_space<semaphore_mem>> -> memref<1x!tpu.dma_semaphore, #tpu.memory_space<semaphore_mem>>
      %dma_start3A_577 = tpu.memref_squeeze %dma_start3A_576 : memref<1x!tpu.dma_semaphore, #tpu.memory_space<semaphore_mem>> -> memref<!tpu.dma_semaphore, #tpu.memory_space<semaphore_mem>>
      tpu.enqueue_indirect_dma source(%dma_start3A_575 : memref<20480x64xf32, #tpu.memory_space<hbm>>) target(%dma_start3A_569 : memref<128x64xf32, #tpu.memory_space<vmem>>) offsets(%dma_start3A_572 : memref<128xi32, #tpu.memory_space<vmem>>) semaphore(%dma_start3A_577 : memref<!tpu.dma_semaphore, #tpu.memory_space<semaphore_mem>>)
      %add3A_578 = arith.constant 3 : i32
      %add3A_579 = arith.addi %add3A_335, %add3A_578 : i32
      %dma_wait3A_580 = arith.constant 3 : i32
      %dma_wait3A_581 = arith.constant 3 : i32
      %dma_wait3A_582 = arith.constant 0 : i32
      %dma_wait3A_583 = arith.constant 0 : i32
      %dma_wait3A_584 = tpu.memref_slice %arg9[%dma_wait3A_580, %dma_wait3A_582, %dma_wait3A_583] : memref<4x128x64xf32, #tpu.memory_space<vmem>> -> memref<1x128x64xf32, #tpu.memory_space<vmem>>
      %dma_wait3A_585 = tpu.memref_squeeze %dma_wait3A_584 : memref<1x128x64xf32, #tpu.memory_space<vmem>> -> memref<128x64xf32, #tpu.memory_space<vmem>>
      %dma_wait3A_586 = arith.constant 0 : i32
      %dma_wait3A_587 = tpu.memref_slice %arg8[%add3A_579, %dma_wait3A_586] : memref<160x128xi32, #tpu.memory_space<vmem>> -> memref<1x128xi32, #tpu.memory_space<vmem>>
      %dma_wait3A_588 = tpu.memref_squeeze %dma_wait3A_587 : memref<1x128xi32, #tpu.memory_space<vmem>> -> memref<128xi32, #tpu.memory_space<vmem>>
      %dma_wait3A_589 = arith.constant 0 : i32
      %dma_wait3A_590 = arith.constant 0 : i32
      %dma_wait3A_591 = tpu.memref_slice %arg10[%dma_wait3A_589, %dma_wait3A_590] : memref<10240x64xf32, #tpu.memory_space<vmem_shared>> -> memref<10240x64xf32, #tpu.memory_space<vmem_shared>>
      %dma_wait3A_592 = tpu.memref_slice %arg12[%dma_wait3A_581] : memref<4x!tpu.dma_semaphore, #tpu.memory_space<semaphore_mem>> -> memref<1x!tpu.dma_semaphore, #tpu.memory_space<semaphore_mem>>
      %dma_wait3A_593 = tpu.memref_squeeze %dma_wait3A_592 : memref<1x!tpu.dma_semaphore, #tpu.memory_space<semaphore_mem>> -> memref<!tpu.dma_semaphore, #tpu.memory_space<semaphore_mem>>
      tpu.wait_indirect_dma semaphore(%dma_wait3A_593 : memref<!tpu.dma_semaphore, #tpu.memory_space<semaphore_mem>>) src(%dma_wait3A_585 : memref<128x64xf32, #tpu.memory_space<vmem>>) dst(%dma_wait3A_591 : memref<10240x64xf32, #tpu.memory_space<vmem_shared>>)
      %add3A_594 = arith.constant 4 : i32
      %add3A_595 = arith.addi %add3A_335, %add3A_594 : i32
      %add3A_596 = arith.constant 3 : i32
      %add3A_597 = arith.addi %add3A_595, %add3A_596 : i32
      %dma_start3A_598 = arith.constant 3 : i32
      %dma_start3A_599 = arith.constant 3 : i32
      %dma_start3A_600 = arith.constant 0 : i32
      %dma_start3A_601 = arith.constant 0 : i32
      %dma_start3A_602 = tpu.memref_slice %arg9[%dma_start3A_598, %dma_start3A_600, %dma_start3A_601] : memref<4x128x64xf32, #tpu.memory_space<vmem>> -> memref<1x128x64xf32, #tpu.memory_space<vmem>>
      %dma_start3A_603 = tpu.memref_squeeze %dma_start3A_602 : memref<1x128x64xf32, #tpu.memory_space<vmem>> -> memref<128x64xf32, #tpu.memory_space<vmem>>
      %dma_start3A_604 = arith.constant 0 : i32
      %dma_start3A_605 = tpu.memref_slice %arg7[%add3A_597, %dma_start3A_604] : memref<160x128xi32, #tpu.memory_space<vmem>> -> memref<1x128xi32, #tpu.memory_space<vmem>>
      %dma_start3A_606 = tpu.memref_squeeze %dma_start3A_605 : memref<1x128xi32, #tpu.memory_space<vmem>> -> memref<128xi32, #tpu.memory_space<vmem>>
      %dma_start3A_607 = arith.constant 0 : i32
      %dma_start3A_608 = arith.constant 0 : i32
      %dma_start3A_609 = tpu.memref_slice %arg4[%dma_start3A_607, %dma_start3A_608] : memref<20480x64xf32, #tpu.memory_space<hbm>> -> memref<20480x64xf32, #tpu.memory_space<hbm>>
      %dma_start3A_610 = tpu.memref_slice %arg11[%dma_start3A_599] : memref<4x!tpu.dma_semaphore, #tpu.memory_space<semaphore_mem>> -> memref<1x!tpu.dma_semaphore, #tpu.memory_space<semaphore_mem>>
      %dma_start3A_611 = tpu.memref_squeeze %dma_start3A_610 : memref<1x!tpu.dma_semaphore, #tpu.memory_space<semaphore_mem>> -> memref<!tpu.dma_semaphore, #tpu.memory_space<semaphore_mem>>
      tpu.enqueue_indirect_dma source(%dma_start3A_609 : memref<20480x64xf32, #tpu.memory_space<hbm>>) target(%dma_start3A_603 : memref<128x64xf32, #tpu.memory_space<vmem>>) offsets(%dma_start3A_606 : memref<128xi32, #tpu.memory_space<vmem>>) semaphore(%dma_start3A_611 : memref<!tpu.dma_semaphore, #tpu.memory_space<semaphore_mem>>)
    }
    %scan3A_130 = arith.constant 39 : i32
    %dma_wait3A = arith.constant 156 : i32
    %dma_wait3A_131 = arith.constant 0 : i32
    %dma_wait3A_132 = arith.constant 0 : i32
    %dma_wait3A_133 = arith.constant 0 : i32
    %dma_wait3A_134 = arith.constant 0 : i32
    %dma_wait3A_135 = tpu.memref_slice %arg9[%dma_wait3A_131, %dma_wait3A_133, %dma_wait3A_134] : memref<4x128x64xf32, #tpu.memory_space<vmem>> -> memref<1x128x64xf32, #tpu.memory_space<vmem>>
    %dma_wait3A_136 = tpu.memref_squeeze %dma_wait3A_135 : memref<1x128x64xf32, #tpu.memory_space<vmem>> -> memref<128x64xf32, #tpu.memory_space<vmem>>
    %dma_wait3A_137 = arith.constant 0 : i32
    %dma_wait3A_138 = tpu.memref_slice %arg7[%dma_wait3A, %dma_wait3A_137] : memref<160x128xi32, #tpu.memory_space<vmem>> -> memref<1x128xi32, #tpu.memory_space<vmem>>
    %dma_wait3A_139 = tpu.memref_squeeze %dma_wait3A_138 : memref<1x128xi32, #tpu.memory_space<vmem>> -> memref<128xi32, #tpu.memory_space<vmem>>
    %dma_wait3A_140 = arith.constant 0 : i32
    %dma_wait3A_141 = arith.constant 0 : i32
    %dma_wait3A_142 = tpu.memref_slice %arg4[%dma_wait3A_140, %dma_wait3A_141] : memref<20480x64xf32, #tpu.memory_space<hbm>> -> memref<20480x64xf32, #tpu.memory_space<hbm>>
    %dma_wait3A_143 = tpu.memref_slice %arg11[%dma_wait3A_132] : memref<4x!tpu.dma_semaphore, #tpu.memory_space<semaphore_mem>> -> memref<1x!tpu.dma_semaphore, #tpu.memory_space<semaphore_mem>>
    %dma_wait3A_144 = tpu.memref_squeeze %dma_wait3A_143 : memref<1x!tpu.dma_semaphore, #tpu.memory_space<semaphore_mem>> -> memref<!tpu.dma_semaphore, #tpu.memory_space<semaphore_mem>>
    tpu.wait_indirect_dma semaphore(%dma_wait3A_144 : memref<!tpu.dma_semaphore, #tpu.memory_space<semaphore_mem>>) src(%dma_wait3A_142 : memref<20480x64xf32, #tpu.memory_space<hbm>>) dst(%dma_wait3A_136 : memref<128x64xf32, #tpu.memory_space<vmem>>)
    %dma_start3A_145 = arith.constant 0 : i32
    %dma_start3A_146 = arith.constant 156 : i32
    %dma_start3A_147 = arith.constant 0 : i32
    %dma_start3A_148 = arith.constant 0 : i32
    %dma_start3A_149 = arith.constant 0 : i32
    %dma_start3A_150 = tpu.memref_slice %arg9[%dma_start3A_145, %dma_start3A_148, %dma_start3A_149] : memref<4x128x64xf32, #tpu.memory_space<vmem>> -> memref<1x128x64xf32, #tpu.memory_space<vmem>>
    %dma_start3A_151 = tpu.memref_squeeze %dma_start3A_150 : memref<1x128x64xf32, #tpu.memory_space<vmem>> -> memref<128x64xf32, #tpu.memory_space<vmem>>
    %dma_start3A_152 = arith.constant 0 : i32
    %dma_start3A_153 = tpu.memref_slice %arg8[%dma_start3A_146, %dma_start3A_152] : memref<160x128xi32, #tpu.memory_space<vmem>> -> memref<1x128xi32, #tpu.memory_space<vmem>>
    %dma_start3A_154 = tpu.memref_squeeze %dma_start3A_153 : memref<1x128xi32, #tpu.memory_space<vmem>> -> memref<128xi32, #tpu.memory_space<vmem>>
    %dma_start3A_155 = arith.constant 0 : i32
    %dma_start3A_156 = arith.constant 0 : i32
    %dma_start3A_157 = tpu.memref_slice %arg10[%dma_start3A_155, %dma_start3A_156] : memref<10240x64xf32, #tpu.memory_space<vmem_shared>> -> memref<10240x64xf32, #tpu.memory_space<vmem_shared>>
    %dma_start3A_158 = tpu.memref_slice %arg12[%dma_start3A_147] : memref<4x!tpu.dma_semaphore, #tpu.memory_space<semaphore_mem>> -> memref<1x!tpu.dma_semaphore, #tpu.memory_space<semaphore_mem>>
    %dma_start3A_159 = tpu.memref_squeeze %dma_start3A_158 : memref<1x!tpu.dma_semaphore, #tpu.memory_space<semaphore_mem>> -> memref<!tpu.dma_semaphore, #tpu.memory_space<semaphore_mem>>
    tpu.enqueue_indirect_dma source(%dma_start3A_151 : memref<128x64xf32, #tpu.memory_space<vmem>>) target(%dma_start3A_157 : memref<10240x64xf32, #tpu.memory_space<vmem_shared>>) offsets(%dma_start3A_154 : memref<128xi32, #tpu.memory_space<vmem>>) semaphore(%dma_start3A_159 : memref<!tpu.dma_semaphore, #tpu.memory_space<semaphore_mem>>) {add = true}
    %convert_element_type3A = arith.extui %eq3A_1 : i1 to i32
    %cond3A = arith.constant 0 : i32
    %cond3A_160 = arith.cmpi ne, %convert_element_type3A, %cond3A : i32
    scf.if %cond3A_160 {
      %dma_start3A_331 = arith.constant 156 : i32
      %dma_start3A_332 = arith.constant 0 : i32
      %dma_start3A_333 = tpu.memref_slice %arg8[%dma_start3A_331, %dma_start3A_332] : memref<160x128xi32, #tpu.memory_space<vmem>> -> memref<1x128xi32, #tpu.memory_space<vmem>>
      %dma_start3A_334 = tpu.memref_squeeze %dma_start3A_333 : memref<1x128xi32, #tpu.memory_space<vmem>> -> memref<128xi32, #tpu.memory_space<vmem>>
      %dma_start3A_335 = arith.constant 0 : i32
      %dma_start3A_336 = arith.constant 0 : i32
      %dma_start3A_337 = tpu.memref_slice %arg14[%dma_start3A_335, %dma_start3A_336] : memref<10240x16xf32, #tpu.memory_space<vmem_shared>> -> memref<10240x16xf32, #tpu.memory_space<vmem_shared>>
      tpu.enqueue_indirect_dma source(%arg13 : memref<128x16xf32, #tpu.memory_space<vmem>>) target(%dma_start3A_337 : memref<10240x16xf32, #tpu.memory_space<vmem_shared>>) offsets(%dma_start3A_334 : memref<128xi32, #tpu.memory_space<vmem>>) semaphore(%arg15 : memref<!tpu.dma_semaphore, #tpu.memory_space<semaphore_mem>>) {add = true}
    } else {
    }
    %dma_wait3A_161 = arith.constant 157 : i32
    %dma_wait3A_162 = arith.constant 1 : i32
    %dma_wait3A_163 = arith.constant 1 : i32
    %dma_wait3A_164 = arith.constant 0 : i32
    %dma_wait3A_165 = arith.constant 0 : i32
    %dma_wait3A_166 = tpu.memref_slice %arg9[%dma_wait3A_162, %dma_wait3A_164, %dma_wait3A_165] : memref<4x128x64xf32, #tpu.memory_space<vmem>> -> memref<1x128x64xf32, #tpu.memory_space<vmem>>
    %dma_wait3A_167 = tpu.memref_squeeze %dma_wait3A_166 : memref<1x128x64xf32, #tpu.memory_space<vmem>> -> memref<128x64xf32, #tpu.memory_space<vmem>>
    %dma_wait3A_168 = arith.constant 0 : i32
    %dma_wait3A_169 = tpu.memref_slice %arg7[%dma_wait3A_161, %dma_wait3A_168] : memref<160x128xi32, #tpu.memory_space<vmem>> -> memref<1x128xi32, #tpu.memory_space<vmem>>
    %dma_wait3A_170 = tpu.memref_squeeze %dma_wait3A_169 : memref<1x128xi32, #tpu.memory_space<vmem>> -> memref<128xi32, #tpu.memory_space<vmem>>
    %dma_wait3A_171 = arith.constant 0 : i32
    %dma_wait3A_172 = arith.constant 0 : i32
    %dma_wait3A_173 = tpu.memref_slice %arg4[%dma_wait3A_171, %dma_wait3A_172] : memref<20480x64xf32, #tpu.memory_space<hbm>> -> memref<20480x64xf32, #tpu.memory_space<hbm>>
    %dma_wait3A_174 = tpu.memref_slice %arg11[%dma_wait3A_163] : memref<4x!tpu.dma_semaphore, #tpu.memory_space<semaphore_mem>> -> memref<1x!tpu.dma_semaphore, #tpu.memory_space<semaphore_mem>>
    %dma_wait3A_175 = tpu.memref_squeeze %dma_wait3A_174 : memref<1x!tpu.dma_semaphore, #tpu.memory_space<semaphore_mem>> -> memref<!tpu.dma_semaphore, #tpu.memory_space<semaphore_mem>>
    tpu.wait_indirect_dma semaphore(%dma_wait3A_175 : memref<!tpu.dma_semaphore, #tpu.memory_space<semaphore_mem>>) src(%dma_wait3A_173 : memref<20480x64xf32, #tpu.memory_space<hbm>>) dst(%dma_wait3A_167 : memref<128x64xf32, #tpu.memory_space<vmem>>)
    %dma_start3A_176 = arith.constant 1 : i32
    %dma_start3A_177 = arith.constant 157 : i32
    %dma_start3A_178 = arith.constant 1 : i32
    %dma_start3A_179 = arith.constant 0 : i32
    %dma_start3A_180 = arith.constant 0 : i32
    %dma_start3A_181 = tpu.memref_slice %arg9[%dma_start3A_176, %dma_start3A_179, %dma_start3A_180] : memref<4x128x64xf32, #tpu.memory_space<vmem>> -> memref<1x128x64xf32, #tpu.memory_space<vmem>>
    %dma_start3A_182 = tpu.memref_squeeze %dma_start3A_181 : memref<1x128x64xf32, #tpu.memory_space<vmem>> -> memref<128x64xf32, #tpu.memory_space<vmem>>
    %dma_start3A_183 = arith.constant 0 : i32
    %dma_start3A_184 = tpu.memref_slice %arg8[%dma_start3A_177, %dma_start3A_183] : memref<160x128xi32, #tpu.memory_space<vmem>> -> memref<1x128xi32, #tpu.memory_space<vmem>>
    %dma_start3A_185 = tpu.memref_squeeze %dma_start3A_184 : memref<1x128xi32, #tpu.memory_space<vmem>> -> memref<128xi32, #tpu.memory_space<vmem>>
    %dma_start3A_186 = arith.constant 0 : i32
    %dma_start3A_187 = arith.constant 0 : i32
    %dma_start3A_188 = tpu.memref_slice %arg10[%dma_start3A_186, %dma_start3A_187] : memref<10240x64xf32, #tpu.memory_space<vmem_shared>> -> memref<10240x64xf32, #tpu.memory_space<vmem_shared>>
    %dma_start3A_189 = tpu.memref_slice %arg12[%dma_start3A_178] : memref<4x!tpu.dma_semaphore, #tpu.memory_space<semaphore_mem>> -> memref<1x!tpu.dma_semaphore, #tpu.memory_space<semaphore_mem>>
    %dma_start3A_190 = tpu.memref_squeeze %dma_start3A_189 : memref<1x!tpu.dma_semaphore, #tpu.memory_space<semaphore_mem>> -> memref<!tpu.dma_semaphore, #tpu.memory_space<semaphore_mem>>
    tpu.enqueue_indirect_dma source(%dma_start3A_182 : memref<128x64xf32, #tpu.memory_space<vmem>>) target(%dma_start3A_188 : memref<10240x64xf32, #tpu.memory_space<vmem_shared>>) offsets(%dma_start3A_185 : memref<128xi32, #tpu.memory_space<vmem>>) semaphore(%dma_start3A_190 : memref<!tpu.dma_semaphore, #tpu.memory_space<semaphore_mem>>) {add = true}
    %convert_element_type3A_191 = arith.extui %eq3A_1 : i1 to i32
    %cond3A_192 = arith.constant 0 : i32
    %cond3A_193 = arith.cmpi ne, %convert_element_type3A_191, %cond3A_192 : i32
    scf.if %cond3A_193 {
      %dma_start3A_331 = arith.constant 157 : i32
      %dma_start3A_332 = arith.constant 0 : i32
      %dma_start3A_333 = tpu.memref_slice %arg8[%dma_start3A_331, %dma_start3A_332] : memref<160x128xi32, #tpu.memory_space<vmem>> -> memref<1x128xi32, #tpu.memory_space<vmem>>
      %dma_start3A_334 = tpu.memref_squeeze %dma_start3A_333 : memref<1x128xi32, #tpu.memory_space<vmem>> -> memref<128xi32, #tpu.memory_space<vmem>>
      %dma_start3A_335 = arith.constant 0 : i32
      %dma_start3A_336 = arith.constant 0 : i32
      %dma_start3A_337 = tpu.memref_slice %arg14[%dma_start3A_335, %dma_start3A_336] : memref<10240x16xf32, #tpu.memory_space<vmem_shared>> -> memref<10240x16xf32, #tpu.memory_space<vmem_shared>>
      tpu.enqueue_indirect_dma source(%arg13 : memref<128x16xf32, #tpu.memory_space<vmem>>) target(%dma_start3A_337 : memref<10240x16xf32, #tpu.memory_space<vmem_shared>>) offsets(%dma_start3A_334 : memref<128xi32, #tpu.memory_space<vmem>>) semaphore(%arg15 : memref<!tpu.dma_semaphore, #tpu.memory_space<semaphore_mem>>) {add = true}
    } else {
    }
    %dma_wait3A_194 = arith.constant 158 : i32
    %dma_wait3A_195 = arith.constant 2 : i32
    %dma_wait3A_196 = arith.constant 2 : i32
    %dma_wait3A_197 = arith.constant 0 : i32
    %dma_wait3A_198 = arith.constant 0 : i32
    %dma_wait3A_199 = tpu.memref_slice %arg9[%dma_wait3A_195, %dma_wait3A_197, %dma_wait3A_198] : memref<4x128x64xf32, #tpu.memory_space<vmem>> -> memref<1x128x64xf32, #tpu.memory_space<vmem>>
    %dma_wait3A_200 = tpu.memref_squeeze %dma_wait3A_199 : memref<1x128x64xf32, #tpu.memory_space<vmem>> -> memref<128x64xf32, #tpu.memory_space<vmem>>
    %dma_wait3A_201 = arith.constant 0 : i32
    %dma_wait3A_202 = tpu.memref_slice %arg7[%dma_wait3A_194, %dma_wait3A_201] : memref<160x128xi32, #tpu.memory_space<vmem>> -> memref<1x128xi32, #tpu.memory_space<vmem>>
    %dma_wait3A_203 = tpu.memref_squeeze %dma_wait3A_202 : memref<1x128xi32, #tpu.memory_space<vmem>> -> memref<128xi32, #tpu.memory_space<vmem>>
    %dma_wait3A_204 = arith.constant 0 : i32
    %dma_wait3A_205 = arith.constant 0 : i32
    %dma_wait3A_206 = tpu.memref_slice %arg4[%dma_wait3A_204, %dma_wait3A_205] : memref<20480x64xf32, #tpu.memory_space<hbm>> -> memref<20480x64xf32, #tpu.memory_space<hbm>>
    %dma_wait3A_207 = tpu.memref_slice %arg11[%dma_wait3A_196] : memref<4x!tpu.dma_semaphore, #tpu.memory_space<semaphore_mem>> -> memref<1x!tpu.dma_semaphore, #tpu.memory_space<semaphore_mem>>
    %dma_wait3A_208 = tpu.memref_squeeze %dma_wait3A_207 : memref<1x!tpu.dma_semaphore, #tpu.memory_space<semaphore_mem>> -> memref<!tpu.dma_semaphore, #tpu.memory_space<semaphore_mem>>
    tpu.wait_indirect_dma semaphore(%dma_wait3A_208 : memref<!tpu.dma_semaphore, #tpu.memory_space<semaphore_mem>>) src(%dma_wait3A_206 : memref<20480x64xf32, #tpu.memory_space<hbm>>) dst(%dma_wait3A_200 : memref<128x64xf32, #tpu.memory_space<vmem>>)
    %dma_start3A_209 = arith.constant 2 : i32
    %dma_start3A_210 = arith.constant 158 : i32
    %dma_start3A_211 = arith.constant 2 : i32
    %dma_start3A_212 = arith.constant 0 : i32
    %dma_start3A_213 = arith.constant 0 : i32
    %dma_start3A_214 = tpu.memref_slice %arg9[%dma_start3A_209, %dma_start3A_212, %dma_start3A_213] : memref<4x128x64xf32, #tpu.memory_space<vmem>> -> memref<1x128x64xf32, #tpu.memory_space<vmem>>
    %dma_start3A_215 = tpu.memref_squeeze %dma_start3A_214 : memref<1x128x64xf32, #tpu.memory_space<vmem>> -> memref<128x64xf32, #tpu.memory_space<vmem>>
    %dma_start3A_216 = arith.constant 0 : i32
    %dma_start3A_217 = tpu.memref_slice %arg8[%dma_start3A_210, %dma_start3A_216] : memref<160x128xi32, #tpu.memory_space<vmem>> -> memref<1x128xi32, #tpu.memory_space<vmem>>
    %dma_start3A_218 = tpu.memref_squeeze %dma_start3A_217 : memref<1x128xi32, #tpu.memory_space<vmem>> -> memref<128xi32, #tpu.memory_space<vmem>>
    %dma_start3A_219 = arith.constant 0 : i32
    %dma_start3A_220 = arith.constant 0 : i32
    %dma_start3A_221 = tpu.memref_slice %arg10[%dma_start3A_219, %dma_start3A_220] : memref<10240x64xf32, #tpu.memory_space<vmem_shared>> -> memref<10240x64xf32, #tpu.memory_space<vmem_shared>>
    %dma_start3A_222 = tpu.memref_slice %arg12[%dma_start3A_211] : memref<4x!tpu.dma_semaphore, #tpu.memory_space<semaphore_mem>> -> memref<1x!tpu.dma_semaphore, #tpu.memory_space<semaphore_mem>>
    %dma_start3A_223 = tpu.memref_squeeze %dma_start3A_222 : memref<1x!tpu.dma_semaphore, #tpu.memory_space<semaphore_mem>> -> memref<!tpu.dma_semaphore, #tpu.memory_space<semaphore_mem>>
    tpu.enqueue_indirect_dma source(%dma_start3A_215 : memref<128x64xf32, #tpu.memory_space<vmem>>) target(%dma_start3A_221 : memref<10240x64xf32, #tpu.memory_space<vmem_shared>>) offsets(%dma_start3A_218 : memref<128xi32, #tpu.memory_space<vmem>>) semaphore(%dma_start3A_223 : memref<!tpu.dma_semaphore, #tpu.memory_space<semaphore_mem>>) {add = true}
    %convert_element_type3A_224 = arith.extui %eq3A_1 : i1 to i32
    %cond3A_225 = arith.constant 0 : i32
    %cond3A_226 = arith.cmpi ne, %convert_element_type3A_224, %cond3A_225 : i32
    scf.if %cond3A_226 {
      %dma_start3A_331 = arith.constant 158 : i32
      %dma_start3A_332 = arith.constant 0 : i32
      %dma_start3A_333 = tpu.memref_slice %arg8[%dma_start3A_331, %dma_start3A_332] : memref<160x128xi32, #tpu.memory_space<vmem>> -> memref<1x128xi32, #tpu.memory_space<vmem>>
      %dma_start3A_334 = tpu.memref_squeeze %dma_start3A_333 : memref<1x128xi32, #tpu.memory_space<vmem>> -> memref<128xi32, #tpu.memory_space<vmem>>
      %dma_start3A_335 = arith.constant 0 : i32
      %dma_start3A_336 = arith.constant 0 : i32
      %dma_start3A_337 = tpu.memref_slice %arg14[%dma_start3A_335, %dma_start3A_336] : memref<10240x16xf32, #tpu.memory_space<vmem_shared>> -> memref<10240x16xf32, #tpu.memory_space<vmem_shared>>
      tpu.enqueue_indirect_dma source(%arg13 : memref<128x16xf32, #tpu.memory_space<vmem>>) target(%dma_start3A_337 : memref<10240x16xf32, #tpu.memory_space<vmem_shared>>) offsets(%dma_start3A_334 : memref<128xi32, #tpu.memory_space<vmem>>) semaphore(%arg15 : memref<!tpu.dma_semaphore, #tpu.memory_space<semaphore_mem>>) {add = true}
    } else {
    }
    %dma_wait3A_227 = arith.constant 159 : i32
    %dma_wait3A_228 = arith.constant 3 : i32
    %dma_wait3A_229 = arith.constant 3 : i32
    %dma_wait3A_230 = arith.constant 0 : i32
    %dma_wait3A_231 = arith.constant 0 : i32
    %dma_wait3A_232 = tpu.memref_slice %arg9[%dma_wait3A_228, %dma_wait3A_230, %dma_wait3A_231] : memref<4x128x64xf32, #tpu.memory_space<vmem>> -> memref<1x128x64xf32, #tpu.memory_space<vmem>>
    %dma_wait3A_233 = tpu.memref_squeeze %dma_wait3A_232 : memref<1x128x64xf32, #tpu.memory_space<vmem>> -> memref<128x64xf32, #tpu.memory_space<vmem>>
    %dma_wait3A_234 = arith.constant 0 : i32
    %dma_wait3A_235 = tpu.memref_slice %arg7[%dma_wait3A_227, %dma_wait3A_234] : memref<160x128xi32, #tpu.memory_space<vmem>> -> memref<1x128xi32, #tpu.memory_space<vmem>>
    %dma_wait3A_236 = tpu.memref_squeeze %dma_wait3A_235 : memref<1x128xi32, #tpu.memory_space<vmem>> -> memref<128xi32, #tpu.memory_space<vmem>>
    %dma_wait3A_237 = arith.constant 0 : i32
    %dma_wait3A_238 = arith.constant 0 : i32
    %dma_wait3A_239 = tpu.memref_slice %arg4[%dma_wait3A_237, %dma_wait3A_238] : memref<20480x64xf32, #tpu.memory_space<hbm>> -> memref<20480x64xf32, #tpu.memory_space<hbm>>
    %dma_wait3A_240 = tpu.memref_slice %arg11[%dma_wait3A_229] : memref<4x!tpu.dma_semaphore, #tpu.memory_space<semaphore_mem>> -> memref<1x!tpu.dma_semaphore, #tpu.memory_space<semaphore_mem>>
    %dma_wait3A_241 = tpu.memref_squeeze %dma_wait3A_240 : memref<1x!tpu.dma_semaphore, #tpu.memory_space<semaphore_mem>> -> memref<!tpu.dma_semaphore, #tpu.memory_space<semaphore_mem>>
    tpu.wait_indirect_dma semaphore(%dma_wait3A_241 : memref<!tpu.dma_semaphore, #tpu.memory_space<semaphore_mem>>) src(%dma_wait3A_239 : memref<20480x64xf32, #tpu.memory_space<hbm>>) dst(%dma_wait3A_233 : memref<128x64xf32, #tpu.memory_space<vmem>>)
    %dma_start3A_242 = arith.constant 3 : i32
    %dma_start3A_243 = arith.constant 159 : i32
    %dma_start3A_244 = arith.constant 3 : i32
    %dma_start3A_245 = arith.constant 0 : i32
    %dma_start3A_246 = arith.constant 0 : i32
    %dma_start3A_247 = tpu.memref_slice %arg9[%dma_start3A_242, %dma_start3A_245, %dma_start3A_246] : memref<4x128x64xf32, #tpu.memory_space<vmem>> -> memref<1x128x64xf32, #tpu.memory_space<vmem>>
    %dma_start3A_248 = tpu.memref_squeeze %dma_start3A_247 : memref<1x128x64xf32, #tpu.memory_space<vmem>> -> memref<128x64xf32, #tpu.memory_space<vmem>>
    %dma_start3A_249 = arith.constant 0 : i32
    %dma_start3A_250 = tpu.memref_slice %arg8[%dma_start3A_243, %dma_start3A_249] : memref<160x128xi32, #tpu.memory_space<vmem>> -> memref<1x128xi32, #tpu.memory_space<vmem>>
    %dma_start3A_251 = tpu.memref_squeeze %dma_start3A_250 : memref<1x128xi32, #tpu.memory_space<vmem>> -> memref<128xi32, #tpu.memory_space<vmem>>
    %dma_start3A_252 = arith.constant 0 : i32
    %dma_start3A_253 = arith.constant 0 : i32
    %dma_start3A_254 = tpu.memref_slice %arg10[%dma_start3A_252, %dma_start3A_253] : memref<10240x64xf32, #tpu.memory_space<vmem_shared>> -> memref<10240x64xf32, #tpu.memory_space<vmem_shared>>
    %dma_start3A_255 = tpu.memref_slice %arg12[%dma_start3A_244] : memref<4x!tpu.dma_semaphore, #tpu.memory_space<semaphore_mem>> -> memref<1x!tpu.dma_semaphore, #tpu.memory_space<semaphore_mem>>
    %dma_start3A_256 = tpu.memref_squeeze %dma_start3A_255 : memref<1x!tpu.dma_semaphore, #tpu.memory_space<semaphore_mem>> -> memref<!tpu.dma_semaphore, #tpu.memory_space<semaphore_mem>>
    tpu.enqueue_indirect_dma source(%dma_start3A_248 : memref<128x64xf32, #tpu.memory_space<vmem>>) target(%dma_start3A_254 : memref<10240x64xf32, #tpu.memory_space<vmem_shared>>) offsets(%dma_start3A_251 : memref<128xi32, #tpu.memory_space<vmem>>) semaphore(%dma_start3A_256 : memref<!tpu.dma_semaphore, #tpu.memory_space<semaphore_mem>>) {add = true}
    %convert_element_type3A_257 = arith.extui %eq3A_1 : i1 to i32
    %cond3A_258 = arith.constant 0 : i32
    %cond3A_259 = arith.cmpi ne, %convert_element_type3A_257, %cond3A_258 : i32
    scf.if %cond3A_259 {
      %dma_start3A_331 = arith.constant 159 : i32
      %dma_start3A_332 = arith.constant 0 : i32
      %dma_start3A_333 = tpu.memref_slice %arg8[%dma_start3A_331, %dma_start3A_332] : memref<160x128xi32, #tpu.memory_space<vmem>> -> memref<1x128xi32, #tpu.memory_space<vmem>>
      %dma_start3A_334 = tpu.memref_squeeze %dma_start3A_333 : memref<1x128xi32, #tpu.memory_space<vmem>> -> memref<128xi32, #tpu.memory_space<vmem>>
      %dma_start3A_335 = arith.constant 0 : i32
      %dma_start3A_336 = arith.constant 0 : i32
      %dma_start3A_337 = tpu.memref_slice %arg14[%dma_start3A_335, %dma_start3A_336] : memref<10240x16xf32, #tpu.memory_space<vmem_shared>> -> memref<10240x16xf32, #tpu.memory_space<vmem_shared>>
      tpu.enqueue_indirect_dma source(%arg13 : memref<128x16xf32, #tpu.memory_space<vmem>>) target(%dma_start3A_337 : memref<10240x16xf32, #tpu.memory_space<vmem_shared>>) offsets(%dma_start3A_334 : memref<128xi32, #tpu.memory_space<vmem>>) semaphore(%arg15 : memref<!tpu.dma_semaphore, #tpu.memory_space<semaphore_mem>>) {add = true}
    } else {
    }
    %dma_wait3A_260 = arith.constant 0 : i32
    %dma_wait3A_261 = arith.constant 156 : i32
    %dma_wait3A_262 = arith.constant 0 : i32
    %dma_wait3A_263 = arith.constant 0 : i32
    %dma_wait3A_264 = arith.constant 0 : i32
    %dma_wait3A_265 = tpu.memref_slice %arg9[%dma_wait3A_260, %dma_wait3A_263, %dma_wait3A_264] : memref<4x128x64xf32, #tpu.memory_space<vmem>> -> memref<1x128x64xf32, #tpu.memory_space<vmem>>
    %dma_wait3A_266 = tpu.memref_squeeze %dma_wait3A_265 : memref<1x128x64xf32, #tpu.memory_space<vmem>> -> memref<128x64xf32, #tpu.memory_space<vmem>>
    %dma_wait3A_267 = arith.constant 0 : i32
    %dma_wait3A_268 = tpu.memref_slice %arg8[%dma_wait3A_261, %dma_wait3A_267] : memref<160x128xi32, #tpu.memory_space<vmem>> -> memref<1x128xi32, #tpu.memory_space<vmem>>
    %dma_wait3A_269 = tpu.memref_squeeze %dma_wait3A_268 : memref<1x128xi32, #tpu.memory_space<vmem>> -> memref<128xi32, #tpu.memory_space<vmem>>
    %dma_wait3A_270 = arith.constant 0 : i32
    %dma_wait3A_271 = arith.constant 0 : i32
    %dma_wait3A_272 = tpu.memref_slice %arg10[%dma_wait3A_270, %dma_wait3A_271] : memref<10240x64xf32, #tpu.memory_space<vmem_shared>> -> memref<10240x64xf32, #tpu.memory_space<vmem_shared>>
    %dma_wait3A_273 = tpu.memref_slice %arg12[%dma_wait3A_262] : memref<4x!tpu.dma_semaphore, #tpu.memory_space<semaphore_mem>> -> memref<1x!tpu.dma_semaphore, #tpu.memory_space<semaphore_mem>>
    %dma_wait3A_274 = tpu.memref_squeeze %dma_wait3A_273 : memref<1x!tpu.dma_semaphore, #tpu.memory_space<semaphore_mem>> -> memref<!tpu.dma_semaphore, #tpu.memory_space<semaphore_mem>>
    tpu.wait_indirect_dma semaphore(%dma_wait3A_274 : memref<!tpu.dma_semaphore, #tpu.memory_space<semaphore_mem>>) src(%dma_wait3A_266 : memref<128x64xf32, #tpu.memory_space<vmem>>) dst(%dma_wait3A_272 : memref<10240x64xf32, #tpu.memory_space<vmem_shared>>)
    %dma_wait3A_275 = arith.constant 1 : i32
    %dma_wait3A_276 = arith.constant 157 : i32
    %dma_wait3A_277 = arith.constant 1 : i32
    %dma_wait3A_278 = arith.constant 0 : i32
    %dma_wait3A_279 = arith.constant 0 : i32
    %dma_wait3A_280 = tpu.memref_slice %arg9[%dma_wait3A_275, %dma_wait3A_278, %dma_wait3A_279] : memref<4x128x64xf32, #tpu.memory_space<vmem>> -> memref<1x128x64xf32, #tpu.memory_space<vmem>>
    %dma_wait3A_281 = tpu.memref_squeeze %dma_wait3A_280 : memref<1x128x64xf32, #tpu.memory_space<vmem>> -> memref<128x64xf32, #tpu.memory_space<vmem>>
    %dma_wait3A_282 = arith.constant 0 : i32
    %dma_wait3A_283 = tpu.memref_slice %arg8[%dma_wait3A_276, %dma_wait3A_282] : memref<160x128xi32, #tpu.memory_space<vmem>> -> memref<1x128xi32, #tpu.memory_space<vmem>>
    %dma_wait3A_284 = tpu.memref_squeeze %dma_wait3A_283 : memref<1x128xi32, #tpu.memory_space<vmem>> -> memref<128xi32, #tpu.memory_space<vmem>>
    %dma_wait3A_285 = arith.constant 0 : i32
    %dma_wait3A_286 = arith.constant 0 : i32
    %dma_wait3A_287 = tpu.memref_slice %arg10[%dma_wait3A_285, %dma_wait3A_286] : memref<10240x64xf32, #tpu.memory_space<vmem_shared>> -> memref<10240x64xf32, #tpu.memory_space<vmem_shared>>
    %dma_wait3A_288 = tpu.memref_slice %arg12[%dma_wait3A_277] : memref<4x!tpu.dma_semaphore, #tpu.memory_space<semaphore_mem>> -> memref<1x!tpu.dma_semaphore, #tpu.memory_space<semaphore_mem>>
    %dma_wait3A_289 = tpu.memref_squeeze %dma_wait3A_288 : memref<1x!tpu.dma_semaphore, #tpu.memory_space<semaphore_mem>> -> memref<!tpu.dma_semaphore, #tpu.memory_space<semaphore_mem>>
    tpu.wait_indirect_dma semaphore(%dma_wait3A_289 : memref<!tpu.dma_semaphore, #tpu.memory_space<semaphore_mem>>) src(%dma_wait3A_281 : memref<128x64xf32, #tpu.memory_space<vmem>>) dst(%dma_wait3A_287 : memref<10240x64xf32, #tpu.memory_space<vmem_shared>>)
    %dma_wait3A_290 = arith.constant 2 : i32
    %dma_wait3A_291 = arith.constant 158 : i32
    %dma_wait3A_292 = arith.constant 2 : i32
    %dma_wait3A_293 = arith.constant 0 : i32
    %dma_wait3A_294 = arith.constant 0 : i32
    %dma_wait3A_295 = tpu.memref_slice %arg9[%dma_wait3A_290, %dma_wait3A_293, %dma_wait3A_294] : memref<4x128x64xf32, #tpu.memory_space<vmem>> -> memref<1x128x64xf32, #tpu.memory_space<vmem>>
    %dma_wait3A_296 = tpu.memref_squeeze %dma_wait3A_295 : memref<1x128x64xf32, #tpu.memory_space<vmem>> -> memref<128x64xf32, #tpu.memory_space<vmem>>
    %dma_wait3A_297 = arith.constant 0 : i32
    %dma_wait3A_298 = tpu.memref_slice %arg8[%dma_wait3A_291, %dma_wait3A_297] : memref<160x128xi32, #tpu.memory_space<vmem>> -> memref<1x128xi32, #tpu.memory_space<vmem>>
    %dma_wait3A_299 = tpu.memref_squeeze %dma_wait3A_298 : memref<1x128xi32, #tpu.memory_space<vmem>> -> memref<128xi32, #tpu.memory_space<vmem>>
    %dma_wait3A_300 = arith.constant 0 : i32
    %dma_wait3A_301 = arith.constant 0 : i32
    %dma_wait3A_302 = tpu.memref_slice %arg10[%dma_wait3A_300, %dma_wait3A_301] : memref<10240x64xf32, #tpu.memory_space<vmem_shared>> -> memref<10240x64xf32, #tpu.memory_space<vmem_shared>>
    %dma_wait3A_303 = tpu.memref_slice %arg12[%dma_wait3A_292] : memref<4x!tpu.dma_semaphore, #tpu.memory_space<semaphore_mem>> -> memref<1x!tpu.dma_semaphore, #tpu.memory_space<semaphore_mem>>
    %dma_wait3A_304 = tpu.memref_squeeze %dma_wait3A_303 : memref<1x!tpu.dma_semaphore, #tpu.memory_space<semaphore_mem>> -> memref<!tpu.dma_semaphore, #tpu.memory_space<semaphore_mem>>
    tpu.wait_indirect_dma semaphore(%dma_wait3A_304 : memref<!tpu.dma_semaphore, #tpu.memory_space<semaphore_mem>>) src(%dma_wait3A_296 : memref<128x64xf32, #tpu.memory_space<vmem>>) dst(%dma_wait3A_302 : memref<10240x64xf32, #tpu.memory_space<vmem_shared>>)
    %dma_wait3A_305 = arith.constant 3 : i32
    %dma_wait3A_306 = arith.constant 159 : i32
    %dma_wait3A_307 = arith.constant 3 : i32
    %dma_wait3A_308 = arith.constant 0 : i32
    %dma_wait3A_309 = arith.constant 0 : i32
    %dma_wait3A_310 = tpu.memref_slice %arg9[%dma_wait3A_305, %dma_wait3A_308, %dma_wait3A_309] : memref<4x128x64xf32, #tpu.memory_space<vmem>> -> memref<1x128x64xf32, #tpu.memory_space<vmem>>
    %dma_wait3A_311 = tpu.memref_squeeze %dma_wait3A_310 : memref<1x128x64xf32, #tpu.memory_space<vmem>> -> memref<128x64xf32, #tpu.memory_space<vmem>>
    %dma_wait3A_312 = arith.constant 0 : i32
    %dma_wait3A_313 = tpu.memref_slice %arg8[%dma_wait3A_306, %dma_wait3A_312] : memref<160x128xi32, #tpu.memory_space<vmem>> -> memref<1x128xi32, #tpu.memory_space<vmem>>
    %dma_wait3A_314 = tpu.memref_squeeze %dma_wait3A_313 : memref<1x128xi32, #tpu.memory_space<vmem>> -> memref<128xi32, #tpu.memory_space<vmem>>
    %dma_wait3A_315 = arith.constant 0 : i32
    %dma_wait3A_316 = arith.constant 0 : i32
    %dma_wait3A_317 = tpu.memref_slice %arg10[%dma_wait3A_315, %dma_wait3A_316] : memref<10240x64xf32, #tpu.memory_space<vmem_shared>> -> memref<10240x64xf32, #tpu.memory_space<vmem_shared>>
    %dma_wait3A_318 = tpu.memref_slice %arg12[%dma_wait3A_307] : memref<4x!tpu.dma_semaphore, #tpu.memory_space<semaphore_mem>> -> memref<1x!tpu.dma_semaphore, #tpu.memory_space<semaphore_mem>>
    %dma_wait3A_319 = tpu.memref_squeeze %dma_wait3A_318 : memref<1x!tpu.dma_semaphore, #tpu.memory_space<semaphore_mem>> -> memref<!tpu.dma_semaphore, #tpu.memory_space<semaphore_mem>>
    tpu.wait_indirect_dma semaphore(%dma_wait3A_319 : memref<!tpu.dma_semaphore, #tpu.memory_space<semaphore_mem>>) src(%dma_wait3A_311 : memref<128x64xf32, #tpu.memory_space<vmem>>) dst(%dma_wait3A_317 : memref<10240x64xf32, #tpu.memory_space<vmem_shared>>)
    %convert_element_type3A_320 = arith.extui %eq3A_1 : i1 to i32
    %cond3A_321 = arith.constant 0 : i32
    %cond3A_322 = arith.cmpi ne, %convert_element_type3A_320, %cond3A_321 : i32
    scf.if %cond3A_322 {
      %scan3A_331 = arith.constant 0 : i32
      %scan3A_332 = arith.constant 160 : i32
      %scan3A_333 = arith.addi %scan3A_331, %scan3A_332 : i32
      %scan3A_334 = arith.constant 1 : i32
      scf.for %scan3A_336 = %scan3A_331 to %scan3A_333 step %scan3A_334  : i32 {
        %mul3A_337 = arith.constant 1 : i32
        %mul3A_338 = arith.muli %scan3A_336, %mul3A_337 : i32
        %add3A_339 = arith.constant 0 : i32
        %add3A_340 = arith.addi %add3A_339, %mul3A_338 : i32
        %dma_wait3A_341 = arith.constant 0 : i32
        %dma_wait3A_342 = arith.constant 0 : i32
        %dma_wait3A_343 = tpu.memref_slice %arg8[%dma_wait3A_341, %dma_wait3A_342] : memref<160x128xi32, #tpu.memory_space<vmem>> -> memref<1x128xi32, #tpu.memory_space<vmem>>
        %dma_wait3A_344 = tpu.memref_squeeze %dma_wait3A_343 : memref<1x128xi32, #tpu.memory_space<vmem>> -> memref<128xi32, #tpu.memory_space<vmem>>
        %dma_wait3A_345 = arith.constant 0 : i32
        %dma_wait3A_346 = arith.constant 0 : i32
        %dma_wait3A_347 = tpu.memref_slice %arg14[%dma_wait3A_345, %dma_wait3A_346] : memref<10240x16xf32, #tpu.memory_space<vmem_shared>> -> memref<10240x16xf32, #tpu.memory_space<vmem_shared>>
        tpu.wait_indirect_dma semaphore(%arg15 : memref<!tpu.dma_semaphore, #tpu.memory_space<semaphore_mem>>) src(%arg13 : memref<128x16xf32, #tpu.memory_space<vmem>>) dst(%dma_wait3A_347 : memref<10240x16xf32, #tpu.memory_space<vmem_shared>>)
      }
      %scan3A_335 = arith.constant 160 : i32
    } else {
    }
    %barrier3A_323 = arith.constant 0 : index
    tpu.barrier barrier_id(%barrier3A_323)
    %mul3A_324 = arith.constant 640 : i32
    %mul3A_325 = arith.muli %arg1, %mul3A_324 : i32
    %mul3A_326 = arith.constant 640 : i32
    %mul3A_327 = arith.muli %arg1, %mul3A_326 : i32
    "tpu.region"() ({
      %run_scoped3A_331 = tpu.sem_alloc : memref<!tpu.dma_semaphore, #tpu.memory_space<semaphore_mem>>
      %dma_start3A_332 = arith.constant 0 : i32
      %dma_start3A_333 = tpu.memref_slice %arg5[%arg0, %mul3A_327, %dma_start3A_332] : memref<2x10240x64xf32, #tpu.memory_space<hbm>> -> memref<1x640x64xf32, #tpu.memory_space<hbm>>
      %dma_start3A_334 = tpu.memref_squeeze %dma_start3A_333 : memref<1x640x64xf32, #tpu.memory_space<hbm>> -> memref<640x64xf32, #tpu.memory_space<hbm>>
      %dma_start3A_335 = arith.constant 0 : i32
      %dma_start3A_336 = tpu.memref_slice %arg10[%mul3A_325, %dma_start3A_335] : memref<10240x64xf32, #tpu.memory_space<vmem_shared>> -> memref<640x64xf32, #tpu.memory_space<vmem_shared>>
      tpu.enqueue_dma source(%dma_start3A_336 : memref<640x64xf32, #tpu.memory_space<vmem_shared>>) target(%dma_start3A_334 : memref<640x64xf32, #tpu.memory_space<hbm>>) target_semaphore(%run_scoped3A_331 : memref<!tpu.dma_semaphore, #tpu.memory_space<semaphore_mem>>)
      %dma_wait3A_337 = arith.constant 0 : i32
      %dma_wait3A_338 = tpu.memref_slice %arg5[%arg0, %mul3A_327, %dma_wait3A_337] : memref<2x10240x64xf32, #tpu.memory_space<hbm>> -> memref<1x640x64xf32, #tpu.memory_space<hbm>>
      %dma_wait3A_339 = tpu.memref_squeeze %dma_wait3A_338 : memref<1x640x64xf32, #tpu.memory_space<hbm>> -> memref<640x64xf32, #tpu.memory_space<hbm>>
      %dma_wait3A_340 = arith.constant 0 : i32
      %dma_wait3A_341 = tpu.memref_slice %arg10[%mul3A_325, %dma_wait3A_340] : memref<10240x64xf32, #tpu.memory_space<vmem_shared>> -> memref<640x64xf32, #tpu.memory_space<vmem_shared>>
      tpu.wait_dma2 semaphore(%run_scoped3A_331 : memref<!tpu.dma_semaphore, #tpu.memory_space<semaphore_mem>>) src(%dma_wait3A_341 : memref<640x64xf32, #tpu.memory_space<vmem_shared>>) dst(%dma_wait3A_339 : memref<640x64xf32, #tpu.memory_space<hbm>>)
      tpu.yield
    }) : () -> ()
    %convert_element_type3A_328 = arith.extui %eq3A_1 : i1 to i32
    %cond3A_329 = arith.constant 0 : i32
    %cond3A_330 = arith.cmpi ne, %convert_element_type3A_328, %cond3A_329 : i32
    scf.if %cond3A_330 {
      %mul3A_331 = arith.constant 640 : i32
      %mul3A_332 = arith.muli %arg1, %mul3A_331 : i32
      %mul3A_333 = arith.constant 640 : i32
      %mul3A_334 = arith.muli %arg1, %mul3A_333 : i32
      "tpu.region"() ({
        %run_scoped3A_335 = tpu.sem_alloc : memref<!tpu.dma_semaphore, #tpu.memory_space<semaphore_mem>>
        %dma_start3A_336 = arith.constant 0 : i32
        %dma_start3A_337 = tpu.memref_slice %arg6[%mul3A_334, %dma_start3A_336] : memref<10240x16xf32, #tpu.memory_space<hbm>> -> memref<640x16xf32, #tpu.memory_space<hbm>>
        %dma_start3A_338 = arith.constant 0 : i32
        %dma_start3A_339 = tpu.memref_slice %arg14[%mul3A_332, %dma_start3A_338] : memref<10240x16xf32, #tpu.memory_space<vmem_shared>> -> memref<640x16xf32, #tpu.memory_space<vmem_shared>>
        tpu.enqueue_dma source(%dma_start3A_339 : memref<640x16xf32, #tpu.memory_space<vmem_shared>>) target(%dma_start3A_337 : memref<640x16xf32, #tpu.memory_space<hbm>>) target_semaphore(%run_scoped3A_335 : memref<!tpu.dma_semaphore, #tpu.memory_space<semaphore_mem>>)
        %dma_wait3A_340 = arith.constant 0 : i32
        %dma_wait3A_341 = tpu.memref_slice %arg6[%mul3A_334, %dma_wait3A_340] : memref<10240x16xf32, #tpu.memory_space<hbm>> -> memref<640x16xf32, #tpu.memory_space<hbm>>
        %dma_wait3A_342 = arith.constant 0 : i32
        %dma_wait3A_343 = tpu.memref_slice %arg14[%mul3A_332, %dma_wait3A_342] : memref<10240x16xf32, #tpu.memory_space<vmem_shared>> -> memref<640x16xf32, #tpu.memory_space<vmem_shared>>
        tpu.wait_dma2 semaphore(%run_scoped3A_335 : memref<!tpu.dma_semaphore, #tpu.memory_space<semaphore_mem>>) src(%dma_wait3A_343 : memref<640x16xf32, #tpu.memory_space<vmem_shared>>) dst(%dma_wait3A_341 : memref<640x16xf32, #tpu.memory_space<hbm>>)
        tpu.yield
      }) : () -> ()
    } else {
    }
    return
  }
}

module attributes {stable_mosaic.version = 14 : i64} {
  func.func @_gin_body(%arg0: i32, %arg1: i32, %arg2: memref<2048x64xf32, #tpu.memory_space<vmem>>, %arg3: memref<2048x64xf32, #tpu.memory_space<vmem>>, %arg4: memref<2048x64xf32, #tpu.memory_space<vmem>>, %arg5: memref<2048x64xf32, #tpu.memory_space<vmem>>, %arg6: memref<128x128xf32, #tpu.memory_space<vmem>>, %arg7: memref<1x128xf32, #tpu.memory_space<vmem>>, %arg8: memref<128x128xf32, #tpu.memory_space<vmem>>, %arg9: memref<1x128xf32, #tpu.memory_space<vmem>>, %arg10: memref<2048x64xf32, #tpu.memory_space<vmem>>) attributes {dimension_semantics = [#tpu.dimension_semantics<arbitrary>, #tpu.dimension_semantics<arbitrary>], iteration_bounds = array<i64: 5, 2>, scalar_prefetch = 0 : i64, scratch_operands = 0 : i64, tpu.core_type = #tpu.core_type<tc>, window_params = [{transform_indices = @transform_0, window_bounds = array<i64: 2048, 64>}, {transform_indices = @transform_1, window_bounds = array<i64: 2048, 64>}, {transform_indices = @transform_2, window_bounds = array<i64: 2048, 64>}, {transform_indices = @transform_3, window_bounds = array<i64: 2048, 64>}, {pipeline_mode = #tpu.pipeline_mode<synchronous>, transform_indices = @transform_4, window_bounds = array<i64: 128, 128>}, {pipeline_mode = #tpu.pipeline_mode<synchronous>, transform_indices = @transform_5, window_bounds = array<i64: 1, 128>}, {pipeline_mode = #tpu.pipeline_mode<synchronous>, transform_indices = @transform_6, window_bounds = array<i64: 128, 128>}, {pipeline_mode = #tpu.pipeline_mode<synchronous>, transform_indices = @transform_7, window_bounds = array<i64: 1, 128>}, {transform_indices = @transform_8, window_bounds = array<i64: 2048, 64>}]} {
    %get3A = arith.constant 0 : index
    %get3A_0 = arith.constant 0 : index
    %get3A_1 = vector.load %arg2[%get3A, %get3A_0] : memref<2048x64xf32, #tpu.memory_space<vmem>>, vector<2048x64xf32>
    %get3A_2 = arith.constant 0 : index
    %get3A_3 = arith.constant 0 : index
    %get3A_4 = vector.load %arg4[%get3A_2, %get3A_3] : memref<2048x64xf32, #tpu.memory_space<vmem>>, vector<2048x64xf32>
    %add3A = arith.addf %get3A_1, %get3A_4 : vector<2048x64xf32>
    %get3A_5 = arith.constant 0 : index
    %get3A_6 = arith.constant 0 : index
    %get3A_7 = vector.load %arg3[%get3A_5, %get3A_6] : memref<2048x64xf32, #tpu.memory_space<vmem>>, vector<2048x64xf32>
    %get3A_8 = arith.constant 0 : index
    %get3A_9 = arith.constant 0 : index
    %get3A_10 = vector.load %arg5[%get3A_8, %get3A_9] : memref<2048x64xf32, #tpu.memory_space<vmem>>, vector<2048x64xf32>
    %add3A_11 = arith.addf %get3A_7, %get3A_10 : vector<2048x64xf32>
    %concatenate3A = tpu.concatenate %add3A, %add3A_11 in 1 : vector<2048x64xf32>, vector<2048x64xf32> -> vector<2048x128xf32>
    %get3A_12 = arith.constant 0 : index
    %get3A_13 = arith.constant 0 : index
    %get3A_14 = vector.load %arg6[%get3A_12, %get3A_13] : memref<128x128xf32, #tpu.memory_space<vmem>>, vector<128x128xf32>
    %dot_general3A = arith.constant dense<0.000000e+00> : vector<2048x128xf32>
    %dot_general3A_15 = tpu.matmul %concatenate3A, %get3A_14, %dot_general3A {dimension_numbers = #tpu.dot_dimension_numbers<[1], [0], [0], [1], [0, 0, 1, 1], [], []>, transpose_lhs_hint = false} : vector<2048x128xf32>, vector<128x128xf32>, vector<2048x128xf32> -> vector<2048x128xf32>
    %get3A_16 = arith.constant 0 : index
    %get3A_17 = arith.constant 0 : index
    %get3A_18 = vector.load %arg7[%get3A_16, %get3A_17] : memref<1x128xf32, #tpu.memory_space<vmem>>, vector<1x128xf32>
    %add3A_19 = vector.broadcast %get3A_18 : vector<1x128xf32> to vector<2048x128xf32>
    %add3A_20 = arith.addf %dot_general3A_15, %add3A_19 : vector<2048x128xf32>
    %max3A = arith.constant 0.000000e+00 : f32
    %max3A_21 = vector.broadcast %max3A : f32 to vector<2048x128xf32>
    %max3A_22 = arith.maximumf %add3A_20, %max3A_21 : vector<2048x128xf32>
    %get3A_23 = arith.constant 0 : index
    %get3A_24 = arith.constant 0 : index
    %get3A_25 = vector.load %arg8[%get3A_23, %get3A_24] : memref<128x128xf32, #tpu.memory_space<vmem>>, vector<128x128xf32>
    %dot_general3A_26 = arith.constant dense<0.000000e+00> : vector<2048x128xf32>
    %dot_general3A_27 = tpu.matmul %max3A_22, %get3A_25, %dot_general3A_26 {dimension_numbers = #tpu.dot_dimension_numbers<[1], [0], [0], [1], [0, 0, 1, 1], [], []>, transpose_lhs_hint = false} : vector<2048x128xf32>, vector<128x128xf32>, vector<2048x128xf32> -> vector<2048x128xf32>
    %get3A_28 = arith.constant 0 : index
    %get3A_29 = arith.constant 0 : index
    %get3A_30 = vector.load %arg9[%get3A_28, %get3A_29] : memref<1x128xf32, #tpu.memory_space<vmem>>, vector<1x128xf32>
    %add3A_31 = vector.broadcast %get3A_30 : vector<1x128xf32> to vector<2048x128xf32>
    %add3A_32 = arith.addf %dot_general3A_27, %add3A_31 : vector<2048x128xf32>
    %eq3A = arith.constant 0 : i32
    %eq3A_33 = arith.cmpi eq, %arg1, %eq3A : i32
    %slice3A = vector.extract_strided_slice %add3A_32 {offsets = [0, 0], sizes = [2048, 64], strides = [1, 1]} : vector<2048x128xf32> to vector<2048x64xf32>
    %slice3A_34 = vector.extract_strided_slice %add3A_32 {offsets = [0, 64], sizes = [2048, 64], strides = [1, 1]} : vector<2048x128xf32> to vector<2048x64xf32>
    %select_n3A = arith.select %eq3A_33, %slice3A, %slice3A_34 : vector<2048x64xf32>
    %swap3A = arith.constant 0 : index
    %swap3A_35 = arith.constant 0 : index
    %swap3A_36 = vector.load %arg10[%swap3A, %swap3A_35] : memref<2048x64xf32, #tpu.memory_space<vmem>>, vector<2048x64xf32>
    tpu.vector_store %arg10[%swap3A, %swap3A_35], %select_n3A {strides = array<i32>} : memref<2048x64xf32, #tpu.memory_space<vmem>>, vector<2048x64xf32>,
    return
  }
  func.func @transform_0(%arg0: i32, %arg1: i32) -> (i32, i32) {
    %c0_i32 = arith.constant 0 : i32
    %c0_i32_0 = arith.constant 0 : i32
    return %arg0, %c0_i32 : i32, i32
  }
  func.func @transform_1(%arg0: i32, %arg1: i32) -> (i32, i32) {
    %add3A = arith.constant 5 : i32
    %add3A_0 = arith.addi %add3A, %arg0 : i32
    %c0_i32 = arith.constant 0 : i32
    %c0_i32_1 = arith.constant 0 : i32
    return %add3A_0, %c0_i32 : i32, i32
  }
  func.func @transform_2(%arg0: i32, %arg1: i32) -> (i32, i32) {
    %c0_i32 = arith.constant 0 : i32
    %c0_i32_0 = arith.constant 0 : i32
    return %arg0, %c0_i32 : i32, i32
  }
  func.func @transform_3(%arg0: i32, %arg1: i32) -> (i32, i32) {
    %add3A = arith.constant 5 : i32
    %add3A_0 = arith.addi %add3A, %arg0 : i32
    %c0_i32 = arith.constant 0 : i32
    %c0_i32_1 = arith.constant 0 : i32
    return %add3A_0, %c0_i32 : i32, i32
  }
  func.func @transform_4(%arg0: i32, %arg1: i32) -> (i32, i32) {
    %c0_i32 = arith.constant 0 : i32
    %c0_i32_0 = arith.constant 0 : i32
    %c0_i32_1 = arith.constant 0 : i32
    return %c0_i32, %c0_i32_0 : i32, i32
  }
  func.func @transform_5(%arg0: i32, %arg1: i32) -> (i32, i32) {
    %c0_i32 = arith.constant 0 : i32
    %c0_i32_0 = arith.constant 0 : i32
    %c0_i32_1 = arith.constant 0 : i32
    return %c0_i32, %c0_i32_0 : i32, i32
  }
  func.func @transform_6(%arg0: i32, %arg1: i32) -> (i32, i32) {
    %c0_i32 = arith.constant 0 : i32
    %c0_i32_0 = arith.constant 0 : i32
    %c0_i32_1 = arith.constant 0 : i32
    return %c0_i32, %c0_i32_0 : i32, i32
  }
  func.func @transform_7(%arg0: i32, %arg1: i32) -> (i32, i32) {
    %c0_i32 = arith.constant 0 : i32
    %c0_i32_0 = arith.constant 0 : i32
    %c0_i32_1 = arith.constant 0 : i32
    return %c0_i32, %c0_i32_0 : i32, i32
  }
  func.func @transform_8(%arg0: i32, %arg1: i32) -> (i32, i32) {
    %mul3A = arith.constant 5 : i32
    %mul3A_0 = arith.muli %arg1, %mul3A : i32
    %add3A = arith.addi %mul3A_0, %arg0 : i32
    %c0_i32 = arith.constant 0 : i32
    %c0_i32_1 = arith.constant 0 : i32
    return %add3A, %c0_i32 : i32, i32
  }
}

module attributes {stable_mosaic.version = 14 : i64} {
  func.func @_sage_head_body(%arg0: i32, %arg1: memref<2048x64xf32, #tpu.memory_space<vmem>>, %arg2: memref<2048x64xf32, #tpu.memory_space<vmem>>, %arg3: memref<2048x64xf32, #tpu.memory_space<vmem>>, %arg4: memref<2048x64xf32, #tpu.memory_space<vmem>>, %arg5: memref<2048x16xf32, #tpu.memory_space<vmem>>, %arg6: memref<128x128xf32, #tpu.memory_space<vmem>>, %arg7: memref<128x128xf32, #tpu.memory_space<vmem>>, %arg8: memref<1x128xf32, #tpu.memory_space<vmem>>, %arg9: memref<128x128xf32, #tpu.memory_space<vmem>>, %arg10: memref<1x128xf32, #tpu.memory_space<vmem>>, %arg11: memref<128x1xf32, #tpu.memory_space<vmem>>, %arg12: memref<1x1xf32, #tpu.memory_space<vmem>>, %arg13: memref<1x1xf32, #tpu.memory_space<vmem>>, %arg14: memref<8x128xf32, #tpu.memory_space<vmem>>) attributes {dimension_semantics = [#tpu.dimension_semantics<arbitrary>], iteration_bounds = array<i64: 5>, scalar_prefetch = 0 : i64, scratch_operands = 1 : i64, tpu.core_type = #tpu.core_type<tc>, window_params = [{transform_indices = @transform_0, window_bounds = array<i64: 2048, 64>}, {transform_indices = @transform_1, window_bounds = array<i64: 2048, 64>}, {transform_indices = @transform_2, window_bounds = array<i64: 2048, 64>}, {transform_indices = @transform_3, window_bounds = array<i64: 2048, 64>}, {transform_indices = @transform_4, window_bounds = array<i64: 2048, 16>}, {pipeline_mode = #tpu.pipeline_mode<synchronous>, transform_indices = @transform_5, window_bounds = array<i64: 128, 128>}, {pipeline_mode = #tpu.pipeline_mode<synchronous>, transform_indices = @transform_6, window_bounds = array<i64: 128, 128>}, {pipeline_mode = #tpu.pipeline_mode<synchronous>, transform_indices = @transform_7, window_bounds = array<i64: 1, 128>}, {pipeline_mode = #tpu.pipeline_mode<synchronous>, transform_indices = @transform_8, window_bounds = array<i64: 128, 128>}, {pipeline_mode = #tpu.pipeline_mode<synchronous>, transform_indices = @transform_9, window_bounds = array<i64: 1, 128>}, {pipeline_mode = #tpu.pipeline_mode<synchronous>, transform_indices = @transform_10, window_bounds = array<i64: 128, 1>}, {pipeline_mode = #tpu.pipeline_mode<synchronous>, transform_indices = @transform_11, window_bounds = array<i64: 1, 1>}, {pipeline_mode = #tpu.pipeline_mode<synchronous>, transform_indices = @transform_12, window_bounds = array<i64: 1, 1>}]} {
    %get3A = arith.constant 0 : index
    %get3A_0 = arith.constant 0 : index
    %get3A_1 = vector.load %arg5[%get3A, %get3A_0] : memref<2048x16xf32, #tpu.memory_space<vmem>>, vector<2048x16xf32>
    %reduce_sum3A = arith.constant dense<0.000000e+00> : vector<2048xf32>
    %reduce_sum3A_2 = vector.multi_reduction <add>, %get3A_1, %reduce_sum3A [1] : vector<2048x16xf32> to vector<2048xf32>
    %broadcast_in_dim3A = vector.shape_cast %reduce_sum3A_2 : vector<2048xf32> to vector<2048x1xf32>
    %get3A_3 = arith.constant 0 : index
    %get3A_4 = arith.constant 0 : index
    %get3A_5 = vector.load %arg3[%get3A_3, %get3A_4] : memref<2048x64xf32, #tpu.memory_space<vmem>>, vector<2048x64xf32>
    %get3A_6 = arith.constant 0 : index
    %get3A_7 = arith.constant 0 : index
    %get3A_8 = vector.load %arg4[%get3A_6, %get3A_7] : memref<2048x64xf32, #tpu.memory_space<vmem>>, vector<2048x64xf32>
    %concatenate3A = tpu.concatenate %get3A_5, %get3A_8 in 1 : vector<2048x64xf32>, vector<2048x64xf32> -> vector<2048x128xf32>
    %max3A = arith.constant 1.000000e+00 : f32
    %max3A_9 = vector.broadcast %max3A : f32 to vector<2048x1xf32>
    %max3A_10 = arith.maximumf %broadcast_in_dim3A, %max3A_9 : vector<2048x1xf32>
    %div3A = vector.broadcast %max3A_10 : vector<2048x1xf32> to vector<2048x128xf32>
    %div3A_11 = arith.divf %concatenate3A, %div3A : vector<2048x128xf32>
    %get3A_12 = arith.constant 0 : index
    %get3A_13 = arith.constant 0 : index
    %get3A_14 = vector.load %arg1[%get3A_12, %get3A_13] : memref<2048x64xf32, #tpu.memory_space<vmem>>, vector<2048x64xf32>
    %get3A_15 = arith.constant 0 : index
    %get3A_16 = arith.constant 0 : index
    %get3A_17 = vector.load %arg2[%get3A_15, %get3A_16] : memref<2048x64xf32, #tpu.memory_space<vmem>>, vector<2048x64xf32>
    %concatenate3A_18 = tpu.concatenate %get3A_14, %get3A_17 in 1 : vector<2048x64xf32>, vector<2048x64xf32> -> vector<2048x128xf32>
    %get3A_19 = arith.constant 0 : index
    %get3A_20 = arith.constant 0 : index
    %get3A_21 = vector.load %arg6[%get3A_19, %get3A_20] : memref<128x128xf32, #tpu.memory_space<vmem>>, vector<128x128xf32>
    %dot_general3A = arith.constant dense<0.000000e+00> : vector<2048x128xf32>
    %dot_general3A_22 = tpu.matmul %concatenate3A_18, %get3A_21, %dot_general3A {dimension_numbers = #tpu.dot_dimension_numbers<[1], [0], [0], [1], [0, 0, 1, 1], [], []>, transpose_lhs_hint = false} : vector<2048x128xf32>, vector<128x128xf32>, vector<2048x128xf32> -> vector<2048x128xf32>
    %get3A_23 = arith.constant 0 : index
    %get3A_24 = arith.constant 0 : index
    %get3A_25 = vector.load %arg7[%get3A_23, %get3A_24] : memref<128x128xf32, #tpu.memory_space<vmem>>, vector<128x128xf32>
    %dot_general3A_26 = arith.constant dense<0.000000e+00> : vector<2048x128xf32>
    %dot_general3A_27 = tpu.matmul %div3A_11, %get3A_25, %dot_general3A_26 {dimension_numbers = #tpu.dot_dimension_numbers<[1], [0], [0], [1], [0, 0, 1, 1], [], []>, transpose_lhs_hint = false} : vector<2048x128xf32>, vector<128x128xf32>, vector<2048x128xf32> -> vector<2048x128xf32>
    %add3A = arith.addf %dot_general3A_22, %dot_general3A_27 : vector<2048x128xf32>
    %get3A_28 = arith.constant 0 : index
    %get3A_29 = arith.constant 0 : index
    %get3A_30 = vector.load %arg8[%get3A_28, %get3A_29] : memref<1x128xf32, #tpu.memory_space<vmem>>, vector<1x128xf32>
    %add3A_31 = vector.broadcast %get3A_30 : vector<1x128xf32> to vector<2048x128xf32>
    %add3A_32 = arith.addf %add3A, %add3A_31 : vector<2048x128xf32>
    %mul3A = arith.constant 2048 : i32
    %mul3A_33 = arith.muli %arg0, %mul3A : i32
    %iota3A = tpu.iota {dimensions = array<i32: 0>} : vector<2048x1xi32>
    %add3A_34 = vector.broadcast %mul3A_33 : i32 to vector<2048x1xi32>
    %add3A_35 = arith.addi %add3A_34, %iota3A : vector<2048x1xi32>
    %lt3A = arith.constant 10000 : i32
    %lt3A_36 = vector.broadcast %lt3A : i32 to vector<2048x1xi32>
    %lt3A_37 = arith.cmpi slt, %add3A_35, %lt3A_36 : vector<2048x1xi32>
    %jit3A = arith.constant 0xFF800000 : f32
    %broadcast_in_dim3A_38 = vector.shape_cast %lt3A_37 : vector<2048x1xi1> to vector<2048x1xi1>
    %broadcast_in_dim3A_39 = vector.broadcast %broadcast_in_dim3A_38 : vector<2048x1xi1> to vector<2048x128xi1>
    %broadcast_in_dim3A_40 = vector.broadcast %jit3A : f32 to vector<2048x128xf32>
    %select_n3A = arith.select %broadcast_in_dim3A_39, %add3A_32, %broadcast_in_dim3A_40 : vector<2048x128xi1>, vector<2048x128xf32>
    %reduce_max3A = arith.constant dense<0xFF800000> : vector<128xf32>
    %reduce_max3A_41 = vector.multi_reduction <maximumf>, %select_n3A, %reduce_max3A [0] : vector<2048x128xf32> to vector<128xf32>
    %broadcast_in_dim3A_42 = vector.shape_cast %reduce_max3A_41 : vector<128xf32> to vector<1x128xf32>
    %eq3A = arith.constant 0 : i32
    %eq3A_43 = arith.cmpi eq, %arg0, %eq3A : i32
    %convert_element_type3A = arith.extui %eq3A_43 : i1 to i32
    %cond3A = arith.constant 0 : i32
    %cond3A_44 = arith.cmpi ne, %convert_element_type3A, %cond3A : i32
    scf.if %cond3A_44 {
      %swap3A = arith.constant 0 : index
      %swap3A_54 = arith.constant 0 : index
      %swap3A_55 = vector.load %arg14[%swap3A, %swap3A_54] : memref<8x128xf32, #tpu.memory_space<vmem>>, vector<1x128xf32>
      tpu.vector_store %arg14[%swap3A, %swap3A_54], %broadcast_in_dim3A_42 {strides = array<i32>} : memref<8x128xf32, #tpu.memory_space<vmem>>, vector<1x128xf32>,
    } else {
    }
    %gt3A = arith.constant 0 : i32
    %gt3A_45 = arith.cmpi sgt, %arg0, %gt3A : i32
    %convert_element_type3A_46 = arith.extui %gt3A_45 : i1 to i32
    %cond3A_47 = arith.constant 0 : i32
    %cond3A_48 = arith.cmpi ne, %convert_element_type3A_46, %cond3A_47 : i32
    scf.if %cond3A_48 {
      %get3A_54 = arith.constant 0 : index
      %get3A_55 = arith.constant 0 : index
      %get3A_56 = vector.load %arg14[%get3A_54, %get3A_55] : memref<8x128xf32, #tpu.memory_space<vmem>>, vector<1x128xf32>
      %max3A_57 = arith.maximumf %get3A_56, %broadcast_in_dim3A_42 : vector<1x128xf32>
      %swap3A = arith.constant 0 : index
      %swap3A_58 = arith.constant 0 : index
      %swap3A_59 = vector.load %arg14[%swap3A, %swap3A_58] : memref<8x128xf32, #tpu.memory_space<vmem>>, vector<1x128xf32>
      tpu.vector_store %arg14[%swap3A, %swap3A_58], %max3A_57 {strides = array<i32>} : memref<8x128xf32, #tpu.memory_space<vmem>>, vector<1x128xf32>,
    } else {
    }
    %eq3A_49 = arith.constant 4 : i32
    %eq3A_50 = arith.cmpi eq, %arg0, %eq3A_49 : i32
    %convert_element_type3A_51 = arith.extui %eq3A_50 : i1 to i32
    %cond3A_52 = arith.constant 0 : i32
    %cond3A_53 = arith.cmpi ne, %convert_element_type3A_51, %cond3A_52 : i32
    scf.if %cond3A_53 {
      %get3A_54 = arith.constant 0 : index
      %get3A_55 = arith.constant 0 : index
      %get3A_56 = vector.load %arg14[%get3A_54, %get3A_55] : memref<8x128xf32, #tpu.memory_space<vmem>>, vector<1x128xf32>
      %get3A_57 = arith.constant 0 : index
      %get3A_58 = arith.constant 0 : index
      %get3A_59 = vector.load %arg9[%get3A_57, %get3A_58] : memref<128x128xf32, #tpu.memory_space<vmem>>, vector<128x128xf32>
      %dot_general3A_60 = arith.constant dense<0.000000e+00> : vector<1x128xf32>
      %dot_general3A_61 = tpu.matmul %get3A_56, %get3A_59, %dot_general3A_60 {dimension_numbers = #tpu.dot_dimension_numbers<[1], [0], [0], [1], [0, 0, 1, 1], [], []>, transpose_lhs_hint = false} : vector<1x128xf32>, vector<128x128xf32>, vector<1x128xf32> -> vector<1x128xf32>
      %get3A_62 = arith.constant 0 : index
      %get3A_63 = arith.constant 0 : index
      %get3A_64 = vector.load %arg10[%get3A_62, %get3A_63] : memref<1x128xf32, #tpu.memory_space<vmem>>, vector<1x128xf32>
      %add3A_65 = arith.addf %dot_general3A_61, %get3A_64 : vector<1x128xf32>
      %max3A_66 = arith.constant 0.000000e+00 : f32
      %max3A_67 = vector.broadcast %max3A_66 : f32 to vector<1x128xf32>
      %max3A_68 = arith.maximumf %add3A_65, %max3A_67 : vector<1x128xf32>
      %get3A_69 = arith.constant 0 : index
      %get3A_70 = arith.constant 0 : index
      %get3A_71 = vector.load %arg11[%get3A_69, %get3A_70] : memref<128x1xf32, #tpu.memory_space<vmem>>, vector<128x1xf32>
      %dot_general3A_72 = arith.constant dense<0.000000e+00> : vector<1x1xf32>
      %dot_general3A_73 = tpu.matmul %max3A_68, %get3A_71, %dot_general3A_72 {dimension_numbers = #tpu.dot_dimension_numbers<[1], [0], [0], [1], [0, 0, 1, 1], [], []>, transpose_lhs_hint = false} : vector<1x128xf32>, vector<128x1xf32>, vector<1x1xf32> -> vector<1x1xf32>
      %get3A_74 = arith.constant 0 : index
      %get3A_75 = arith.constant 0 : index
      %get3A_76 = vector.load %arg12[%get3A_74, %get3A_75] : memref<1x1xf32, #tpu.memory_space<vmem>>, vector<1x1xf32>
      %add3A_77 = arith.addf %dot_general3A_73, %get3A_76 : vector<1x1xf32>
      %swap3A = arith.constant 0 : index
      %swap3A_78 = arith.constant 0 : index
      %swap3A_79 = vector.load %arg13[%swap3A, %swap3A_78] : memref<1x1xf32, #tpu.memory_space<vmem>>, vector<1x1xf32>
      tpu.vector_store %arg13[%swap3A, %swap3A_78], %add3A_77 {strides = array<i32>} : memref<1x1xf32, #tpu.memory_space<vmem>>, vector<1x1xf32>,
    } else {
    }
    return
  }
  func.func @transform_0(%arg0: i32) -> (i32, i32) {
    %c0_i32 = arith.constant 0 : i32
    %c0_i32_0 = arith.constant 0 : i32
    return %arg0, %c0_i32 : i32, i32
  }
  func.func @transform_1(%arg0: i32) -> (i32, i32) {
    %add3A = arith.constant 5 : i32
    %add3A_0 = arith.addi %add3A, %arg0 : i32
    %c0_i32 = arith.constant 0 : i32
    %c0_i32_1 = arith.constant 0 : i32
    return %add3A_0, %c0_i32 : i32, i32
  }
  func.func @transform_2(%arg0: i32) -> (i32, i32) {
    %c0_i32 = arith.constant 0 : i32
    %c0_i32_0 = arith.constant 0 : i32
    return %arg0, %c0_i32 : i32, i32
  }
  func.func @transform_3(%arg0: i32) -> (i32, i32) {
    %add3A = arith.constant 5 : i32
    %add3A_0 = arith.addi %add3A, %arg0 : i32
    %c0_i32 = arith.constant 0 : i32
    %c0_i32_1 = arith.constant 0 : i32
    return %add3A_0, %c0_i32 : i32, i32
  }
  func.func @transform_4(%arg0: i32) -> (i32, i32) {
    %c0_i32 = arith.constant 0 : i32
    %c0_i32_0 = arith.constant 0 : i32
    return %arg0, %c0_i32 : i32, i32
  }
  func.func @transform_5(%arg0: i32) -> (i32, i32) {
    %c0_i32 = arith.constant 0 : i32
    %c0_i32_0 = arith.constant 0 : i32
    %c0_i32_1 = arith.constant 0 : i32
    return %c0_i32, %c0_i32_0 : i32, i32
  }
  func.func @transform_6(%arg0: i32) -> (i32, i32) {
    %c0_i32 = arith.constant 0 : i32
    %c0_i32_0 = arith.constant 0 : i32
    %c0_i32_1 = arith.constant 0 : i32
    return %c0_i32, %c0_i32_0 : i32, i32
  }
  func.func @transform_7(%arg0: i32) -> (i32, i32) {
    %c0_i32 = arith.constant 0 : i32
    %c0_i32_0 = arith.constant 0 : i32
    %c0_i32_1 = arith.constant 0 : i32
    return %c0_i32, %c0_i32_0 : i32, i32
  }
  func.func @transform_8(%arg0: i32) -> (i32, i32) {
    %c0_i32 = arith.constant 0 : i32
    %c0_i32_0 = arith.constant 0 : i32
    %c0_i32_1 = arith.constant 0 : i32
    return %c0_i32, %c0_i32_0 : i32, i32
  }
  func.func @transform_9(%arg0: i32) -> (i32, i32) {
    %c0_i32 = arith.constant 0 : i32
    %c0_i32_0 = arith.constant 0 : i32
    %c0_i32_1 = arith.constant 0 : i32
    return %c0_i32, %c0_i32_0 : i32, i32
  }
  func.func @transform_10(%arg0: i32) -> (i32, i32) {
    %c0_i32 = arith.constant 0 : i32
    %c0_i32_0 = arith.constant 0 : i32
    %c0_i32_1 = arith.constant 0 : i32
    return %c0_i32, %c0_i32_0 : i32, i32
  }
  func.func @transform_11(%arg0: i32) -> (i32, i32) {
    %c0_i32 = arith.constant 0 : i32
    %c0_i32_0 = arith.constant 0 : i32
    %c0_i32_1 = arith.constant 0 : i32
    return %c0_i32, %c0_i32_0 : i32, i32
  }
  func.func @transform_12(%arg0: i32) -> (i32, i32) {
    %c0_i32 = arith.constant 0 : i32
    %c0_i32_0 = arith.constant 0 : i32
    %c0_i32_1 = arith.constant 0 : i32
    return %c0_i32, %c0_i32_0 : i32, i32
  }
}

</mosaic_0001>

<sc_bundles>
// kernel: edge_agg.3.cloned.1.call-start
scs
__scs_entry_jumppad:
0x0: {  	(pc) =	sbr.rel $0x88, $3  }
0x1: {  	(tag) =	ssettag $0x0;
	lr =	simm.s32 $0x1  }
0x2: {  	[smem:$0x3F93] =	sst lr;
	_ =	strace $0xD0000000  }
0x3: {  	_ = 	snop  }
0x4: {  	_ = 	snop  }
0x5: {  	_ = 	snop  }
0x6: {  	_ = 	snop  }
0x7: {  	_ = 	snop  }
__scs_overlays_trampoline_lowered:
0x8: {  	[smem:$0x3FA2] =	sst s0  }
0x9: {  	[smem:$0x3FA3] =	sst s1  }
0xa: {  	[smem:$0x3FA4] =	sst s2  }
0xb: {  	[smem:$0x3FA5] =	sst s3  }
0xc: {  	[smem:$0x3FA6] =	sst s4  }
0xd: {  	[smem:$0x3FA7] =	sst s5  }
0xe: {  	[smem:$0x3FA8] =	sst s6  }
0xf: {  	[smem:$0x3FA9] =	sst s7  }
0x10: {  	[smem:$0x3FAA] =	sst s8  }
0x11: {  	[smem:$0x3FAB] =	sst s9;
	s0 =	simm.s32 @!p0 $0x0  }
0x12: {  	s1 =	sld [smem:$0x3F91];
	s0 =	simm.s32 @p0 $0x1  }
0x13: {  	[smem:$0x3FAC] =	sst s0;
	s0 =	simm.s32 @!p1 $0x0  }
0x14: {  	s2 =	sld [smem:$0x3F90];
	s0 =	simm.s32 @p1 $0x1  }
0x15: {  	[smem:$0x3FAD] =	sst s0;
	s0 =	simm.s32 @!p2 $0x0  }
0x16: {  	s3 =	sld [smem:$0x3FDB];
	s0 =	simm.s32 @p2 $0x1  }
0x17: {  	s4 =	simm.s32 $0x1BF5;
	[smem:$0x3FAF] =	sst s0  }
0x18: {  	s0 =	sld [smem:$0x3F92];
	_ =	swait.ge [sflag:s4], $0x0  }
0x19: {  	s7 =	sld [smem:$0x3F93]  }
0x1a: {  	s8 =	sadd.s32 $0xFFFFE003, lr  }
0x1b: {  	s9 =	sadd.s32 $0xFFFFFEF7, lr;
	s5 =	simm.s32 $0xFFFFFFFF;
	p2 =	slt.u32 s8, $0xFFFFF086  }
0x1c: {  	p1 =	slt.u32 s9, $0xF7A;
	s5 =	simm.s32 @!p2 $0x0  }
0x1d: {  	s5 =	simm.s32 @p1 $0x1;
	p0 =	seq.s32 s7, s2  }
0x1e: {  	s7 =	smul.u32 @!p0 $0xF7A, s2;
	p2 =	seq.s32 @!p0 s5, $0x0  }
0x1f: {  	s9 =	smul.u32 $0xF7A, s1;
	s8 =	simm.s32 @!p0 $0x1BF5;
	p2 =	por !p2, p0  }
0x20: {  	[sflag:s8] =	ssyncset.s32 @!p0 $0xFFFFF086;
	s6 =	sadd.s32 @!p0 s3, s7;
	s7 =	simm.s32 @!p0 $0x108  }
0x21: {  	s3 =	sadd.s32 s3, s9;
	s6 =	sadd.s32 @!p0 $0x88, s6;
	s7 =	simm.s32 @p2 $0x1082  }
0x22: {  	[simem:s7], [sflag:s8] =	dma.local @!p0 [hbm:s6], $0xF7A  }
0x23: {  	s9 =	sor.u32 $0xD0000000, s2;
	s6 =	simm.s32 $0x108;
	_ =	swait.ge @!p0 [sflag:s8], $0x0  }
0x24: {  	s3 =	sadd.s32 $0x88, s3;
	s6 =	simm.s32 @!p1 $0x1082;
	[sflag:s4] =	ssyncset.s32 $0xFFFFF086  }
0x25: {  	[simem:s6], [sflag:s4] =	dma.local [hbm:s3], $0xF7A  }
0x26: {  	[smem:$0x3F93] =	sst s1;
	(tag) =	ssettag s2;
	_ =	strace s9  }
0x27: {  	s1 =	sld [smem:$0x3FA3]  }
0x28: {  	s2 =	sld [smem:$0x3FA4]  }
0x29: {  	s4 =	sld [smem:$0x3FA6]  }
0x2a: {  	p0 =	seq.s32 s5, $0x0;
	s5 =	sld [smem:$0x3FA7]  }
0x2b: {  	s6 =	sld [smem:$0x3FA8]  }
0x2c: {  	s7 =	sld [smem:$0x3FA9]  }
0x2d: {  	s3 =	simm.s32 $0x108;
	s8 =	sld [smem:$0x3FAA]  }
0x2e: {  	s3 =	simm.s32 @!p0 $0x1082;
	s9 =	sld [smem:$0x3FAB]  }
0x2f: {  	lr =	sadd.s32 s0, s3;
	s0 =	sld [smem:$0x3FA2]  }
0x30: {  	s3 =	sld [smem:$0x3FA5]  }
0x31: {  	[smem:$0x3FAE] =	sst s10  }
0x32: {  	s10 =	sld [smem:$0x3FAC];
	_ =	sdelay $0x3  }
0x33: {  	p0 =	seq.s32 s10, $0x1;
	s10 =	sld [smem:$0x3FAE];
	_ =	sdelay $0x3  }
0x34: {  	[smem:$0x3FAE] =	sst s10  }
0x35: {  	s10 =	sld [smem:$0x3FAD];
	_ =	sdelay $0x3  }
0x36: {  	p1 =	seq.s32 s10, $0x1;
	s10 =	sld [smem:$0x3FAE];
	_ =	sdelay $0x3  }
0x37: {  	[smem:$0x3FAE] =	sst s10  }
0x38: {  	s10 =	sld [smem:$0x3FAF]  }
0x39: {  	_ = 	snop;
	(pc) =	sbr.ind lr, $3  }
0x3a: {  	_ = 	snop  }
0x3b: {  	_ = 	snop  }
0x3c: {  	p2 =	seq.s32 s10, $0x1;
	s10 =	sld [smem:$0x3FAE]  }
0x3d: {  	_ =	shalt  }
0x3e: {  	_ =	shalt  }
0x3f: {  	_ =	shalt  }
0x40: {  	_ =	shalt  }
0x41: {  	_ =	shalt  }
0x42: {  	_ =	shalt  }
0x43: {  	_ =	shalt  }
0x44: {  	_ =	shalt  }
0x45: {  	_ =	shalt  }
0x46: {  	_ =	shalt  }
0x47: {  	_ =	shalt  }
0x48: {  	_ =	shalt  }
0x49: {  	_ =	shalt  }
0x4a: {  	_ =	shalt  }
0x4b: {  	_ =	shalt  }
0x4c: {  	_ =	shalt  }
0x4d: {  	_ =	shalt  }
0x4e: {  	_ =	shalt  }
0x4f: {  	_ =	shalt  }
0x50: {  	_ =	shalt  }
0x51: {  	_ =	shalt  }
0x52: {  	_ =	shalt  }
0x53: {  	_ =	shalt  }
0x54: {  	_ =	shalt  }
0x55: {  	_ =	shalt  }
0x56: {  	_ =	shalt  }
0x57: {  	_ =	shalt  }
0x58: {  	_ =	shalt  }
0x59: {  	_ =	shalt  }
0x5a: {  	_ =	shalt  }
0x5b: {  	_ =	shalt  }
0x5c: {  	_ =	shalt  }
0x5d: {  	_ =	shalt  }
0x5e: {  	_ =	shalt  }
0x5f: {  	_ =	shalt  }
0x60: {  	_ =	shalt  }
0x61: {  	_ =	shalt  }
0x62: {  	_ =	shalt  }
0x63: {  	_ =	shalt  }
0x64: {  	_ =	shalt  }
0x65: {  	_ =	shalt  }
0x66: {  	_ =	shalt  }
0x67: {  	_ =	shalt  }
0x68: {  	_ =	shalt  }
0x69: {  	_ =	shalt  }
0x6a: {  	_ =	shalt  }
0x6b: {  	_ =	shalt  }
0x6c: {  	_ =	shalt  }
0x6d: {  	_ =	shalt  }
0x6e: {  	_ =	shalt  }
0x6f: {  	_ =	shalt  }
0x70: {  	_ =	shalt  }
0x71: {  	_ =	shalt  }
0x72: {  	_ =	shalt  }
0x73: {  	_ =	shalt  }
0x74: {  	_ =	shalt  }
0x75: {  	_ =	shalt  }
0x76: {  	_ =	shalt  }
0x77: {  	_ =	shalt  }
0x78: {  	_ =	shalt  }
0x79: {  	_ =	shalt  }
0x7a: {  	_ =	shalt  }
0x7b: {  	_ =	shalt  }
0x7c: {  	_ =	shalt  }
0x7d: {  	_ =	shalt  }
0x7e: {  	_ =	shalt  }
0x7f: {  	_ =	shalt  }
0x80: {  	_ =	shalt  }
0x81: {  	_ =	shalt  }
0x82: {  	_ =	shalt  }
0x83: {  	_ =	shalt  }
0x84: {  	_ =	shalt  }
0x85: {  	_ =	shalt  }
0x86: {  	_ =	shalt  }
0x87: {  	_ =	shalt  }
.Lfunc_end0:
.L_simem_size_0:
called_computation.2_lowered:
.L_overlay_start_0:
0x88: {  	s2 =	sld [smem:$0x3FD9]  }
0x89: {  	s3 =	sld [smem:$0x3FFE];
	_ =	sdelay $0x1  }
0x8a: {  	s1 =	srdreg.scid  }
0x8b: {  	s0 =	sand.u32 $0x1, s1  }
0x8c: {  	s16 =	sshll.u32 s0, $0xA;
	s2 =	sadd.s32 s3, s2  }
0x8d: {  	s2 =	sadd.s32 s2, s16  }
0x8e: {  	[smem:$0x3FBA] =	sst s2  }
0x8f: {  	_ = 	snop  }
0x90: {  	(tm) =	ssettm $0x1  }
0x91: {  	s17 =	sld [smem:$0x3FFB];
	_ =	sdelay $0x3  }
0x92: {  	_ =	strace s17  }
0x93: {  	s2 =	sld [smem:$0x3FFC];
	_ =	sdelay $0x3  }
0x94: {  	_ =	strace s2  }
0x95: {  	s2 =	sld [smem:$0x3FFD];
	_ =	sdelay $0x3  }
0x96: {  	_ =	strace s2  }
0x97: {  	_ =	strace $0x8FFFFFFF  }
0x98: {  	s18 =	sld [smem:$0x3FDB];
	_ =	sdelay $0x1  }
0x99: {  	s19 =	simm.s32 $_scs_section_size  }
0x9a: {  	s4 =	simm.s32 $_size__tile_overlayer_lowered;
	s5 =	simm.s32 $_tile_overlayer_lowered  }
0x9b: {  	s22 =	simm.s32 $0x1BFF;
	s21 =	sshll.u32 s5, $0x1;
	s2 =	sadd.s32 s19, s18  }
0x9c: {  	s6 =	simm.s32 $0x0;
	s20 =	sshll.u32 s4, $0x1;
	s4 =	sadd.s32 s21, s2  }
0x9d: {  	[timem:s6], [sflag:s22] =	dma.local [hbm:s4], s20  }
0x9e: {  	_ =	swait.ge [sflag:s22], s20  }
0x9f: {  	s3 =	ssub.s32 $0x0, s20;
	[sflag:s22] =	ssyncset.done $0x0  }
0xa0: {  	[sflag:s22] =	ssyncadd.s32 s3;
	_ =	sdelay $0x1  }
0xa1: {  	s23 =	simm.s32 $0x1B8B  }
0xa2: {  	_ =	swait.ge [sflag:s23], $0x1  }
0xa3: {  	[sflag:s23] =	ssyncset.done $0x0  }
0xa4: {  	s25 =	simm.s32 $0x1B8E;
	s24 =	sld [smem:$0x3FFE];
	[sflag:s23] =	ssyncadd.s32 $0xFFFFFFFF  }
0xa5: {  	s26 =	simm.s32 $execute0_lowered;
	[smem:$0x3FD2] =	sst s25  }
0xa6: {  	s4 =	sshll.u32 s26, $0x1;
	_ =	strace $0x8000004C;
	[dreg:$0x1] =	wrdreg $0xFFFFFFFF  }
0xa7: {  	s28 =	simm.s32 $_size_execute0_lowered;
	s2 =	sadd.s32 s2, s4;
	[dreg:$0x0] =	wrdreg $0x0  }
0xa8: {  	s4 =	sshll.u32 s28, $0x1;
	[dreg:$0x2] =	wrdreg s2  }
0xa9: {  	[dreg:$0x3] =	wrdreg s4  }
0xaa: {  	[dreg:$0x4] =	wrdreg $0xC0  }
0xab: {  	_ =	task [dreg:s6], $0x5FFFF  }
0xac: {  	[dreg:$0x1] =	wrdreg $0xFFFFFFFF  }
0xad: {  	[dreg:$0x0] =	wrdreg $0x60  }
0xae: {  	[dreg:$0x2] =	wrdreg s24  }
0xaf: {  	[dreg:$0x3] =	wrdreg $0x120000  }
0xb0: {  	[dreg:$0x4] =	wrdreg $0x9  }
0xb1: {  	_ =	task.clear_ibuf [dreg:s6], $0x5FFFF;
	_ =	strace $0x9000004C  }
0xb2: {  	s29 =	simm.s32 $0x9;
	_ =	strace $0x8000004E  }
0xb3: {  	_ =	swait.ge [sflag:s29], $0x1  }
0xb4: {  	[sflag:s29] =	ssyncadd.s32 $0xFFFFFFFF  }
0xb5: {  	_ =	strace $0x9000004E  }
0xb6: {  	_ =	sfence  }
0xb7: {  	s30 =	sld [smem:$0x0];
	_ =	sdelay $0x2  }
0xb8: {  	s31 =	sshll.u32 s1, $0xD;
	s1 =	sshrl.u32 s1, $0x2  }
0xb9: {  	s3 =	sand.u32 $0x4000, s31;
	s1 =	sadd.s32 s1, s30  }
0xba: {  	s0 =	sor.u32 s3, s0;
	s1 =	sshll.u32 s1, $0x11  }
0xbb: {  	s0 =	sor.u32 s1, s0  }
0xbc: {  	s0 =	sadd.s32 $0x8F2B, s0  }
0xbd: {  	[sflag:s0] =	ssyncadd.remote.s32 $0x1  }
0xbe: {  	_ =	sfence.sel $0xFFFF  }
0xbf: {  	[dreg:$0x0] =	wrdreg $0xFFFFFFFF;
	(pc) =	sbr.abs _section_cstart, $3  }
0xc0: {  	[dreg:$0x1] =	wrdreg $0xFFFFFFFF  }
0xc1: {  	_ =	task.clear_ibuf [dreg:s6], $0x2FFFF;
	_ =	strace $0x9FFFFFFF  }
0xc2: {  	(tm) =	ssettm $0x7FFFFFFF  }
0xc3: {  	_ =	shalt  }
tec
execute0_lowered:
.L_overlay_start_1:
0x0: {  	(tag) =	ssettag $0x1  }
0x1: {  	s0 =	srdreg.scid  }
0x2: {  	s9 =	stileid.u32;
	s5 =	rddreg [dreg:$0x0]  }
0x3: {  	s2 =	rddreg [dreg:$0x1];
	s3 =	simm.s32 $0x0;
	s14 =	simm.s32 $0x9  }
0x4: {  	s16 =	simm.s32 $0xA000;
	s17 =	simm.s32 $0x80;
	s18 =	simm.s32 $0xC000  }
0x5: {  	s20 =	simm.s32 $0xE000;
	s22 =	simm.s32 $0x10000;
	s23 =	simm.s32 $0x1  }
0x6: {  	s28 =	simm.s32 $0x5;
	s29 =	simm.s32 $0x6;
	s30 =	simm.s32 $0x7  }
0x7: {  	s31 =	simm.s32 $0x8;
	s19 =	simm.s32 $0x9F80;
	s4 =	smul.u32 $0xA00, s9  }
0x8: {  	s21 =	simm.s32 $0x0;
	s0 =	sand.u32 $0x1, s0;
	s7 =	smul.u32 $0xA000, s9  }
0x9: {  	[smem:$0x7FF] =	sst s3;
	s1 =	sshll.u32 s0, $0x4;
	s6 =	smul.u32 $0xA0000, s0  }
0xa: {  	_ =	strace $0x8000004D;
	s0 =	ssub.s32 $0x2, s0;
	s1 =	sor.u32 s9, s1  }
0xb: {  	s8 =	sadd.s32 s4, s5;
	s9 =	smul.u32 $0x28000, s9;
	s4 =	sadd.s32 $0x7600, s5  }
0xc: {  	s24 =	sshrl.u32 s0, $0x1;
	s1 =	smul.u32 $0xA00, s1;
	s6 =	sadd.s32 s7, s6  }
0xd: {  	s0 =	ssub.s32 s0, s24;
	s7 =	sadd.s32 s7, s2;
	s24 =	simm.s32 $0x2  }
0xe: {  	s6 =	sshrl.u32 s6, $0x3;
	s25 =	sshrl.u32 s9, $0x2;
	s13 =	smax.u32 s0, $0x1  }
0xf: {  	s1 =	sadd.s32 s1, s5;
	s12 =	sadd.s32 s6, s5;
	s26 =	sadd.s32 s25, s2  }
0x10: {  	s6 =	sadd.s32 $0x3AA00, s8;
	s25 =	simm.s32 $0x3;
	s5 =	sadd.s32 $0x44A00, s1  }
0x11: {  	s8 =	sadd.s32 $0x2000, s26;
	s9 =	sadd.s32 $0x4000, s26;
	s10 =	sadd.s32 $0x6000, s26  }
0x12: {  	v0 =	vimm.f32 $0.0e+00;
	s11 =	sadd.s32 $0x8000, s26;
	s12 =	sadd.s32 $0x58A00, s12;
	s26 =	simm.s32 $0x4  }
.LBB2_1:
0x13: {  	[tilespmem:s3], [sflag:$0x9] =	stream.linear.gather [hbm4b:s5+s3], $0x5000, $0x38;
	[tilespmem:$0x1C000] =	vst v63  }
0x14: {  	_ =	swait.ge [sflag:s14], $0x5000  }
0x15: {  	[sflag:s14] =	ssyncset.done $0x0  }
0x16: {  	s0 =	simm.s32 $0x5000;
	[sflag:s14] =	ssyncadd.s32 $0xFFFFB000  }
0x17: {  	[tilespmem:s0], [sflag:$0x9] =	stream.linear.gather [hbm4b:s6+s3], $0x5000, $0x38;
	[tilespmem:$0x1C000] =	vst v63  }
0x18: {  	_ =	swait.ge [sflag:s14], $0x5000  }
0x19: {  	[sflag:s14] =	ssyncset.done $0x0  }
0x1a: {  	s15 =	simm.s32 $0x100;
	s1 =	simm.s32 $0x0;
	[sflag:s14] =	ssyncadd.s32 $0xFFFFB000  }
.LBB2_2:
0x1b: {  	p0 =	sne.s32 s15, $0x7F00;
	[tilespmem:s1+$0xA030] =	vst v0;
	s0 =	smov.u32 s15;
	s15 =	sadd.s32 $0x100, s15  }
.Ltmp0:
0x1c: {  	[tilespmem:s1+$0xA020] =	vst v0;
	(pc) =	sbr.rel @p0 .LBB2_2-.Ltmp0, $3  }
0x1d: {  	[tilespmem:s1+$0xA000] =	vst v0  }
0x1e: {  	[tilespmem:s1+$0xA010] =	vst v0;
	_ =	sdelay $0x1  }
0x1f: {  	s1 =	sshra.s32 s0, $0x2  }
0x20: {  	[tilespmem:s1+$0xA030] =	vst v0  }
0x21: {  	[tilespmem:s1+$0xA020] =	vst v0  }
0x22: {  	[tilespmem:s1+$0xA000] =	vst v0  }
0x23: {  	[tilespmem:s1+$0xA010] =	vst v0  }
0x24: {  	[spmem:s7] =	stream.linear.scatter [tilespmem:s16], [sflag:$0x9], $0x2000, $0x38;
	[tilespmem:$0x1C000] =	vst v63  }
0x25: {  	_ =	swait.ge [sflag:s14], $0x2000  }
0x26: {  	[sflag:s14] =	ssyncset.done $0x0  }
0x27: {  	[sflag:s14] =	ssyncadd.s32 $0xFFFFE000  }
0x28: {  	[spmem:s8] =	stream.linear.scatter [tilespmem:s16], [sflag:$0x9], $0x2000, $0x38;
	[tilespmem:$0x1C000] =	vst v63  }
0x29: {  	_ =	swait.ge [sflag:s14], $0x2000  }
0x2a: {  	[sflag:s14] =	ssyncset.done $0x0  }
0x2b: {  	[sflag:s14] =	ssyncadd.s32 $0xFFFFE000  }
0x2c: {  	[spmem:s9] =	stream.linear.scatter [tilespmem:s16], [sflag:$0x9], $0x2000, $0x38;
	[tilespmem:$0x1C000] =	vst v63  }
0x2d: {  	_ =	swait.ge [sflag:s14], $0x2000  }
0x2e: {  	[sflag:s14] =	ssyncset.done $0x0  }
0x2f: {  	[sflag:s14] =	ssyncadd.s32 $0xFFFFE000  }
0x30: {  	[spmem:s10] =	stream.linear.scatter [tilespmem:s16], [sflag:$0x9], $0x2000, $0x38;
	[tilespmem:$0x1C000] =	vst v63  }
0x31: {  	_ =	swait.ge [sflag:s14], $0x2000  }
0x32: {  	[sflag:s14] =	ssyncset.done $0x0  }
0x33: {  	[sflag:s14] =	ssyncadd.s32 $0xFFFFE000  }
0x34: {  	[spmem:s11] =	stream.linear.scatter [tilespmem:s16], [sflag:$0x9], $0x2000, $0x38;
	[tilespmem:$0x1C000] =	vst v63  }
0x35: {  	_ =	swait.ge [sflag:s14], $0x2000  }
0x36: {  	[sflag:s14] =	ssyncset.done $0x0  }
0x37: {  	[sflag:s14] =	ssyncadd.s32 $0xFFFFE000  }
0x38: {  	s0 =	simm.s32 $0x0;
	[bflag:$0x0] =	sbarrier.arrive $0xFFFF  }
0x39: {  	[tilespmem:s16], [sflag:$0x1] =	stream.indirect.gather [hbm4b:s4+s17], $0x40, s0, s17, $0xb8;
	[tilespmem:$0x1C000] =	vst v63  }
0x3a: {  	_ = 	snop  }
0x3b: {  	[tilespmem:s18], [sflag:$0x2] =	stream.indirect.gather [hbm4b:s4+s17], $0x40, s17, s17, $0xb8;
	[tilespmem:$0x1C000] =	vst v63  }
0x3c: {  	s15 =	simm.s32 $0x100  }
0x3d: {  	[tilespmem:s20], [sflag:$0x3] =	stream.indirect.gather [hbm4b:s4+s17], $0x40, s15, s17, $0xb8;
	[tilespmem:$0x1C000] =	vst v63  }
0x3e: {  	s1 =	simm.s32 $0x180  }
0x3f: {  	[tilespmem:s22], [sflag:$0x4] =	stream.indirect.gather [hbm4b:s4+s17], $0x40, s1, s17, $0xb8;
	[tilespmem:$0x1C000] =	vst v63  }
0x40: {  	_ =	swait.ge [sflag:s23], $0x2000  }
0x41: {  	[sflag:s23] =	ssyncset.done $0x0  }
0x42: {  	s15 =	simm.s32 $0x5000;
	[sflag:s23] =	ssyncadd.s32 $0xFFFFE000  }
0x43: {  	[spmem:s2] =	stream.indirect.scatter.add.f32 [tilespmem:s16], [sflag:$0x5], $0x40, s15, s17, $0xb8;
	[tilespmem:$0x1C000] =	vst v63  }
0x44: {  	_ =	swait.ge [sflag:s24], $0x2000  }
0x45: {  	[sflag:s24] =	ssyncset.done $0x0  }
0x46: {  	s1 =	simm.s32 $0x5080;
	[sflag:s24] =	ssyncadd.s32 $0xFFFFE000  }
0x47: {  	[spmem:s2] =	stream.indirect.scatter.add.f32 [tilespmem:s18], [sflag:$0x6], $0x40, s1, s17, $0xb8;
	[tilespmem:$0x1C000] =	vst v63  }
0x48: {  	_ =	swait.ge [sflag:s25], $0x2000  }
0x49: {  	[sflag:s25] =	ssyncset.done $0x0  }
0x4a: {  	s15 =	simm.s32 $0x5100;
	[sflag:s25] =	ssyncadd.s32 $0xFFFFE000  }
0x4b: {  	[spmem:s2] =	stream.indirect.scatter.add.f32 [tilespmem:s20], [sflag:$0x7], $0x40, s15, s17, $0xb8;
	[tilespmem:$0x1C000] =	vst v63  }
0x4c: {  	_ =	swait.ge [sflag:s26], $0x2000  }
0x4d: {  	[sflag:s26] =	ssyncset.done $0x0  }
0x4e: {  	s1 =	simm.s32 $0x5180;
	[sflag:s26] =	ssyncadd.s32 $0xFFFFE000  }
0x4f: {  	[spmem:s2] =	stream.indirect.scatter.add.f32 [tilespmem:s22], [sflag:$0x8], $0x40, s1, s17, $0xb8;
	[tilespmem:$0x1C000] =	vst v63  }
0x50: {  	_ =	swait.ge [sflag:s28], $0x2000  }
0x51: {  	[sflag:s28] =	ssyncset.done $0x0  }
0x52: {  	s15 =	simm.s32 $0x200;
	[sflag:s28] =	ssyncadd.s32 $0xFFFFE000  }
0x53: {  	[tilespmem:s16], [sflag:$0x1] =	stream.indirect.gather [hbm4b:s4+s17], $0x40, s15, s17, $0xb8;
	[tilespmem:$0x1C000] =	vst v63  }
0x54: {  	_ =	swait.ge [sflag:s29], $0x2000  }
0x55: {  	[sflag:s29] =	ssyncset.done $0x0  }
0x56: {  	s1 =	simm.s32 $0x280;
	[sflag:s29] =	ssyncadd.s32 $0xFFFFE000  }
0x57: {  	[tilespmem:s18], [sflag:$0x2] =	stream.indirect.gather [hbm4b:s4+s17], $0x40, s1, s17, $0xb8;
	[tilespmem:$0x1C000] =	vst v63  }
0x58: {  	_ =	swait.ge [sflag:s30], $0x2000  }
0x59: {  	[sflag:s30] =	ssyncset.done $0x0  }
0x5a: {  	s15 =	simm.s32 $0x300;
	[sflag:s30] =	ssyncadd.s32 $0xFFFFE000  }
0x5b: {  	[tilespmem:s20], [sflag:$0x3] =	stream.indirect.gather [hbm4b:s4+s17], $0x40, s15, s17, $0xb8;
	[tilespmem:$0x1C000] =	vst v63  }
0x5c: {  	_ =	swait.ge [sflag:s31], $0x2000  }
0x5d: {  	[sflag:s31] =	ssyncset.done $0x0  }
0x5e: {  	s1 =	simm.s32 $0x800;
	s15 =	simm.s32 $0x380;
	[sflag:s31] =	ssyncadd.s32 $0xFFFFE000  }
.LBB2_4:
0x5f: {  	[tilespmem:s22], [sflag:$0x4] =	stream.indirect.gather [hbm4b:s4+s17], $0x40, s15, s17, $0xb8;
	[tilespmem:$0x1C000] =	vst v63  }
0x60: {  	s0 =	smov.u32 s1  }
0x61: {  	p0 =	sne.s32 s1, $0x13000;
	s1 =	sadd.s32 $0x800, s1;
	_ =	swait.ge [sflag:s23], $0x2000  }
0x62: {  	s15 =	sshra.s32 s0, $0x2;
	[sflag:s23] =	ssyncset.done $0x0  }
0x63: {  	s0 =	sadd.s32 $0x5000, s15;
	[sflag:s23] =	ssyncadd.s32 $0xFFFFE000  }
0x64: {  	[spmem:s2] =	stream.indirect.scatter.add.f32 [tilespmem:s16], [sflag:$0x5], $0x40, s0, s17, $0xb8;
	[tilespmem:$0x1C000] =	vst v63  }
0x65: {  	_ =	swait.ge [sflag:s24], $0x2000  }
0x66: {  	[sflag:s24] =	ssyncset.done $0x0  }
0x67: {  	s0 =	sadd.s32 $0x5080, s15;
	[sflag:s24] =	ssyncadd.s32 $0xFFFFE000  }
0x68: {  	[spmem:s2] =	stream.indirect.scatter.add.f32 [tilespmem:s18], [sflag:$0x6], $0x40, s0, s17, $0xb8;
	[tilespmem:$0x1C000] =	vst v63  }
0x69: {  	_ =	swait.ge [sflag:s25], $0x2000  }
0x6a: {  	[sflag:s25] =	ssyncset.done $0x0  }
0x6b: {  	s0 =	sadd.s32 $0x5100, s15;
	[sflag:s25] =	ssyncadd.s32 $0xFFFFE000  }
0x6c: {  	[spmem:s2] =	stream.indirect.scatter.add.f32 [tilespmem:s20], [sflag:$0x7], $0x40, s0, s17, $0xb8;
	[tilespmem:$0x1C000] =	vst v63  }
0x6d: {  	_ =	swait.ge [sflag:s26], $0x2000  }
0x6e: {  	[sflag:s26] =	ssyncset.done $0x0  }
0x6f: {  	s0 =	sadd.s32 $0x5180, s15;
	[sflag:s26] =	ssyncadd.s32 $0xFFFFE000  }
0x70: {  	[spmem:s2] =	stream.indirect.scatter.add.f32 [tilespmem:s22], [sflag:$0x8], $0x40, s0, s17, $0xb8;
	[tilespmem:$0x1C000] =	vst v63  }
0x71: {  	_ =	swait.ge [sflag:s28], $0x2000  }
0x72: {  	[sflag:s28] =	ssyncset.done $0x0  }
0x73: {  	s0 =	sadd.s32 $0x200, s15;
	[sflag:s28] =	ssyncadd.s32 $0xFFFFE000  }
0x74: {  	[tilespmem:s16], [sflag:$0x1] =	stream.indirect.gather [hbm4b:s4+s17], $0x40, s0, s17, $0xb8;
	[tilespmem:$0x1C000] =	vst v63  }
0x75: {  	_ =	swait.ge [sflag:s29], $0x2000  }
0x76: {  	[sflag:s29] =	ssyncset.done $0x0  }
0x77: {  	s0 =	sadd.s32 $0x280, s15;
	[sflag:s29] =	ssyncadd.s32 $0xFFFFE000  }
0x78: {  	[tilespmem:s18], [sflag:$0x2] =	stream.indirect.gather [hbm4b:s4+s17], $0x40, s0, s17, $0xb8;
	[tilespmem:$0x1C000] =	vst v63  }
0x79: {  	_ =	swait.ge [sflag:s30], $0x2000  }
0x7a: {  	[sflag:s30] =	ssyncset.done $0x0  }
.Ltmp1:
0x7b: {  	s0 =	sadd.s32 $0x300, s15;
	[sflag:s30] =	ssyncadd.s32 $0xFFFFE000;
	(pc) =	sbr.rel @p0 .LBB2_4-.Ltmp1, $4  }
0x7c: {  	[tilespmem:s20], [sflag:$0x3] =	stream.indirect.gather [hbm4b:s4+s17], $0x40, s0, s17, $0xb8;
	[tilespmem:$0x1C000] =	vst v63  }
0x7d: {  	_ =	swait.ge [sflag:s31], $0x2000  }
0x7e: {  	[sflag:s31] =	ssyncset.done $0x0  }
0x7f: {  	s15 =	sadd.s32 $0x380, s15;
	[sflag:s31] =	ssyncadd.s32 $0xFFFFE000  }
0x80: {  	[tilespmem:s22], [sflag:$0x4] =	stream.indirect.gather [hbm4b:s4+s17], $0x40, s15, s17, $0xb8;
	[tilespmem:$0x1C000] =	vst v63  }
0x81: {  	_ =	swait.ge [sflag:s23], $0x2000  }
0x82: {  	[sflag:s23] =	ssyncset.done $0x0  }
0x83: {  	s0 =	simm.s32 $0x9E00;
	[sflag:s23] =	ssyncadd.s32 $0xFFFFE000  }
0x84: {  	[spmem:s2] =	stream.indirect.scatter.add.f32 [tilespmem:s16], [sflag:$0x5], $0x40, s0, s17, $0xb8;
	[tilespmem:$0x1C000] =	vst v63  }
0x85: {  	_ =	swait.ge [sflag:s24], $0x2000  }
0x86: {  	[sflag:s24] =	ssyncset.done $0x0  }
0x87: {  	s15 =	simm.s32 $0x9E80;
	[sflag:s24] =	ssyncadd.s32 $0xFFFFE000  }
0x88: {  	[spmem:s2] =	stream.indirect.scatter.add.f32 [tilespmem:s18], [sflag:$0x6], $0x40, s15, s17, $0xb8;
	[tilespmem:$0x1C000] =	vst v63  }
0x89: {  	_ =	swait.ge [sflag:s25], $0x2000  }
0x8a: {  	[sflag:s25] =	ssyncset.done $0x0  }
0x8b: {  	s1 =	simm.s32 $0x9F00;
	[sflag:s25] =	ssyncadd.s32 $0xFFFFE000  }
0x8c: {  	[spmem:s2] =	stream.indirect.scatter.add.f32 [tilespmem:s20], [sflag:$0x7], $0x40, s1, s17, $0xb8;
	[tilespmem:$0x1C000] =	vst v63  }
0x8d: {  	_ =	swait.ge [sflag:s26], $0x2000  }
0x8e: {  	[sflag:s26] =	ssyncset.done $0x0  }
0x8f: {  	[sflag:s26] =	ssyncadd.s32 $0xFFFFE000  }
0x90: {  	[spmem:s2] =	stream.indirect.scatter.add.f32 [tilespmem:s22], [sflag:$0x8], $0x40, s19, s17, $0xb8;
	[tilespmem:$0x1C000] =	vst v63  }
0x91: {  	_ =	swait.ge [sflag:s28], $0x2000  }
0x92: {  	[sflag:s28] =	ssyncset.done $0x0  }
0x93: {  	[sflag:s28] =	ssyncadd.s32 $0xFFFFE000  }
0x94: {  	_ =	swait.ge [sflag:s29], $0x2000  }
0x95: {  	[sflag:s29] =	ssyncset.done $0x0  }
0x96: {  	[sflag:s29] =	ssyncadd.s32 $0xFFFFE000  }
0x97: {  	_ =	swait.ge [sflag:s30], $0x2000  }
0x98: {  	[sflag:s30] =	ssyncset.done $0x0  }
0x99: {  	[sflag:s30] =	ssyncadd.s32 $0xFFFFE000  }
0x9a: {  	s15 =	stileid.u32;
	_ =	swait.ge [sflag:s31], $0x2000  }
0x9b: {  	s21 =	sadd.s32 $0x1, s21;
	s0 =	sshll.u32 s15, $0x6;
	[sflag:s31] =	ssyncset.done $0x0  }
0x9c: {  	p0 =	sne.s32 s21, s13;
	s0 =	sor.u32 $0x1C09, s0;
	[sflag:s31] =	ssyncadd.s32 $0xFFFFE000  }
.Ltmp2:
0x9d: {  	s1 =	sshrl.u32 s7, $0x3;
	[bflag:$0x0] =	sbarrier.arrive $0xFFFF;
	(pc) =	sbr.rel @p0 .LBB2_1-.Ltmp2, $4  }
0x9e: {  	[hbm:s12], [sflag:s0] =	dma.local [spmem:s1], $0x1400  }
0x9f: {  	_ =	swait.ge [sflag:s14], $0x1400  }
0xa0: {  	[sflag:s14] =	ssyncset.done $0x0  }
0xa1: {  	[sflag:s14] =	ssyncadd.s32 $0xFFFFEC00  }
0xa2: {  	_ =	sfence.sel $0x180000  }
0xa3: {  	[bflag:$0x0] =	sbarrier.arrive $0xFFFF  }
0xa4: {  	_ =	strace $0x9000004D  }
0xa5: {  	s0 =	stileid.u32;
	[bflag:$0x2] =	sbarrier.arrive $0xFFFF  }
0xa6: {  	p0 =	sne.s32 s0, $0x0;
	s0 =	rddreg [dreg:$0x2]  }
0xa7: {  	s0 =	sadd.s32 @!p0 $0x100000, s0  }
0xa8: {  	[sflag:s0] =	ssyncadd.tile.s32 @!p0 $0x1;
	_ =	shalt  }
.Lfunc_end2:
_tile_overlayer_lowered:
.L_overlay_start_2:
0xa9: {  	(tag) =	ssettag $0x2  }
0xaa: {  	s0 =	rddreg [dreg:$0x0];
	s2 =	stileid.u32  }
0xab: {  	s1 =	rddreg [dreg:$0x1];
	p0 =	sne.s32 s2, $0x0  }
0xac: {  	s3 =	rddreg [dreg:$0x2];
	[bflag:$0x3] =	sbarrier.arrive $0xFFFF;
	s2 =	simm.s32 @!p0 $0x1C09  }
0xad: {  	[timem:s3], [sflag:s2] =	dma.local @!p0 [hbm:s0], s1  }
0xae: {  	s0 =	simm.s32 @!p0 $0x9  }
0xaf: {  	_ =	swait.ge @!p0 [sflag:s0], s1  }
0xb0: {  	s1 =	ssub.s32 @!p0 $0x0, s1;
	[sflag:s0] =	ssyncset.done @!p0 $0x0  }
0xb1: {  	[sflag:s0] =	ssyncadd.s32 @!p0 s1  }
0xb2: {  	[bflag:$0x3] =	sbarrier.arrive $0xFFFF  }
0xb3: {  	_ =	shalt  }

// kernel: edge_agg_deg.3.cloned.1.call-start
scs
__scs_entry_jumppad:
0x0: {  	(pc) =	sbr.rel $0x88, $3  }
0x1: {  	(tag) =	ssettag $0x0;
	lr =	simm.s32 $0x1  }
0x2: {  	[smem:$0x3F93] =	sst lr;
	_ =	strace $0xD0000000  }
0x3: {  	_ = 	snop  }
0x4: {  	_ = 	snop  }
0x5: {  	_ = 	snop  }
0x6: {  	_ = 	snop  }
0x7: {  	_ = 	snop  }
__scs_overlays_trampoline_lowered:
0x8: {  	[smem:$0x3FA2] =	sst s0  }
0x9: {  	[smem:$0x3FA3] =	sst s1  }
0xa: {  	[smem:$0x3FA4] =	sst s2  }
0xb: {  	[smem:$0x3FA5] =	sst s3  }
0xc: {  	[smem:$0x3FA6] =	sst s4  }
0xd: {  	[smem:$0x3FA7] =	sst s5  }
0xe: {  	[smem:$0x3FA8] =	sst s6  }
0xf: {  	[smem:$0x3FA9] =	sst s7  }
0x10: {  	[smem:$0x3FAA] =	sst s8  }
0x11: {  	[smem:$0x3FAB] =	sst s9;
	s0 =	simm.s32 @!p0 $0x0  }
0x12: {  	s1 =	sld [smem:$0x3F91];
	s0 =	simm.s32 @p0 $0x1  }
0x13: {  	[smem:$0x3FAC] =	sst s0;
	s0 =	simm.s32 @!p1 $0x0  }
0x14: {  	s2 =	sld [smem:$0x3F90];
	s0 =	simm.s32 @p1 $0x1  }
0x15: {  	[smem:$0x3FAD] =	sst s0;
	s0 =	simm.s32 @!p2 $0x0  }
0x16: {  	s3 =	sld [smem:$0x3FDB];
	s0 =	simm.s32 @p2 $0x1  }
0x17: {  	s4 =	simm.s32 $0x1BF5;
	[smem:$0x3FAF] =	sst s0  }
0x18: {  	s0 =	sld [smem:$0x3F92];
	_ =	swait.ge [sflag:s4], $0x0  }
0x19: {  	s7 =	sld [smem:$0x3F93]  }
0x1a: {  	s8 =	sadd.s32 $0xFFFFE003, lr  }
0x1b: {  	s9 =	sadd.s32 $0xFFFFFEF7, lr;
	s5 =	simm.s32 $0xFFFFFFFF;
	p2 =	slt.u32 s8, $0xFFFFF086  }
0x1c: {  	p1 =	slt.u32 s9, $0xF7A;
	s5 =	simm.s32 @!p2 $0x0  }
0x1d: {  	s5 =	simm.s32 @p1 $0x1;
	p0 =	seq.s32 s7, s2  }
0x1e: {  	s7 =	smul.u32 @!p0 $0xF7A, s2;
	p2 =	seq.s32 @!p0 s5, $0x0  }
0x1f: {  	s9 =	smul.u32 $0xF7A, s1;
	s8 =	simm.s32 @!p0 $0x1BF5;
	p2 =	por !p2, p0  }
0x20: {  	[sflag:s8] =	ssyncset.s32 @!p0 $0xFFFFF086;
	s6 =	sadd.s32 @!p0 s3, s7;
	s7 =	simm.s32 @!p0 $0x108  }
0x21: {  	s3 =	sadd.s32 s3, s9;
	s6 =	sadd.s32 @!p0 $0x88, s6;
	s7 =	simm.s32 @p2 $0x1082  }
0x22: {  	[simem:s7], [sflag:s8] =	dma.local @!p0 [hbm:s6], $0xF7A  }
0x23: {  	s9 =	sor.u32 $0xD0000000, s2;
	s6 =	simm.s32 $0x108;
	_ =	swait.ge @!p0 [sflag:s8], $0x0  }
0x24: {  	s3 =	sadd.s32 $0x88, s3;
	s6 =	simm.s32 @!p1 $0x1082;
	[sflag:s4] =	ssyncset.s32 $0xFFFFF086  }
0x25: {  	[simem:s6], [sflag:s4] =	dma.local [hbm:s3], $0xF7A  }
0x26: {  	[smem:$0x3F93] =	sst s1;
	(tag) =	ssettag s2;
	_ =	strace s9  }
0x27: {  	s1 =	sld [smem:$0x3FA3]  }
0x28: {  	s2 =	sld [smem:$0x3FA4]  }
0x29: {  	s4 =	sld [smem:$0x3FA6]  }
0x2a: {  	p0 =	seq.s32 s5, $0x0;
	s5 =	sld [smem:$0x3FA7]  }
0x2b: {  	s6 =	sld [smem:$0x3FA8]  }
0x2c: {  	s7 =	sld [smem:$0x3FA9]  }
0x2d: {  	s3 =	simm.s32 $0x108;
	s8 =	sld [smem:$0x3FAA]  }
0x2e: {  	s3 =	simm.s32 @!p0 $0x1082;
	s9 =	sld [smem:$0x3FAB]  }
0x2f: {  	lr =	sadd.s32 s0, s3;
	s0 =	sld [smem:$0x3FA2]  }
0x30: {  	s3 =	sld [smem:$0x3FA5]  }
0x31: {  	[smem:$0x3FAE] =	sst s10  }
0x32: {  	s10 =	sld [smem:$0x3FAC];
	_ =	sdelay $0x3  }
0x33: {  	p0 =	seq.s32 s10, $0x1;
	s10 =	sld [smem:$0x3FAE];
	_ =	sdelay $0x3  }
0x34: {  	[smem:$0x3FAE] =	sst s10  }
0x35: {  	s10 =	sld [smem:$0x3FAD];
	_ =	sdelay $0x3  }
0x36: {  	p1 =	seq.s32 s10, $0x1;
	s10 =	sld [smem:$0x3FAE];
	_ =	sdelay $0x3  }
0x37: {  	[smem:$0x3FAE] =	sst s10  }
0x38: {  	s10 =	sld [smem:$0x3FAF]  }
0x39: {  	_ = 	snop;
	(pc) =	sbr.ind lr, $3  }
0x3a: {  	_ = 	snop  }
0x3b: {  	_ = 	snop  }
0x3c: {  	p2 =	seq.s32 s10, $0x1;
	s10 =	sld [smem:$0x3FAE]  }
0x3d: {  	_ =	shalt  }
0x3e: {  	_ =	shalt  }
0x3f: {  	_ =	shalt  }
0x40: {  	_ =	shalt  }
0x41: {  	_ =	shalt  }
0x42: {  	_ =	shalt  }
0x43: {  	_ =	shalt  }
0x44: {  	_ =	shalt  }
0x45: {  	_ =	shalt  }
0x46: {  	_ =	shalt  }
0x47: {  	_ =	shalt  }
0x48: {  	_ =	shalt  }
0x49: {  	_ =	shalt  }
0x4a: {  	_ =	shalt  }
0x4b: {  	_ =	shalt  }
0x4c: {  	_ =	shalt  }
0x4d: {  	_ =	shalt  }
0x4e: {  	_ =	shalt  }
0x4f: {  	_ =	shalt  }
0x50: {  	_ =	shalt  }
0x51: {  	_ =	shalt  }
0x52: {  	_ =	shalt  }
0x53: {  	_ =	shalt  }
0x54: {  	_ =	shalt  }
0x55: {  	_ =	shalt  }
0x56: {  	_ =	shalt  }
0x57: {  	_ =	shalt  }
0x58: {  	_ =	shalt  }
0x59: {  	_ =	shalt  }
0x5a: {  	_ =	shalt  }
0x5b: {  	_ =	shalt  }
0x5c: {  	_ =	shalt  }
0x5d: {  	_ =	shalt  }
0x5e: {  	_ =	shalt  }
0x5f: {  	_ =	shalt  }
0x60: {  	_ =	shalt  }
0x61: {  	_ =	shalt  }
0x62: {  	_ =	shalt  }
0x63: {  	_ =	shalt  }
0x64: {  	_ =	shalt  }
0x65: {  	_ =	shalt  }
0x66: {  	_ =	shalt  }
0x67: {  	_ =	shalt  }
0x68: {  	_ =	shalt  }
0x69: {  	_ =	shalt  }
0x6a: {  	_ =	shalt  }
0x6b: {  	_ =	shalt  }
0x6c: {  	_ =	shalt  }
0x6d: {  	_ =	shalt  }
0x6e: {  	_ =	shalt  }
0x6f: {  	_ =	shalt  }
0x70: {  	_ =	shalt  }
0x71: {  	_ =	shalt  }
0x72: {  	_ =	shalt  }
0x73: {  	_ =	shalt  }
0x74: {  	_ =	shalt  }
0x75: {  	_ =	shalt  }
0x76: {  	_ =	shalt  }
0x77: {  	_ =	shalt  }
0x78: {  	_ =	shalt  }
0x79: {  	_ =	shalt  }
0x7a: {  	_ =	shalt  }
0x7b: {  	_ =	shalt  }
0x7c: {  	_ =	shalt  }
0x7d: {  	_ =	shalt  }
0x7e: {  	_ =	shalt  }
0x7f: {  	_ =	shalt  }
0x80: {  	_ =	shalt  }
0x81: {  	_ =	shalt  }
0x82: {  	_ =	shalt  }
0x83: {  	_ =	shalt  }
0x84: {  	_ =	shalt  }
0x85: {  	_ =	shalt  }
0x86: {  	_ =	shalt  }
0x87: {  	_ =	shalt  }
.Lfunc_end0:
.L_simem_size_0:
called_computation.1_lowered:
.L_overlay_start_0:
0x88: {  	s2 =	sld [smem:$0x3FD9]  }
0x89: {  	s3 =	sld [smem:$0x3FFE];
	_ =	sdelay $0x1  }
0x8a: {  	s1 =	srdreg.scid  }
0x8b: {  	s0 =	sand.u32 $0x1, s1  }
0x8c: {  	s16 =	sshll.u32 s0, $0xA;
	s2 =	sadd.s32 s3, s2  }
0x8d: {  	s2 =	sadd.s32 s2, s16  }
0x8e: {  	[smem:$0x3FBA] =	sst s2  }
0x8f: {  	_ = 	snop  }
0x90: {  	(tm) =	ssettm $0x1  }
0x91: {  	s17 =	sld [smem:$0x3FFB];
	_ =	sdelay $0x3  }
0x92: {  	_ =	strace s17  }
0x93: {  	s2 =	sld [smem:$0x3FFC];
	_ =	sdelay $0x3  }
0x94: {  	_ =	strace s2  }
0x95: {  	s2 =	sld [smem:$0x3FFD];
	_ =	sdelay $0x3  }
0x96: {  	_ =	strace s2  }
0x97: {  	_ =	strace $0x8FFFFFFF  }
0x98: {  	s18 =	sld [smem:$0x3FDB];
	_ =	sdelay $0x1  }
0x99: {  	s19 =	simm.s32 $_scs_section_size  }
0x9a: {  	s4 =	simm.s32 $_size__tile_overlayer_lowered;
	s5 =	simm.s32 $_tile_overlayer_lowered  }
0x9b: {  	s22 =	simm.s32 $0x1BFF;
	s21 =	sshll.u32 s5, $0x1;
	s2 =	sadd.s32 s19, s18  }
0x9c: {  	s6 =	simm.s32 $0x0;
	s20 =	sshll.u32 s4, $0x1;
	s4 =	sadd.s32 s21, s2  }
0x9d: {  	[timem:s6], [sflag:s22] =	dma.local [hbm:s4], s20  }
0x9e: {  	_ =	swait.ge [sflag:s22], s20  }
0x9f: {  	s3 =	ssub.s32 $0x0, s20;
	[sflag:s22] =	ssyncset.done $0x0  }
0xa0: {  	[sflag:s22] =	ssyncadd.s32 s3;
	_ =	sdelay $0x1  }
0xa1: {  	s23 =	simm.s32 $0x1B8B  }
0xa2: {  	_ =	swait.ge [sflag:s23], $0x1  }
0xa3: {  	[sflag:s23] =	ssyncset.done $0x0  }
0xa4: {  	s25 =	simm.s32 $0x1B8E;
	s24 =	sld [smem:$0x3FFE];
	[sflag:s23] =	ssyncadd.s32 $0xFFFFFFFF  }
0xa5: {  	s26 =	simm.s32 $execute0_lowered;
	[smem:$0x3FD2] =	sst s25  }
0xa6: {  	s4 =	sshll.u32 s26, $0x1;
	_ =	strace $0x80000049;
	[dreg:$0x1] =	wrdreg $0xFFFFFFFF  }
0xa7: {  	s28 =	simm.s32 $_size_execute0_lowered;
	s2 =	sadd.s32 s2, s4;
	[dreg:$0x0] =	wrdreg $0x0  }
0xa8: {  	s4 =	sshll.u32 s28, $0x1;
	[dreg:$0x2] =	wrdreg s2  }
0xa9: {  	[dreg:$0x3] =	wrdreg s4  }
0xaa: {  	[dreg:$0x4] =	wrdreg $0xC0  }
0xab: {  	_ =	task [dreg:s6], $0x5FFFF  }
0xac: {  	[dreg:$0x1] =	wrdreg $0xFFFFFFFF  }
0xad: {  	[dreg:$0x0] =	wrdreg $0x60  }
0xae: {  	[dreg:$0x2] =	wrdreg s24  }
0xaf: {  	[dreg:$0x3] =	wrdreg $0x120000  }
0xb0: {  	[dreg:$0x4] =	wrdreg $0x1C8000  }
0xb1: {  	[dreg:$0x5] =	wrdreg $0x9  }
0xb2: {  	_ =	task.clear_ibuf [dreg:s6], $0x6FFFF;
	_ =	strace $0x90000049  }
0xb3: {  	s29 =	simm.s32 $0x9;
	_ =	strace $0x8000004B  }
0xb4: {  	_ =	swait.ge [sflag:s29], $0x1  }
0xb5: {  	[sflag:s29] =	ssyncadd.s32 $0xFFFFFFFF  }
0xb6: {  	_ =	strace $0x9000004B  }
0xb7: {  	_ =	sfence  }
0xb8: {  	s30 =	sld [smem:$0x0];
	_ =	sdelay $0x2  }
0xb9: {  	s31 =	sshll.u32 s1, $0xD;
	s1 =	sshrl.u32 s1, $0x2  }
0xba: {  	s3 =	sand.u32 $0x4000, s31;
	s1 =	sadd.s32 s1, s30  }
0xbb: {  	s0 =	sor.u32 s3, s0;
	s1 =	sshll.u32 s1, $0x11  }
0xbc: {  	s0 =	sor.u32 s1, s0  }
0xbd: {  	s0 =	sadd.s32 $0x8F2B, s0  }
0xbe: {  	[sflag:s0] =	ssyncadd.remote.s32 $0x1  }
0xbf: {  	_ =	sfence.sel $0xFFFF  }
0xc0: {  	[dreg:$0x0] =	wrdreg $0xFFFFFFFF;
	(pc) =	sbr.abs _section_cstart, $3  }
0xc1: {  	[dreg:$0x1] =	wrdreg $0xFFFFFFFF  }
0xc2: {  	_ =	task.clear_ibuf [dreg:s6], $0x2FFFF;
	_ =	strace $0x9FFFFFFF  }
0xc3: {  	(tm) =	ssettm $0x7FFFFFFF  }
tec
execute0_lowered:
.L_overlay_start_1:
0x0: {  	(tag) =	ssettag $0x1  }
0x1: {  	s4 =	rddreg [dreg:$0x0]  }
0x2: {  	s0 =	srdreg.scid;
	s2 =	rddreg [dreg:$0x1]  }
0x3: {  	s13 =	stileid.u32;
	s3 =	rddreg [dreg:$0x2]  }
0x4: {  	s7 =	simm.s32 $0x0;
	s29 =	simm.s32 $0xE000;
	s5 =	smul.u32 $0xA00, s13  }
0x5: {  	s31 =	simm.s32 $0x10000;
	s28 =	simm.s32 $0x5;
	s6 =	smul.u32 $0xA000, s13  }
0x6: {  	s30 =	simm.s32 $0x6;
	s0 =	sand.u32 $0x1, s0;
	s9 =	smul.u32 $0x2800, s13  }
0x7: {  	[smem:$0x7FF] =	sst s7;
	s1 =	sshll.u32 s0, $0x4;
	s22 =	smul.u32 $0xA0000, s0  }
0x8: {  	_ =	strace $0x8000004A;
	s10 =	ssub.s32 $0x2, s0;
	p0 =	sne.s32 s0, $0x0  }
0x9: {  	s0 =	simm.s32 $0x8;
	s1 =	sor.u32 s13, s1;
	s8 =	sadd.s32 s5, s4  }
0xa: {  	s5 =	sadd.s32 $0x12A00, s4;
	s11 =	sshrl.u32 s9, $0x3;
	s12 =	sshrl.u32 s10, $0x1  }
0xb: {  	s13 =	smul.u32 $0x280, s13;
	s14 =	sadd.s32 s6, s2;
	s18 =	sadd.s32 s9, s3  }
0xc: {  	s1 =	smul.u32 $0xA00, s1;
	s7 =	sadd.s32 s6, s22;
	[dreg:$0xb] =	wrdreg s18  }
0xd: {  	s10 =	ssub.s32 s10, s12;
	s23 =	sadd.s32 $0x3AA00, s8;
	[dreg:$0x6] =	wrdreg s14  }
0xe: {  	s7 =	sshrl.u32 s7, $0x3;
	[dreg:$0x5] =	wrdreg s23;
	s24 =	sadd.s32 $0x80, s13  }
0xf: {  	s26 =	sadd.s32 $0x100, s13;
	s12 =	sadd.s32 $0x180, s13;
	s16 =	sadd.s32 $0x200, s13  }
0x10: {  	s1 =	sadd.s32 s1, s4;
	s7 =	sadd.s32 s7, s4;
	s4 =	sadd.s32 s11, s4  }
0x11: {  	s25 =	sshll.u32 s24, $0x6;
	s11 =	sshll.u32 s26, $0x6;
	s15 =	sshll.u32 s12, $0x6  }
0x12: {  	s17 =	sshll.u32 s16, $0x6;
	s19 =	sshll.u32 s26, $0x4;
	s26 =	smax.u32 s10, $0x1  }
0x13: {  	s20 =	sshll.u32 s12, $0x4;
	s1 =	sadd.s32 $0x44A00, s1;
	[dreg:$0x12] =	wrdreg s26  }
0x14: {  	s21 =	sshll.u32 s16, $0x4;
	s6 =	sadd.s32 s25, s2;
	[dreg:$0x4] =	wrdreg s1  }
0x15: {  	s10 =	simm.s32 $0xA;
	s22 =	sadd.s32 s20, s3;
	[dreg:$0x7] =	wrdreg s6  }
0x16: {  	s23 =	sadd.s32 s21, s3;
	s25 =	sadd.s32 $0x2600, s4;
	[dreg:$0xe] =	wrdreg s22  }
0x17: {  	s21 =	simm.s32 $0xC000;
	s4 =	simm.s32 $0x9;
	[dreg:$0xf] =	wrdreg s23  }
0x18: {  	s6 =	sadd.s32 s11, s2;
	s1 =	sshll.u32 s24, $0x4;
	[dreg:$0x11] =	wrdreg s25  }
0x19: {  	s24 =	sadd.s32 $0x58A00, s7;
	s23 =	simm.s32 $0xA000;
	[dreg:$0x8] =	wrdreg s6  }
.Ltmp0:
0x1a: {  	s6 =	sadd.s32 s15, s2;
	[dreg:$0x10] =	wrdreg s24;
	(pc) =	sbr.rel .LBB2_1-.Ltmp0, $4  }
0x1b: {  	s25 =	simm.s32 $0x80;
	s1 =	sadd.s32 s1, s3;
	[dreg:$0x9] =	wrdreg s6  }
0x1c: {  	s22 =	simm.s32 $0x3;
	s6 =	sadd.s32 s17, s2;
	[dreg:$0xc] =	wrdreg s1  }
0x1d: {  	v0 =	vimm.f32 $0.0e+00;
	vm0 =	vcmask $0x300;
	s7 =	simm.s32 $0x0;
	s1 =	sadd.s32 s19, s3;
	[dreg:$0xa] =	wrdreg s6  }
0x1e: {  	v1 =	vsel vm0, $0x3F800000, v0;
	s19 =	simm.s32 $0x7;
	[dreg:$0xd] =	wrdreg s1;
	s1 =	simm.s32 $0x1  }
.LBB2_13:
0x1f: {  	s6 =	stileid.u32;
	[bflag:$0x0] =	sbarrier.arrive $0xFFFF  }
0x20: {  	s10 =	simm.s32 $0xA;
	s6 =	sshll.u32 s6, $0x6;
	s14 =	rddreg [dreg:$0x6]  }
0x21: {  	s8 =	rddreg [dreg:$0x10];
	s6 =	sor.u32 $0x1C0A, s6;
	s7 =	sshrl.u32 s14, $0x3  }
0x22: {  	[hbm:s8], [sflag:s6] =	dma.local [spmem:s7], $0x1400  }
0x23: {  	_ =	swait.ge [sflag:s10], $0x1400  }
0x24: {  	[sflag:s10] =	ssyncset.done $0x0  }
0x25: {  	s7 =	rddreg [dreg:$0x13];
	[sflag:s10] =	ssyncadd.s32 $0xFFFFEC00  }
.LBB2_14:
0x26: {  	s7 =	sadd.s32 $0x1, s7;
	s6 =	rddreg [dreg:$0x12]  }
0x27: {  	p1 =	sne.s32 s7, s6  }
.Ltmp1:
0x28: {  	_ = 	snop;
	(pc) =	sbr.rel @!p1 .LBB2_15-.Ltmp1, $1  }
0x29: {  	_ =	sdelay $0x3  }
.LBB2_1:
0x2a: {  	[dreg:$0x13] =	wrdreg s7  }
0x2b: {  	s6 =	simm.s32 $0x0;
	s24 =	rddreg [dreg:$0x4]  }
0x2c: {  	[tilespmem:s6], [sflag:$0xA] =	stream.linear.gather [hbm4b:s24+s6], $0x5000, $0x38;
	[tilespmem:$0x1F000] =	vst v63  }
0x2d: {  	_ =	swait.ge [sflag:s10], $0x5000  }
0x2e: {  	[sflag:s10] =	ssyncset.done $0x0  }
0x2f: {  	s8 =	simm.s32 $0x5000;
	s26 =	rddreg [dreg:$0x5];
	[sflag:s10] =	ssyncadd.s32 $0xFFFFB000  }
0x30: {  	[tilespmem:s8], [sflag:$0xA] =	stream.linear.gather [hbm4b:s26+s6], $0x5000, $0x38;
	[tilespmem:$0x1F000] =	vst v63  }
0x31: {  	_ =	swait.ge [sflag:s10], $0x5000  }
0x32: {  	[sflag:s10] =	ssyncset.done $0x0  }
0x33: {  	s7 =	simm.s32 $0x0;
	s8 =	simm.s32 $0x100;
	[sflag:s10] =	ssyncadd.s32 $0xFFFFB000  }
.LBB2_2:
0x34: {  	p1 =	sne.s32 s8, $0x7F00;
	[tilespmem:s7+$0xA030] =	vst v0;
	s9 =	smov.u32 s8;
	s8 =	sadd.s32 $0x100, s8  }
.Ltmp2:
0x35: {  	[tilespmem:s7+$0xA020] =	vst v0;
	(pc) =	sbr.rel @p1 .LBB2_2-.Ltmp2, $3  }
0x36: {  	[tilespmem:s7+$0xA000] =	vst v0  }
0x37: {  	[tilespmem:s7+$0xA010] =	vst v0;
	_ =	sdelay $0x1  }
0x38: {  	s7 =	sshra.s32 s9, $0x2  }
0x39: {  	[tilespmem:s7+$0xA030] =	vst v0  }
0x3a: {  	[tilespmem:s7+$0xA020] =	vst v0  }
0x3b: {  	[tilespmem:s7+$0xA000] =	vst v0  }
0x3c: {  	[tilespmem:s7+$0xA010] =	vst v0  }
0x3d: {  	[spmem:s14] =	stream.linear.scatter [tilespmem:s23], [sflag:$0xA], $0x2000, $0x38;
	[tilespmem:$0x1F000] =	vst v63  }
0x3e: {  	_ =	swait.ge [sflag:s10], $0x2000  }
0x3f: {  	[sflag:s10] =	ssyncset.done $0x0  }
0x40: {  	s6 =	rddreg [dreg:$0x7];
	[sflag:s10] =	ssyncadd.s32 $0xFFFFE000  }
0x41: {  	[spmem:s6] =	stream.linear.scatter [tilespmem:s23], [sflag:$0xA], $0x2000, $0x38;
	[tilespmem:$0x1F000] =	vst v63  }
0x42: {  	_ =	swait.ge [sflag:s10], $0x2000  }
0x43: {  	[sflag:s10] =	ssyncset.done $0x0  }
0x44: {  	s20 =	rddreg [dreg:$0x8];
	[sflag:s10] =	ssyncadd.s32 $0xFFFFE000  }
0x45: {  	[spmem:s20] =	stream.linear.scatter [tilespmem:s23], [sflag:$0xA], $0x2000, $0x38;
	[tilespmem:$0x1F000] =	vst v63  }
0x46: {  	_ =	swait.ge [sflag:s10], $0x2000  }
0x47: {  	[sflag:s10] =	ssyncset.done $0x0  }
0x48: {  	s24 =	rddreg [dreg:$0x9];
	[sflag:s10] =	ssyncadd.s32 $0xFFFFE000  }
0x49: {  	[spmem:s24] =	stream.linear.scatter [tilespmem:s23], [sflag:$0xA], $0x2000, $0x38;
	[tilespmem:$0x1F000] =	vst v63  }
0x4a: {  	_ =	swait.ge [sflag:s10], $0x2000  }
0x4b: {  	[sflag:s10] =	ssyncset.done $0x0  }
0x4c: {  	s26 =	rddreg [dreg:$0xa];
	[sflag:s10] =	ssyncadd.s32 $0xFFFFE000  }
0x4d: {  	[spmem:s26] =	stream.linear.scatter [tilespmem:s23], [sflag:$0xA], $0x2000, $0x38;
	[tilespmem:$0x1F000] =	vst v63  }
0x4e: {  	_ =	swait.ge [sflag:s10], $0x2000  }
0x4f: {  	[sflag:s10] =	ssyncset.done $0x0  }
0x50: {  	s7 =	simm.s32 $0x40;
	s8 =	simm.s32 $0x0;
	[sflag:s10] =	ssyncadd.s32 $0xFFFFE000  }
.LBB2_4:
0x51: {  	p1 =	sne.s32 s7, $0x1FC0;
	[tilespmem:s8+$0x1C000] =	vst v0;
	s8 =	smov.u32 s7;
	s7 =	sadd.s32 $0x40, s7  }
.Ltmp3:
0x52: {  	(pc) =	sbr.rel @p1 .LBB2_4-.Ltmp3, $2  }
0x53: {  	_ =	sdelay $0x2  }
0x54: {  	s8 =	sshra.s32 s8, $0x2  }
0x55: {  	[tilespmem:s8+$0x1C000] =	vst v0;
	s6 =	rddreg [dreg:$0xb];
	s7 =	simm.s32 $0x1C000  }
0x56: {  	[spmem:s6] =	stream.linear.scatter [tilespmem:s7], [sflag:$0xA], $0x800, $0x38;
	[tilespmem:$0x1F000] =	vst v63  }
0x57: {  	_ =	swait.ge [sflag:s10], $0x800  }
0x58: {  	[sflag:s10] =	ssyncset.done $0x0  }
0x59: {  	s18 =	rddreg [dreg:$0xc];
	[sflag:s10] =	ssyncadd.s32 $0xFFFFF800  }
0x5a: {  	[spmem:s18] =	stream.linear.scatter [tilespmem:s7], [sflag:$0xA], $0x800, $0x38;
	[tilespmem:$0x1F000] =	vst v63  }
0x5b: {  	_ =	swait.ge [sflag:s10], $0x800  }
0x5c: {  	[sflag:s10] =	ssyncset.done $0x0  }
0x5d: {  	s20 =	rddreg [dreg:$0xd];
	[sflag:s10] =	ssyncadd.s32 $0xFFFFF800  }
0x5e: {  	[spmem:s20] =	stream.linear.scatter [tilespmem:s7], [sflag:$0xA], $0x800, $0x38;
	[tilespmem:$0x1F000] =	vst v63  }
0x5f: {  	_ =	swait.ge [sflag:s10], $0x800  }
0x60: {  	[sflag:s10] =	ssyncset.done $0x0  }
0x61: {  	s24 =	rddreg [dreg:$0xe];
	[sflag:s10] =	ssyncadd.s32 $0xFFFFF800  }
0x62: {  	[spmem:s24] =	stream.linear.scatter [tilespmem:s7], [sflag:$0xA], $0x800, $0x38;
	[tilespmem:$0x1F000] =	vst v63  }
0x63: {  	_ =	swait.ge [sflag:s10], $0x800  }
0x64: {  	[sflag:s10] =	ssyncset.done $0x0  }
0x65: {  	s26 =	rddreg [dreg:$0xf];
	[sflag:s10] =	ssyncadd.s32 $0xFFFFF800  }
0x66: {  	[spmem:s26] =	stream.linear.scatter [tilespmem:s7], [sflag:$0xA], $0x800, $0x38;
	[tilespmem:$0x1F000] =	vst v63  }
0x67: {  	_ =	swait.ge [sflag:s10], $0x800  }
0x68: {  	[sflag:s10] =	ssyncset.done $0x0  }
0x69: {  	s8 =	simm.s32 $0x0;
	s7 =	simm.s32 $0x40;
	[sflag:s10] =	ssyncadd.s32 $0xFFFFF800  }
.LBB2_6:
0x6a: {  	p1 =	sne.s32 s7, $0x1FC0;
	[tilespmem:s8+$0x1C000] =	vst v1;
	s8 =	smov.u32 s7;
	s7 =	sadd.s32 $0x40, s7  }
.Ltmp4:
0x6b: {  	(pc) =	sbr.rel @p1 .LBB2_6-.Ltmp4, $2  }
0x6c: {  	_ =	sdelay $0x2  }
0x6d: {  	s8 =	sshra.s32 s8, $0x2  }
0x6e: {  	[tilespmem:s8+$0x1C000] =	vst v1  }
0x6f: {  	s7 =	simm.s32 $0x0;
	[bflag:$0x0] =	sbarrier.arrive $0xFFFF  }
0x70: {  	[tilespmem:s23], [sflag:$0x1] =	stream.indirect.gather [hbm4b:s5+s25], $0x40, s7, s25, $0xb8;
	[tilespmem:$0x1F000] =	vst v63  }
0x71: {  	_ = 	snop  }
0x72: {  	[tilespmem:s21], [sflag:$0x2] =	stream.indirect.gather [hbm4b:s5+s25], $0x40, s25, s25, $0xb8;
	[tilespmem:$0x1F000] =	vst v63  }
0x73: {  	s6 =	simm.s32 $0x100  }
0x74: {  	[tilespmem:s29], [sflag:$0x3] =	stream.indirect.gather [hbm4b:s5+s25], $0x40, s6, s25, $0xb8;
	[tilespmem:$0x1F000] =	vst v63  }
0x75: {  	s12 =	simm.s32 $0x180  }
0x76: {  	[tilespmem:s31], [sflag:$0x4] =	stream.indirect.gather [hbm4b:s5+s25], $0x40, s12, s25, $0xb8;
	[tilespmem:$0x1F000] =	vst v63  }
0x77: {  	_ =	swait.ge [sflag:s1], $0x2000  }
0x78: {  	[sflag:s1] =	ssyncset.done $0x0  }
0x79: {  	s8 =	simm.s32 $0x5000;
	s11 =	simm.s32 @p0 $0x2;
	[sflag:s1] =	ssyncadd.s32 $0xFFFFE000  }
0x7a: {  	[spmem:s2] =	stream.indirect.scatter.add.f32 [tilespmem:s23], [sflag:$0x5], $0x40, s8, s25, $0xb8;
	[tilespmem:$0x1F000] =	vst v63  }
0x7b: {  	_ =	swait.ge @p0 [sflag:s11], $0x2000  }
0x7c: {  	s10 =	simm.s32 @p0 $0x80;
	[sflag:s11] =	ssyncset.done @p0 $0x0  }
0x7d: {  	s7 =	simm.s32 @p0 $0x5080;
	s12 =	simm.s32 @p0 $0xC000;
	[sflag:s11] =	ssyncadd.s32 @p0 $0xFFFFE000  }
0x7e: {  	[spmem:s2] =	stream.indirect.scatter.add.f32 @p0 [tilespmem:s12], [sflag:$0x6], $0x40, s7, s10, $0xb8;
	[tilespmem:$0x1F000] =	vst v63  }
0x7f: {  	s9 =	simm.s32 @!p0 $0x1C000;
	s14 =	simm.s32 @!p0 $0x2;
	s7 =	simm.s32 @!p0 $0x80  }
0x80: {  	[spmem:s3] =	stream.indirect.scatter.add.f32 @!p0 [tilespmem:s9], [sflag:$0x9], $0x10, s8, s7, $0xb8;
	[tilespmem:$0x1F000] =	vst v63  }
0x81: {  	_ =	swait.ge @!p0 [sflag:s14], $0x2000  }
0x82: {  	[sflag:s14] =	ssyncset.done @!p0 $0x0  }
0x83: {  	s16 =	simm.s32 @!p0 $0xC000;
	s8 =	simm.s32 @!p0 $0x5080;
	[sflag:s14] =	ssyncadd.s32 @!p0 $0xFFFFE000  }
0x84: {  	[spmem:s2] =	stream.indirect.scatter.add.f32 @!p0 [tilespmem:s16], [sflag:$0x6], $0x40, s8, s7, $0xb8;
	[tilespmem:$0x1F000] =	vst v63  }
0x85: {  	_ = 	snop  }
0x86: {  	[spmem:s3] =	stream.indirect.scatter.add.f32 @!p0 [tilespmem:s9], [sflag:$0x9], $0x10, s8, s7, $0xb8;
	[tilespmem:$0x1F000] =	vst v63  }
0x87: {  	_ =	swait.ge [sflag:s22], $0x2000  }
0x88: {  	[sflag:s22] =	ssyncset.done $0x0  }
0x89: {  	s15 =	simm.s32 @p0 $0x4;
	s8 =	simm.s32 $0x5100;
	[sflag:s22] =	ssyncadd.s32 $0xFFFFE000  }
0x8a: {  	[spmem:s2] =	stream.indirect.scatter.add.f32 [tilespmem:s29], [sflag:$0x7], $0x40, s8, s25, $0xb8;
	[tilespmem:$0x1F000] =	vst v63  }
0x8b: {  	_ =	swait.ge @p0 [sflag:s15], $0x2000  }
0x8c: {  	[sflag:s15] =	ssyncset.done @p0 $0x0  }
0x8d: {  	s13 =	simm.s32 @p0 $0x5180;
	s18 =	simm.s32 @p0 $0x10000;
	[sflag:s15] =	ssyncadd.s32 @p0 $0xFFFFE000  }
0x8e: {  	[spmem:s2] =	stream.indirect.scatter.add.f32 @p0 [tilespmem:s18], [sflag:$0x8], $0x40, s13, s10, $0xb8;
	[tilespmem:$0x1F000] =	vst v63  }
0x8f: {  	s17 =	simm.s32 @!p0 $0x4  }
0x90: {  	[spmem:s3] =	stream.indirect.scatter.add.f32 @!p0 [tilespmem:s9], [sflag:$0x9], $0x10, s8, s7, $0xb8;
	[tilespmem:$0x1F000] =	vst v63  }
0x91: {  	_ =	swait.ge @!p0 [sflag:s17], $0x2000  }
0x92: {  	[sflag:s17] =	ssyncset.done @!p0 $0x0  }
0x93: {  	s20 =	simm.s32 @!p0 $0x10000;
	s8 =	simm.s32 @!p0 $0x5180;
	[sflag:s17] =	ssyncadd.s32 @!p0 $0xFFFFE000  }
0x94: {  	[spmem:s2] =	stream.indirect.scatter.add.f32 @!p0 [tilespmem:s20], [sflag:$0x8], $0x40, s8, s7, $0xb8;
	[tilespmem:$0x1F000] =	vst v63  }
0x95: {  	_ = 	snop  }
0x96: {  	[spmem:s3] =	stream.indirect.scatter.add.f32 @!p0 [tilespmem:s9], [sflag:$0x9], $0x10, s8, s7, $0xb8;
	[tilespmem:$0x1F000] =	vst v63  }
0x97: {  	_ =	swait.ge [sflag:s28], $0x2000  }
0x98: {  	[sflag:s28] =	ssyncset.done $0x0  }
0x99: {  	s13 =	simm.s32 $0x200;
	[sflag:s28] =	ssyncadd.s32 $0xFFFFE000  }
0x9a: {  	[tilespmem:s23], [sflag:$0x1] =	stream.indirect.gather [hbm4b:s5+s25], $0x40, s13, s25, $0xb8;
	[tilespmem:$0x1F000] =	vst v63  }
0x9b: {  	_ =	swait.ge [sflag:s30], $0x2000  }
0x9c: {  	[sflag:s30] =	ssyncset.done $0x0  }
0x9d: {  	s24 =	simm.s32 $0x280;
	[sflag:s30] =	ssyncadd.s32 $0xFFFFE000  }
0x9e: {  	[tilespmem:s21], [sflag:$0x2] =	stream.indirect.gather [hbm4b:s5+s25], $0x40, s24, s25, $0xb8;
	[tilespmem:$0x1F000] =	vst v63  }
0x9f: {  	_ =	swait.ge [sflag:s19], $0x2000  }
0xa0: {  	[sflag:s19] =	ssyncset.done $0x0  }
0xa1: {  	s26 =	simm.s32 $0x300;
	[sflag:s19] =	ssyncadd.s32 $0xFFFFE000  }
0xa2: {  	[tilespmem:s29], [sflag:$0x3] =	stream.indirect.gather [hbm4b:s5+s25], $0x40, s26, s25, $0xb8;
	[tilespmem:$0x1F000] =	vst v63  }
0xa3: {  	_ =	swait.ge [sflag:s0], $0x2000  }
0xa4: {  	[sflag:s0] =	ssyncset.done $0x0  }
0xa5: {  	s8 =	simm.s32 $0x380;
	s13 =	simm.s32 $0x800;
	[sflag:s0] =	ssyncadd.s32 $0xFFFFE000  }
.LBB2_8:
0xa6: {  	[tilespmem:s31], [sflag:$0x4] =	stream.indirect.gather [hbm4b:s5+s25], $0x40, s8, s25, $0xb8;
	[tilespmem:$0x1F000] =	vst v63  }
0xa7: {  	s24 =	smov.u32 s13;
	s13 =	sadd.s32 $0x800, s13;
	_ =	swait.ge [sflag:s1], $0x2000  }
0xa8: {  	s8 =	sshra.s32 s24, $0x2;
	p1 =	sne.s32 s13, $0x13800;
	[sflag:s1] =	ssyncset.done $0x0  }
0xa9: {  	s6 =	sadd.s32 $0x5000, s8;
	[sflag:s1] =	ssyncadd.s32 $0xFFFFE000  }
0xaa: {  	[spmem:s2] =	stream.indirect.scatter.add.f32 [tilespmem:s23], [sflag:$0x5], $0x40, s6, s25, $0xb8;
	[tilespmem:$0x1F000] =	vst v63  }
0xab: {  	_ =	swait.ge @p0 [sflag:s11], $0x2000  }
0xac: {  	s21 =	sshra.s32 @p0 s24, $0x2;
	[sflag:s11] =	ssyncset.done @p0 $0x0  }
0xad: {  	s26 =	sadd.s32 @p0 $0x5080, s21;
	[sflag:s11] =	ssyncadd.s32 @p0 $0xFFFFE000  }
0xae: {  	[spmem:s2] =	stream.indirect.scatter.add.f32 @p0 [tilespmem:s12], [sflag:$0x6], $0x40, s26, s10, $0xb8;
	[tilespmem:$0x1F000] =	vst v63  }
0xaf: {  	_ = 	snop  }
0xb0: {  	[spmem:s3] =	stream.indirect.scatter.add.f32 @!p0 [tilespmem:s9], [sflag:$0x9], $0x10, s6, s7, $0xb8;
	[tilespmem:$0x1F000] =	vst v63  }
0xb1: {  	_ =	swait.ge @!p0 [sflag:s14], $0x2000  }
0xb2: {  	s6 =	sshra.s32 @!p0 s24, $0x2;
	[sflag:s14] =	ssyncset.done @!p0 $0x0  }
0xb3: {  	s24 =	sadd.s32 @!p0 $0x5080, s6;
	[sflag:s14] =	ssyncadd.s32 @!p0 $0xFFFFE000  }
0xb4: {  	[spmem:s2] =	stream.indirect.scatter.add.f32 @!p0 [tilespmem:s16], [sflag:$0x6], $0x40, s24, s7, $0xb8;
	[tilespmem:$0x1F000] =	vst v63  }
0xb5: {  	_ = 	snop  }
0xb6: {  	[spmem:s3] =	stream.indirect.scatter.add.f32 @!p0 [tilespmem:s9], [sflag:$0x9], $0x10, s24, s7, $0xb8;
	[tilespmem:$0x1F000] =	vst v63  }
0xb7: {  	_ =	swait.ge [sflag:s22], $0x2000  }
0xb8: {  	[sflag:s22] =	ssyncset.done $0x0  }
0xb9: {  	s24 =	sadd.s32 $0x5100, s8;
	[sflag:s22] =	ssyncadd.s32 $0xFFFFE000  }
0xba: {  	[spmem:s2] =	stream.indirect.scatter.add.f32 [tilespmem:s29], [sflag:$0x7], $0x40, s24, s25, $0xb8;
	[tilespmem:$0x1F000] =	vst v63  }
0xbb: {  	_ =	swait.ge @p0 [sflag:s15], $0x2000  }
0xbc: {  	[sflag:s15] =	ssyncset.done @p0 $0x0  }
0xbd: {  	s21 =	sadd.s32 @p0 $0x5180, s21;
	[sflag:s15] =	ssyncadd.s32 @p0 $0xFFFFE000  }
0xbe: {  	[spmem:s2] =	stream.indirect.scatter.add.f32 @p0 [tilespmem:s18], [sflag:$0x8], $0x40, s21, s10, $0xb8;
	[tilespmem:$0x1F000] =	vst v63  }
0xbf: {  	s21 =	simm.s32 $0xC000;
	_ =	sdelay $0x1  }
0xc0: {  	[spmem:s3] =	stream.indirect.scatter.add.f32 @!p0 [tilespmem:s9], [sflag:$0x9], $0x10, s24, s7, $0xb8;
	[tilespmem:$0x1F000] =	vst v63  }
0xc1: {  	_ =	swait.ge @!p0 [sflag:s17], $0x2000  }
0xc2: {  	[sflag:s17] =	ssyncset.done @!p0 $0x0  }
0xc3: {  	s6 =	sadd.s32 @!p0 $0x5180, s6;
	[sflag:s17] =	ssyncadd.s32 @!p0 $0xFFFFE000  }
0xc4: {  	[spmem:s2] =	stream.indirect.scatter.add.f32 @!p0 [tilespmem:s20], [sflag:$0x8], $0x40, s6, s7, $0xb8;
	[tilespmem:$0x1F000] =	vst v63  }
0xc5: {  	_ = 	snop  }
0xc6: {  	[spmem:s3] =	stream.indirect.scatter.add.f32 @!p0 [tilespmem:s9], [sflag:$0x9], $0x10, s6, s7, $0xb8;
	[tilespmem:$0x1F000] =	vst v63  }
0xc7: {  	_ =	swait.ge [sflag:s28], $0x2000  }
0xc8: {  	[sflag:s28] =	ssyncset.done $0x0  }
0xc9: {  	s6 =	sadd.s32 $0x200, s8;
	[sflag:s28] =	ssyncadd.s32 $0xFFFFE000  }
0xca: {  	[tilespmem:s23], [sflag:$0x1] =	stream.indirect.gather [hbm4b:s5+s25], $0x40, s6, s25, $0xb8;
	[tilespmem:$0x1F000] =	vst v63  }
0xcb: {  	_ =	swait.ge [sflag:s30], $0x2000  }
0xcc: {  	[sflag:s30] =	ssyncset.done $0x0  }
0xcd: {  	s6 =	sadd.s32 $0x280, s8;
	[sflag:s30] =	ssyncadd.s32 $0xFFFFE000  }
0xce: {  	[tilespmem:s21], [sflag:$0x2] =	stream.indirect.gather [hbm4b:s5+s25], $0x40, s6, s25, $0xb8;
	[tilespmem:$0x1F000] =	vst v63  }
0xcf: {  	_ =	swait.ge [sflag:s19], $0x2000  }
0xd0: {  	[sflag:s19] =	ssyncset.done $0x0  }
.Ltmp5:
0xd1: {  	s6 =	sadd.s32 $0x300, s8;
	[sflag:s19] =	ssyncadd.s32 $0xFFFFE000;
	(pc) =	sbr.rel @p1 .LBB2_8-.Ltmp5, $4  }
0xd2: {  	[tilespmem:s29], [sflag:$0x3] =	stream.indirect.gather [hbm4b:s5+s25], $0x40, s6, s25, $0xb8;
	[tilespmem:$0x1F000] =	vst v63  }
0xd3: {  	_ =	swait.ge [sflag:s0], $0x2000  }
0xd4: {  	[sflag:s0] =	ssyncset.done $0x0  }
0xd5: {  	s8 =	sadd.s32 $0x380, s8;
	[sflag:s0] =	ssyncadd.s32 $0xFFFFE000  }
0xd6: {  	[tilespmem:s31], [sflag:$0x4] =	stream.indirect.gather [hbm4b:s5+s25], $0x40, s8, s25, $0xb8;
	[tilespmem:$0x1F000] =	vst v63  }
0xd7: {  	_ =	swait.ge [sflag:s1], $0x2000  }
0xd8: {  	[sflag:s1] =	ssyncset.done $0x0  }
0xd9: {  	s6 =	simm.s32 $0x9E00;
	[sflag:s1] =	ssyncadd.s32 $0xFFFFE000  }
0xda: {  	[spmem:s2] =	stream.indirect.scatter.add.f32 [tilespmem:s23], [sflag:$0x5], $0x40, s6, s25, $0xb8;
	[tilespmem:$0x1F000] =	vst v63  }
0xdb: {  	_ =	swait.ge @p0 [sflag:s11], $0x2000  }
0xdc: {  	[sflag:s11] =	ssyncset.done @p0 $0x0  }
0xdd: {  	s6 =	simm.s32 @p0 $0x9E80;
	[sflag:s11] =	ssyncadd.s32 @p0 $0xFFFFE000  }
0xde: {  	[spmem:s2] =	stream.indirect.scatter.add.f32 @p0 [tilespmem:s12], [sflag:$0x6], $0x40, s6, s10, $0xb8;
	[tilespmem:$0x1F000] =	vst v63  }
0xdf: {  	s6 =	simm.s32 @!p0 $0x9E00  }
0xe0: {  	[spmem:s3] =	stream.indirect.scatter.add.f32 @!p0 [tilespmem:s9], [sflag:$0x9], $0x10, s6, s7, $0xb8;
	[tilespmem:$0x1F000] =	vst v63  }
0xe1: {  	_ =	swait.ge @!p0 [sflag:s14], $0x2000  }
0xe2: {  	[sflag:s14] =	ssyncset.done @!p0 $0x0  }
0xe3: {  	s6 =	simm.s32 @!p0 $0x9E80;
	[sflag:s14] =	ssyncadd.s32 @!p0 $0xFFFFE000  }
0xe4: {  	[spmem:s2] =	stream.indirect.scatter.add.f32 @!p0 [tilespmem:s16], [sflag:$0x6], $0x40, s6, s7, $0xb8;
	[tilespmem:$0x1F000] =	vst v63  }
0xe5: {  	_ = 	snop  }
0xe6: {  	[spmem:s3] =	stream.indirect.scatter.add.f32 @!p0 [tilespmem:s9], [sflag:$0x9], $0x10, s6, s7, $0xb8;
	[tilespmem:$0x1F000] =	vst v63  }
0xe7: {  	_ =	swait.ge [sflag:s22], $0x2000  }
0xe8: {  	[sflag:s22] =	ssyncset.done $0x0  }
0xe9: {  	s26 =	simm.s32 $0x9F00;
	[sflag:s22] =	ssyncadd.s32 $0xFFFFE000  }
0xea: {  	[spmem:s2] =	stream.indirect.scatter.add.f32 [tilespmem:s29], [sflag:$0x7], $0x40, s26, s25, $0xb8;
	[tilespmem:$0x1F000] =	vst v63  }
0xeb: {  	_ =	swait.ge @p0 [sflag:s15], $0x2000  }
0xec: {  	[sflag:s15] =	ssyncset.done @p0 $0x0  }
0xed: {  	s6 =	simm.s32 @p0 $0x9F80;
	[sflag:s15] =	ssyncadd.s32 @p0 $0xFFFFE000  }
0xee: {  	[spmem:s2] =	stream.indirect.scatter.add.f32 @p0 [tilespmem:s18], [sflag:$0x8], $0x40, s6, s10, $0xb8;
	[tilespmem:$0x1F000] =	vst v63  }
0xef: {  	s6 =	simm.s32 @!p0 $0x9F00  }
0xf0: {  	[spmem:s3] =	stream.indirect.scatter.add.f32 @!p0 [tilespmem:s9], [sflag:$0x9], $0x10, s6, s7, $0xb8;
	[tilespmem:$0x1F000] =	vst v63  }
0xf1: {  	_ =	swait.ge @!p0 [sflag:s17], $0x2000  }
0xf2: {  	[sflag:s17] =	ssyncset.done @!p0 $0x0  }
0xf3: {  	s6 =	simm.s32 @!p0 $0x9F80;
	[sflag:s17] =	ssyncadd.s32 @!p0 $0xFFFFE000  }
0xf4: {  	[spmem:s2] =	stream.indirect.scatter.add.f32 @!p0 [tilespmem:s20], [sflag:$0x8], $0x40, s6, s7, $0xb8;
	[tilespmem:$0x1F000] =	vst v63  }
0xf5: {  	_ = 	snop  }
0xf6: {  	[spmem:s3] =	stream.indirect.scatter.add.f32 @!p0 [tilespmem:s9], [sflag:$0x9], $0x10, s6, s7, $0xb8;
	[tilespmem:$0x1F000] =	vst v63  }
0xf7: {  	_ =	swait.ge [sflag:s28], $0x2000  }
0xf8: {  	[sflag:s28] =	ssyncset.done $0x0  }
0xf9: {  	[sflag:s28] =	ssyncadd.s32 $0xFFFFE000  }
0xfa: {  	_ =	swait.ge [sflag:s30], $0x2000  }
0xfb: {  	[sflag:s30] =	ssyncset.done $0x0  }
0xfc: {  	[sflag:s30] =	ssyncadd.s32 $0xFFFFE000  }
0xfd: {  	_ =	swait.ge [sflag:s19], $0x2000  }
.Ltmp6:
0xfe: {  	[sflag:s19] =	ssyncset.done $0x0;
	(pc) =	sbr.rel @p0 .LBB2_13-.Ltmp6, $4  }
0xff: {  	[sflag:s19] =	ssyncadd.s32 $0xFFFFE000  }
0x100: {  	_ =	swait.ge [sflag:s0], $0x2000  }
0x101: {  	[sflag:s0] =	ssyncset.done $0x0  }
0x102: {  	s7 =	simm.s32 $0xA0;
	[sflag:s0] =	ssyncadd.s32 $0xFFFFE000  }
0x103: {  	_ =	swait.ge [sflag:s4], $0x800;
	s7 =	sadd.s32 $0xFFFFFFFF, s7  }
0x104: {  	s10 =	simm.s32 $0xA;
	[sflag:s4] =	ssyncset.done $0x0;
	s14 =	rddreg [dreg:$0x6]  }
.LBB2_11:
0x105: {  	p1 =	sne.s32 s7, $0x1;
	s7 =	sadd.s32 $0xFFFFFFFF, s7;
	[sflag:s4] =	ssyncadd.s32 $0xFFFFF800  }
.Ltmp7:
0x106: {  	(pc) =	sbr.rel @p1 .LBB2_11-.Ltmp7, $3  }
0x107: {  	_ =	sdelay $0x1  }
0x108: {  	_ =	swait.ge [sflag:s4], $0x800  }
0x109: {  	[sflag:s4] =	ssyncset.done $0x0  }
0x10a: {  	[sflag:s4] =	ssyncadd.s32 $0xFFFFF800;
	s6 =	stileid.u32  }
0x10b: {  	s6 =	sshll.u32 s6, $0x6;
	[bflag:$0x0] =	sbarrier.arrive $0xFFFF  }
0x10c: {  	s7 =	sshrl.u32 s14, $0x3;
	s6 =	sor.u32 $0x1C0A, s6;
	s8 =	rddreg [dreg:$0x10]  }
0x10d: {  	[hbm:s8], [sflag:s6] =	dma.local [spmem:s7], $0x1400  }
0x10e: {  	_ =	swait.ge [sflag:s10], $0x1400  }
0x10f: {  	s24 =	rddreg [dreg:$0xb]  }
0x110: {  	[sflag:s10] =	ssyncset.done $0x0;
	s26 =	rddreg [dreg:$0x11]  }
.Ltmp8:
0x111: {  	[sflag:s10] =	ssyncadd.s32 $0xFFFFEC00;
	s7 =	sshrl.u32 s24, $0x3;
	(pc) =	sbr.rel .LBB2_14-.Ltmp8, $4  }
0x112: {  	[hbm:s26], [sflag:s6] =	dma.local [spmem:s7], $0x500  }
0x113: {  	_ =	swait.ge [sflag:s10], $0x500  }
0x114: {  	[sflag:s10] =	ssyncset.done $0x0  }
0x115: {  	s7 =	rddreg [dreg:$0x13];
	[sflag:s10] =	ssyncadd.s32 $0xFFFFFB00  }
.LBB2_15:
0x116: {  	_ =	sfence.sel $0x180000  }
0x117: {  	[bflag:$0x0] =	sbarrier.arrive $0xFFFF  }
0x118: {  	_ =	strace $0x9000004A  }
0x119: {  	s0 =	stileid.u32;
	[bflag:$0x2] =	sbarrier.arrive $0xFFFF  }
0x11a: {  	p0 =	sne.s32 s0, $0x0;
	s0 =	rddreg [dreg:$0x3]  }
0x11b: {  	s0 =	sadd.s32 @!p0 $0x100000, s0  }
0x11c: {  	[sflag:s0] =	ssyncadd.tile.s32 @!p0 $0x1;
	_ =	shalt  }
.Lfunc_end2:
_tile_overlayer_lowered:
.L_overlay_start_2:
0x11d: {  	(tag) =	ssettag $0x2  }
0x11e: {  	s0 =	rddreg [dreg:$0x0];
	s2 =	stileid.u32  }
0x11f: {  	s1 =	rddreg [dreg:$0x1];
	p0 =	sne.s32 s2, $0x0  }
0x120: {  	s3 =	rddreg [dreg:$0x2];
	[bflag:$0x3] =	sbarrier.arrive $0xFFFF;
	s2 =	simm.s32 @!p0 $0x1C0A  }
0x121: {  	[timem:s3], [sflag:s2] =	dma.local @!p0 [hbm:s0], s1  }
0x122: {  	s0 =	simm.s32 @!p0 $0xA  }
0x123: {  	_ =	swait.ge @!p0 [sflag:s0], s1  }
0x124: {  	s1 =	ssub.s32 @!p0 $0x0, s1;
	[sflag:s0] =	ssyncset.done @!p0 $0x0  }
0x125: {  	[sflag:s0] =	ssyncadd.s32 @!p0 s1  }
0x126: {  	[bflag:$0x3] =	sbarrier.arrive $0xFFFF  }
0x127: {  	_ =	shalt  }

// kernel: embed_gather.3.cloned.1.call-start
scs
__scs_entry_jumppad:
0x0: {  	(pc) =	sbr.rel $0x88, $3  }
0x1: {  	(tag) =	ssettag $0x0;
	lr =	simm.s32 $0x1  }
0x2: {  	[smem:$0x3F93] =	sst lr;
	_ =	strace $0xD0000000  }
0x3: {  	_ = 	snop  }
0x4: {  	_ = 	snop  }
0x5: {  	_ = 	snop  }
0x6: {  	_ = 	snop  }
0x7: {  	_ = 	snop  }
__scs_overlays_trampoline_lowered:
0x8: {  	[smem:$0x3FA2] =	sst s0  }
0x9: {  	[smem:$0x3FA3] =	sst s1  }
0xa: {  	[smem:$0x3FA4] =	sst s2  }
0xb: {  	[smem:$0x3FA5] =	sst s3  }
0xc: {  	[smem:$0x3FA6] =	sst s4  }
0xd: {  	[smem:$0x3FA7] =	sst s5  }
0xe: {  	[smem:$0x3FA8] =	sst s6  }
0xf: {  	[smem:$0x3FA9] =	sst s7  }
0x10: {  	[smem:$0x3FAA] =	sst s8  }
0x11: {  	[smem:$0x3FAB] =	sst s9;
	s0 =	simm.s32 @!p0 $0x0  }
0x12: {  	s1 =	sld [smem:$0x3F91];
	s0 =	simm.s32 @p0 $0x1  }
0x13: {  	[smem:$0x3FAC] =	sst s0;
	s0 =	simm.s32 @!p1 $0x0  }
0x14: {  	s2 =	sld [smem:$0x3F90];
	s0 =	simm.s32 @p1 $0x1  }
0x15: {  	[smem:$0x3FAD] =	sst s0;
	s0 =	simm.s32 @!p2 $0x0  }
0x16: {  	s3 =	sld [smem:$0x3FDB];
	s0 =	simm.s32 @p2 $0x1  }
0x17: {  	s4 =	simm.s32 $0x1BF5;
	[smem:$0x3FAF] =	sst s0  }
0x18: {  	s0 =	sld [smem:$0x3F92];
	_ =	swait.ge [sflag:s4], $0x0  }
0x19: {  	s7 =	sld [smem:$0x3F93]  }
0x1a: {  	s8 =	sadd.s32 $0xFFFFE003, lr  }
0x1b: {  	s9 =	sadd.s32 $0xFFFFFEF7, lr;
	s5 =	simm.s32 $0xFFFFFFFF;
	p2 =	slt.u32 s8, $0xFFFFF086  }
0x1c: {  	p1 =	slt.u32 s9, $0xF7A;
	s5 =	simm.s32 @!p2 $0x0  }
0x1d: {  	s5 =	simm.s32 @p1 $0x1;
	p0 =	seq.s32 s7, s2  }
0x1e: {  	s7 =	smul.u32 @!p0 $0xF7A, s2;
	p2 =	seq.s32 @!p0 s5, $0x0  }
0x1f: {  	s9 =	smul.u32 $0xF7A, s1;
	s8 =	simm.s32 @!p0 $0x1BF5;
	p2 =	por !p2, p0  }
0x20: {  	[sflag:s8] =	ssyncset.s32 @!p0 $0xFFFFF086;
	s6 =	sadd.s32 @!p0 s3, s7;
	s7 =	simm.s32 @!p0 $0x108  }
0x21: {  	s3 =	sadd.s32 s3, s9;
	s6 =	sadd.s32 @!p0 $0x88, s6;
	s7 =	simm.s32 @p2 $0x1082  }
0x22: {  	[simem:s7], [sflag:s8] =	dma.local @!p0 [hbm:s6], $0xF7A  }
0x23: {  	s9 =	sor.u32 $0xD0000000, s2;
	s6 =	simm.s32 $0x108;
	_ =	swait.ge @!p0 [sflag:s8], $0x0  }
0x24: {  	s3 =	sadd.s32 $0x88, s3;
	s6 =	simm.s32 @!p1 $0x1082;
	[sflag:s4] =	ssyncset.s32 $0xFFFFF086  }
0x25: {  	[simem:s6], [sflag:s4] =	dma.local [hbm:s3], $0xF7A  }
0x26: {  	[smem:$0x3F93] =	sst s1;
	(tag) =	ssettag s2;
	_ =	strace s9  }
0x27: {  	s1 =	sld [smem:$0x3FA3]  }
0x28: {  	s2 =	sld [smem:$0x3FA4]  }
0x29: {  	s4 =	sld [smem:$0x3FA6]  }
0x2a: {  	p0 =	seq.s32 s5, $0x0;
	s5 =	sld [smem:$0x3FA7]  }
0x2b: {  	s6 =	sld [smem:$0x3FA8]  }
0x2c: {  	s7 =	sld [smem:$0x3FA9]  }
0x2d: {  	s3 =	simm.s32 $0x108;
	s8 =	sld [smem:$0x3FAA]  }
0x2e: {  	s3 =	simm.s32 @!p0 $0x1082;
	s9 =	sld [smem:$0x3FAB]  }
0x2f: {  	lr =	sadd.s32 s0, s3;
	s0 =	sld [smem:$0x3FA2]  }
0x30: {  	s3 =	sld [smem:$0x3FA5]  }
0x31: {  	[smem:$0x3FAE] =	sst s10  }
0x32: {  	s10 =	sld [smem:$0x3FAC];
	_ =	sdelay $0x3  }
0x33: {  	p0 =	seq.s32 s10, $0x1;
	s10 =	sld [smem:$0x3FAE];
	_ =	sdelay $0x3  }
0x34: {  	[smem:$0x3FAE] =	sst s10  }
0x35: {  	s10 =	sld [smem:$0x3FAD];
	_ =	sdelay $0x3  }
0x36: {  	p1 =	seq.s32 s10, $0x1;
	s10 =	sld [smem:$0x3FAE];
	_ =	sdelay $0x3  }
0x37: {  	[smem:$0x3FAE] =	sst s10  }
0x38: {  	s10 =	sld [smem:$0x3FAF]  }
0x39: {  	_ = 	snop;
	(pc) =	sbr.ind lr, $3  }
0x3a: {  	_ = 	snop  }
0x3b: {  	_ = 	snop  }
0x3c: {  	p2 =	seq.s32 s10, $0x1;
	s10 =	sld [smem:$0x3FAE]  }
0x3d: {  	_ =	shalt  }
0x3e: {  	_ =	shalt  }
0x3f: {  	_ =	shalt  }
0x40: {  	_ =	shalt  }
0x41: {  	_ =	shalt  }
0x42: {  	_ =	shalt  }
0x43: {  	_ =	shalt  }
0x44: {  	_ =	shalt  }
0x45: {  	_ =	shalt  }
0x46: {  	_ =	shalt  }
0x47: {  	_ =	shalt  }
0x48: {  	_ =	shalt  }
0x49: {  	_ =	shalt  }
0x4a: {  	_ =	shalt  }
0x4b: {  	_ =	shalt  }
0x4c: {  	_ =	shalt  }
0x4d: {  	_ =	shalt  }
0x4e: {  	_ =	shalt  }
0x4f: {  	_ =	shalt  }
0x50: {  	_ =	shalt  }
0x51: {  	_ =	shalt  }
0x52: {  	_ =	shalt  }
0x53: {  	_ =	shalt  }
0x54: {  	_ =	shalt  }
0x55: {  	_ =	shalt  }
0x56: {  	_ =	shalt  }
0x57: {  	_ =	shalt  }
0x58: {  	_ =	shalt  }
0x59: {  	_ =	shalt  }
0x5a: {  	_ =	shalt  }
0x5b: {  	_ =	shalt  }
0x5c: {  	_ =	shalt  }
0x5d: {  	_ =	shalt  }
0x5e: {  	_ =	shalt  }
0x5f: {  	_ =	shalt  }
0x60: {  	_ =	shalt  }
0x61: {  	_ =	shalt  }
0x62: {  	_ =	shalt  }
0x63: {  	_ =	shalt  }
0x64: {  	_ =	shalt  }
0x65: {  	_ =	shalt  }
0x66: {  	_ =	shalt  }
0x67: {  	_ =	shalt  }
0x68: {  	_ =	shalt  }
0x69: {  	_ =	shalt  }
0x6a: {  	_ =	shalt  }
0x6b: {  	_ =	shalt  }
0x6c: {  	_ =	shalt  }
0x6d: {  	_ =	shalt  }
0x6e: {  	_ =	shalt  }
0x6f: {  	_ =	shalt  }
0x70: {  	_ =	shalt  }
0x71: {  	_ =	shalt  }
0x72: {  	_ =	shalt  }
0x73: {  	_ =	shalt  }
0x74: {  	_ =	shalt  }
0x75: {  	_ =	shalt  }
0x76: {  	_ =	shalt  }
0x77: {  	_ =	shalt  }
0x78: {  	_ =	shalt  }
0x79: {  	_ =	shalt  }
0x7a: {  	_ =	shalt  }
0x7b: {  	_ =	shalt  }
0x7c: {  	_ =	shalt  }
0x7d: {  	_ =	shalt  }
0x7e: {  	_ =	shalt  }
0x7f: {  	_ =	shalt  }
0x80: {  	_ =	shalt  }
0x81: {  	_ =	shalt  }
0x82: {  	_ =	shalt  }
0x83: {  	_ =	shalt  }
0x84: {  	_ =	shalt  }
0x85: {  	_ =	shalt  }
0x86: {  	_ =	shalt  }
0x87: {  	_ =	shalt  }
.Lfunc_end0:
.L_simem_size_0:
called_computation_lowered:
.L_overlay_start_0:
0x88: {  	s2 =	sld [smem:$0x3FD9]  }
0x89: {  	s3 =	sld [smem:$0x3FFE];
	_ =	sdelay $0x1  }
0x8a: {  	s1 =	srdreg.scid  }
0x8b: {  	s0 =	sand.u32 $0x1, s1  }
0x8c: {  	s16 =	sshll.u32 s0, $0xA;
	s2 =	sadd.s32 s3, s2  }
0x8d: {  	s2 =	sadd.s32 s2, s16  }
0x8e: {  	[smem:$0x3FBA] =	sst s2  }
0x8f: {  	_ = 	snop  }
0x90: {  	(tm) =	ssettm $0x1  }
0x91: {  	s17 =	sld [smem:$0x3FFB];
	_ =	sdelay $0x3  }
0x92: {  	_ =	strace s17  }
0x93: {  	s2 =	sld [smem:$0x3FFC];
	_ =	sdelay $0x3  }
0x94: {  	_ =	strace s2  }
0x95: {  	s2 =	sld [smem:$0x3FFD];
	_ =	sdelay $0x3  }
0x96: {  	_ =	strace s2  }
0x97: {  	_ =	strace $0x8FFFFFFF  }
0x98: {  	s18 =	sld [smem:$0x3FDB];
	_ =	sdelay $0x1  }
0x99: {  	s19 =	simm.s32 $_scs_section_size  }
0x9a: {  	s4 =	simm.s32 $_size__tile_overlayer_lowered;
	s5 =	simm.s32 $_tile_overlayer_lowered  }
0x9b: {  	s22 =	simm.s32 $0x1BFF;
	s21 =	sshll.u32 s5, $0x1;
	s2 =	sadd.s32 s19, s18  }
0x9c: {  	s6 =	simm.s32 $0x0;
	s20 =	sshll.u32 s4, $0x1;
	s4 =	sadd.s32 s21, s2  }
0x9d: {  	[timem:s6], [sflag:s22] =	dma.local [hbm:s4], s20  }
0x9e: {  	_ =	swait.ge [sflag:s22], s20  }
0x9f: {  	s3 =	ssub.s32 $0x0, s20;
	[sflag:s22] =	ssyncset.done $0x0  }
0xa0: {  	[sflag:s22] =	ssyncadd.s32 s3;
	_ =	sdelay $0x1  }
0xa1: {  	s23 =	simm.s32 $0x1B8B  }
0xa2: {  	_ =	swait.ge [sflag:s23], $0x1  }
0xa3: {  	[sflag:s23] =	ssyncset.done $0x0  }
0xa4: {  	s25 =	simm.s32 $0x1B8E;
	s24 =	sld [smem:$0x3FFE];
	[sflag:s23] =	ssyncadd.s32 $0xFFFFFFFF  }
0xa5: {  	s26 =	simm.s32 $execute0_lowered;
	[smem:$0x3FD2] =	sst s25  }
0xa6: {  	s4 =	sshll.u32 s26, $0x1;
	_ =	strace $0x80000046;
	[dreg:$0x1] =	wrdreg $0xFFFFFFFF  }
0xa7: {  	s28 =	simm.s32 $_size_execute0_lowered;
	s2 =	sadd.s32 s2, s4;
	[dreg:$0x0] =	wrdreg $0x0  }
0xa8: {  	s4 =	sshll.u32 s28, $0x1;
	[dreg:$0x2] =	wrdreg s2  }
0xa9: {  	[dreg:$0x3] =	wrdreg s4  }
0xaa: {  	[dreg:$0x4] =	wrdreg $0xC0  }
0xab: {  	_ =	task [dreg:s6], $0x5FFFF  }
0xac: {  	[dreg:$0x1] =	wrdreg $0xFFFFFFFF  }
0xad: {  	[dreg:$0x0] =	wrdreg $0x60  }
0xae: {  	[dreg:$0x2] =	wrdreg s24  }
0xaf: {  	[dreg:$0x3] =	wrdreg $0x9  }
0xb0: {  	_ =	task.clear_ibuf [dreg:s6], $0x4FFFF;
	_ =	strace $0x90000046  }
0xb1: {  	s29 =	simm.s32 $0x9;
	_ =	strace $0x80000048  }
0xb2: {  	_ =	swait.ge [sflag:s29], $0x1  }
0xb3: {  	[sflag:s29] =	ssyncadd.s32 $0xFFFFFFFF  }
0xb4: {  	_ =	strace $0x90000048  }
0xb5: {  	_ =	sfence  }
0xb6: {  	s30 =	sld [smem:$0x0];
	_ =	sdelay $0x2  }
0xb7: {  	s31 =	sshll.u32 s1, $0xD;
	s1 =	sshrl.u32 s1, $0x2  }
0xb8: {  	s3 =	sand.u32 $0x4000, s31;
	s1 =	sadd.s32 s1, s30  }
0xb9: {  	s0 =	sor.u32 s3, s0;
	s1 =	sshll.u32 s1, $0x11  }
0xba: {  	s0 =	sor.u32 s1, s0  }
0xbb: {  	s0 =	sadd.s32 $0x8F2B, s0  }
0xbc: {  	[sflag:s0] =	ssyncadd.remote.s32 $0x1  }
0xbd: {  	_ =	sfence.sel $0xFFFF  }
0xbe: {  	[dreg:$0x0] =	wrdreg $0xFFFFFFFF;
	(pc) =	sbr.abs _section_cstart, $3  }
0xbf: {  	[dreg:$0x1] =	wrdreg $0xFFFFFFFF  }
0xc0: {  	_ =	task.clear_ibuf [dreg:s6], $0x2FFFF;
	_ =	strace $0x9FFFFFFF  }
0xc1: {  	(tm) =	ssettm $0x7FFFFFFF  }
tec
execute0_lowered:
.L_overlay_start_1:
0x0: {  	(tag) =	ssettag $0x1  }
0x1: {  	s0 =	srdreg.scid  }
0x2: {  	s21 =	sand.u32 $0x1, s0  }
0x3: {  	s0 =	stileid.u32;
	s1 =	sshll.u32 s21, $0x4  }
0x4: {  	s3 =	sor.u32 s0, s1  }
0x5: {  	s9 =	rddreg [dreg:$0x0];
	s2 =	simm.s32 $0x0;
	s3 =	smul.u32 $0x50, s3  }
0x6: {  	[smem:$0x7FF] =	sst s2;
	s6 =	smul.u32 $0x2800, s21  }
0x7: {  	s7 =	smul.u32 $0x280, s0;
	s1 =	rddreg [dreg:$0x1];
	s3 =	sadd.s32 s3, s9  }
0x8: {  	_ =	strace $0x80000047;
	s4 =	sadd.s32 $0x2600, s3;
	s3 =	simm.s32 $0x2  }
0x9: {  	[tilespmem:s2], [sflag:$0x2] =	stream.linear.gather [hbm4b:s4+s2], $0x280, $0x38;
	[tilespmem:$0x1680] =	vst v63  }
0xa: {  	s8 =	simm.s32 $0x1;
	_ =	swait.ge [sflag:s3], $0x280  }
0xb: {  	s5 =	sadd.s32 $0x3000, s9;
	s10 =	sadd.s32 s7, s6;
	[sflag:s3] =	ssyncset.done $0x0  }
0xc: {  	s6 =	simm.s32 $0x50;
	s7 =	simm.s32 $0x280;
	[sflag:s3] =	ssyncadd.s32 $0xFFFFFD80  }
0xd: {  	[tilespmem:s7], [sflag:$0x1] =	stream.indirect.gather [hbm4b:s5+s6], $0x40, s2, s6, $0xb8;
	[tilespmem:$0x1680] =	vst v63  }
0xe: {  	s10 =	sshll.u32 s10, $0x3;
	_ =	swait.ge [sflag:s8], $0x1400  }
0xf: {  	s22 =	sadd.s32 s10, s9;
	[sflag:s8] =	ssyncset.done $0x0  }
0x10: {  	s9 =	sadd.s32 $0x12A00, s22;
	[sflag:s8] =	ssyncadd.s32 $0xFFFFEC00  }
0x11: {  	[hbm4b:s9+s2] =	stream.linear.scatter [tilespmem:s7], [sflag:$0x2], $0x1400, $0x38;
	[tilespmem:$0x1680] =	vst v63  }
0x12: {  	_ =	swait.ge [sflag:s3], $0x1400  }
0x13: {  	[sflag:s3] =	ssyncset.done $0x0  }
0x14: {  	[sflag:s3] =	ssyncadd.s32 $0xFFFFEC00  }
0x15: {  	[tilespmem:s7], [sflag:$0x1] =	stream.indirect.gather [hbm4b:s5+s6], $0x40, s6, s6, $0xb8;
	[tilespmem:$0x1680] =	vst v63  }
0x16: {  	_ =	swait.ge [sflag:s8], $0x1400  }
0x17: {  	[sflag:s8] =	ssyncset.done $0x0  }
0x18: {  	s10 =	sadd.s32 $0x12C80, s22;
	[sflag:s8] =	ssyncadd.s32 $0xFFFFEC00  }
0x19: {  	[hbm4b:s10+s2] =	stream.linear.scatter [tilespmem:s7], [sflag:$0x2], $0x1400, $0x38;
	[tilespmem:$0x1680] =	vst v63  }
0x1a: {  	_ =	swait.ge [sflag:s3], $0x1400  }
0x1b: {  	[sflag:s3] =	ssyncset.done $0x0  }
0x1c: {  	s11 =	simm.s32 $0xA0;
	[sflag:s3] =	ssyncadd.s32 $0xFFFFEC00  }
0x1d: {  	[tilespmem:s7], [sflag:$0x1] =	stream.indirect.gather [hbm4b:s5+s6], $0x40, s11, s6, $0xb8;
	[tilespmem:$0x1680] =	vst v63  }
0x1e: {  	_ =	swait.ge [sflag:s8], $0x1400  }
0x1f: {  	[sflag:s8] =	ssyncset.done $0x0  }
0x20: {  	s12 =	sadd.s32 $0x12F00, s22;
	[sflag:s8] =	ssyncadd.s32 $0xFFFFEC00  }
0x21: {  	[hbm4b:s12+s2] =	stream.linear.scatter [tilespmem:s7], [sflag:$0x2], $0x1400, $0x38;
	[tilespmem:$0x1680] =	vst v63  }
0x22: {  	_ =	swait.ge [sflag:s3], $0x1400  }
0x23: {  	[sflag:s3] =	ssyncset.done $0x0  }
0x24: {  	s13 =	simm.s32 $0xF0;
	[sflag:s3] =	ssyncadd.s32 $0xFFFFEC00  }
0x25: {  	[tilespmem:s7], [sflag:$0x1] =	stream.indirect.gather [hbm4b:s5+s6], $0x40, s13, s6, $0xb8;
	[tilespmem:$0x1680] =	vst v63  }
0x26: {  	_ =	swait.ge [sflag:s8], $0x1400  }
0x27: {  	[sflag:s8] =	ssyncset.done $0x0  }
0x28: {  	s14 =	sadd.s32 $0x13180, s22;
	[sflag:s8] =	ssyncadd.s32 $0xFFFFEC00  }
0x29: {  	[hbm4b:s14+s2] =	stream.linear.scatter [tilespmem:s7], [sflag:$0x2], $0x1400, $0x38;
	[tilespmem:$0x1680] =	vst v63  }
0x2a: {  	_ =	swait.ge [sflag:s3], $0x1400  }
0x2b: {  	[sflag:s3] =	ssyncset.done $0x0  }
0x2c: {  	s15 =	simm.s32 $0x140;
	[sflag:s3] =	ssyncadd.s32 $0xFFFFEC00  }
0x2d: {  	[tilespmem:s7], [sflag:$0x1] =	stream.indirect.gather [hbm4b:s5+s6], $0x40, s15, s6, $0xb8;
	[tilespmem:$0x1680] =	vst v63  }
0x2e: {  	_ =	swait.ge [sflag:s8], $0x1400  }
0x2f: {  	[sflag:s8] =	ssyncset.done $0x0  }
0x30: {  	s16 =	sadd.s32 $0x13400, s22;
	[sflag:s8] =	ssyncadd.s32 $0xFFFFEC00  }
0x31: {  	[hbm4b:s16+s2] =	stream.linear.scatter [tilespmem:s7], [sflag:$0x2], $0x1400, $0x38;
	[tilespmem:$0x1680] =	vst v63  }
0x32: {  	_ =	swait.ge [sflag:s3], $0x1400  }
0x33: {  	[sflag:s3] =	ssyncset.done $0x0  }
0x34: {  	s17 =	simm.s32 $0x190;
	[sflag:s3] =	ssyncadd.s32 $0xFFFFEC00  }
0x35: {  	[tilespmem:s7], [sflag:$0x1] =	stream.indirect.gather [hbm4b:s5+s6], $0x40, s17, s6, $0xb8;
	[tilespmem:$0x1680] =	vst v63  }
0x36: {  	_ =	swait.ge [sflag:s8], $0x1400  }
0x37: {  	[sflag:s8] =	ssyncset.done $0x0  }
0x38: {  	s18 =	sadd.s32 $0x13680, s22;
	[sflag:s8] =	ssyncadd.s32 $0xFFFFEC00  }
0x39: {  	[hbm4b:s18+s2] =	stream.linear.scatter [tilespmem:s7], [sflag:$0x2], $0x1400, $0x38;
	[tilespmem:$0x1680] =	vst v63  }
0x3a: {  	_ =	swait.ge [sflag:s3], $0x1400  }
0x3b: {  	[sflag:s3] =	ssyncset.done $0x0  }
0x3c: {  	s19 =	simm.s32 $0x1E0;
	[sflag:s3] =	ssyncadd.s32 $0xFFFFEC00  }
0x3d: {  	[tilespmem:s7], [sflag:$0x1] =	stream.indirect.gather [hbm4b:s5+s6], $0x40, s19, s6, $0xb8;
	[tilespmem:$0x1680] =	vst v63  }
0x3e: {  	_ =	swait.ge [sflag:s8], $0x1400  }
0x3f: {  	[sflag:s8] =	ssyncset.done $0x0  }
0x40: {  	s23 =	ssub.s32 $0x2, s21;
	s20 =	sadd.s32 $0x13900, s22;
	[sflag:s8] =	ssyncadd.s32 $0xFFFFEC00  }
0x41: {  	[hbm4b:s20+s2] =	stream.linear.scatter [tilespmem:s7], [sflag:$0x2], $0x1400, $0x38;
	[tilespmem:$0x1680] =	vst v63  }
0x42: {  	s24 =	sshrl.u32 s23, $0x1;
	_ =	swait.ge [sflag:s3], $0x1400  }
0x43: {  	s23 =	ssub.s32 s23, s24;
	[sflag:s3] =	ssyncset.done $0x0  }
0x44: {  	s21 =	simm.s32 $0x230;
	s23 =	smax.u32 s23, $0x1;
	[sflag:s3] =	ssyncadd.s32 $0xFFFFEC00  }
0x45: {  	[tilespmem:s7], [sflag:$0x1] =	stream.indirect.gather [hbm4b:s5+s6], $0x40, s21, s6, $0xb8;
	[tilespmem:$0x1680] =	vst v63  }
0x46: {  	p0 =	sne.s32 s23, $0x1;
	_ =	swait.ge [sflag:s8], $0x1400  }
.Ltmp0:
0x47: {  	[sflag:s8] =	ssyncset.done $0x0;
	(pc) =	sbr.rel @!p0 .LBB2_2-.Ltmp0, $4  }
0x48: {  	s22 =	sadd.s32 $0x13B80, s22;
	[sflag:s8] =	ssyncadd.s32 $0xFFFFEC00  }
0x49: {  	[hbm4b:s22+s2] =	stream.linear.scatter [tilespmem:s7], [sflag:$0x2], $0x1400, $0x38;
	[tilespmem:$0x1680] =	vst v63  }
0x4a: {  	_ =	swait.ge [sflag:s3], $0x1400  }
0x4b: {  	s23 =	sadd.s32 $0xFFFFFFFF, s23;
	[sflag:s3] =	ssyncset.done $0x0  }
.LBB2_1:
0x4c: {  	p0 =	sne.s32 s23, $0x1;
	s23 =	sadd.s32 $0xFFFFFFFF, s23;
	[sflag:s3] =	ssyncadd.s32 $0xFFFFEC00  }
0x4d: {  	[tilespmem:s2], [sflag:$0x2] =	stream.linear.gather [hbm4b:s4+s2], $0x280, $0x38;
	[tilespmem:$0x1680] =	vst v63  }
0x4e: {  	_ =	swait.ge [sflag:s3], $0x280  }
0x4f: {  	[sflag:s3] =	ssyncset.done $0x0  }
0x50: {  	[sflag:s3] =	ssyncadd.s32 $0xFFFFFD80  }
0x51: {  	[tilespmem:s7], [sflag:$0x1] =	stream.indirect.gather [hbm4b:s5+s6], $0x40, s2, s6, $0xb8;
	[tilespmem:$0x1680] =	vst v63  }
0x52: {  	_ =	swait.ge [sflag:s8], $0x1400  }
0x53: {  	[sflag:s8] =	ssyncset.done $0x0  }
0x54: {  	[sflag:s8] =	ssyncadd.s32 $0xFFFFEC00  }
0x55: {  	[hbm4b:s9+s2] =	stream.linear.scatter [tilespmem:s7], [sflag:$0x2], $0x1400, $0x38;
	[tilespmem:$0x1680] =	vst v63  }
0x56: {  	_ =	swait.ge [sflag:s3], $0x1400  }
0x57: {  	[sflag:s3] =	ssyncset.done $0x0  }
0x58: {  	[sflag:s3] =	ssyncadd.s32 $0xFFFFEC00  }
0x59: {  	[tilespmem:s7], [sflag:$0x1] =	stream.indirect.gather [hbm4b:s5+s6], $0x40, s6, s6, $0xb8;
	[tilespmem:$0x1680] =	vst v63  }
0x5a: {  	_ =	swait.ge [sflag:s8], $0x1400  }
0x5b: {  	[sflag:s8] =	ssyncset.done $0x0  }
0x5c: {  	[sflag:s8] =	ssyncadd.s32 $0xFFFFEC00  }
0x5d: {  	[hbm4b:s10+s2] =	stream.linear.scatter [tilespmem:s7], [sflag:$0x2], $0x1400, $0x38;
	[tilespmem:$0x1680] =	vst v63  }
0x5e: {  	_ =	swait.ge [sflag:s3], $0x1400  }
0x5f: {  	[sflag:s3] =	ssyncset.done $0x0  }
0x60: {  	[sflag:s3] =	ssyncadd.s32 $0xFFFFEC00  }
0x61: {  	[tilespmem:s7], [sflag:$0x1] =	stream.indirect.gather [hbm4b:s5+s6], $0x40, s11, s6, $0xb8;
	[tilespmem:$0x1680] =	vst v63  }
0x62: {  	_ =	swait.ge [sflag:s8], $0x1400  }
0x63: {  	[sflag:s8] =	ssyncset.done $0x0  }
0x64: {  	[sflag:s8] =	ssyncadd.s32 $0xFFFFEC00  }
0x65: {  	[hbm4b:s12+s2] =	stream.linear.scatter [tilespmem:s7], [sflag:$0x2], $0x1400, $0x38;
	[tilespmem:$0x1680] =	vst v63  }
0x66: {  	_ =	swait.ge [sflag:s3], $0x1400  }
0x67: {  	[sflag:s3] =	ssyncset.done $0x0  }
0x68: {  	[sflag:s3] =	ssyncadd.s32 $0xFFFFEC00  }
0x69: {  	[tilespmem:s7], [sflag:$0x1] =	stream.indirect.gather [hbm4b:s5+s6], $0x40, s13, s6, $0xb8;
	[tilespmem:$0x1680] =	vst v63  }
0x6a: {  	_ =	swait.ge [sflag:s8], $0x1400  }
0x6b: {  	[sflag:s8] =	ssyncset.done $0x0  }
0x6c: {  	[sflag:s8] =	ssyncadd.s32 $0xFFFFEC00  }
0x6d: {  	[hbm4b:s14+s2] =	stream.linear.scatter [tilespmem:s7], [sflag:$0x2], $0x1400, $0x38;
	[tilespmem:$0x1680] =	vst v63  }
0x6e: {  	_ =	swait.ge [sflag:s3], $0x1400  }
0x6f: {  	[sflag:s3] =	ssyncset.done $0x0  }
0x70: {  	[sflag:s3] =	ssyncadd.s32 $0xFFFFEC00  }
0x71: {  	[tilespmem:s7], [sflag:$0x1] =	stream.indirect.gather [hbm4b:s5+s6], $0x40, s15, s6, $0xb8;
	[tilespmem:$0x1680] =	vst v63  }
0x72: {  	_ =	swait.ge [sflag:s8], $0x1400  }
0x73: {  	[sflag:s8] =	ssyncset.done $0x0  }
0x74: {  	[sflag:s8] =	ssyncadd.s32 $0xFFFFEC00  }
0x75: {  	[hbm4b:s16+s2] =	stream.linear.scatter [tilespmem:s7], [sflag:$0x2], $0x1400, $0x38;
	[tilespmem:$0x1680] =	vst v63  }
0x76: {  	_ =	swait.ge [sflag:s3], $0x1400  }
0x77: {  	[sflag:s3] =	ssyncset.done $0x0  }
0x78: {  	[sflag:s3] =	ssyncadd.s32 $0xFFFFEC00  }
0x79: {  	[tilespmem:s7], [sflag:$0x1] =	stream.indirect.gather [hbm4b:s5+s6], $0x40, s17, s6, $0xb8;
	[tilespmem:$0x1680] =	vst v63  }
0x7a: {  	_ =	swait.ge [sflag:s8], $0x1400  }
0x7b: {  	[sflag:s8] =	ssyncset.done $0x0  }
0x7c: {  	[sflag:s8] =	ssyncadd.s32 $0xFFFFEC00  }
0x7d: {  	[hbm4b:s18+s2] =	stream.linear.scatter [tilespmem:s7], [sflag:$0x2], $0x1400, $0x38;
	[tilespmem:$0x1680] =	vst v63  }
0x7e: {  	_ =	swait.ge [sflag:s3], $0x1400  }
0x7f: {  	[sflag:s3] =	ssyncset.done $0x0  }
0x80: {  	[sflag:s3] =	ssyncadd.s32 $0xFFFFEC00  }
0x81: {  	[tilespmem:s7], [sflag:$0x1] =	stream.indirect.gather [hbm4b:s5+s6], $0x40, s19, s6, $0xb8;
	[tilespmem:$0x1680] =	vst v63  }
0x82: {  	_ =	swait.ge [sflag:s8], $0x1400  }
0x83: {  	[sflag:s8] =	ssyncset.done $0x0  }
0x84: {  	[sflag:s8] =	ssyncadd.s32 $0xFFFFEC00  }
0x85: {  	[hbm4b:s20+s2] =	stream.linear.scatter [tilespmem:s7], [sflag:$0x2], $0x1400, $0x38;
	[tilespmem:$0x1680] =	vst v63  }
0x86: {  	_ =	swait.ge [sflag:s3], $0x1400  }
0x87: {  	[sflag:s3] =	ssyncset.done $0x0  }
0x88: {  	[sflag:s3] =	ssyncadd.s32 $0xFFFFEC00  }
0x89: {  	[tilespmem:s7], [sflag:$0x1] =	stream.indirect.gather [hbm4b:s5+s6], $0x40, s21, s6, $0xb8;
	[tilespmem:$0x1680] =	vst v63  }
0x8a: {  	_ =	swait.ge [sflag:s8], $0x1400  }
.Ltmp1:
0x8b: {  	[sflag:s8] =	ssyncset.done $0x0;
	(pc) =	sbr.rel @p0 .LBB2_1-.Ltmp1, $4  }
0x8c: {  	[sflag:s8] =	ssyncadd.s32 $0xFFFFEC00  }
0x8d: {  	[hbm4b:s22+s2] =	stream.linear.scatter [tilespmem:s7], [sflag:$0x2], $0x1400, $0x38;
	[tilespmem:$0x1680] =	vst v63  }
0x8e: {  	_ =	swait.ge [sflag:s3], $0x1400  }
0x8f: {  	[sflag:s3] =	ssyncset.done $0x0  }
.LBB2_2:
0x90: {  	[sflag:s3] =	ssyncadd.s32 $0xFFFFEC00  }
0x91: {  	_ =	sfence.sel $0x180000  }
0x92: {  	[bflag:$0x0] =	sbarrier.arrive $0xFFFF  }
0x93: {  	p0 =	sne.s32 s0, $0x0;
	_ =	strace $0x90000047  }
0x94: {  	s0 =	sadd.s32 @!p0 $0x100000, s1;
	[bflag:$0x2] =	sbarrier.arrive $0xFFFF  }
0x95: {  	[sflag:s0] =	ssyncadd.tile.s32 @!p0 $0x1;
	_ =	shalt  }
.Lfunc_end2:
_tile_overlayer_lowered:
.L_overlay_start_2:
0x96: {  	(tag) =	ssettag $0x2  }
0x97: {  	s0 =	rddreg [dreg:$0x0];
	s2 =	stileid.u32  }
0x98: {  	s1 =	rddreg [dreg:$0x1];
	p0 =	sne.s32 s2, $0x0  }
0x99: {  	s3 =	rddreg [dreg:$0x2];
	[bflag:$0x3] =	sbarrier.arrive $0xFFFF;
	s2 =	simm.s32 @!p0 $0x1C02  }
0x9a: {  	[timem:s3], [sflag:s2] =	dma.local @!p0 [hbm:s0], s1  }
0x9b: {  	s0 =	simm.s32 @!p0 $0x2  }
0x9c: {  	_ =	swait.ge @!p0 [sflag:s0], s1  }
0x9d: {  	s1 =	ssub.s32 @!p0 $0x0, s1;
	[sflag:s0] =	ssyncset.done @!p0 $0x0  }
0x9e: {  	[sflag:s0] =	ssyncadd.s32 @!p0 s1  }
0x9f: {  	[bflag:$0x3] =	sbarrier.arrive $0xFFFF  }
0xa0: {  	_ =	shalt  }

</sc_bundles>
